<compile_context>
chip_gen: v7x
topology: tpu7x:2x2x1
jax: 0.10.2.dev20260603
libtpu: 0.0.44.dev20260713+nightly
codegen_flags: <defaults>
</compile_context>

<pallas_src>
import dataclasses
import functools

import jax
import jax.numpy as jnp
from jax import lax
from jax.experimental import pallas as pl
from jax.experimental.pallas import tpu as pltpu
from jax.experimental.pallas import tpu_sc as plsc

N = 10000
NPAD = 10112
H = 256
HH = H // 2
E = 160000
EPAD = 161280
NS = 16
CHUNK = 72
NCHUNK = EPAD // NS // CHUNK
EPT = EPAD // NS
RPT = NPAD // NS
BLK = 1000
GS = (0, 24, 40, 56, 72)

_mesh = plsc.VectorSubcoreMesh(core_axis_name="c", subcore_axis_name="s",
                               num_cores=2, num_subcores=16)


def _agg_sc(table_l, table_r, src1d, dst1d, zeros_l, with_hist):

    out_type = [
        jax.ShapeDtypeStruct((NPAD, HH), jnp.float32),
        jax.ShapeDtypeStruct((NPAD, HH), jnp.float32),
    ]
    scratch = [
        pltpu.VMEM((EPT,), jnp.int32),
        pltpu.VMEM((EPT,), jnp.int32),
        pltpu.VMEM((CHUNK, HH), jnp.float32),
        pltpu.VMEM((CHUNK, HH), jnp.float32),
        pltpu.VMEM_SHARED((NPAD, HH), jnp.float32),
        [pltpu.SemaphoreType.DMA] * 4,
        [pltpu.SemaphoreType.DMA] * 4,
    ]
    cp = pltpu.CompilerParams()
    if with_hist:
        out_type.append(jax.ShapeDtypeStruct((NS, NPAD), jnp.float32))
        scratch.append(pltpu.VMEM((NPAD,), jnp.float32))
        if "needs_layout_passes" in pltpu.CompilerParams.__dataclass_fields__:
            cp = dataclasses.replace(cp, needs_layout_passes=False)

    @functools.partial(pl.kernel, out_type=tuple(out_type), mesh=_mesh,
                       scratch_types=scratch, compiler_params=cp)
    def agg(tl_hbm, tr_hbm, src_hbm, dst_hbm, z_hbm, outl_hbm, outr_hbm,
            *rest):
        if with_hist:
            (hist_hbm, srcv, dstv, bufa, bufb, acc, sems_a, sems_b,
             hist) = rest
        else:
            srcv, dstv, bufa, bufb, acc, sems_a, sems_b = rest
        cid = lax.axis_index("c")
        sid = lax.axis_index("s")
        rbase = pl.multiple_of(sid * RPT, 8)
        fbase = pl.multiple_of(sid * EPT, 8)
        pltpu.async_copy(z_hbm.at[pl.ds(rbase, RPT)], acc.at[pl.ds(rbase, RPT)], sems_a[0])
        pltpu.async_copy(src_hbm.at[pl.ds(fbase, EPT)], srcv, sems_a[1])
        pltpu.async_copy(dst_hbm.at[pl.ds(fbase, EPT)], dstv, sems_a[2])
        pltpu.make_async_copy(z_hbm.at[pl.ds(rbase, RPT)], acc.at[pl.ds(rbase, RPT)], sems_a[0]).wait()
        pltpu.make_async_copy(src_hbm.at[pl.ds(fbase, EPT)], srcv, sems_a[1]).wait()
        pltpu.make_async_copy(dst_hbm.at[pl.ds(fbase, EPT)], dstv, sems_a[2]).wait()
        plsc.subcore_barrier()

        if with_hist:
            @pl.when(cid == 0)
            def _():
                @pl.loop(0, NPAD, step=16)
                def _(o):
                    hist[pl.ds(o, 16)] = jnp.zeros((16,), jnp.float32)

                @pl.loop(0, EPT, step=16)
                def _(o):
                    idx = dstv[pl.ds(o, 16)]
                    c, last = plsc.scan_count(idx)
                    plsc.addupdate_scatter(hist, [idx],
                                           c.astype(jnp.float32), mask=last)

                pltpu.sync_copy(hist, hist_hbm.at[sid])

        def dst_at(i):
            return dstv.at[pl.ds(pl.multiple_of(i * CHUNK, 8), CHUNK)]

        def edge_loop(table):
            def sub(i, buf, sems, k):
                lo, hi = GS[k], GS[k + 1]
                idx = srcv.at[pl.ds(pl.multiple_of(i * CHUNK + lo, 8), hi - lo)]
                return table.at[idx], buf.at[pl.ds(lo, hi - lo)], sems[k]

            def start_g(i, buf, sems):
                for k in range(4):
                    pltpu.async_copy(*sub(i, buf, sems, k))

            def wait_g(i, buf, sems):
                for k in range(4):
                    pltpu.make_async_copy(*sub(i, buf, sems, k)).wait()

            start_g(0, bufa, sems_a)

            @pl.loop(0, NCHUNK, step=2)
            def _(i):
                wait_g(i, bufa, sems_a)
                start_g(i + 1, bufb, sems_b)
                pltpu.sync_copy(bufa, acc.at[dst_at(i)], add=True)
                wait_g(i + 1, bufb, sems_b)

                @pl.when(i + 2 < NCHUNK)
                def _():
                    start_g(i + 2, bufa, sems_a)

                pltpu.sync_copy(bufb, acc.at[dst_at(i + 1)], add=True)

        @pl.when(cid == 0)
        def _():
            edge_loop(tl_hbm)

        @pl.when(cid == 1)
        def _():
            edge_loop(tr_hbm)

        plsc.subcore_barrier()

        @pl.when(cid == 0)
        def _():
            pltpu.sync_copy(acc.at[pl.ds(rbase, RPT)], outl_hbm.at[pl.ds(rbase, RPT)])

        @pl.when(cid == 1)
        def _():
            pltpu.sync_copy(acc.at[pl.ds(rbase, RPT)], outr_hbm.at[pl.ds(rbase, RPT)])

    return agg(table_l, table_r, src1d, dst1d, zeros_l)


def _dense_tc(sum_l, sum_r, cnt, x_l, x_r, w_l, b_l, w_r, relu, half_out):

    def body(sl_ref, sr_ref, c_ref, xl_ref, xr_ref, wl_ref, b_ref, wr_ref, *outs):
        inv = 1.0 / jnp.maximum(c_ref[...], 1.0)
        acc = jnp.dot(sl_ref[...] * inv, wl_ref[0:HH, :],
                      preferred_element_type=jnp.float32)
        acc = acc + jnp.dot(sr_ref[...] * inv, wl_ref[HH:H, :],
                            preferred_element_type=jnp.float32)
        acc = acc + jnp.dot(xl_ref[...], wr_ref[0:HH, :],
                            preferred_element_type=jnp.float32)
        acc = acc + jnp.dot(xr_ref[...], wr_ref[HH:H, :],
                            preferred_element_type=jnp.float32)
        acc = acc + b_ref[...]
        if relu:
            acc = jnp.maximum(acc, 0.0)
        if half_out:
            outs[0][...] = acc[:, 0:HH]
            outs[1][...] = acc[:, HH:H]
        else:
            outs[0][...] = acc

    if half_out:
        out_shape = (jax.ShapeDtypeStruct((N, HH), jnp.float32),
                     jax.ShapeDtypeStruct((N, HH), jnp.float32))
        out_specs = (pl.BlockSpec((BLK, HH), lambda i: (i, 0)),
                     pl.BlockSpec((BLK, HH), lambda i: (i, 0)))
    else:
        out_shape = jax.ShapeDtypeStruct((N, H), jnp.float32)
        out_specs = pl.BlockSpec((BLK, H), lambda i: (i, 0))

    return pl.pallas_call(
        body,
        grid=(N // BLK,),
        in_specs=[
            pl.BlockSpec((BLK, HH), lambda i: (i, 0)),
            pl.BlockSpec((BLK, HH), lambda i: (i, 0)),
            pl.BlockSpec((BLK, 1), lambda i: (i, 0)),
            pl.BlockSpec((BLK, HH), lambda i: (i, 0)),
            pl.BlockSpec((BLK, HH), lambda i: (i, 0)),
            pl.BlockSpec((H, H), lambda i: (0, 0)),
            pl.BlockSpec((1, H), lambda i: (0, 0)),
            pl.BlockSpec((H, H), lambda i: (0, 0)),
        ],
        out_specs=out_specs,
        out_shape=out_shape,
    )(sum_l, sum_r, cnt, x_l, x_r, w_l, b_l.reshape(1, H), w_r)


def kernel(ei_g2go, ei_go2g, gene_emb, go_emb,
           W1l_g2go, b1_g2go, W1r_g2go, W1l_go2g, b1_go2g, W1r_go2g,
           W2l_g2go, b2_g2go, W2r_g2go, W2l_go2g, b2_go2g, W2r_go2g):
    pad = jnp.arange(EPAD - E, dtype=jnp.int32)
    pad_src = pad % N
    pad_dst = N + pad % (NPAD - N)
    src_a = jnp.concatenate([ei_g2go[0], pad_src])
    dst_a = jnp.concatenate([ei_g2go[1], pad_dst])
    src_b = jnp.concatenate([ei_go2g[0], pad_src])
    dst_b = jnp.concatenate([ei_go2g[1], pad_dst])
    zeros_l = jnp.zeros((NPAD, HH), jnp.float32)
    gel, ger = gene_emb[:, :HH], gene_emb[:, HH:]
    gol, gor = go_emb[:, :HH], go_emb[:, HH:]

    s1go_l, s1go_r, hist_a = _agg_sc(gel, ger, src_a, dst_a, zeros_l, True)
    s1ge_l, s1ge_r, hist_b = _agg_sc(gol, gor, src_b, dst_b, zeros_l, True)
    cnt_go = jnp.sum(hist_a, axis=0).reshape(NPAD, 1)
    cnt_gene = jnp.sum(hist_b, axis=0).reshape(NPAD, 1)

    go1l, go1r = _dense_tc(s1go_l, s1go_r, cnt_go, gol, gor,
                           W1l_g2go, b1_g2go, W1r_g2go, True, True)
    ge1l, ge1r = _dense_tc(s1ge_l, s1ge_r, cnt_gene, gel, ger,
                           W1l_go2g, b1_go2g, W1r_go2g, True, True)

    s2go_l, s2go_r = _agg_sc(ge1l, ge1r, src_a, dst_a, zeros_l, False)
    s2ge_l, s2ge_r = _agg_sc(go1l, go1r, src_b, dst_b, zeros_l, False)

    go2 = _dense_tc(s2go_l, s2go_r, cnt_go, go1l, go1r,
                    W2l_g2go, b2_g2go, W2r_g2go, False, False)
    gene2 = _dense_tc(s2ge_l, s2ge_r, cnt_gene, ge1l, ge1r,
                      W2l_go2g, b2_go2g, W2r_go2g, False, False)
    return (gene2, go2)

# --- scband reference (transcript-rebuilt; emitter-appended) ---
"""Pipeline reference for scband-hetero-model-45672682225693 (READ-ONLY COPY).

The authoritative reference and input builder live on the scoring server;
editing this copy changes nothing except your own understanding.
"""

import jax, jax.numpy as jnp
import numpy as np

N_G, N_O, H, C, E = 10000, 10000, 256, 256, 160000


def setup_inputs(seed: int = 0) -> dict:
    key = jax.random.key(seed)
    ks = jax.random.split(key, 20)
    inp = {}
    inp['ei_g2go'] = jax.random.randint(ks[0], (2, E), 0, N_G, dtype=jnp.int32)
    inp['ei_go2g'] = jax.random.randint(ks[1], (2, E), 0, N_O, dtype=jnp.int32)
    # learned parameters
    inp['gene_emb'] = jax.random.normal(ks[2], (N_G, H), dtype=jnp.float32)
    inp['go_emb'] = jax.random.normal(ks[3], (N_O, H), dtype=jnp.float32)
    s = 1.0 / np.sqrt(H)
    # layer 1: one SAGEConv per edge type (lin_l with bias on aggregated msgs, lin_r no bias on dst)
    inp['W1l_g2go'] = jax.random.normal(ks[4], (H, H), dtype=jnp.float32) * s
    inp['b1_g2go'] = jnp.zeros((H,), dtype=jnp.float32)
    inp['W1r_g2go'] = jax.random.normal(ks[5], (H, H), dtype=jnp.float32) * s
    inp['W1l_go2g'] = jax.random.normal(ks[6], (H, H), dtype=jnp.float32) * s
    inp['b1_go2g'] = jnp.zeros((H,), dtype=jnp.float32)
    inp['W1r_go2g'] = jax.random.normal(ks[7], (H, H), dtype=jnp.float32) * s
    # layer 2
    inp['W2l_g2go'] = jax.random.normal(ks[8], (H, C), dtype=jnp.float32) * s
    inp['b2_g2go'] = jnp.zeros((C,), dtype=jnp.float32)
    inp['W2r_g2go'] = jax.random.normal(ks[9], (H, C), dtype=jnp.float32) * s
    inp['W2l_go2g'] = jax.random.normal(ks[10], (H, C), dtype=jnp.float32) * s
    inp['b2_go2g'] = jnp.zeros((C,), dtype=jnp.float32)
    inp['W2r_go2g'] = jax.random.normal(ks[11], (H, C), dtype=jnp.float32) * s
    return inp


def _segment_mean(data, seg, num_segments):
    s = jax.ops.segment_sum(data, seg, num_segments=num_segments)
    cnt = jax.ops.segment_sum(jnp.ones((seg.shape[0], 1), data.dtype), seg, num_segments=num_segments)
    return s / jnp.clip(cnt, 1.0)


def _sage(x_src, x_dst, ei, W_l, b_l, W_r, num_dst):
    # PyG SAGEConv: mean-aggregate source features over incoming edges, lin_l(agg)+bias, plus lin_r(root)
    msgs = jnp.take(x_src, ei[0], axis=0)
    agg = _segment_mean(msgs, ei[1], num_dst)
    return agg @ W_l + b_l + x_dst @ W_r


def reference(ei_g2go, ei_go2g, gene_emb, go_emb,
              W1l_g2go, b1_g2go, W1r_g2go, W1l_go2g, b1_go2g, W1r_go2g,
              W2l_g2go, b2_g2go, W2r_g2go, W2l_go2g, b2_go2g, W2r_go2g):
    n_g = gene_emb.shape[0]
    n_o = go_emb.shape[0]
    # layer 1 (to_hetero: per-edge-type convs; each dst type has exactly one incoming edge type, sum aggr trivial)
    go1 = _sage(gene_emb, go_emb, ei_g2go, W1l_g2go, b1_g2go, W1r_g2go, n_o)
    gene1 = _sage(go_emb, gene_emb, ei_go2g, W1l_go2g, b1_go2g, W1r_go2g, n_g)
    go1 = jax.nn.relu(go1)
    gene1 = jax.nn.relu(gene1)
    # layer 2
    go2 = _sage(gene1, go1, ei_g2go, W2l_g2go, b2_g2go, W2r_g2go, n_o)
    gene2 = _sage(go1, gene1, ei_go2g, W2l_go2g, b2_go2g, W2r_go2g, n_g)
    return (gene2, go2)

if __name__ == "__main__":
    import jax
    _d = setup_inputs()
    print(jax.jit(kernel)(*tuple(_d.values())))

</pallas_src>

<mosaic_0001>
#map = affine_map<(d0, d1) -> (0, 0)>
#map1 = affine_map<(d0, d1) -> (0)>
module attributes {stable_mosaic.version = 14 : i64} {
  func.func @agg(%arg0: i32, %arg1: i32, %arg2: memref<10000x128xf32, #tpu.memory_space<hbm>>, %arg3: memref<10000x128xf32, #tpu.memory_space<hbm>>, %arg4: memref<161280xi32, #tpu.memory_space<hbm>>, %arg5: memref<161280xi32, #tpu.memory_space<hbm>>, %arg6: memref<10112x128xf32, #tpu.memory_space<hbm>>, %arg7: memref<10112x128xf32, #tpu.memory_space<hbm>>, %arg8: memref<10112x128xf32, #tpu.memory_space<hbm>>, %arg9: memref<16x10112xf32, #tpu.memory_space<hbm>>, %arg10: memref<10080xi32, #tpu.memory_space<vmem>>, %arg11: memref<10080xi32, #tpu.memory_space<vmem>>, %arg12: memref<72x128xf32, #tpu.memory_space<vmem>>, %arg13: memref<72x128xf32, #tpu.memory_space<vmem>>, %arg14: memref<10112x128xf32, #tpu.memory_space<vmem_shared>>, %arg15: memref<!tpu.dma_semaphore, #tpu.memory_space<semaphore_mem>>, %arg16: memref<!tpu.dma_semaphore, #tpu.memory_space<semaphore_mem>>, %arg17: memref<!tpu.dma_semaphore, #tpu.memory_space<semaphore_mem>>, %arg18: memref<!tpu.dma_semaphore, #tpu.memory_space<semaphore_mem>>, %arg19: memref<!tpu.dma_semaphore, #tpu.memory_space<semaphore_mem>>, %arg20: memref<!tpu.dma_semaphore, #tpu.memory_space<semaphore_mem>>, %arg21: memref<!tpu.dma_semaphore, #tpu.memory_space<semaphore_mem>>, %arg22: memref<!tpu.dma_semaphore, #tpu.memory_space<semaphore_mem>>, %arg23: memref<10112xf32, #tpu.memory_space<vmem>>) attributes {dimension_semantics = [#tpu.dimension_semantics<core_parallel>, #tpu.dimension_semantics<subcore_parallel>], iteration_bounds = array<i64: 2, 16>, scalar_prefetch = 0 : i64, scratch_operands = 14 : i64, tpu.core_type = #tpu.core_type<sc_vector_subcore>, window_params = [{transform_indices = #map}, {transform_indices = #map}, {transform_indices = #map1}, {transform_indices = #map1}, {transform_indices = #map}, {transform_indices = #map}, {transform_indices = #map}, {transform_indices = #map}]} {
    %mul3A = arith.constant 632 : i32
    %mul3A_0 = arith.muli %arg1, %mul3A : i32
    %multiple_of3A = tpu.assume_multiple %mul3A_0, 8 : i32
    %mul3A_1 = arith.constant 10080 : i32
    %mul3A_2 = arith.muli %arg1, %mul3A_1 : i32
    %multiple_of3A_3 = tpu.assume_multiple %mul3A_2, 8 : i32
    %dma_start3A = arith.constant 0 : i32
    %dma_start3A_4 = tpu.memref_slice %arg14[%multiple_of3A, %dma_start3A] : memref<10112x128xf32, #tpu.memory_space<vmem_shared>> -> memref<632x128xf32, #tpu.memory_space<vmem_shared>>
    %dma_start3A_5 = arith.constant 0 : i32
    %dma_start3A_6 = tpu.memref_slice %arg6[%multiple_of3A, %dma_start3A_5] : memref<10112x128xf32, #tpu.memory_space<hbm>> -> memref<632x128xf32, #tpu.memory_space<hbm>>
    tpu.enqueue_dma source(%dma_start3A_6 : memref<632x128xf32, #tpu.memory_space<hbm>>) target(%dma_start3A_4 : memref<632x128xf32, #tpu.memory_space<vmem_shared>>) target_semaphore(%arg15 : memref<!tpu.dma_semaphore, #tpu.memory_space<semaphore_mem>>)
    %dma_start3A_7 = tpu.memref_slice %arg4[%multiple_of3A_3] : memref<161280xi32, #tpu.memory_space<hbm>> -> memref<10080xi32, #tpu.memory_space<hbm>>
    %dma_start3A_8 = tpu.memref_slice %arg4[%multiple_of3A_3] : memref<161280xi32, #tpu.memory_space<hbm>> -> memref<10080xi32, #tpu.memory_space<hbm>>
    tpu.enqueue_dma source(%dma_start3A_8 : memref<10080xi32, #tpu.memory_space<hbm>>) target(%arg10 : memref<10080xi32, #tpu.memory_space<vmem>>) target_semaphore(%arg16 : memref<!tpu.dma_semaphore, #tpu.memory_space<semaphore_mem>>)
    %dma_start3A_9 = tpu.memref_slice %arg5[%multiple_of3A_3] : memref<161280xi32, #tpu.memory_space<hbm>> -> memref<10080xi32, #tpu.memory_space<hbm>>
    %dma_start3A_10 = tpu.memref_slice %arg5[%multiple_of3A_3] : memref<161280xi32, #tpu.memory_space<hbm>> -> memref<10080xi32, #tpu.memory_space<hbm>>
    tpu.enqueue_dma source(%dma_start3A_10 : memref<10080xi32, #tpu.memory_space<hbm>>) target(%arg11 : memref<10080xi32, #tpu.memory_space<vmem>>) target_semaphore(%arg17 : memref<!tpu.dma_semaphore, #tpu.memory_space<semaphore_mem>>)
    %dma_wait3A = arith.constant 0 : i32
    %dma_wait3A_11 = tpu.memref_slice %arg14[%multiple_of3A, %dma_wait3A] : memref<10112x128xf32, #tpu.memory_space<vmem_shared>> -> memref<632x128xf32, #tpu.memory_space<vmem_shared>>
    %dma_wait3A_12 = arith.constant 0 : i32
    %dma_wait3A_13 = tpu.memref_slice %arg6[%multiple_of3A, %dma_wait3A_12] : memref<10112x128xf32, #tpu.memory_space<hbm>> -> memref<632x128xf32, #tpu.memory_space<hbm>>
    tpu.wait_dma2 semaphore(%arg15 : memref<!tpu.dma_semaphore, #tpu.memory_space<semaphore_mem>>) src(%dma_wait3A_13 : memref<632x128xf32, #tpu.memory_space<hbm>>) dst(%dma_wait3A_11 : memref<632x128xf32, #tpu.memory_space<vmem_shared>>)
    %dma_wait3A_14 = tpu.memref_slice %arg4[%multiple_of3A_3] : memref<161280xi32, #tpu.memory_space<hbm>> -> memref<10080xi32, #tpu.memory_space<hbm>>
    %dma_wait3A_15 = tpu.memref_slice %arg4[%multiple_of3A_3] : memref<161280xi32, #tpu.memory_space<hbm>> -> memref<10080xi32, #tpu.memory_space<hbm>>
    tpu.wait_dma2 semaphore(%arg16 : memref<!tpu.dma_semaphore, #tpu.memory_space<semaphore_mem>>) src(%dma_wait3A_15 : memref<10080xi32, #tpu.memory_space<hbm>>) dst(%arg10 : memref<10080xi32, #tpu.memory_space<vmem>>)
    %dma_wait3A_16 = tpu.memref_slice %arg5[%multiple_of3A_3] : memref<161280xi32, #tpu.memory_space<hbm>> -> memref<10080xi32, #tpu.memory_space<hbm>>
    %dma_wait3A_17 = tpu.memref_slice %arg5[%multiple_of3A_3] : memref<161280xi32, #tpu.memory_space<hbm>> -> memref<10080xi32, #tpu.memory_space<hbm>>
    tpu.wait_dma2 semaphore(%arg17 : memref<!tpu.dma_semaphore, #tpu.memory_space<semaphore_mem>>) src(%dma_wait3A_17 : memref<10080xi32, #tpu.memory_space<hbm>>) dst(%arg11 : memref<10080xi32, #tpu.memory_space<vmem>>)
    %barrier3A = arith.constant 0 : index
    tpu.barrier barrier_id(%barrier3A)
    %eq3A = arith.constant 0 : i32
    %eq3A_18 = arith.cmpi eq, %arg0, %eq3A : i32
    %convert_element_type3A = arith.extui %eq3A_18 : i1 to i32
    %cond3A = arith.constant 0 : i32
    %cond3A_19 = arith.cmpi ne, %convert_element_type3A, %cond3A : i32
    scf.if %cond3A_19 {
      %scan3A = arith.constant 0 : i32
      %scan3A_41 = arith.constant 632 : i32
      %scan3A_42 = arith.addi %scan3A, %scan3A_41 : i32
      %scan3A_43 = arith.constant 1 : i32
      scf.for %scan3A_50 = %scan3A to %scan3A_42 step %scan3A_43  : i32 {
        %mul3A_51 = arith.constant 16 : i32
        %mul3A_52 = arith.muli %scan3A_50, %mul3A_51 : i32
        %add3A = arith.constant 0 : i32
        %add3A_53 = arith.addi %add3A, %mul3A_52 : i32
        %broadcast_in_dim3A = arith.constant 0.000000e+00 : f32
        %broadcast_in_dim3A_54 = vector.broadcast %broadcast_in_dim3A : f32 to vector<16xf32>
        %swap3A = arith.index_cast %add3A_53 : i32 to index
        %swap3A_55 = tpu.vector_load %arg23[%swap3A] {strides = array<i32>} : memref<10112xf32, #tpu.memory_space<vmem>>, vector<16xf32>,
        tpu.vector_store %arg23[%swap3A], %broadcast_in_dim3A_54 {strides = array<i32>} : memref<10112xf32, #tpu.memory_space<vmem>>, vector<16xf32>,
      }
      %scan3A_44 = arith.constant 632 : i32
      %scan3A_45 = arith.constant 0 : i32
      %scan3A_46 = arith.constant 630 : i32
      %scan3A_47 = arith.addi %scan3A_45, %scan3A_46 : i32
      %scan3A_48 = arith.constant 1 : i32
      scf.for %scan3A_50 = %scan3A_45 to %scan3A_47 step %scan3A_48  : i32 {
        %mul3A_51 = arith.constant 16 : i32
        %mul3A_52 = arith.muli %scan3A_50, %mul3A_51 : i32
        %add3A = arith.constant 0 : i32
        %add3A_53 = arith.addi %add3A, %mul3A_52 : i32
        %get3A = arith.index_cast %add3A_53 : i32 to index
        %get3A_54 = tpu.vector_load %arg11[%get3A] {strides = array<i32>} : memref<10080xi32, #tpu.memory_space<vmem>>, vector<16xi32>,
        %broadcast_in_dim3A = arith.constant true
        %broadcast_in_dim3A_55 = vector.broadcast %broadcast_in_dim3A : i1 to vector<16xi1>
        %unique3A, %unique3A_56 = tpu.scan_count mask(%broadcast_in_dim3A_55 : vector<16xi1>) value(%get3A_54 : vector<16xi32>) : vector<16xi1>, vector<16xi32>
        %convert_element_type3A_57 = arith.sitofp %unique3A_56 : vector<16xi32> to vector<16xf32>
        tpu.vector_store_idx %arg23[%get3A_54], %convert_element_type3A_57 masked %unique3A {add = true} : memref<10112xf32, #tpu.memory_space<vmem>>[vector<16xi32>], vector<16xf32>, vector<16xi1>
      }
      %scan3A_49 = arith.constant 630 : i32
      "tpu.region"() ({
        %run_scoped3A = tpu.sem_alloc : memref<!tpu.dma_semaphore, #tpu.memory_space<semaphore_mem>>
        %dma_start3A_50 = arith.constant 0 : i32
        %dma_start3A_51 = tpu.memref_slice %arg9[%arg1, %dma_start3A_50] : memref<16x10112xf32, #tpu.memory_space<hbm>> -> memref<1x10112xf32, #tpu.memory_space<hbm>>
        %dma_start3A_52 = tpu.memref_squeeze %dma_start3A_51 : memref<1x10112xf32, #tpu.memory_space<hbm>> -> memref<10112xf32, #tpu.memory_space<hbm>>
        %dma_start3A_53 = arith.constant 0 : i32
        %dma_start3A_54 = tpu.memref_slice %arg9[%arg1, %dma_start3A_53] : memref<16x10112xf32, #tpu.memory_space<hbm>> -> memref<1x10112xf32, #tpu.memory_space<hbm>>
        %dma_start3A_55 = tpu.memref_squeeze %dma_start3A_54 : memref<1x10112xf32, #tpu.memory_space<hbm>> -> memref<10112xf32, #tpu.memory_space<hbm>>
        tpu.enqueue_dma source(%arg23 : memref<10112xf32, #tpu.memory_space<vmem>>) target(%dma_start3A_55 : memref<10112xf32, #tpu.memory_space<hbm>>) target_semaphore(%run_scoped3A : memref<!tpu.dma_semaphore, #tpu.memory_space<semaphore_mem>>)
        %dma_wait3A_56 = arith.constant 0 : i32
        %dma_wait3A_57 = tpu.memref_slice %arg9[%arg1, %dma_wait3A_56] : memref<16x10112xf32, #tpu.memory_space<hbm>> -> memref<1x10112xf32, #tpu.memory_space<hbm>>
        %dma_wait3A_58 = tpu.memref_squeeze %dma_wait3A_57 : memref<1x10112xf32, #tpu.memory_space<hbm>> -> memref<10112xf32, #tpu.memory_space<hbm>>
        %dma_wait3A_59 = arith.constant 0 : i32
        %dma_wait3A_60 = tpu.memref_slice %arg9[%arg1, %dma_wait3A_59] : memref<16x10112xf32, #tpu.memory_space<hbm>> -> memref<1x10112xf32, #tpu.memory_space<hbm>>
        %dma_wait3A_61 = tpu.memref_squeeze %dma_wait3A_60 : memref<1x10112xf32, #tpu.memory_space<hbm>> -> memref<10112xf32, #tpu.memory_space<hbm>>
        tpu.wait_dma2 semaphore(%run_scoped3A : memref<!tpu.dma_semaphore, #tpu.memory_space<semaphore_mem>>) src(%arg23 : memref<10112xf32, #tpu.memory_space<vmem>>) dst(%dma_wait3A_61 : memref<10112xf32, #tpu.memory_space<hbm>>)
        tpu.yield
      }) : () -> ()
    } else {
    }
    %eq3A_20 = arith.constant 0 : i32
    %eq3A_21 = arith.cmpi eq, %arg0, %eq3A_20 : i32
    %convert_element_type3A_22 = arith.extui %eq3A_21 : i1 to i32
    %cond3A_23 = arith.constant 0 : i32
    %cond3A_24 = arith.cmpi ne, %convert_element_type3A_22, %cond3A_23 : i32
    scf.if %cond3A_24 {
      %multiple_of3A_41 = arith.constant 0 : i32
      %multiple_of3A_42 = tpu.assume_multiple %multiple_of3A_41, 8 : i32
      %dma_start3A_43 = arith.constant 0 : i32
      %dma_start3A_44 = arith.constant 0 : i32
      %dma_start3A_45 = tpu.memref_slice %arg12[%dma_start3A_43, %dma_start3A_44] : memref<72x128xf32, #tpu.memory_space<vmem>> -> memref<24x128xf32, #tpu.memory_space<vmem>>
      %dma_start3A_46 = tpu.memref_slice %arg10[%multiple_of3A_42] : memref<10080xi32, #tpu.memory_space<vmem>> -> memref<24xi32, #tpu.memory_space<vmem>>
      %dma_start3A_47 = arith.constant 0 : i32
      %dma_start3A_48 = arith.constant 0 : i32
      %dma_start3A_49 = tpu.memref_slice %arg2[%dma_start3A_47, %dma_start3A_48] : memref<10000x128xf32, #tpu.memory_space<hbm>> -> memref<10000x128xf32, #tpu.memory_space<hbm>>
      tpu.enqueue_indirect_dma source(%dma_start3A_49 : memref<10000x128xf32, #tpu.memory_space<hbm>>) target(%dma_start3A_45 : memref<24x128xf32, #tpu.memory_space<vmem>>) offsets(%dma_start3A_46 : memref<24xi32, #tpu.memory_space<vmem>>) semaphore(%arg15 : memref<!tpu.dma_semaphore, #tpu.memory_space<semaphore_mem>>)
      %multiple_of3A_50 = arith.constant 24 : i32
      %multiple_of3A_51 = tpu.assume_multiple %multiple_of3A_50, 8 : i32
      %dma_start3A_52 = arith.constant 24 : i32
      %dma_start3A_53 = arith.constant 0 : i32
      %dma_start3A_54 = tpu.memref_slice %arg12[%dma_start3A_52, %dma_start3A_53] : memref<72x128xf32, #tpu.memory_space<vmem>> -> memref<16x128xf32, #tpu.memory_space<vmem>>
      %dma_start3A_55 = tpu.memref_slice %arg10[%multiple_of3A_51] : memref<10080xi32, #tpu.memory_space<vmem>> -> memref<16xi32, #tpu.memory_space<vmem>>
      %dma_start3A_56 = arith.constant 0 : i32
      %dma_start3A_57 = arith.constant 0 : i32
      %dma_start3A_58 = tpu.memref_slice %arg2[%dma_start3A_56, %dma_start3A_57] : memref<10000x128xf32, #tpu.memory_space<hbm>> -> memref<10000x128xf32, #tpu.memory_space<hbm>>
      tpu.enqueue_indirect_dma source(%dma_start3A_58 : memref<10000x128xf32, #tpu.memory_space<hbm>>) target(%dma_start3A_54 : memref<16x128xf32, #tpu.memory_space<vmem>>) offsets(%dma_start3A_55 : memref<16xi32, #tpu.memory_space<vmem>>) semaphore(%arg16 : memref<!tpu.dma_semaphore, #tpu.memory_space<semaphore_mem>>)
      %multiple_of3A_59 = arith.constant 40 : i32
      %multiple_of3A_60 = tpu.assume_multiple %multiple_of3A_59, 8 : i32
      %dma_start3A_61 = arith.constant 40 : i32
      %dma_start3A_62 = arith.constant 0 : i32
      %dma_start3A_63 = tpu.memref_slice %arg12[%dma_start3A_61, %dma_start3A_62] : memref<72x128xf32, #tpu.memory_space<vmem>> -> memref<16x128xf32, #tpu.memory_space<vmem>>
      %dma_start3A_64 = tpu.memref_slice %arg10[%multiple_of3A_60] : memref<10080xi32, #tpu.memory_space<vmem>> -> memref<16xi32, #tpu.memory_space<vmem>>
      %dma_start3A_65 = arith.constant 0 : i32
      %dma_start3A_66 = arith.constant 0 : i32
      %dma_start3A_67 = tpu.memref_slice %arg2[%dma_start3A_65, %dma_start3A_66] : memref<10000x128xf32, #tpu.memory_space<hbm>> -> memref<10000x128xf32, #tpu.memory_space<hbm>>
      tpu.enqueue_indirect_dma source(%dma_start3A_67 : memref<10000x128xf32, #tpu.memory_space<hbm>>) target(%dma_start3A_63 : memref<16x128xf32, #tpu.memory_space<vmem>>) offsets(%dma_start3A_64 : memref<16xi32, #tpu.memory_space<vmem>>) semaphore(%arg17 : memref<!tpu.dma_semaphore, #tpu.memory_space<semaphore_mem>>)
      %multiple_of3A_68 = arith.constant 56 : i32
      %multiple_of3A_69 = tpu.assume_multiple %multiple_of3A_68, 8 : i32
      %dma_start3A_70 = arith.constant 56 : i32
      %dma_start3A_71 = arith.constant 0 : i32
      %dma_start3A_72 = tpu.memref_slice %arg12[%dma_start3A_70, %dma_start3A_71] : memref<72x128xf32, #tpu.memory_space<vmem>> -> memref<16x128xf32, #tpu.memory_space<vmem>>
      %dma_start3A_73 = tpu.memref_slice %arg10[%multiple_of3A_69] : memref<10080xi32, #tpu.memory_space<vmem>> -> memref<16xi32, #tpu.memory_space<vmem>>
      %dma_start3A_74 = arith.constant 0 : i32
      %dma_start3A_75 = arith.constant 0 : i32
      %dma_start3A_76 = tpu.memref_slice %arg2[%dma_start3A_74, %dma_start3A_75] : memref<10000x128xf32, #tpu.memory_space<hbm>> -> memref<10000x128xf32, #tpu.memory_space<hbm>>
      tpu.enqueue_indirect_dma source(%dma_start3A_76 : memref<10000x128xf32, #tpu.memory_space<hbm>>) target(%dma_start3A_72 : memref<16x128xf32, #tpu.memory_space<vmem>>) offsets(%dma_start3A_73 : memref<16xi32, #tpu.memory_space<vmem>>) semaphore(%arg18 : memref<!tpu.dma_semaphore, #tpu.memory_space<semaphore_mem>>)
      %scan3A = arith.constant 0 : i32
      %scan3A_77 = arith.constant 70 : i32
      %scan3A_78 = arith.addi %scan3A, %scan3A_77 : i32
      %scan3A_79 = arith.constant 1 : i32
      scf.for %scan3A_81 = %scan3A to %scan3A_78 step %scan3A_79  : i32 {
        %mul3A_82 = arith.constant 2 : i32
        %mul3A_83 = arith.muli %scan3A_81, %mul3A_82 : i32
        %add3A = arith.constant 0 : i32
        %add3A_84 = arith.addi %add3A, %mul3A_83 : i32
        %mul3A_85 = arith.constant 72 : i32
        %mul3A_86 = arith.muli %add3A_84, %mul3A_85 : i32
        %add3A_87 = arith.constant 0 : i32
        %add3A_88 = arith.addi %mul3A_86, %add3A_87 : i32
        %multiple_of3A_89 = tpu.assume_multiple %add3A_88, 8 : i32
        %dma_wait3A_90 = arith.constant 0 : i32
        %dma_wait3A_91 = arith.constant 0 : i32
        %dma_wait3A_92 = tpu.memref_slice %arg12[%dma_wait3A_90, %dma_wait3A_91] : memref<72x128xf32, #tpu.memory_space<vmem>> -> memref<24x128xf32, #tpu.memory_space<vmem>>
        %dma_wait3A_93 = tpu.memref_slice %arg10[%multiple_of3A_89] : memref<10080xi32, #tpu.memory_space<vmem>> -> memref<24xi32, #tpu.memory_space<vmem>>
        %dma_wait3A_94 = arith.constant 0 : i32
        %dma_wait3A_95 = arith.constant 0 : i32
        %dma_wait3A_96 = tpu.memref_slice %arg2[%dma_wait3A_94, %dma_wait3A_95] : memref<10000x128xf32, #tpu.memory_space<hbm>> -> memref<10000x128xf32, #tpu.memory_space<hbm>>
        tpu.wait_indirect_dma semaphore(%arg15 : memref<!tpu.dma_semaphore, #tpu.memory_space<semaphore_mem>>) src(%dma_wait3A_96 : memref<10000x128xf32, #tpu.memory_space<hbm>>) dst(%dma_wait3A_92 : memref<24x128xf32, #tpu.memory_space<vmem>>)
        %mul3A_97 = arith.constant 72 : i32
        %mul3A_98 = arith.muli %add3A_84, %mul3A_97 : i32
        %add3A_99 = arith.constant 24 : i32
        %add3A_100 = arith.addi %mul3A_98, %add3A_99 : i32
        %multiple_of3A_101 = tpu.assume_multiple %add3A_100, 8 : i32
        %dma_wait3A_102 = arith.constant 24 : i32
        %dma_wait3A_103 = arith.constant 0 : i32
        %dma_wait3A_104 = tpu.memref_slice %arg12[%dma_wait3A_102, %dma_wait3A_103] : memref<72x128xf32, #tpu.memory_space<vmem>> -> memref<16x128xf32, #tpu.memory_space<vmem>>
        %dma_wait3A_105 = tpu.memref_slice %arg10[%multiple_of3A_101] : memref<10080xi32, #tpu.memory_space<vmem>> -> memref<16xi32, #tpu.memory_space<vmem>>
        %dma_wait3A_106 = arith.constant 0 : i32
        %dma_wait3A_107 = arith.constant 0 : i32
        %dma_wait3A_108 = tpu.memref_slice %arg2[%dma_wait3A_106, %dma_wait3A_107] : memref<10000x128xf32, #tpu.memory_space<hbm>> -> memref<10000x128xf32, #tpu.memory_space<hbm>>
        tpu.wait_indirect_dma semaphore(%arg16 : memref<!tpu.dma_semaphore, #tpu.memory_space<semaphore_mem>>) src(%dma_wait3A_108 : memref<10000x128xf32, #tpu.memory_space<hbm>>) dst(%dma_wait3A_104 : memref<16x128xf32, #tpu.memory_space<vmem>>)
        %mul3A_109 = arith.constant 72 : i32
        %mul3A_110 = arith.muli %add3A_84, %mul3A_109 : i32
        %add3A_111 = arith.constant 40 : i32
        %add3A_112 = arith.addi %mul3A_110, %add3A_111 : i32
        %multiple_of3A_113 = tpu.assume_multiple %add3A_112, 8 : i32
        %dma_wait3A_114 = arith.constant 40 : i32
        %dma_wait3A_115 = arith.constant 0 : i32
        %dma_wait3A_116 = tpu.memref_slice %arg12[%dma_wait3A_114, %dma_wait3A_115] : memref<72x128xf32, #tpu.memory_space<vmem>> -> memref<16x128xf32, #tpu.memory_space<vmem>>
        %dma_wait3A_117 = tpu.memref_slice %arg10[%multiple_of3A_113] : memref<10080xi32, #tpu.memory_space<vmem>> -> memref<16xi32, #tpu.memory_space<vmem>>
        %dma_wait3A_118 = arith.constant 0 : i32
        %dma_wait3A_119 = arith.constant 0 : i32
        %dma_wait3A_120 = tpu.memref_slice %arg2[%dma_wait3A_118, %dma_wait3A_119] : memref<10000x128xf32, #tpu.memory_space<hbm>> -> memref<10000x128xf32, #tpu.memory_space<hbm>>
        tpu.wait_indirect_dma semaphore(%arg17 : memref<!tpu.dma_semaphore, #tpu.memory_space<semaphore_mem>>) src(%dma_wait3A_120 : memref<10000x128xf32, #tpu.memory_space<hbm>>) dst(%dma_wait3A_116 : memref<16x128xf32, #tpu.memory_space<vmem>>)
        %mul3A_121 = arith.constant 72 : i32
        %mul3A_122 = arith.muli %add3A_84, %mul3A_121 : i32
        %add3A_123 = arith.constant 56 : i32
        %add3A_124 = arith.addi %mul3A_122, %add3A_123 : i32
        %multiple_of3A_125 = tpu.assume_multiple %add3A_124, 8 : i32
        %dma_wait3A_126 = arith.constant 56 : i32
        %dma_wait3A_127 = arith.constant 0 : i32
        %dma_wait3A_128 = tpu.memref_slice %arg12[%dma_wait3A_126, %dma_wait3A_127] : memref<72x128xf32, #tpu.memory_space<vmem>> -> memref<16x128xf32, #tpu.memory_space<vmem>>
        %dma_wait3A_129 = tpu.memref_slice %arg10[%multiple_of3A_125] : memref<10080xi32, #tpu.memory_space<vmem>> -> memref<16xi32, #tpu.memory_space<vmem>>
        %dma_wait3A_130 = arith.constant 0 : i32
        %dma_wait3A_131 = arith.constant 0 : i32
        %dma_wait3A_132 = tpu.memref_slice %arg2[%dma_wait3A_130, %dma_wait3A_131] : memref<10000x128xf32, #tpu.memory_space<hbm>> -> memref<10000x128xf32, #tpu.memory_space<hbm>>
        tpu.wait_indirect_dma semaphore(%arg18 : memref<!tpu.dma_semaphore, #tpu.memory_space<semaphore_mem>>) src(%dma_wait3A_132 : memref<10000x128xf32, #tpu.memory_space<hbm>>) dst(%dma_wait3A_128 : memref<16x128xf32, #tpu.memory_space<vmem>>)
        %add3A_133 = arith.constant 1 : i32
        %add3A_134 = arith.addi %add3A_84, %add3A_133 : i32
        %mul3A_135 = arith.constant 72 : i32
        %mul3A_136 = arith.muli %add3A_134, %mul3A_135 : i32
        %add3A_137 = arith.constant 0 : i32
        %add3A_138 = arith.addi %mul3A_136, %add3A_137 : i32
        %multiple_of3A_139 = tpu.assume_multiple %add3A_138, 8 : i32
        %dma_start3A_140 = arith.constant 0 : i32
        %dma_start3A_141 = arith.constant 0 : i32
        %dma_start3A_142 = tpu.memref_slice %arg13[%dma_start3A_140, %dma_start3A_141] : memref<72x128xf32, #tpu.memory_space<vmem>> -> memref<24x128xf32, #tpu.memory_space<vmem>>
        %dma_start3A_143 = tpu.memref_slice %arg10[%multiple_of3A_139] : memref<10080xi32, #tpu.memory_space<vmem>> -> memref<24xi32, #tpu.memory_space<vmem>>
        %dma_start3A_144 = arith.constant 0 : i32
        %dma_start3A_145 = arith.constant 0 : i32
        %dma_start3A_146 = tpu.memref_slice %arg2[%dma_start3A_144, %dma_start3A_145] : memref<10000x128xf32, #tpu.memory_space<hbm>> -> memref<10000x128xf32, #tpu.memory_space<hbm>>
        tpu.enqueue_indirect_dma source(%dma_start3A_146 : memref<10000x128xf32, #tpu.memory_space<hbm>>) target(%dma_start3A_142 : memref<24x128xf32, #tpu.memory_space<vmem>>) offsets(%dma_start3A_143 : memref<24xi32, #tpu.memory_space<vmem>>) semaphore(%arg19 : memref<!tpu.dma_semaphore, #tpu.memory_space<semaphore_mem>>)
        %mul3A_147 = arith.constant 72 : i32
        %mul3A_148 = arith.muli %add3A_134, %mul3A_147 : i32
        %add3A_149 = arith.constant 24 : i32
        %add3A_150 = arith.addi %mul3A_148, %add3A_149 : i32
        %multiple_of3A_151 = tpu.assume_multiple %add3A_150, 8 : i32
        %dma_start3A_152 = arith.constant 24 : i32
        %dma_start3A_153 = arith.constant 0 : i32
        %dma_start3A_154 = tpu.memref_slice %arg13[%dma_start3A_152, %dma_start3A_153] : memref<72x128xf32, #tpu.memory_space<vmem>> -> memref<16x128xf32, #tpu.memory_space<vmem>>
        %dma_start3A_155 = tpu.memref_slice %arg10[%multiple_of3A_151] : memref<10080xi32, #tpu.memory_space<vmem>> -> memref<16xi32, #tpu.memory_space<vmem>>
        %dma_start3A_156 = arith.constant 0 : i32
        %dma_start3A_157 = arith.constant 0 : i32
        %dma_start3A_158 = tpu.memref_slice %arg2[%dma_start3A_156, %dma_start3A_157] : memref<10000x128xf32, #tpu.memory_space<hbm>> -> memref<10000x128xf32, #tpu.memory_space<hbm>>
        tpu.enqueue_indirect_dma source(%dma_start3A_158 : memref<10000x128xf32, #tpu.memory_space<hbm>>) target(%dma_start3A_154 : memref<16x128xf32, #tpu.memory_space<vmem>>) offsets(%dma_start3A_155 : memref<16xi32, #tpu.memory_space<vmem>>) semaphore(%arg20 : memref<!tpu.dma_semaphore, #tpu.memory_space<semaphore_mem>>)
        %mul3A_159 = arith.constant 72 : i32
        %mul3A_160 = arith.muli %add3A_134, %mul3A_159 : i32
        %add3A_161 = arith.constant 40 : i32
        %add3A_162 = arith.addi %mul3A_160, %add3A_161 : i32
        %multiple_of3A_163 = tpu.assume_multiple %add3A_162, 8 : i32
        %dma_start3A_164 = arith.constant 40 : i32
        %dma_start3A_165 = arith.constant 0 : i32
        %dma_start3A_166 = tpu.memref_slice %arg13[%dma_start3A_164, %dma_start3A_165] : memref<72x128xf32, #tpu.memory_space<vmem>> -> memref<16x128xf32, #tpu.memory_space<vmem>>
        %dma_start3A_167 = tpu.memref_slice %arg10[%multiple_of3A_163] : memref<10080xi32, #tpu.memory_space<vmem>> -> memref<16xi32, #tpu.memory_space<vmem>>
        %dma_start3A_168 = arith.constant 0 : i32
        %dma_start3A_169 = arith.constant 0 : i32
        %dma_start3A_170 = tpu.memref_slice %arg2[%dma_start3A_168, %dma_start3A_169] : memref<10000x128xf32, #tpu.memory_space<hbm>> -> memref<10000x128xf32, #tpu.memory_space<hbm>>
        tpu.enqueue_indirect_dma source(%dma_start3A_170 : memref<10000x128xf32, #tpu.memory_space<hbm>>) target(%dma_start3A_166 : memref<16x128xf32, #tpu.memory_space<vmem>>) offsets(%dma_start3A_167 : memref<16xi32, #tpu.memory_space<vmem>>) semaphore(%arg21 : memref<!tpu.dma_semaphore, #tpu.memory_space<semaphore_mem>>)
        %mul3A_171 = arith.constant 72 : i32
        %mul3A_172 = arith.muli %add3A_134, %mul3A_171 : i32
        %add3A_173 = arith.constant 56 : i32
        %add3A_174 = arith.addi %mul3A_172, %add3A_173 : i32
        %multiple_of3A_175 = tpu.assume_multiple %add3A_174, 8 : i32
        %dma_start3A_176 = arith.constant 56 : i32
        %dma_start3A_177 = arith.constant 0 : i32
        %dma_start3A_178 = tpu.memref_slice %arg13[%dma_start3A_176, %dma_start3A_177] : memref<72x128xf32, #tpu.memory_space<vmem>> -> memref<16x128xf32, #tpu.memory_space<vmem>>
        %dma_start3A_179 = tpu.memref_slice %arg10[%multiple_of3A_175] : memref<10080xi32, #tpu.memory_space<vmem>> -> memref<16xi32, #tpu.memory_space<vmem>>
        %dma_start3A_180 = arith.constant 0 : i32
        %dma_start3A_181 = arith.constant 0 : i32
        %dma_start3A_182 = tpu.memref_slice %arg2[%dma_start3A_180, %dma_start3A_181] : memref<10000x128xf32, #tpu.memory_space<hbm>> -> memref<10000x128xf32, #tpu.memory_space<hbm>>
        tpu.enqueue_indirect_dma source(%dma_start3A_182 : memref<10000x128xf32, #tpu.memory_space<hbm>>) target(%dma_start3A_178 : memref<16x128xf32, #tpu.memory_space<vmem>>) offsets(%dma_start3A_179 : memref<16xi32, #tpu.memory_space<vmem>>) semaphore(%arg22 : memref<!tpu.dma_semaphore, #tpu.memory_space<semaphore_mem>>)
        %mul3A_183 = arith.constant 72 : i32
        %mul3A_184 = arith.muli %add3A_84, %mul3A_183 : i32
        %multiple_of3A_185 = tpu.assume_multiple %mul3A_184, 8 : i32
        "tpu.region"() ({
          %run_scoped3A = tpu.sem_alloc : memref<!tpu.dma_semaphore, #tpu.memory_space<semaphore_mem>>
          %dma_start3A_247 = tpu.memref_slice %arg11[%multiple_of3A_185] : memref<10080xi32, #tpu.memory_space<vmem>> -> memref<72xi32, #tpu.memory_space<vmem>>
          %dma_start3A_248 = arith.constant 0 : i32
          %dma_start3A_249 = arith.constant 0 : i32
          %dma_start3A_250 = tpu.memref_slice %arg14[%dma_start3A_248, %dma_start3A_249] : memref<10112x128xf32, #tpu.memory_space<vmem_shared>> -> memref<10112x128xf32, #tpu.memory_space<vmem_shared>>
          tpu.enqueue_indirect_dma source(%arg12 : memref<72x128xf32, #tpu.memory_space<vmem>>) target(%dma_start3A_250 : memref<10112x128xf32, #tpu.memory_space<vmem_shared>>) offsets(%dma_start3A_247 : memref<72xi32, #tpu.memory_space<vmem>>) semaphore(%run_scoped3A : memref<!tpu.dma_semaphore, #tpu.memory_space<semaphore_mem>>) {add = true}
          %dma_wait3A_251 = tpu.memref_slice %arg11[%multiple_of3A_185] : memref<10080xi32, #tpu.memory_space<vmem>> -> memref<72xi32, #tpu.memory_space<vmem>>
          %dma_wait3A_252 = arith.constant 0 : i32
          %dma_wait3A_253 = arith.constant 0 : i32
          %dma_wait3A_254 = tpu.memref_slice %arg14[%dma_wait3A_252, %dma_wait3A_253] : memref<10112x128xf32, #tpu.memory_space<vmem_shared>> -> memref<10112x128xf32, #tpu.memory_space<vmem_shared>>
          tpu.wait_indirect_dma semaphore(%run_scoped3A : memref<!tpu.dma_semaphore, #tpu.memory_space<semaphore_mem>>) src(%arg12 : memref<72x128xf32, #tpu.memory_space<vmem>>) dst(%dma_wait3A_254 : memref<10112x128xf32, #tpu.memory_space<vmem_shared>>)
          tpu.yield
        }) : () -> ()
        %add3A_186 = arith.constant 1 : i32
        %add3A_187 = arith.addi %add3A_84, %add3A_186 : i32
        %mul3A_188 = arith.constant 72 : i32
        %mul3A_189 = arith.muli %add3A_187, %mul3A_188 : i32
        %add3A_190 = arith.constant 0 : i32
        %add3A_191 = arith.addi %mul3A_189, %add3A_190 : i32
        %multiple_of3A_192 = tpu.assume_multiple %add3A_191, 8 : i32
        %dma_wait3A_193 = arith.constant 0 : i32
        %dma_wait3A_194 = arith.constant 0 : i32
        %dma_wait3A_195 = tpu.memref_slice %arg13[%dma_wait3A_193, %dma_wait3A_194] : memref<72x128xf32, #tpu.memory_space<vmem>> -> memref<24x128xf32, #tpu.memory_space<vmem>>
        %dma_wait3A_196 = tpu.memref_slice %arg10[%multiple_of3A_192] : memref<10080xi32, #tpu.memory_space<vmem>> -> memref<24xi32, #tpu.memory_space<vmem>>
        %dma_wait3A_197 = arith.constant 0 : i32
        %dma_wait3A_198 = arith.constant 0 : i32
        %dma_wait3A_199 = tpu.memref_slice %arg2[%dma_wait3A_197, %dma_wait3A_198] : memref<10000x128xf32, #tpu.memory_space<hbm>> -> memref<10000x128xf32, #tpu.memory_space<hbm>>
        tpu.wait_indirect_dma semaphore(%arg19 : memref<!tpu.dma_semaphore, #tpu.memory_space<semaphore_mem>>) src(%dma_wait3A_199 : memref<10000x128xf32, #tpu.memory_space<hbm>>) dst(%dma_wait3A_195 : memref<24x128xf32, #tpu.memory_space<vmem>>)
        %mul3A_200 = arith.constant 72 : i32
        %mul3A_201 = arith.muli %add3A_187, %mul3A_200 : i32
        %add3A_202 = arith.constant 24 : i32
        %add3A_203 = arith.addi %mul3A_201, %add3A_202 : i32
        %multiple_of3A_204 = tpu.assume_multiple %add3A_203, 8 : i32
        %dma_wait3A_205 = arith.constant 24 : i32
        %dma_wait3A_206 = arith.constant 0 : i32
        %dma_wait3A_207 = tpu.memref_slice %arg13[%dma_wait3A_205, %dma_wait3A_206] : memref<72x128xf32, #tpu.memory_space<vmem>> -> memref<16x128xf32, #tpu.memory_space<vmem>>
        %dma_wait3A_208 = tpu.memref_slice %arg10[%multiple_of3A_204] : memref<10080xi32, #tpu.memory_space<vmem>> -> memref<16xi32, #tpu.memory_space<vmem>>
        %dma_wait3A_209 = arith.constant 0 : i32
        %dma_wait3A_210 = arith.constant 0 : i32
        %dma_wait3A_211 = tpu.memref_slice %arg2[%dma_wait3A_209, %dma_wait3A_210] : memref<10000x128xf32, #tpu.memory_space<hbm>> -> memref<10000x128xf32, #tpu.memory_space<hbm>>
        tpu.wait_indirect_dma semaphore(%arg20 : memref<!tpu.dma_semaphore, #tpu.memory_space<semaphore_mem>>) src(%dma_wait3A_211 : memref<10000x128xf32, #tpu.memory_space<hbm>>) dst(%dma_wait3A_207 : memref<16x128xf32, #tpu.memory_space<vmem>>)
        %mul3A_212 = arith.constant 72 : i32
        %mul3A_213 = arith.muli %add3A_187, %mul3A_212 : i32
        %add3A_214 = arith.constant 40 : i32
        %add3A_215 = arith.addi %mul3A_213, %add3A_214 : i32
        %multiple_of3A_216 = tpu.assume_multiple %add3A_215, 8 : i32
        %dma_wait3A_217 = arith.constant 40 : i32
        %dma_wait3A_218 = arith.constant 0 : i32
        %dma_wait3A_219 = tpu.memref_slice %arg13[%dma_wait3A_217, %dma_wait3A_218] : memref<72x128xf32, #tpu.memory_space<vmem>> -> memref<16x128xf32, #tpu.memory_space<vmem>>
        %dma_wait3A_220 = tpu.memref_slice %arg10[%multiple_of3A_216] : memref<10080xi32, #tpu.memory_space<vmem>> -> memref<16xi32, #tpu.memory_space<vmem>>
        %dma_wait3A_221 = arith.constant 0 : i32
        %dma_wait3A_222 = arith.constant 0 : i32
        %dma_wait3A_223 = tpu.memref_slice %arg2[%dma_wait3A_221, %dma_wait3A_222] : memref<10000x128xf32, #tpu.memory_space<hbm>> -> memref<10000x128xf32, #tpu.memory_space<hbm>>
        tpu.wait_indirect_dma semaphore(%arg21 : memref<!tpu.dma_semaphore, #tpu.memory_space<semaphore_mem>>) src(%dma_wait3A_223 : memref<10000x128xf32, #tpu.memory_space<hbm>>) dst(%dma_wait3A_219 : memref<16x128xf32, #tpu.memory_space<vmem>>)
        %mul3A_224 = arith.constant 72 : i32
        %mul3A_225 = arith.muli %add3A_187, %mul3A_224 : i32
        %add3A_226 = arith.constant 56 : i32
        %add3A_227 = arith.addi %mul3A_225, %add3A_226 : i32
        %multiple_of3A_228 = tpu.assume_multiple %add3A_227, 8 : i32
        %dma_wait3A_229 = arith.constant 56 : i32
        %dma_wait3A_230 = arith.constant 0 : i32
        %dma_wait3A_231 = tpu.memref_slice %arg13[%dma_wait3A_229, %dma_wait3A_230] : memref<72x128xf32, #tpu.memory_space<vmem>> -> memref<16x128xf32, #tpu.memory_space<vmem>>
        %dma_wait3A_232 = tpu.memref_slice %arg10[%multiple_of3A_228] : memref<10080xi32, #tpu.memory_space<vmem>> -> memref<16xi32, #tpu.memory_space<vmem>>
        %dma_wait3A_233 = arith.constant 0 : i32
        %dma_wait3A_234 = arith.constant 0 : i32
        %dma_wait3A_235 = tpu.memref_slice %arg2[%dma_wait3A_233, %dma_wait3A_234] : memref<10000x128xf32, #tpu.memory_space<hbm>> -> memref<10000x128xf32, #tpu.memory_space<hbm>>
        tpu.wait_indirect_dma semaphore(%arg22 : memref<!tpu.dma_semaphore, #tpu.memory_space<semaphore_mem>>) src(%dma_wait3A_235 : memref<10000x128xf32, #tpu.memory_space<hbm>>) dst(%dma_wait3A_231 : memref<16x128xf32, #tpu.memory_space<vmem>>)
        %add3A_236 = arith.constant 2 : i32
        %add3A_237 = arith.addi %add3A_84, %add3A_236 : i32
        %lt3A = arith.constant 140 : i32
        %lt3A_238 = arith.cmpi slt, %add3A_237, %lt3A : i32
        %convert_element_type3A_239 = arith.extui %lt3A_238 : i1 to i32
        %cond3A_240 = arith.constant 0 : i32
        %cond3A_241 = arith.cmpi ne, %convert_element_type3A_239, %cond3A_240 : i32
        scf.if %cond3A_241 {
          %add3A_247 = arith.constant 2 : i32
          %add3A_248 = arith.addi %add3A_84, %add3A_247 : i32
          %mul3A_249 = arith.constant 72 : i32
          %mul3A_250 = arith.muli %add3A_248, %mul3A_249 : i32
          %add3A_251 = arith.constant 0 : i32
          %add3A_252 = arith.addi %mul3A_250, %add3A_251 : i32
          %multiple_of3A_253 = tpu.assume_multiple %add3A_252, 8 : i32
          %dma_start3A_254 = arith.constant 0 : i32
          %dma_start3A_255 = arith.constant 0 : i32
          %dma_start3A_256 = tpu.memref_slice %arg12[%dma_start3A_254, %dma_start3A_255] : memref<72x128xf32, #tpu.memory_space<vmem>> -> memref<24x128xf32, #tpu.memory_space<vmem>>
          %dma_start3A_257 = tpu.memref_slice %arg10[%multiple_of3A_253] : memref<10080xi32, #tpu.memory_space<vmem>> -> memref<24xi32, #tpu.memory_space<vmem>>
          %dma_start3A_258 = arith.constant 0 : i32
          %dma_start3A_259 = arith.constant 0 : i32
          %dma_start3A_260 = tpu.memref_slice %arg2[%dma_start3A_258, %dma_start3A_259] : memref<10000x128xf32, #tpu.memory_space<hbm>> -> memref<10000x128xf32, #tpu.memory_space<hbm>>
          tpu.enqueue_indirect_dma source(%dma_start3A_260 : memref<10000x128xf32, #tpu.memory_space<hbm>>) target(%dma_start3A_256 : memref<24x128xf32, #tpu.memory_space<vmem>>) offsets(%dma_start3A_257 : memref<24xi32, #tpu.memory_space<vmem>>) semaphore(%arg15 : memref<!tpu.dma_semaphore, #tpu.memory_space<semaphore_mem>>)
          %mul3A_261 = arith.constant 72 : i32
          %mul3A_262 = arith.muli %add3A_248, %mul3A_261 : i32
          %add3A_263 = arith.constant 24 : i32
          %add3A_264 = arith.addi %mul3A_262, %add3A_263 : i32
          %multiple_of3A_265 = tpu.assume_multiple %add3A_264, 8 : i32
          %dma_start3A_266 = arith.constant 24 : i32
          %dma_start3A_267 = arith.constant 0 : i32
          %dma_start3A_268 = tpu.memref_slice %arg12[%dma_start3A_266, %dma_start3A_267] : memref<72x128xf32, #tpu.memory_space<vmem>> -> memref<16x128xf32, #tpu.memory_space<vmem>>
          %dma_start3A_269 = tpu.memref_slice %arg10[%multiple_of3A_265] : memref<10080xi32, #tpu.memory_space<vmem>> -> memref<16xi32, #tpu.memory_space<vmem>>
          %dma_start3A_270 = arith.constant 0 : i32
          %dma_start3A_271 = arith.constant 0 : i32
          %dma_start3A_272 = tpu.memref_slice %arg2[%dma_start3A_270, %dma_start3A_271] : memref<10000x128xf32, #tpu.memory_space<hbm>> -> memref<10000x128xf32, #tpu.memory_space<hbm>>
          tpu.enqueue_indirect_dma source(%dma_start3A_272 : memref<10000x128xf32, #tpu.memory_space<hbm>>) target(%dma_start3A_268 : memref<16x128xf32, #tpu.memory_space<vmem>>) offsets(%dma_start3A_269 : memref<16xi32, #tpu.memory_space<vmem>>) semaphore(%arg16 : memref<!tpu.dma_semaphore, #tpu.memory_space<semaphore_mem>>)
          %mul3A_273 = arith.constant 72 : i32
          %mul3A_274 = arith.muli %add3A_248, %mul3A_273 : i32
          %add3A_275 = arith.constant 40 : i32
          %add3A_276 = arith.addi %mul3A_274, %add3A_275 : i32
          %multiple_of3A_277 = tpu.assume_multiple %add3A_276, 8 : i32
          %dma_start3A_278 = arith.constant 40 : i32
          %dma_start3A_279 = arith.constant 0 : i32
          %dma_start3A_280 = tpu.memref_slice %arg12[%dma_start3A_278, %dma_start3A_279] : memref<72x128xf32, #tpu.memory_space<vmem>> -> memref<16x128xf32, #tpu.memory_space<vmem>>
          %dma_start3A_281 = tpu.memref_slice %arg10[%multiple_of3A_277] : memref<10080xi32, #tpu.memory_space<vmem>> -> memref<16xi32, #tpu.memory_space<vmem>>
          %dma_start3A_282 = arith.constant 0 : i32
          %dma_start3A_283 = arith.constant 0 : i32
          %dma_start3A_284 = tpu.memref_slice %arg2[%dma_start3A_282, %dma_start3A_283] : memref<10000x128xf32, #tpu.memory_space<hbm>> -> memref<10000x128xf32, #tpu.memory_space<hbm>>
          tpu.enqueue_indirect_dma source(%dma_start3A_284 : memref<10000x128xf32, #tpu.memory_space<hbm>>) target(%dma_start3A_280 : memref<16x128xf32, #tpu.memory_space<vmem>>) offsets(%dma_start3A_281 : memref<16xi32, #tpu.memory_space<vmem>>) semaphore(%arg17 : memref<!tpu.dma_semaphore, #tpu.memory_space<semaphore_mem>>)
          %mul3A_285 = arith.constant 72 : i32
          %mul3A_286 = arith.muli %add3A_248, %mul3A_285 : i32
          %add3A_287 = arith.constant 56 : i32
          %add3A_288 = arith.addi %mul3A_286, %add3A_287 : i32
          %multiple_of3A_289 = tpu.assume_multiple %add3A_288, 8 : i32
          %dma_start3A_290 = arith.constant 56 : i32
          %dma_start3A_291 = arith.constant 0 : i32
          %dma_start3A_292 = tpu.memref_slice %arg12[%dma_start3A_290, %dma_start3A_291] : memref<72x128xf32, #tpu.memory_space<vmem>> -> memref<16x128xf32, #tpu.memory_space<vmem>>
          %dma_start3A_293 = tpu.memref_slice %arg10[%multiple_of3A_289] : memref<10080xi32, #tpu.memory_space<vmem>> -> memref<16xi32, #tpu.memory_space<vmem>>
          %dma_start3A_294 = arith.constant 0 : i32
          %dma_start3A_295 = arith.constant 0 : i32
          %dma_start3A_296 = tpu.memref_slice %arg2[%dma_start3A_294, %dma_start3A_295] : memref<10000x128xf32, #tpu.memory_space<hbm>> -> memref<10000x128xf32, #tpu.memory_space<hbm>>
          tpu.enqueue_indirect_dma source(%dma_start3A_296 : memref<10000x128xf32, #tpu.memory_space<hbm>>) target(%dma_start3A_292 : memref<16x128xf32, #tpu.memory_space<vmem>>) offsets(%dma_start3A_293 : memref<16xi32, #tpu.memory_space<vmem>>) semaphore(%arg18 : memref<!tpu.dma_semaphore, #tpu.memory_space<semaphore_mem>>)
        } else {
        }
        %add3A_242 = arith.constant 1 : i32
        %add3A_243 = arith.addi %add3A_84, %add3A_242 : i32
        %mul3A_244 = arith.constant 72 : i32
        %mul3A_245 = arith.muli %add3A_243, %mul3A_244 : i32
        %multiple_of3A_246 = tpu.assume_multiple %mul3A_245, 8 : i32
        "tpu.region"() ({
          %run_scoped3A = tpu.sem_alloc : memref<!tpu.dma_semaphore, #tpu.memory_space<semaphore_mem>>
          %dma_start3A_247 = tpu.memref_slice %arg11[%multiple_of3A_246] : memref<10080xi32, #tpu.memory_space<vmem>> -> memref<72xi32, #tpu.memory_space<vmem>>
          %dma_start3A_248 = arith.constant 0 : i32
          %dma_start3A_249 = arith.constant 0 : i32
          %dma_start3A_250 = tpu.memref_slice %arg14[%dma_start3A_248, %dma_start3A_249] : memref<10112x128xf32, #tpu.memory_space<vmem_shared>> -> memref<10112x128xf32, #tpu.memory_space<vmem_shared>>
          tpu.enqueue_indirect_dma source(%arg13 : memref<72x128xf32, #tpu.memory_space<vmem>>) target(%dma_start3A_250 : memref<10112x128xf32, #tpu.memory_space<vmem_shared>>) offsets(%dma_start3A_247 : memref<72xi32, #tpu.memory_space<vmem>>) semaphore(%run_scoped3A : memref<!tpu.dma_semaphore, #tpu.memory_space<semaphore_mem>>) {add = true}
          %dma_wait3A_251 = tpu.memref_slice %arg11[%multiple_of3A_246] : memref<10080xi32, #tpu.memory_space<vmem>> -> memref<72xi32, #tpu.memory_space<vmem>>
          %dma_wait3A_252 = arith.constant 0 : i32
          %dma_wait3A_253 = arith.constant 0 : i32
          %dma_wait3A_254 = tpu.memref_slice %arg14[%dma_wait3A_252, %dma_wait3A_253] : memref<10112x128xf32, #tpu.memory_space<vmem_shared>> -> memref<10112x128xf32, #tpu.memory_space<vmem_shared>>
          tpu.wait_indirect_dma semaphore(%run_scoped3A : memref<!tpu.dma_semaphore, #tpu.memory_space<semaphore_mem>>) src(%arg13 : memref<72x128xf32, #tpu.memory_space<vmem>>) dst(%dma_wait3A_254 : memref<10112x128xf32, #tpu.memory_space<vmem_shared>>)
          tpu.yield
        }) : () -> ()
      }
      %scan3A_80 = arith.constant 70 : i32
    } else {
    }
    %eq3A_25 = arith.constant 1 : i32
    %eq3A_26 = arith.cmpi eq, %arg0, %eq3A_25 : i32
    %convert_element_type3A_27 = arith.extui %eq3A_26 : i1 to i32
    %cond3A_28 = arith.constant 0 : i32
    %cond3A_29 = arith.cmpi ne, %convert_element_type3A_27, %cond3A_28 : i32
    scf.if %cond3A_29 {
      %multiple_of3A_41 = arith.constant 0 : i32
      %multiple_of3A_42 = tpu.assume_multiple %multiple_of3A_41, 8 : i32
      %dma_start3A_43 = arith.constant 0 : i32
      %dma_start3A_44 = arith.constant 0 : i32
      %dma_start3A_45 = tpu.memref_slice %arg12[%dma_start3A_43, %dma_start3A_44] : memref<72x128xf32, #tpu.memory_space<vmem>> -> memref<24x128xf32, #tpu.memory_space<vmem>>
      %dma_start3A_46 = tpu.memref_slice %arg10[%multiple_of3A_42] : memref<10080xi32, #tpu.memory_space<vmem>> -> memref<24xi32, #tpu.memory_space<vmem>>
      %dma_start3A_47 = arith.constant 0 : i32
      %dma_start3A_48 = arith.constant 0 : i32
      %dma_start3A_49 = tpu.memref_slice %arg3[%dma_start3A_47, %dma_start3A_48] : memref<10000x128xf32, #tpu.memory_space<hbm>> -> memref<10000x128xf32, #tpu.memory_space<hbm>>
      tpu.enqueue_indirect_dma source(%dma_start3A_49 : memref<10000x128xf32, #tpu.memory_space<hbm>>) target(%dma_start3A_45 : memref<24x128xf32, #tpu.memory_space<vmem>>) offsets(%dma_start3A_46 : memref<24xi32, #tpu.memory_space<vmem>>) semaphore(%arg15 : memref<!tpu.dma_semaphore, #tpu.memory_space<semaphore_mem>>)
      %multiple_of3A_50 = arith.constant 24 : i32
      %multiple_of3A_51 = tpu.assume_multiple %multiple_of3A_50, 8 : i32
      %dma_start3A_52 = arith.constant 24 : i32
      %dma_start3A_53 = arith.constant 0 : i32
      %dma_start3A_54 = tpu.memref_slice %arg12[%dma_start3A_52, %dma_start3A_53] : memref<72x128xf32, #tpu.memory_space<vmem>> -> memref<16x128xf32, #tpu.memory_space<vmem>>
      %dma_start3A_55 = tpu.memref_slice %arg10[%multiple_of3A_51] : memref<10080xi32, #tpu.memory_space<vmem>> -> memref<16xi32, #tpu.memory_space<vmem>>
      %dma_start3A_56 = arith.constant 0 : i32
      %dma_start3A_57 = arith.constant 0 : i32
      %dma_start3A_58 = tpu.memref_slice %arg3[%dma_start3A_56, %dma_start3A_57] : memref<10000x128xf32, #tpu.memory_space<hbm>> -> memref<10000x128xf32, #tpu.memory_space<hbm>>
      tpu.enqueue_indirect_dma source(%dma_start3A_58 : memref<10000x128xf32, #tpu.memory_space<hbm>>) target(%dma_start3A_54 : memref<16x128xf32, #tpu.memory_space<vmem>>) offsets(%dma_start3A_55 : memref<16xi32, #tpu.memory_space<vmem>>) semaphore(%arg16 : memref<!tpu.dma_semaphore, #tpu.memory_space<semaphore_mem>>)
      %multiple_of3A_59 = arith.constant 40 : i32
      %multiple_of3A_60 = tpu.assume_multiple %multiple_of3A_59, 8 : i32
      %dma_start3A_61 = arith.constant 40 : i32
      %dma_start3A_62 = arith.constant 0 : i32
      %dma_start3A_63 = tpu.memref_slice %arg12[%dma_start3A_61, %dma_start3A_62] : memref<72x128xf32, #tpu.memory_space<vmem>> -> memref<16x128xf32, #tpu.memory_space<vmem>>
      %dma_start3A_64 = tpu.memref_slice %arg10[%multiple_of3A_60] : memref<10080xi32, #tpu.memory_space<vmem>> -> memref<16xi32, #tpu.memory_space<vmem>>
      %dma_start3A_65 = arith.constant 0 : i32
      %dma_start3A_66 = arith.constant 0 : i32
      %dma_start3A_67 = tpu.memref_slice %arg3[%dma_start3A_65, %dma_start3A_66] : memref<10000x128xf32, #tpu.memory_space<hbm>> -> memref<10000x128xf32, #tpu.memory_space<hbm>>
      tpu.enqueue_indirect_dma source(%dma_start3A_67 : memref<10000x128xf32, #tpu.memory_space<hbm>>) target(%dma_start3A_63 : memref<16x128xf32, #tpu.memory_space<vmem>>) offsets(%dma_start3A_64 : memref<16xi32, #tpu.memory_space<vmem>>) semaphore(%arg17 : memref<!tpu.dma_semaphore, #tpu.memory_space<semaphore_mem>>)
      %multiple_of3A_68 = arith.constant 56 : i32
      %multiple_of3A_69 = tpu.assume_multiple %multiple_of3A_68, 8 : i32
      %dma_start3A_70 = arith.constant 56 : i32
      %dma_start3A_71 = arith.constant 0 : i32
      %dma_start3A_72 = tpu.memref_slice %arg12[%dma_start3A_70, %dma_start3A_71] : memref<72x128xf32, #tpu.memory_space<vmem>> -> memref<16x128xf32, #tpu.memory_space<vmem>>
      %dma_start3A_73 = tpu.memref_slice %arg10[%multiple_of3A_69] : memref<10080xi32, #tpu.memory_space<vmem>> -> memref<16xi32, #tpu.memory_space<vmem>>
      %dma_start3A_74 = arith.constant 0 : i32
      %dma_start3A_75 = arith.constant 0 : i32
      %dma_start3A_76 = tpu.memref_slice %arg3[%dma_start3A_74, %dma_start3A_75] : memref<10000x128xf32, #tpu.memory_space<hbm>> -> memref<10000x128xf32, #tpu.memory_space<hbm>>
      tpu.enqueue_indirect_dma source(%dma_start3A_76 : memref<10000x128xf32, #tpu.memory_space<hbm>>) target(%dma_start3A_72 : memref<16x128xf32, #tpu.memory_space<vmem>>) offsets(%dma_start3A_73 : memref<16xi32, #tpu.memory_space<vmem>>) semaphore(%arg18 : memref<!tpu.dma_semaphore, #tpu.memory_space<semaphore_mem>>)
      %scan3A = arith.constant 0 : i32
      %scan3A_77 = arith.constant 70 : i32
      %scan3A_78 = arith.addi %scan3A, %scan3A_77 : i32
      %scan3A_79 = arith.constant 1 : i32
      scf.for %scan3A_81 = %scan3A to %scan3A_78 step %scan3A_79  : i32 {
        %mul3A_82 = arith.constant 2 : i32
        %mul3A_83 = arith.muli %scan3A_81, %mul3A_82 : i32
        %add3A = arith.constant 0 : i32
        %add3A_84 = arith.addi %add3A, %mul3A_83 : i32
        %mul3A_85 = arith.constant 72 : i32
        %mul3A_86 = arith.muli %add3A_84, %mul3A_85 : i32
        %add3A_87 = arith.constant 0 : i32
        %add3A_88 = arith.addi %mul3A_86, %add3A_87 : i32
        %multiple_of3A_89 = tpu.assume_multiple %add3A_88, 8 : i32
        %dma_wait3A_90 = arith.constant 0 : i32
        %dma_wait3A_91 = arith.constant 0 : i32
        %dma_wait3A_92 = tpu.memref_slice %arg12[%dma_wait3A_90, %dma_wait3A_91] : memref<72x128xf32, #tpu.memory_space<vmem>> -> memref<24x128xf32, #tpu.memory_space<vmem>>
        %dma_wait3A_93 = tpu.memref_slice %arg10[%multiple_of3A_89] : memref<10080xi32, #tpu.memory_space<vmem>> -> memref<24xi32, #tpu.memory_space<vmem>>
        %dma_wait3A_94 = arith.constant 0 : i32
        %dma_wait3A_95 = arith.constant 0 : i32
        %dma_wait3A_96 = tpu.memref_slice %arg3[%dma_wait3A_94, %dma_wait3A_95] : memref<10000x128xf32, #tpu.memory_space<hbm>> -> memref<10000x128xf32, #tpu.memory_space<hbm>>
        tpu.wait_indirect_dma semaphore(%arg15 : memref<!tpu.dma_semaphore, #tpu.memory_space<semaphore_mem>>) src(%dma_wait3A_96 : memref<10000x128xf32, #tpu.memory_space<hbm>>) dst(%dma_wait3A_92 : memref<24x128xf32, #tpu.memory_space<vmem>>)
        %mul3A_97 = arith.constant 72 : i32
        %mul3A_98 = arith.muli %add3A_84, %mul3A_97 : i32
        %add3A_99 = arith.constant 24 : i32
        %add3A_100 = arith.addi %mul3A_98, %add3A_99 : i32
        %multiple_of3A_101 = tpu.assume_multiple %add3A_100, 8 : i32
        %dma_wait3A_102 = arith.constant 24 : i32
        %dma_wait3A_103 = arith.constant 0 : i32
        %dma_wait3A_104 = tpu.memref_slice %arg12[%dma_wait3A_102, %dma_wait3A_103] : memref<72x128xf32, #tpu.memory_space<vmem>> -> memref<16x128xf32, #tpu.memory_space<vmem>>
        %dma_wait3A_105 = tpu.memref_slice %arg10[%multiple_of3A_101] : memref<10080xi32, #tpu.memory_space<vmem>> -> memref<16xi32, #tpu.memory_space<vmem>>
        %dma_wait3A_106 = arith.constant 0 : i32
        %dma_wait3A_107 = arith.constant 0 : i32
        %dma_wait3A_108 = tpu.memref_slice %arg3[%dma_wait3A_106, %dma_wait3A_107] : memref<10000x128xf32, #tpu.memory_space<hbm>> -> memref<10000x128xf32, #tpu.memory_space<hbm>>
        tpu.wait_indirect_dma semaphore(%arg16 : memref<!tpu.dma_semaphore, #tpu.memory_space<semaphore_mem>>) src(%dma_wait3A_108 : memref<10000x128xf32, #tpu.memory_space<hbm>>) dst(%dma_wait3A_104 : memref<16x128xf32, #tpu.memory_space<vmem>>)
        %mul3A_109 = arith.constant 72 : i32
        %mul3A_110 = arith.muli %add3A_84, %mul3A_109 : i32
        %add3A_111 = arith.constant 40 : i32
        %add3A_112 = arith.addi %mul3A_110, %add3A_111 : i32
        %multiple_of3A_113 = tpu.assume_multiple %add3A_112, 8 : i32
        %dma_wait3A_114 = arith.constant 40 : i32
        %dma_wait3A_115 = arith.constant 0 : i32
        %dma_wait3A_116 = tpu.memref_slice %arg12[%dma_wait3A_114, %dma_wait3A_115] : memref<72x128xf32, #tpu.memory_space<vmem>> -> memref<16x128xf32, #tpu.memory_space<vmem>>
        %dma_wait3A_117 = tpu.memref_slice %arg10[%multiple_of3A_113] : memref<10080xi32, #tpu.memory_space<vmem>> -> memref<16xi32, #tpu.memory_space<vmem>>
        %dma_wait3A_118 = arith.constant 0 : i32
        %dma_wait3A_119 = arith.constant 0 : i32
        %dma_wait3A_120 = tpu.memref_slice %arg3[%dma_wait3A_118, %dma_wait3A_119] : memref<10000x128xf32, #tpu.memory_space<hbm>> -> memref<10000x128xf32, #tpu.memory_space<hbm>>
        tpu.wait_indirect_dma semaphore(%arg17 : memref<!tpu.dma_semaphore, #tpu.memory_space<semaphore_mem>>) src(%dma_wait3A_120 : memref<10000x128xf32, #tpu.memory_space<hbm>>) dst(%dma_wait3A_116 : memref<16x128xf32, #tpu.memory_space<vmem>>)
        %mul3A_121 = arith.constant 72 : i32
        %mul3A_122 = arith.muli %add3A_84, %mul3A_121 : i32
        %add3A_123 = arith.constant 56 : i32
        %add3A_124 = arith.addi %mul3A_122, %add3A_123 : i32
        %multiple_of3A_125 = tpu.assume_multiple %add3A_124, 8 : i32
        %dma_wait3A_126 = arith.constant 56 : i32
        %dma_wait3A_127 = arith.constant 0 : i32
        %dma_wait3A_128 = tpu.memref_slice %arg12[%dma_wait3A_126, %dma_wait3A_127] : memref<72x128xf32, #tpu.memory_space<vmem>> -> memref<16x128xf32, #tpu.memory_space<vmem>>
        %dma_wait3A_129 = tpu.memref_slice %arg10[%multiple_of3A_125] : memref<10080xi32, #tpu.memory_space<vmem>> -> memref<16xi32, #tpu.memory_space<vmem>>
        %dma_wait3A_130 = arith.constant 0 : i32
        %dma_wait3A_131 = arith.constant 0 : i32
        %dma_wait3A_132 = tpu.memref_slice %arg3[%dma_wait3A_130, %dma_wait3A_131] : memref<10000x128xf32, #tpu.memory_space<hbm>> -> memref<10000x128xf32, #tpu.memory_space<hbm>>
        tpu.wait_indirect_dma semaphore(%arg18 : memref<!tpu.dma_semaphore, #tpu.memory_space<semaphore_mem>>) src(%dma_wait3A_132 : memref<10000x128xf32, #tpu.memory_space<hbm>>) dst(%dma_wait3A_128 : memref<16x128xf32, #tpu.memory_space<vmem>>)
        %add3A_133 = arith.constant 1 : i32
        %add3A_134 = arith.addi %add3A_84, %add3A_133 : i32
        %mul3A_135 = arith.constant 72 : i32
        %mul3A_136 = arith.muli %add3A_134, %mul3A_135 : i32
        %add3A_137 = arith.constant 0 : i32
        %add3A_138 = arith.addi %mul3A_136, %add3A_137 : i32
        %multiple_of3A_139 = tpu.assume_multiple %add3A_138, 8 : i32
        %dma_start3A_140 = arith.constant 0 : i32
        %dma_start3A_141 = arith.constant 0 : i32
        %dma_start3A_142 = tpu.memref_slice %arg13[%dma_start3A_140, %dma_start3A_141] : memref<72x128xf32, #tpu.memory_space<vmem>> -> memref<24x128xf32, #tpu.memory_space<vmem>>
        %dma_start3A_143 = tpu.memref_slice %arg10[%multiple_of3A_139] : memref<10080xi32, #tpu.memory_space<vmem>> -> memref<24xi32, #tpu.memory_space<vmem>>
        %dma_start3A_144 = arith.constant 0 : i32
        %dma_start3A_145 = arith.constant 0 : i32
        %dma_start3A_146 = tpu.memref_slice %arg3[%dma_start3A_144, %dma_start3A_145] : memref<10000x128xf32, #tpu.memory_space<hbm>> -> memref<10000x128xf32, #tpu.memory_space<hbm>>
        tpu.enqueue_indirect_dma source(%dma_start3A_146 : memref<10000x128xf32, #tpu.memory_space<hbm>>) target(%dma_start3A_142 : memref<24x128xf32, #tpu.memory_space<vmem>>) offsets(%dma_start3A_143 : memref<24xi32, #tpu.memory_space<vmem>>) semaphore(%arg19 : memref<!tpu.dma_semaphore, #tpu.memory_space<semaphore_mem>>)
        %mul3A_147 = arith.constant 72 : i32
        %mul3A_148 = arith.muli %add3A_134, %mul3A_147 : i32
        %add3A_149 = arith.constant 24 : i32
        %add3A_150 = arith.addi %mul3A_148, %add3A_149 : i32
        %multiple_of3A_151 = tpu.assume_multiple %add3A_150, 8 : i32
        %dma_start3A_152 = arith.constant 24 : i32
        %dma_start3A_153 = arith.constant 0 : i32
        %dma_start3A_154 = tpu.memref_slice %arg13[%dma_start3A_152, %dma_start3A_153] : memref<72x128xf32, #tpu.memory_space<vmem>> -> memref<16x128xf32, #tpu.memory_space<vmem>>
        %dma_start3A_155 = tpu.memref_slice %arg10[%multiple_of3A_151] : memref<10080xi32, #tpu.memory_space<vmem>> -> memref<16xi32, #tpu.memory_space<vmem>>
        %dma_start3A_156 = arith.constant 0 : i32
        %dma_start3A_157 = arith.constant 0 : i32
        %dma_start3A_158 = tpu.memref_slice %arg3[%dma_start3A_156, %dma_start3A_157] : memref<10000x128xf32, #tpu.memory_space<hbm>> -> memref<10000x128xf32, #tpu.memory_space<hbm>>
        tpu.enqueue_indirect_dma source(%dma_start3A_158 : memref<10000x128xf32, #tpu.memory_space<hbm>>) target(%dma_start3A_154 : memref<16x128xf32, #tpu.memory_space<vmem>>) offsets(%dma_start3A_155 : memref<16xi32, #tpu.memory_space<vmem>>) semaphore(%arg20 : memref<!tpu.dma_semaphore, #tpu.memory_space<semaphore_mem>>)
        %mul3A_159 = arith.constant 72 : i32
        %mul3A_160 = arith.muli %add3A_134, %mul3A_159 : i32
        %add3A_161 = arith.constant 40 : i32
        %add3A_162 = arith.addi %mul3A_160, %add3A_161 : i32
        %multiple_of3A_163 = tpu.assume_multiple %add3A_162, 8 : i32
        %dma_start3A_164 = arith.constant 40 : i32
        %dma_start3A_165 = arith.constant 0 : i32
        %dma_start3A_166 = tpu.memref_slice %arg13[%dma_start3A_164, %dma_start3A_165] : memref<72x128xf32, #tpu.memory_space<vmem>> -> memref<16x128xf32, #tpu.memory_space<vmem>>
        %dma_start3A_167 = tpu.memref_slice %arg10[%multiple_of3A_163] : memref<10080xi32, #tpu.memory_space<vmem>> -> memref<16xi32, #tpu.memory_space<vmem>>
        %dma_start3A_168 = arith.constant 0 : i32
        %dma_start3A_169 = arith.constant 0 : i32
        %dma_start3A_170 = tpu.memref_slice %arg3[%dma_start3A_168, %dma_start3A_169] : memref<10000x128xf32, #tpu.memory_space<hbm>> -> memref<10000x128xf32, #tpu.memory_space<hbm>>
        tpu.enqueue_indirect_dma source(%dma_start3A_170 : memref<10000x128xf32, #tpu.memory_space<hbm>>) target(%dma_start3A_166 : memref<16x128xf32, #tpu.memory_space<vmem>>) offsets(%dma_start3A_167 : memref<16xi32, #tpu.memory_space<vmem>>) semaphore(%arg21 : memref<!tpu.dma_semaphore, #tpu.memory_space<semaphore_mem>>)
        %mul3A_171 = arith.constant 72 : i32
        %mul3A_172 = arith.muli %add3A_134, %mul3A_171 : i32
        %add3A_173 = arith.constant 56 : i32
        %add3A_174 = arith.addi %mul3A_172, %add3A_173 : i32
        %multiple_of3A_175 = tpu.assume_multiple %add3A_174, 8 : i32
        %dma_start3A_176 = arith.constant 56 : i32
        %dma_start3A_177 = arith.constant 0 : i32
        %dma_start3A_178 = tpu.memref_slice %arg13[%dma_start3A_176, %dma_start3A_177] : memref<72x128xf32, #tpu.memory_space<vmem>> -> memref<16x128xf32, #tpu.memory_space<vmem>>
        %dma_start3A_179 = tpu.memref_slice %arg10[%multiple_of3A_175] : memref<10080xi32, #tpu.memory_space<vmem>> -> memref<16xi32, #tpu.memory_space<vmem>>
        %dma_start3A_180 = arith.constant 0 : i32
        %dma_start3A_181 = arith.constant 0 : i32
        %dma_start3A_182 = tpu.memref_slice %arg3[%dma_start3A_180, %dma_start3A_181] : memref<10000x128xf32, #tpu.memory_space<hbm>> -> memref<10000x128xf32, #tpu.memory_space<hbm>>
        tpu.enqueue_indirect_dma source(%dma_start3A_182 : memref<10000x128xf32, #tpu.memory_space<hbm>>) target(%dma_start3A_178 : memref<16x128xf32, #tpu.memory_space<vmem>>) offsets(%dma_start3A_179 : memref<16xi32, #tpu.memory_space<vmem>>) semaphore(%arg22 : memref<!tpu.dma_semaphore, #tpu.memory_space<semaphore_mem>>)
        %mul3A_183 = arith.constant 72 : i32
        %mul3A_184 = arith.muli %add3A_84, %mul3A_183 : i32
        %multiple_of3A_185 = tpu.assume_multiple %mul3A_184, 8 : i32
        "tpu.region"() ({
          %run_scoped3A = tpu.sem_alloc : memref<!tpu.dma_semaphore, #tpu.memory_space<semaphore_mem>>
          %dma_start3A_247 = tpu.memref_slice %arg11[%multiple_of3A_185] : memref<10080xi32, #tpu.memory_space<vmem>> -> memref<72xi32, #tpu.memory_space<vmem>>
          %dma_start3A_248 = arith.constant 0 : i32
          %dma_start3A_249 = arith.constant 0 : i32
          %dma_start3A_250 = tpu.memref_slice %arg14[%dma_start3A_248, %dma_start3A_249] : memref<10112x128xf32, #tpu.memory_space<vmem_shared>> -> memref<10112x128xf32, #tpu.memory_space<vmem_shared>>
          tpu.enqueue_indirect_dma source(%arg12 : memref<72x128xf32, #tpu.memory_space<vmem>>) target(%dma_start3A_250 : memref<10112x128xf32, #tpu.memory_space<vmem_shared>>) offsets(%dma_start3A_247 : memref<72xi32, #tpu.memory_space<vmem>>) semaphore(%run_scoped3A : memref<!tpu.dma_semaphore, #tpu.memory_space<semaphore_mem>>) {add = true}
          %dma_wait3A_251 = tpu.memref_slice %arg11[%multiple_of3A_185] : memref<10080xi32, #tpu.memory_space<vmem>> -> memref<72xi32, #tpu.memory_space<vmem>>
          %dma_wait3A_252 = arith.constant 0 : i32
          %dma_wait3A_253 = arith.constant 0 : i32
          %dma_wait3A_254 = tpu.memref_slice %arg14[%dma_wait3A_252, %dma_wait3A_253] : memref<10112x128xf32, #tpu.memory_space<vmem_shared>> -> memref<10112x128xf32, #tpu.memory_space<vmem_shared>>
          tpu.wait_indirect_dma semaphore(%run_scoped3A : memref<!tpu.dma_semaphore, #tpu.memory_space<semaphore_mem>>) src(%arg12 : memref<72x128xf32, #tpu.memory_space<vmem>>) dst(%dma_wait3A_254 : memref<10112x128xf32, #tpu.memory_space<vmem_shared>>)
          tpu.yield
        }) : () -> ()
        %add3A_186 = arith.constant 1 : i32
        %add3A_187 = arith.addi %add3A_84, %add3A_186 : i32
        %mul3A_188 = arith.constant 72 : i32
        %mul3A_189 = arith.muli %add3A_187, %mul3A_188 : i32
        %add3A_190 = arith.constant 0 : i32
        %add3A_191 = arith.addi %mul3A_189, %add3A_190 : i32
        %multiple_of3A_192 = tpu.assume_multiple %add3A_191, 8 : i32
        %dma_wait3A_193 = arith.constant 0 : i32
        %dma_wait3A_194 = arith.constant 0 : i32
        %dma_wait3A_195 = tpu.memref_slice %arg13[%dma_wait3A_193, %dma_wait3A_194] : memref<72x128xf32, #tpu.memory_space<vmem>> -> memref<24x128xf32, #tpu.memory_space<vmem>>
        %dma_wait3A_196 = tpu.memref_slice %arg10[%multiple_of3A_192] : memref<10080xi32, #tpu.memory_space<vmem>> -> memref<24xi32, #tpu.memory_space<vmem>>
        %dma_wait3A_197 = arith.constant 0 : i32
        %dma_wait3A_198 = arith.constant 0 : i32
        %dma_wait3A_199 = tpu.memref_slice %arg3[%dma_wait3A_197, %dma_wait3A_198] : memref<10000x128xf32, #tpu.memory_space<hbm>> -> memref<10000x128xf32, #tpu.memory_space<hbm>>
        tpu.wait_indirect_dma semaphore(%arg19 : memref<!tpu.dma_semaphore, #tpu.memory_space<semaphore_mem>>) src(%dma_wait3A_199 : memref<10000x128xf32, #tpu.memory_space<hbm>>) dst(%dma_wait3A_195 : memref<24x128xf32, #tpu.memory_space<vmem>>)
        %mul3A_200 = arith.constant 72 : i32
        %mul3A_201 = arith.muli %add3A_187, %mul3A_200 : i32
        %add3A_202 = arith.constant 24 : i32
        %add3A_203 = arith.addi %mul3A_201, %add3A_202 : i32
        %multiple_of3A_204 = tpu.assume_multiple %add3A_203, 8 : i32
        %dma_wait3A_205 = arith.constant 24 : i32
        %dma_wait3A_206 = arith.constant 0 : i32
        %dma_wait3A_207 = tpu.memref_slice %arg13[%dma_wait3A_205, %dma_wait3A_206] : memref<72x128xf32, #tpu.memory_space<vmem>> -> memref<16x128xf32, #tpu.memory_space<vmem>>
        %dma_wait3A_208 = tpu.memref_slice %arg10[%multiple_of3A_204] : memref<10080xi32, #tpu.memory_space<vmem>> -> memref<16xi32, #tpu.memory_space<vmem>>
        %dma_wait3A_209 = arith.constant 0 : i32
        %dma_wait3A_210 = arith.constant 0 : i32
        %dma_wait3A_211 = tpu.memref_slice %arg3[%dma_wait3A_209, %dma_wait3A_210] : memref<10000x128xf32, #tpu.memory_space<hbm>> -> memref<10000x128xf32, #tpu.memory_space<hbm>>
        tpu.wait_indirect_dma semaphore(%arg20 : memref<!tpu.dma_semaphore, #tpu.memory_space<semaphore_mem>>) src(%dma_wait3A_211 : memref<10000x128xf32, #tpu.memory_space<hbm>>) dst(%dma_wait3A_207 : memref<16x128xf32, #tpu.memory_space<vmem>>)
        %mul3A_212 = arith.constant 72 : i32
        %mul3A_213 = arith.muli %add3A_187, %mul3A_212 : i32
        %add3A_214 = arith.constant 40 : i32
        %add3A_215 = arith.addi %mul3A_213, %add3A_214 : i32
        %multiple_of3A_216 = tpu.assume_multiple %add3A_215, 8 : i32
        %dma_wait3A_217 = arith.constant 40 : i32
        %dma_wait3A_218 = arith.constant 0 : i32
        %dma_wait3A_219 = tpu.memref_slice %arg13[%dma_wait3A_217, %dma_wait3A_218] : memref<72x128xf32, #tpu.memory_space<vmem>> -> memref<16x128xf32, #tpu.memory_space<vmem>>
        %dma_wait3A_220 = tpu.memref_slice %arg10[%multiple_of3A_216] : memref<10080xi32, #tpu.memory_space<vmem>> -> memref<16xi32, #tpu.memory_space<vmem>>
        %dma_wait3A_221 = arith.constant 0 : i32
        %dma_wait3A_222 = arith.constant 0 : i32
        %dma_wait3A_223 = tpu.memref_slice %arg3[%dma_wait3A_221, %dma_wait3A_222] : memref<10000x128xf32, #tpu.memory_space<hbm>> -> memref<10000x128xf32, #tpu.memory_space<hbm>>
        tpu.wait_indirect_dma semaphore(%arg21 : memref<!tpu.dma_semaphore, #tpu.memory_space<semaphore_mem>>) src(%dma_wait3A_223 : memref<10000x128xf32, #tpu.memory_space<hbm>>) dst(%dma_wait3A_219 : memref<16x128xf32, #tpu.memory_space<vmem>>)
        %mul3A_224 = arith.constant 72 : i32
        %mul3A_225 = arith.muli %add3A_187, %mul3A_224 : i32
        %add3A_226 = arith.constant 56 : i32
        %add3A_227 = arith.addi %mul3A_225, %add3A_226 : i32
        %multiple_of3A_228 = tpu.assume_multiple %add3A_227, 8 : i32
        %dma_wait3A_229 = arith.constant 56 : i32
        %dma_wait3A_230 = arith.constant 0 : i32
        %dma_wait3A_231 = tpu.memref_slice %arg13[%dma_wait3A_229, %dma_wait3A_230] : memref<72x128xf32, #tpu.memory_space<vmem>> -> memref<16x128xf32, #tpu.memory_space<vmem>>
        %dma_wait3A_232 = tpu.memref_slice %arg10[%multiple_of3A_228] : memref<10080xi32, #tpu.memory_space<vmem>> -> memref<16xi32, #tpu.memory_space<vmem>>
        %dma_wait3A_233 = arith.constant 0 : i32
        %dma_wait3A_234 = arith.constant 0 : i32
        %dma_wait3A_235 = tpu.memref_slice %arg3[%dma_wait3A_233, %dma_wait3A_234] : memref<10000x128xf32, #tpu.memory_space<hbm>> -> memref<10000x128xf32, #tpu.memory_space<hbm>>
        tpu.wait_indirect_dma semaphore(%arg22 : memref<!tpu.dma_semaphore, #tpu.memory_space<semaphore_mem>>) src(%dma_wait3A_235 : memref<10000x128xf32, #tpu.memory_space<hbm>>) dst(%dma_wait3A_231 : memref<16x128xf32, #tpu.memory_space<vmem>>)
        %add3A_236 = arith.constant 2 : i32
        %add3A_237 = arith.addi %add3A_84, %add3A_236 : i32
        %lt3A = arith.constant 140 : i32
        %lt3A_238 = arith.cmpi slt, %add3A_237, %lt3A : i32
        %convert_element_type3A_239 = arith.extui %lt3A_238 : i1 to i32
        %cond3A_240 = arith.constant 0 : i32
        %cond3A_241 = arith.cmpi ne, %convert_element_type3A_239, %cond3A_240 : i32
        scf.if %cond3A_241 {
          %add3A_247 = arith.constant 2 : i32
          %add3A_248 = arith.addi %add3A_84, %add3A_247 : i32
          %mul3A_249 = arith.constant 72 : i32
          %mul3A_250 = arith.muli %add3A_248, %mul3A_249 : i32
          %add3A_251 = arith.constant 0 : i32
          %add3A_252 = arith.addi %mul3A_250, %add3A_251 : i32
          %multiple_of3A_253 = tpu.assume_multiple %add3A_252, 8 : i32
          %dma_start3A_254 = arith.constant 0 : i32
          %dma_start3A_255 = arith.constant 0 : i32
          %dma_start3A_256 = tpu.memref_slice %arg12[%dma_start3A_254, %dma_start3A_255] : memref<72x128xf32, #tpu.memory_space<vmem>> -> memref<24x128xf32, #tpu.memory_space<vmem>>
          %dma_start3A_257 = tpu.memref_slice %arg10[%multiple_of3A_253] : memref<10080xi32, #tpu.memory_space<vmem>> -> memref<24xi32, #tpu.memory_space<vmem>>
          %dma_start3A_258 = arith.constant 0 : i32
          %dma_start3A_259 = arith.constant 0 : i32
          %dma_start3A_260 = tpu.memref_slice %arg3[%dma_start3A_258, %dma_start3A_259] : memref<10000x128xf32, #tpu.memory_space<hbm>> -> memref<10000x128xf32, #tpu.memory_space<hbm>>
          tpu.enqueue_indirect_dma source(%dma_start3A_260 : memref<10000x128xf32, #tpu.memory_space<hbm>>) target(%dma_start3A_256 : memref<24x128xf32, #tpu.memory_space<vmem>>) offsets(%dma_start3A_257 : memref<24xi32, #tpu.memory_space<vmem>>) semaphore(%arg15 : memref<!tpu.dma_semaphore, #tpu.memory_space<semaphore_mem>>)
          %mul3A_261 = arith.constant 72 : i32
          %mul3A_262 = arith.muli %add3A_248, %mul3A_261 : i32
          %add3A_263 = arith.constant 24 : i32
          %add3A_264 = arith.addi %mul3A_262, %add3A_263 : i32
          %multiple_of3A_265 = tpu.assume_multiple %add3A_264, 8 : i32
          %dma_start3A_266 = arith.constant 24 : i32
          %dma_start3A_267 = arith.constant 0 : i32
          %dma_start3A_268 = tpu.memref_slice %arg12[%dma_start3A_266, %dma_start3A_267] : memref<72x128xf32, #tpu.memory_space<vmem>> -> memref<16x128xf32, #tpu.memory_space<vmem>>
          %dma_start3A_269 = tpu.memref_slice %arg10[%multiple_of3A_265] : memref<10080xi32, #tpu.memory_space<vmem>> -> memref<16xi32, #tpu.memory_space<vmem>>
          %dma_start3A_270 = arith.constant 0 : i32
          %dma_start3A_271 = arith.constant 0 : i32
          %dma_start3A_272 = tpu.memref_slice %arg3[%dma_start3A_270, %dma_start3A_271] : memref<10000x128xf32, #tpu.memory_space<hbm>> -> memref<10000x128xf32, #tpu.memory_space<hbm>>
          tpu.enqueue_indirect_dma source(%dma_start3A_272 : memref<10000x128xf32, #tpu.memory_space<hbm>>) target(%dma_start3A_268 : memref<16x128xf32, #tpu.memory_space<vmem>>) offsets(%dma_start3A_269 : memref<16xi32, #tpu.memory_space<vmem>>) semaphore(%arg16 : memref<!tpu.dma_semaphore, #tpu.memory_space<semaphore_mem>>)
          %mul3A_273 = arith.constant 72 : i32
          %mul3A_274 = arith.muli %add3A_248, %mul3A_273 : i32
          %add3A_275 = arith.constant 40 : i32
          %add3A_276 = arith.addi %mul3A_274, %add3A_275 : i32
          %multiple_of3A_277 = tpu.assume_multiple %add3A_276, 8 : i32
          %dma_start3A_278 = arith.constant 40 : i32
          %dma_start3A_279 = arith.constant 0 : i32
          %dma_start3A_280 = tpu.memref_slice %arg12[%dma_start3A_278, %dma_start3A_279] : memref<72x128xf32, #tpu.memory_space<vmem>> -> memref<16x128xf32, #tpu.memory_space<vmem>>
          %dma_start3A_281 = tpu.memref_slice %arg10[%multiple_of3A_277] : memref<10080xi32, #tpu.memory_space<vmem>> -> memref<16xi32, #tpu.memory_space<vmem>>
          %dma_start3A_282 = arith.constant 0 : i32
          %dma_start3A_283 = arith.constant 0 : i32
          %dma_start3A_284 = tpu.memref_slice %arg3[%dma_start3A_282, %dma_start3A_283] : memref<10000x128xf32, #tpu.memory_space<hbm>> -> memref<10000x128xf32, #tpu.memory_space<hbm>>
          tpu.enqueue_indirect_dma source(%dma_start3A_284 : memref<10000x128xf32, #tpu.memory_space<hbm>>) target(%dma_start3A_280 : memref<16x128xf32, #tpu.memory_space<vmem>>) offsets(%dma_start3A_281 : memref<16xi32, #tpu.memory_space<vmem>>) semaphore(%arg17 : memref<!tpu.dma_semaphore, #tpu.memory_space<semaphore_mem>>)
          %mul3A_285 = arith.constant 72 : i32
          %mul3A_286 = arith.muli %add3A_248, %mul3A_285 : i32
          %add3A_287 = arith.constant 56 : i32
          %add3A_288 = arith.addi %mul3A_286, %add3A_287 : i32
          %multiple_of3A_289 = tpu.assume_multiple %add3A_288, 8 : i32
          %dma_start3A_290 = arith.constant 56 : i32
          %dma_start3A_291 = arith.constant 0 : i32
          %dma_start3A_292 = tpu.memref_slice %arg12[%dma_start3A_290, %dma_start3A_291] : memref<72x128xf32, #tpu.memory_space<vmem>> -> memref<16x128xf32, #tpu.memory_space<vmem>>
          %dma_start3A_293 = tpu.memref_slice %arg10[%multiple_of3A_289] : memref<10080xi32, #tpu.memory_space<vmem>> -> memref<16xi32, #tpu.memory_space<vmem>>
          %dma_start3A_294 = arith.constant 0 : i32
          %dma_start3A_295 = arith.constant 0 : i32
          %dma_start3A_296 = tpu.memref_slice %arg3[%dma_start3A_294, %dma_start3A_295] : memref<10000x128xf32, #tpu.memory_space<hbm>> -> memref<10000x128xf32, #tpu.memory_space<hbm>>
          tpu.enqueue_indirect_dma source(%dma_start3A_296 : memref<10000x128xf32, #tpu.memory_space<hbm>>) target(%dma_start3A_292 : memref<16x128xf32, #tpu.memory_space<vmem>>) offsets(%dma_start3A_293 : memref<16xi32, #tpu.memory_space<vmem>>) semaphore(%arg18 : memref<!tpu.dma_semaphore, #tpu.memory_space<semaphore_mem>>)
        } else {
        }
        %add3A_242 = arith.constant 1 : i32
        %add3A_243 = arith.addi %add3A_84, %add3A_242 : i32
        %mul3A_244 = arith.constant 72 : i32
        %mul3A_245 = arith.muli %add3A_243, %mul3A_244 : i32
        %multiple_of3A_246 = tpu.assume_multiple %mul3A_245, 8 : i32
        "tpu.region"() ({
          %run_scoped3A = tpu.sem_alloc : memref<!tpu.dma_semaphore, #tpu.memory_space<semaphore_mem>>
          %dma_start3A_247 = tpu.memref_slice %arg11[%multiple_of3A_246] : memref<10080xi32, #tpu.memory_space<vmem>> -> memref<72xi32, #tpu.memory_space<vmem>>
          %dma_start3A_248 = arith.constant 0 : i32
          %dma_start3A_249 = arith.constant 0 : i32
          %dma_start3A_250 = tpu.memref_slice %arg14[%dma_start3A_248, %dma_start3A_249] : memref<10112x128xf32, #tpu.memory_space<vmem_shared>> -> memref<10112x128xf32, #tpu.memory_space<vmem_shared>>
          tpu.enqueue_indirect_dma source(%arg13 : memref<72x128xf32, #tpu.memory_space<vmem>>) target(%dma_start3A_250 : memref<10112x128xf32, #tpu.memory_space<vmem_shared>>) offsets(%dma_start3A_247 : memref<72xi32, #tpu.memory_space<vmem>>) semaphore(%run_scoped3A : memref<!tpu.dma_semaphore, #tpu.memory_space<semaphore_mem>>) {add = true}
          %dma_wait3A_251 = tpu.memref_slice %arg11[%multiple_of3A_246] : memref<10080xi32, #tpu.memory_space<vmem>> -> memref<72xi32, #tpu.memory_space<vmem>>
          %dma_wait3A_252 = arith.constant 0 : i32
          %dma_wait3A_253 = arith.constant 0 : i32
          %dma_wait3A_254 = tpu.memref_slice %arg14[%dma_wait3A_252, %dma_wait3A_253] : memref<10112x128xf32, #tpu.memory_space<vmem_shared>> -> memref<10112x128xf32, #tpu.memory_space<vmem_shared>>
          tpu.wait_indirect_dma semaphore(%run_scoped3A : memref<!tpu.dma_semaphore, #tpu.memory_space<semaphore_mem>>) src(%arg13 : memref<72x128xf32, #tpu.memory_space<vmem>>) dst(%dma_wait3A_254 : memref<10112x128xf32, #tpu.memory_space<vmem_shared>>)
          tpu.yield
        }) : () -> ()
      }
      %scan3A_80 = arith.constant 70 : i32
    } else {
    }
    %barrier3A_30 = arith.constant 0 : index
    tpu.barrier barrier_id(%barrier3A_30)
    %eq3A_31 = arith.constant 0 : i32
    %eq3A_32 = arith.cmpi eq, %arg0, %eq3A_31 : i32
    %convert_element_type3A_33 = arith.extui %eq3A_32 : i1 to i32
    %cond3A_34 = arith.constant 0 : i32
    %cond3A_35 = arith.cmpi ne, %convert_element_type3A_33, %cond3A_34 : i32
    scf.if %cond3A_35 {
      "tpu.region"() ({
        %run_scoped3A = tpu.sem_alloc : memref<!tpu.dma_semaphore, #tpu.memory_space<semaphore_mem>>
        %dma_start3A_41 = arith.constant 0 : i32
        %dma_start3A_42 = tpu.memref_slice %arg7[%multiple_of3A, %dma_start3A_41] : memref<10112x128xf32, #tpu.memory_space<hbm>> -> memref<632x128xf32, #tpu.memory_space<hbm>>
        %dma_start3A_43 = arith.constant 0 : i32
        %dma_start3A_44 = tpu.memref_slice %arg14[%multiple_of3A, %dma_start3A_43] : memref<10112x128xf32, #tpu.memory_space<vmem_shared>> -> memref<632x128xf32, #tpu.memory_space<vmem_shared>>
        tpu.enqueue_dma source(%dma_start3A_44 : memref<632x128xf32, #tpu.memory_space<vmem_shared>>) target(%dma_start3A_42 : memref<632x128xf32, #tpu.memory_space<hbm>>) target_semaphore(%run_scoped3A : memref<!tpu.dma_semaphore, #tpu.memory_space<semaphore_mem>>)
        %dma_wait3A_45 = arith.constant 0 : i32
        %dma_wait3A_46 = tpu.memref_slice %arg7[%multiple_of3A, %dma_wait3A_45] : memref<10112x128xf32, #tpu.memory_space<hbm>> -> memref<632x128xf32, #tpu.memory_space<hbm>>
        %dma_wait3A_47 = arith.constant 0 : i32
        %dma_wait3A_48 = tpu.memref_slice %arg14[%multiple_of3A, %dma_wait3A_47] : memref<10112x128xf32, #tpu.memory_space<vmem_shared>> -> memref<632x128xf32, #tpu.memory_space<vmem_shared>>
        tpu.wait_dma2 semaphore(%run_scoped3A : memref<!tpu.dma_semaphore, #tpu.memory_space<semaphore_mem>>) src(%dma_wait3A_48 : memref<632x128xf32, #tpu.memory_space<vmem_shared>>) dst(%dma_wait3A_46 : memref<632x128xf32, #tpu.memory_space<hbm>>)
        tpu.yield
      }) : () -> ()
    } else {
    }
    %eq3A_36 = arith.constant 1 : i32
    %eq3A_37 = arith.cmpi eq, %arg0, %eq3A_36 : i32
    %convert_element_type3A_38 = arith.extui %eq3A_37 : i1 to i32
    %cond3A_39 = arith.constant 0 : i32
    %cond3A_40 = arith.cmpi ne, %convert_element_type3A_38, %cond3A_39 : i32
    scf.if %cond3A_40 {
      "tpu.region"() ({
        %run_scoped3A = tpu.sem_alloc : memref<!tpu.dma_semaphore, #tpu.memory_space<semaphore_mem>>
        %dma_start3A_41 = arith.constant 0 : i32
        %dma_start3A_42 = tpu.memref_slice %arg8[%multiple_of3A, %dma_start3A_41] : memref<10112x128xf32, #tpu.memory_space<hbm>> -> memref<632x128xf32, #tpu.memory_space<hbm>>
        %dma_start3A_43 = arith.constant 0 : i32
        %dma_start3A_44 = tpu.memref_slice %arg14[%multiple_of3A, %dma_start3A_43] : memref<10112x128xf32, #tpu.memory_space<vmem_shared>> -> memref<632x128xf32, #tpu.memory_space<vmem_shared>>
        tpu.enqueue_dma source(%dma_start3A_44 : memref<632x128xf32, #tpu.memory_space<vmem_shared>>) target(%dma_start3A_42 : memref<632x128xf32, #tpu.memory_space<hbm>>) target_semaphore(%run_scoped3A : memref<!tpu.dma_semaphore, #tpu.memory_space<semaphore_mem>>)
        %dma_wait3A_45 = arith.constant 0 : i32
        %dma_wait3A_46 = tpu.memref_slice %arg8[%multiple_of3A, %dma_wait3A_45] : memref<10112x128xf32, #tpu.memory_space<hbm>> -> memref<632x128xf32, #tpu.memory_space<hbm>>
        %dma_wait3A_47 = arith.constant 0 : i32
        %dma_wait3A_48 = tpu.memref_slice %arg14[%multiple_of3A, %dma_wait3A_47] : memref<10112x128xf32, #tpu.memory_space<vmem_shared>> -> memref<632x128xf32, #tpu.memory_space<vmem_shared>>
        tpu.wait_dma2 semaphore(%run_scoped3A : memref<!tpu.dma_semaphore, #tpu.memory_space<semaphore_mem>>) src(%dma_wait3A_48 : memref<632x128xf32, #tpu.memory_space<vmem_shared>>) dst(%dma_wait3A_46 : memref<632x128xf32, #tpu.memory_space<hbm>>)
        tpu.yield
      }) : () -> ()
    } else {
    }
    return
  }
}

#map = affine_map<(d0, d1) -> (0, 0)>
#map1 = affine_map<(d0, d1) -> (0)>
module attributes {stable_mosaic.version = 14 : i64} {
  func.func @agg(%arg0: i32, %arg1: i32, %arg2: memref<10000x128xf32, #tpu.memory_space<hbm>>, %arg3: memref<10000x128xf32, #tpu.memory_space<hbm>>, %arg4: memref<161280xi32, #tpu.memory_space<hbm>>, %arg5: memref<161280xi32, #tpu.memory_space<hbm>>, %arg6: memref<10112x128xf32, #tpu.memory_space<hbm>>, %arg7: memref<10112x128xf32, #tpu.memory_space<hbm>>, %arg8: memref<10112x128xf32, #tpu.memory_space<hbm>>, %arg9: memref<16x10112xf32, #tpu.memory_space<hbm>>, %arg10: memref<10080xi32, #tpu.memory_space<vmem>>, %arg11: memref<10080xi32, #tpu.memory_space<vmem>>, %arg12: memref<72x128xf32, #tpu.memory_space<vmem>>, %arg13: memref<72x128xf32, #tpu.memory_space<vmem>>, %arg14: memref<10112x128xf32, #tpu.memory_space<vmem_shared>>, %arg15: memref<!tpu.dma_semaphore, #tpu.memory_space<semaphore_mem>>, %arg16: memref<!tpu.dma_semaphore, #tpu.memory_space<semaphore_mem>>, %arg17: memref<!tpu.dma_semaphore, #tpu.memory_space<semaphore_mem>>, %arg18: memref<!tpu.dma_semaphore, #tpu.memory_space<semaphore_mem>>, %arg19: memref<!tpu.dma_semaphore, #tpu.memory_space<semaphore_mem>>, %arg20: memref<!tpu.dma_semaphore, #tpu.memory_space<semaphore_mem>>, %arg21: memref<!tpu.dma_semaphore, #tpu.memory_space<semaphore_mem>>, %arg22: memref<!tpu.dma_semaphore, #tpu.memory_space<semaphore_mem>>, %arg23: memref<10112xf32, #tpu.memory_space<vmem>>) attributes {dimension_semantics = [#tpu.dimension_semantics<core_parallel>, #tpu.dimension_semantics<subcore_parallel>], iteration_bounds = array<i64: 2, 16>, scalar_prefetch = 0 : i64, scratch_operands = 14 : i64, tpu.core_type = #tpu.core_type<sc_vector_subcore>, window_params = [{transform_indices = #map}, {transform_indices = #map}, {transform_indices = #map1}, {transform_indices = #map1}, {transform_indices = #map}, {transform_indices = #map}, {transform_indices = #map}, {transform_indices = #map}]} {
    %mul3A = arith.constant 632 : i32
    %mul3A_0 = arith.muli %arg1, %mul3A : i32
    %multiple_of3A = tpu.assume_multiple %mul3A_0, 8 : i32
    %mul3A_1 = arith.constant 10080 : i32
    %mul3A_2 = arith.muli %arg1, %mul3A_1 : i32
    %multiple_of3A_3 = tpu.assume_multiple %mul3A_2, 8 : i32
    %dma_start3A = arith.constant 0 : i32
    %dma_start3A_4 = tpu.memref_slice %arg14[%multiple_of3A, %dma_start3A] : memref<10112x128xf32, #tpu.memory_space<vmem_shared>> -> memref<632x128xf32, #tpu.memory_space<vmem_shared>>
    %dma_start3A_5 = arith.constant 0 : i32
    %dma_start3A_6 = tpu.memref_slice %arg6[%multiple_of3A, %dma_start3A_5] : memref<10112x128xf32, #tpu.memory_space<hbm>> -> memref<632x128xf32, #tpu.memory_space<hbm>>
    tpu.enqueue_dma source(%dma_start3A_6 : memref<632x128xf32, #tpu.memory_space<hbm>>) target(%dma_start3A_4 : memref<632x128xf32, #tpu.memory_space<vmem_shared>>) target_semaphore(%arg15 : memref<!tpu.dma_semaphore, #tpu.memory_space<semaphore_mem>>)
    %dma_start3A_7 = tpu.memref_slice %arg4[%multiple_of3A_3] : memref<161280xi32, #tpu.memory_space<hbm>> -> memref<10080xi32, #tpu.memory_space<hbm>>
    %dma_start3A_8 = tpu.memref_slice %arg4[%multiple_of3A_3] : memref<161280xi32, #tpu.memory_space<hbm>> -> memref<10080xi32, #tpu.memory_space<hbm>>
    tpu.enqueue_dma source(%dma_start3A_8 : memref<10080xi32, #tpu.memory_space<hbm>>) target(%arg10 : memref<10080xi32, #tpu.memory_space<vmem>>) target_semaphore(%arg16 : memref<!tpu.dma_semaphore, #tpu.memory_space<semaphore_mem>>)
    %dma_start3A_9 = tpu.memref_slice %arg5[%multiple_of3A_3] : memref<161280xi32, #tpu.memory_space<hbm>> -> memref<10080xi32, #tpu.memory_space<hbm>>
    %dma_start3A_10 = tpu.memref_slice %arg5[%multiple_of3A_3] : memref<161280xi32, #tpu.memory_space<hbm>> -> memref<10080xi32, #tpu.memory_space<hbm>>
    tpu.enqueue_dma source(%dma_start3A_10 : memref<10080xi32, #tpu.memory_space<hbm>>) target(%arg11 : memref<10080xi32, #tpu.memory_space<vmem>>) target_semaphore(%arg17 : memref<!tpu.dma_semaphore, #tpu.memory_space<semaphore_mem>>)
    %dma_wait3A = arith.constant 0 : i32
    %dma_wait3A_11 = tpu.memref_slice %arg14[%multiple_of3A, %dma_wait3A] : memref<10112x128xf32, #tpu.memory_space<vmem_shared>> -> memref<632x128xf32, #tpu.memory_space<vmem_shared>>
    %dma_wait3A_12 = arith.constant 0 : i32
    %dma_wait3A_13 = tpu.memref_slice %arg6[%multiple_of3A, %dma_wait3A_12] : memref<10112x128xf32, #tpu.memory_space<hbm>> -> memref<632x128xf32, #tpu.memory_space<hbm>>
    tpu.wait_dma2 semaphore(%arg15 : memref<!tpu.dma_semaphore, #tpu.memory_space<semaphore_mem>>) src(%dma_wait3A_13 : memref<632x128xf32, #tpu.memory_space<hbm>>) dst(%dma_wait3A_11 : memref<632x128xf32, #tpu.memory_space<vmem_shared>>)
    %dma_wait3A_14 = tpu.memref_slice %arg4[%multiple_of3A_3] : memref<161280xi32, #tpu.memory_space<hbm>> -> memref<10080xi32, #tpu.memory_space<hbm>>
    %dma_wait3A_15 = tpu.memref_slice %arg4[%multiple_of3A_3] : memref<161280xi32, #tpu.memory_space<hbm>> -> memref<10080xi32, #tpu.memory_space<hbm>>
    tpu.wait_dma2 semaphore(%arg16 : memref<!tpu.dma_semaphore, #tpu.memory_space<semaphore_mem>>) src(%dma_wait3A_15 : memref<10080xi32, #tpu.memory_space<hbm>>) dst(%arg10 : memref<10080xi32, #tpu.memory_space<vmem>>)
    %dma_wait3A_16 = tpu.memref_slice %arg5[%multiple_of3A_3] : memref<161280xi32, #tpu.memory_space<hbm>> -> memref<10080xi32, #tpu.memory_space<hbm>>
    %dma_wait3A_17 = tpu.memref_slice %arg5[%multiple_of3A_3] : memref<161280xi32, #tpu.memory_space<hbm>> -> memref<10080xi32, #tpu.memory_space<hbm>>
    tpu.wait_dma2 semaphore(%arg17 : memref<!tpu.dma_semaphore, #tpu.memory_space<semaphore_mem>>) src(%dma_wait3A_17 : memref<10080xi32, #tpu.memory_space<hbm>>) dst(%arg11 : memref<10080xi32, #tpu.memory_space<vmem>>)
    %barrier3A = arith.constant 0 : index
    tpu.barrier barrier_id(%barrier3A)
    %eq3A = arith.constant 0 : i32
    %eq3A_18 = arith.cmpi eq, %arg0, %eq3A : i32
    %convert_element_type3A = arith.extui %eq3A_18 : i1 to i32
    %cond3A = arith.constant 0 : i32
    %cond3A_19 = arith.cmpi ne, %convert_element_type3A, %cond3A : i32
    scf.if %cond3A_19 {
      %scan3A = arith.constant 0 : i32
      %scan3A_41 = arith.constant 632 : i32
      %scan3A_42 = arith.addi %scan3A, %scan3A_41 : i32
      %scan3A_43 = arith.constant 1 : i32
      scf.for %scan3A_50 = %scan3A to %scan3A_42 step %scan3A_43  : i32 {
        %mul3A_51 = arith.constant 16 : i32
        %mul3A_52 = arith.muli %scan3A_50, %mul3A_51 : i32
        %add3A = arith.constant 0 : i32
        %add3A_53 = arith.addi %add3A, %mul3A_52 : i32
        %broadcast_in_dim3A = arith.constant 0.000000e+00 : f32
        %broadcast_in_dim3A_54 = vector.broadcast %broadcast_in_dim3A : f32 to vector<16xf32>
        %swap3A = arith.index_cast %add3A_53 : i32 to index
        %swap3A_55 = tpu.vector_load %arg23[%swap3A] {strides = array<i32>} : memref<10112xf32, #tpu.memory_space<vmem>>, vector<16xf32>,
        tpu.vector_store %arg23[%swap3A], %broadcast_in_dim3A_54 {strides = array<i32>} : memref<10112xf32, #tpu.memory_space<vmem>>, vector<16xf32>,
      }
      %scan3A_44 = arith.constant 632 : i32
      %scan3A_45 = arith.constant 0 : i32
      %scan3A_46 = arith.constant 630 : i32
      %scan3A_47 = arith.addi %scan3A_45, %scan3A_46 : i32
      %scan3A_48 = arith.constant 1 : i32
      scf.for %scan3A_50 = %scan3A_45 to %scan3A_47 step %scan3A_48  : i32 {
        %mul3A_51 = arith.constant 16 : i32
        %mul3A_52 = arith.muli %scan3A_50, %mul3A_51 : i32
        %add3A = arith.constant 0 : i32
        %add3A_53 = arith.addi %add3A, %mul3A_52 : i32
        %get3A = arith.index_cast %add3A_53 : i32 to index
        %get3A_54 = tpu.vector_load %arg11[%get3A] {strides = array<i32>} : memref<10080xi32, #tpu.memory_space<vmem>>, vector<16xi32>,
        %broadcast_in_dim3A = arith.constant true
        %broadcast_in_dim3A_55 = vector.broadcast %broadcast_in_dim3A : i1 to vector<16xi1>
        %unique3A, %unique3A_56 = tpu.scan_count mask(%broadcast_in_dim3A_55 : vector<16xi1>) value(%get3A_54 : vector<16xi32>) : vector<16xi1>, vector<16xi32>
        %convert_element_type3A_57 = arith.sitofp %unique3A_56 : vector<16xi32> to vector<16xf32>
        tpu.vector_store_idx %arg23[%get3A_54], %convert_element_type3A_57 masked %unique3A {add = true} : memref<10112xf32, #tpu.memory_space<vmem>>[vector<16xi32>], vector<16xf32>, vector<16xi1>
      }
      %scan3A_49 = arith.constant 630 : i32
      "tpu.region"() ({
        %run_scoped3A = tpu.sem_alloc : memref<!tpu.dma_semaphore, #tpu.memory_space<semaphore_mem>>
        %dma_start3A_50 = arith.constant 0 : i32
        %dma_start3A_51 = tpu.memref_slice %arg9[%arg1, %dma_start3A_50] : memref<16x10112xf32, #tpu.memory_space<hbm>> -> memref<1x10112xf32, #tpu.memory_space<hbm>>
        %dma_start3A_52 = tpu.memref_squeeze %dma_start3A_51 : memref<1x10112xf32, #tpu.memory_space<hbm>> -> memref<10112xf32, #tpu.memory_space<hbm>>
        %dma_start3A_53 = arith.constant 0 : i32
        %dma_start3A_54 = tpu.memref_slice %arg9[%arg1, %dma_start3A_53] : memref<16x10112xf32, #tpu.memory_space<hbm>> -> memref<1x10112xf32, #tpu.memory_space<hbm>>
        %dma_start3A_55 = tpu.memref_squeeze %dma_start3A_54 : memref<1x10112xf32, #tpu.memory_space<hbm>> -> memref<10112xf32, #tpu.memory_space<hbm>>
        tpu.enqueue_dma source(%arg23 : memref<10112xf32, #tpu.memory_space<vmem>>) target(%dma_start3A_55 : memref<10112xf32, #tpu.memory_space<hbm>>) target_semaphore(%run_scoped3A : memref<!tpu.dma_semaphore, #tpu.memory_space<semaphore_mem>>)
        %dma_wait3A_56 = arith.constant 0 : i32
        %dma_wait3A_57 = tpu.memref_slice %arg9[%arg1, %dma_wait3A_56] : memref<16x10112xf32, #tpu.memory_space<hbm>> -> memref<1x10112xf32, #tpu.memory_space<hbm>>
        %dma_wait3A_58 = tpu.memref_squeeze %dma_wait3A_57 : memref<1x10112xf32, #tpu.memory_space<hbm>> -> memref<10112xf32, #tpu.memory_space<hbm>>
        %dma_wait3A_59 = arith.constant 0 : i32
        %dma_wait3A_60 = tpu.memref_slice %arg9[%arg1, %dma_wait3A_59] : memref<16x10112xf32, #tpu.memory_space<hbm>> -> memref<1x10112xf32, #tpu.memory_space<hbm>>
        %dma_wait3A_61 = tpu.memref_squeeze %dma_wait3A_60 : memref<1x10112xf32, #tpu.memory_space<hbm>> -> memref<10112xf32, #tpu.memory_space<hbm>>
        tpu.wait_dma2 semaphore(%run_scoped3A : memref<!tpu.dma_semaphore, #tpu.memory_space<semaphore_mem>>) src(%arg23 : memref<10112xf32, #tpu.memory_space<vmem>>) dst(%dma_wait3A_61 : memref<10112xf32, #tpu.memory_space<hbm>>)
        tpu.yield
      }) : () -> ()
    } else {
    }
    %eq3A_20 = arith.constant 0 : i32
    %eq3A_21 = arith.cmpi eq, %arg0, %eq3A_20 : i32
    %convert_element_type3A_22 = arith.extui %eq3A_21 : i1 to i32
    %cond3A_23 = arith.constant 0 : i32
    %cond3A_24 = arith.cmpi ne, %convert_element_type3A_22, %cond3A_23 : i32
    scf.if %cond3A_24 {
      %multiple_of3A_41 = arith.constant 0 : i32
      %multiple_of3A_42 = tpu.assume_multiple %multiple_of3A_41, 8 : i32
      %dma_start3A_43 = arith.constant 0 : i32
      %dma_start3A_44 = arith.constant 0 : i32
      %dma_start3A_45 = tpu.memref_slice %arg12[%dma_start3A_43, %dma_start3A_44] : memref<72x128xf32, #tpu.memory_space<vmem>> -> memref<24x128xf32, #tpu.memory_space<vmem>>
      %dma_start3A_46 = tpu.memref_slice %arg10[%multiple_of3A_42] : memref<10080xi32, #tpu.memory_space<vmem>> -> memref<24xi32, #tpu.memory_space<vmem>>
      %dma_start3A_47 = arith.constant 0 : i32
      %dma_start3A_48 = arith.constant 0 : i32
      %dma_start3A_49 = tpu.memref_slice %arg2[%dma_start3A_47, %dma_start3A_48] : memref<10000x128xf32, #tpu.memory_space<hbm>> -> memref<10000x128xf32, #tpu.memory_space<hbm>>
      tpu.enqueue_indirect_dma source(%dma_start3A_49 : memref<10000x128xf32, #tpu.memory_space<hbm>>) target(%dma_start3A_45 : memref<24x128xf32, #tpu.memory_space<vmem>>) offsets(%dma_start3A_46 : memref<24xi32, #tpu.memory_space<vmem>>) semaphore(%arg15 : memref<!tpu.dma_semaphore, #tpu.memory_space<semaphore_mem>>)
      %multiple_of3A_50 = arith.constant 24 : i32
      %multiple_of3A_51 = tpu.assume_multiple %multiple_of3A_50, 8 : i32
      %dma_start3A_52 = arith.constant 24 : i32
      %dma_start3A_53 = arith.constant 0 : i32
      %dma_start3A_54 = tpu.memref_slice %arg12[%dma_start3A_52, %dma_start3A_53] : memref<72x128xf32, #tpu.memory_space<vmem>> -> memref<16x128xf32, #tpu.memory_space<vmem>>
      %dma_start3A_55 = tpu.memref_slice %arg10[%multiple_of3A_51] : memref<10080xi32, #tpu.memory_space<vmem>> -> memref<16xi32, #tpu.memory_space<vmem>>
      %dma_start3A_56 = arith.constant 0 : i32
      %dma_start3A_57 = arith.constant 0 : i32
      %dma_start3A_58 = tpu.memref_slice %arg2[%dma_start3A_56, %dma_start3A_57] : memref<10000x128xf32, #tpu.memory_space<hbm>> -> memref<10000x128xf32, #tpu.memory_space<hbm>>
      tpu.enqueue_indirect_dma source(%dma_start3A_58 : memref<10000x128xf32, #tpu.memory_space<hbm>>) target(%dma_start3A_54 : memref<16x128xf32, #tpu.memory_space<vmem>>) offsets(%dma_start3A_55 : memref<16xi32, #tpu.memory_space<vmem>>) semaphore(%arg16 : memref<!tpu.dma_semaphore, #tpu.memory_space<semaphore_mem>>)
      %multiple_of3A_59 = arith.constant 40 : i32
      %multiple_of3A_60 = tpu.assume_multiple %multiple_of3A_59, 8 : i32
      %dma_start3A_61 = arith.constant 40 : i32
      %dma_start3A_62 = arith.constant 0 : i32
      %dma_start3A_63 = tpu.memref_slice %arg12[%dma_start3A_61, %dma_start3A_62] : memref<72x128xf32, #tpu.memory_space<vmem>> -> memref<16x128xf32, #tpu.memory_space<vmem>>
      %dma_start3A_64 = tpu.memref_slice %arg10[%multiple_of3A_60] : memref<10080xi32, #tpu.memory_space<vmem>> -> memref<16xi32, #tpu.memory_space<vmem>>
      %dma_start3A_65 = arith.constant 0 : i32
      %dma_start3A_66 = arith.constant 0 : i32
      %dma_start3A_67 = tpu.memref_slice %arg2[%dma_start3A_65, %dma_start3A_66] : memref<10000x128xf32, #tpu.memory_space<hbm>> -> memref<10000x128xf32, #tpu.memory_space<hbm>>
      tpu.enqueue_indirect_dma source(%dma_start3A_67 : memref<10000x128xf32, #tpu.memory_space<hbm>>) target(%dma_start3A_63 : memref<16x128xf32, #tpu.memory_space<vmem>>) offsets(%dma_start3A_64 : memref<16xi32, #tpu.memory_space<vmem>>) semaphore(%arg17 : memref<!tpu.dma_semaphore, #tpu.memory_space<semaphore_mem>>)
      %multiple_of3A_68 = arith.constant 56 : i32
      %multiple_of3A_69 = tpu.assume_multiple %multiple_of3A_68, 8 : i32
      %dma_start3A_70 = arith.constant 56 : i32
      %dma_start3A_71 = arith.constant 0 : i32
      %dma_start3A_72 = tpu.memref_slice %arg12[%dma_start3A_70, %dma_start3A_71] : memref<72x128xf32, #tpu.memory_space<vmem>> -> memref<16x128xf32, #tpu.memory_space<vmem>>
      %dma_start3A_73 = tpu.memref_slice %arg10[%multiple_of3A_69] : memref<10080xi32, #tpu.memory_space<vmem>> -> memref<16xi32, #tpu.memory_space<vmem>>
      %dma_start3A_74 = arith.constant 0 : i32
      %dma_start3A_75 = arith.constant 0 : i32
      %dma_start3A_76 = tpu.memref_slice %arg2[%dma_start3A_74, %dma_start3A_75] : memref<10000x128xf32, #tpu.memory_space<hbm>> -> memref<10000x128xf32, #tpu.memory_space<hbm>>
      tpu.enqueue_indirect_dma source(%dma_start3A_76 : memref<10000x128xf32, #tpu.memory_space<hbm>>) target(%dma_start3A_72 : memref<16x128xf32, #tpu.memory_space<vmem>>) offsets(%dma_start3A_73 : memref<16xi32, #tpu.memory_space<vmem>>) semaphore(%arg18 : memref<!tpu.dma_semaphore, #tpu.memory_space<semaphore_mem>>)
      %scan3A = arith.constant 0 : i32
      %scan3A_77 = arith.constant 70 : i32
      %scan3A_78 = arith.addi %scan3A, %scan3A_77 : i32
      %scan3A_79 = arith.constant 1 : i32
      scf.for %scan3A_81 = %scan3A to %scan3A_78 step %scan3A_79  : i32 {
        %mul3A_82 = arith.constant 2 : i32
        %mul3A_83 = arith.muli %scan3A_81, %mul3A_82 : i32
        %add3A = arith.constant 0 : i32
        %add3A_84 = arith.addi %add3A, %mul3A_83 : i32
        %mul3A_85 = arith.constant 72 : i32
        %mul3A_86 = arith.muli %add3A_84, %mul3A_85 : i32
        %add3A_87 = arith.constant 0 : i32
        %add3A_88 = arith.addi %mul3A_86, %add3A_87 : i32
        %multiple_of3A_89 = tpu.assume_multiple %add3A_88, 8 : i32
        %dma_wait3A_90 = arith.constant 0 : i32
        %dma_wait3A_91 = arith.constant 0 : i32
        %dma_wait3A_92 = tpu.memref_slice %arg12[%dma_wait3A_90, %dma_wait3A_91] : memref<72x128xf32, #tpu.memory_space<vmem>> -> memref<24x128xf32, #tpu.memory_space<vmem>>
        %dma_wait3A_93 = tpu.memref_slice %arg10[%multiple_of3A_89] : memref<10080xi32, #tpu.memory_space<vmem>> -> memref<24xi32, #tpu.memory_space<vmem>>
        %dma_wait3A_94 = arith.constant 0 : i32
        %dma_wait3A_95 = arith.constant 0 : i32
        %dma_wait3A_96 = tpu.memref_slice %arg2[%dma_wait3A_94, %dma_wait3A_95] : memref<10000x128xf32, #tpu.memory_space<hbm>> -> memref<10000x128xf32, #tpu.memory_space<hbm>>
        tpu.wait_indirect_dma semaphore(%arg15 : memref<!tpu.dma_semaphore, #tpu.memory_space<semaphore_mem>>) src(%dma_wait3A_96 : memref<10000x128xf32, #tpu.memory_space<hbm>>) dst(%dma_wait3A_92 : memref<24x128xf32, #tpu.memory_space<vmem>>)
        %mul3A_97 = arith.constant 72 : i32
        %mul3A_98 = arith.muli %add3A_84, %mul3A_97 : i32
        %add3A_99 = arith.constant 24 : i32
        %add3A_100 = arith.addi %mul3A_98, %add3A_99 : i32
        %multiple_of3A_101 = tpu.assume_multiple %add3A_100, 8 : i32
        %dma_wait3A_102 = arith.constant 24 : i32
        %dma_wait3A_103 = arith.constant 0 : i32
        %dma_wait3A_104 = tpu.memref_slice %arg12[%dma_wait3A_102, %dma_wait3A_103] : memref<72x128xf32, #tpu.memory_space<vmem>> -> memref<16x128xf32, #tpu.memory_space<vmem>>
        %dma_wait3A_105 = tpu.memref_slice %arg10[%multiple_of3A_101] : memref<10080xi32, #tpu.memory_space<vmem>> -> memref<16xi32, #tpu.memory_space<vmem>>
        %dma_wait3A_106 = arith.constant 0 : i32
        %dma_wait3A_107 = arith.constant 0 : i32
        %dma_wait3A_108 = tpu.memref_slice %arg2[%dma_wait3A_106, %dma_wait3A_107] : memref<10000x128xf32, #tpu.memory_space<hbm>> -> memref<10000x128xf32, #tpu.memory_space<hbm>>
        tpu.wait_indirect_dma semaphore(%arg16 : memref<!tpu.dma_semaphore, #tpu.memory_space<semaphore_mem>>) src(%dma_wait3A_108 : memref<10000x128xf32, #tpu.memory_space<hbm>>) dst(%dma_wait3A_104 : memref<16x128xf32, #tpu.memory_space<vmem>>)
        %mul3A_109 = arith.constant 72 : i32
        %mul3A_110 = arith.muli %add3A_84, %mul3A_109 : i32
        %add3A_111 = arith.constant 40 : i32
        %add3A_112 = arith.addi %mul3A_110, %add3A_111 : i32
        %multiple_of3A_113 = tpu.assume_multiple %add3A_112, 8 : i32
        %dma_wait3A_114 = arith.constant 40 : i32
        %dma_wait3A_115 = arith.constant 0 : i32
        %dma_wait3A_116 = tpu.memref_slice %arg12[%dma_wait3A_114, %dma_wait3A_115] : memref<72x128xf32, #tpu.memory_space<vmem>> -> memref<16x128xf32, #tpu.memory_space<vmem>>
        %dma_wait3A_117 = tpu.memref_slice %arg10[%multiple_of3A_113] : memref<10080xi32, #tpu.memory_space<vmem>> -> memref<16xi32, #tpu.memory_space<vmem>>
        %dma_wait3A_118 = arith.constant 0 : i32
        %dma_wait3A_119 = arith.constant 0 : i32
        %dma_wait3A_120 = tpu.memref_slice %arg2[%dma_wait3A_118, %dma_wait3A_119] : memref<10000x128xf32, #tpu.memory_space<hbm>> -> memref<10000x128xf32, #tpu.memory_space<hbm>>
        tpu.wait_indirect_dma semaphore(%arg17 : memref<!tpu.dma_semaphore, #tpu.memory_space<semaphore_mem>>) src(%dma_wait3A_120 : memref<10000x128xf32, #tpu.memory_space<hbm>>) dst(%dma_wait3A_116 : memref<16x128xf32, #tpu.memory_space<vmem>>)
        %mul3A_121 = arith.constant 72 : i32
        %mul3A_122 = arith.muli %add3A_84, %mul3A_121 : i32
        %add3A_123 = arith.constant 56 : i32
        %add3A_124 = arith.addi %mul3A_122, %add3A_123 : i32
        %multiple_of3A_125 = tpu.assume_multiple %add3A_124, 8 : i32
        %dma_wait3A_126 = arith.constant 56 : i32
        %dma_wait3A_127 = arith.constant 0 : i32
        %dma_wait3A_128 = tpu.memref_slice %arg12[%dma_wait3A_126, %dma_wait3A_127] : memref<72x128xf32, #tpu.memory_space<vmem>> -> memref<16x128xf32, #tpu.memory_space<vmem>>
        %dma_wait3A_129 = tpu.memref_slice %arg10[%multiple_of3A_125] : memref<10080xi32, #tpu.memory_space<vmem>> -> memref<16xi32, #tpu.memory_space<vmem>>
        %dma_wait3A_130 = arith.constant 0 : i32
        %dma_wait3A_131 = arith.constant 0 : i32
        %dma_wait3A_132 = tpu.memref_slice %arg2[%dma_wait3A_130, %dma_wait3A_131] : memref<10000x128xf32, #tpu.memory_space<hbm>> -> memref<10000x128xf32, #tpu.memory_space<hbm>>
        tpu.wait_indirect_dma semaphore(%arg18 : memref<!tpu.dma_semaphore, #tpu.memory_space<semaphore_mem>>) src(%dma_wait3A_132 : memref<10000x128xf32, #tpu.memory_space<hbm>>) dst(%dma_wait3A_128 : memref<16x128xf32, #tpu.memory_space<vmem>>)
        %add3A_133 = arith.constant 1 : i32
        %add3A_134 = arith.addi %add3A_84, %add3A_133 : i32
        %mul3A_135 = arith.constant 72 : i32
        %mul3A_136 = arith.muli %add3A_134, %mul3A_135 : i32
        %add3A_137 = arith.constant 0 : i32
        %add3A_138 = arith.addi %mul3A_136, %add3A_137 : i32
        %multiple_of3A_139 = tpu.assume_multiple %add3A_138, 8 : i32
        %dma_start3A_140 = arith.constant 0 : i32
        %dma_start3A_141 = arith.constant 0 : i32
        %dma_start3A_142 = tpu.memref_slice %arg13[%dma_start3A_140, %dma_start3A_141] : memref<72x128xf32, #tpu.memory_space<vmem>> -> memref<24x128xf32, #tpu.memory_space<vmem>>
        %dma_start3A_143 = tpu.memref_slice %arg10[%multiple_of3A_139] : memref<10080xi32, #tpu.memory_space<vmem>> -> memref<24xi32, #tpu.memory_space<vmem>>
        %dma_start3A_144 = arith.constant 0 : i32
        %dma_start3A_145 = arith.constant 0 : i32
        %dma_start3A_146 = tpu.memref_slice %arg2[%dma_start3A_144, %dma_start3A_145] : memref<10000x128xf32, #tpu.memory_space<hbm>> -> memref<10000x128xf32, #tpu.memory_space<hbm>>
        tpu.enqueue_indirect_dma source(%dma_start3A_146 : memref<10000x128xf32, #tpu.memory_space<hbm>>) target(%dma_start3A_142 : memref<24x128xf32, #tpu.memory_space<vmem>>) offsets(%dma_start3A_143 : memref<24xi32, #tpu.memory_space<vmem>>) semaphore(%arg19 : memref<!tpu.dma_semaphore, #tpu.memory_space<semaphore_mem>>)
        %mul3A_147 = arith.constant 72 : i32
        %mul3A_148 = arith.muli %add3A_134, %mul3A_147 : i32
        %add3A_149 = arith.constant 24 : i32
        %add3A_150 = arith.addi %mul3A_148, %add3A_149 : i32
        %multiple_of3A_151 = tpu.assume_multiple %add3A_150, 8 : i32
        %dma_start3A_152 = arith.constant 24 : i32
        %dma_start3A_153 = arith.constant 0 : i32
        %dma_start3A_154 = tpu.memref_slice %arg13[%dma_start3A_152, %dma_start3A_153] : memref<72x128xf32, #tpu.memory_space<vmem>> -> memref<16x128xf32, #tpu.memory_space<vmem>>
        %dma_start3A_155 = tpu.memref_slice %arg10[%multiple_of3A_151] : memref<10080xi32, #tpu.memory_space<vmem>> -> memref<16xi32, #tpu.memory_space<vmem>>
        %dma_start3A_156 = arith.constant 0 : i32
        %dma_start3A_157 = arith.constant 0 : i32
        %dma_start3A_158 = tpu.memref_slice %arg2[%dma_start3A_156, %dma_start3A_157] : memref<10000x128xf32, #tpu.memory_space<hbm>> -> memref<10000x128xf32, #tpu.memory_space<hbm>>
        tpu.enqueue_indirect_dma source(%dma_start3A_158 : memref<10000x128xf32, #tpu.memory_space<hbm>>) target(%dma_start3A_154 : memref<16x128xf32, #tpu.memory_space<vmem>>) offsets(%dma_start3A_155 : memref<16xi32, #tpu.memory_space<vmem>>) semaphore(%arg20 : memref<!tpu.dma_semaphore, #tpu.memory_space<semaphore_mem>>)
        %mul3A_159 = arith.constant 72 : i32
        %mul3A_160 = arith.muli %add3A_134, %mul3A_159 : i32
        %add3A_161 = arith.constant 40 : i32
        %add3A_162 = arith.addi %mul3A_160, %add3A_161 : i32
        %multiple_of3A_163 = tpu.assume_multiple %add3A_162, 8 : i32
        %dma_start3A_164 = arith.constant 40 : i32
        %dma_start3A_165 = arith.constant 0 : i32
        %dma_start3A_166 = tpu.memref_slice %arg13[%dma_start3A_164, %dma_start3A_165] : memref<72x128xf32, #tpu.memory_space<vmem>> -> memref<16x128xf32, #tpu.memory_space<vmem>>
        %dma_start3A_167 = tpu.memref_slice %arg10[%multiple_of3A_163] : memref<10080xi32, #tpu.memory_space<vmem>> -> memref<16xi32, #tpu.memory_space<vmem>>
        %dma_start3A_168 = arith.constant 0 : i32
        %dma_start3A_169 = arith.constant 0 : i32
        %dma_start3A_170 = tpu.memref_slice %arg2[%dma_start3A_168, %dma_start3A_169] : memref<10000x128xf32, #tpu.memory_space<hbm>> -> memref<10000x128xf32, #tpu.memory_space<hbm>>
        tpu.enqueue_indirect_dma source(%dma_start3A_170 : memref<10000x128xf32, #tpu.memory_space<hbm>>) target(%dma_start3A_166 : memref<16x128xf32, #tpu.memory_space<vmem>>) offsets(%dma_start3A_167 : memref<16xi32, #tpu.memory_space<vmem>>) semaphore(%arg21 : memref<!tpu.dma_semaphore, #tpu.memory_space<semaphore_mem>>)
        %mul3A_171 = arith.constant 72 : i32
        %mul3A_172 = arith.muli %add3A_134, %mul3A_171 : i32
        %add3A_173 = arith.constant 56 : i32
        %add3A_174 = arith.addi %mul3A_172, %add3A_173 : i32
        %multiple_of3A_175 = tpu.assume_multiple %add3A_174, 8 : i32
        %dma_start3A_176 = arith.constant 56 : i32
        %dma_start3A_177 = arith.constant 0 : i32
        %dma_start3A_178 = tpu.memref_slice %arg13[%dma_start3A_176, %dma_start3A_177] : memref<72x128xf32, #tpu.memory_space<vmem>> -> memref<16x128xf32, #tpu.memory_space<vmem>>
        %dma_start3A_179 = tpu.memref_slice %arg10[%multiple_of3A_175] : memref<10080xi32, #tpu.memory_space<vmem>> -> memref<16xi32, #tpu.memory_space<vmem>>
        %dma_start3A_180 = arith.constant 0 : i32
        %dma_start3A_181 = arith.constant 0 : i32
        %dma_start3A_182 = tpu.memref_slice %arg2[%dma_start3A_180, %dma_start3A_181] : memref<10000x128xf32, #tpu.memory_space<hbm>> -> memref<10000x128xf32, #tpu.memory_space<hbm>>
        tpu.enqueue_indirect_dma source(%dma_start3A_182 : memref<10000x128xf32, #tpu.memory_space<hbm>>) target(%dma_start3A_178 : memref<16x128xf32, #tpu.memory_space<vmem>>) offsets(%dma_start3A_179 : memref<16xi32, #tpu.memory_space<vmem>>) semaphore(%arg22 : memref<!tpu.dma_semaphore, #tpu.memory_space<semaphore_mem>>)
        %mul3A_183 = arith.constant 72 : i32
        %mul3A_184 = arith.muli %add3A_84, %mul3A_183 : i32
        %multiple_of3A_185 = tpu.assume_multiple %mul3A_184, 8 : i32
        "tpu.region"() ({
          %run_scoped3A = tpu.sem_alloc : memref<!tpu.dma_semaphore, #tpu.memory_space<semaphore_mem>>
          %dma_start3A_247 = tpu.memref_slice %arg11[%multiple_of3A_185] : memref<10080xi32, #tpu.memory_space<vmem>> -> memref<72xi32, #tpu.memory_space<vmem>>
          %dma_start3A_248 = arith.constant 0 : i32
          %dma_start3A_249 = arith.constant 0 : i32
          %dma_start3A_250 = tpu.memref_slice %arg14[%dma_start3A_248, %dma_start3A_249] : memref<10112x128xf32, #tpu.memory_space<vmem_shared>> -> memref<10112x128xf32, #tpu.memory_space<vmem_shared>>
          tpu.enqueue_indirect_dma source(%arg12 : memref<72x128xf32, #tpu.memory_space<vmem>>) target(%dma_start3A_250 : memref<10112x128xf32, #tpu.memory_space<vmem_shared>>) offsets(%dma_start3A_247 : memref<72xi32, #tpu.memory_space<vmem>>) semaphore(%run_scoped3A : memref<!tpu.dma_semaphore, #tpu.memory_space<semaphore_mem>>) {add = true}
          %dma_wait3A_251 = tpu.memref_slice %arg11[%multiple_of3A_185] : memref<10080xi32, #tpu.memory_space<vmem>> -> memref<72xi32, #tpu.memory_space<vmem>>
          %dma_wait3A_252 = arith.constant 0 : i32
          %dma_wait3A_253 = arith.constant 0 : i32
          %dma_wait3A_254 = tpu.memref_slice %arg14[%dma_wait3A_252, %dma_wait3A_253] : memref<10112x128xf32, #tpu.memory_space<vmem_shared>> -> memref<10112x128xf32, #tpu.memory_space<vmem_shared>>
          tpu.wait_indirect_dma semaphore(%run_scoped3A : memref<!tpu.dma_semaphore, #tpu.memory_space<semaphore_mem>>) src(%arg12 : memref<72x128xf32, #tpu.memory_space<vmem>>) dst(%dma_wait3A_254 : memref<10112x128xf32, #tpu.memory_space<vmem_shared>>)
          tpu.yield
        }) : () -> ()
        %add3A_186 = arith.constant 1 : i32
        %add3A_187 = arith.addi %add3A_84, %add3A_186 : i32
        %mul3A_188 = arith.constant 72 : i32
        %mul3A_189 = arith.muli %add3A_187, %mul3A_188 : i32
        %add3A_190 = arith.constant 0 : i32
        %add3A_191 = arith.addi %mul3A_189, %add3A_190 : i32
        %multiple_of3A_192 = tpu.assume_multiple %add3A_191, 8 : i32
        %dma_wait3A_193 = arith.constant 0 : i32
        %dma_wait3A_194 = arith.constant 0 : i32
        %dma_wait3A_195 = tpu.memref_slice %arg13[%dma_wait3A_193, %dma_wait3A_194] : memref<72x128xf32, #tpu.memory_space<vmem>> -> memref<24x128xf32, #tpu.memory_space<vmem>>
        %dma_wait3A_196 = tpu.memref_slice %arg10[%multiple_of3A_192] : memref<10080xi32, #tpu.memory_space<vmem>> -> memref<24xi32, #tpu.memory_space<vmem>>
        %dma_wait3A_197 = arith.constant 0 : i32
        %dma_wait3A_198 = arith.constant 0 : i32
        %dma_wait3A_199 = tpu.memref_slice %arg2[%dma_wait3A_197, %dma_wait3A_198] : memref<10000x128xf32, #tpu.memory_space<hbm>> -> memref<10000x128xf32, #tpu.memory_space<hbm>>
        tpu.wait_indirect_dma semaphore(%arg19 : memref<!tpu.dma_semaphore, #tpu.memory_space<semaphore_mem>>) src(%dma_wait3A_199 : memref<10000x128xf32, #tpu.memory_space<hbm>>) dst(%dma_wait3A_195 : memref<24x128xf32, #tpu.memory_space<vmem>>)
        %mul3A_200 = arith.constant 72 : i32
        %mul3A_201 = arith.muli %add3A_187, %mul3A_200 : i32
        %add3A_202 = arith.constant 24 : i32
        %add3A_203 = arith.addi %mul3A_201, %add3A_202 : i32
        %multiple_of3A_204 = tpu.assume_multiple %add3A_203, 8 : i32
        %dma_wait3A_205 = arith.constant 24 : i32
        %dma_wait3A_206 = arith.constant 0 : i32
        %dma_wait3A_207 = tpu.memref_slice %arg13[%dma_wait3A_205, %dma_wait3A_206] : memref<72x128xf32, #tpu.memory_space<vmem>> -> memref<16x128xf32, #tpu.memory_space<vmem>>
        %dma_wait3A_208 = tpu.memref_slice %arg10[%multiple_of3A_204] : memref<10080xi32, #tpu.memory_space<vmem>> -> memref<16xi32, #tpu.memory_space<vmem>>
        %dma_wait3A_209 = arith.constant 0 : i32
        %dma_wait3A_210 = arith.constant 0 : i32
        %dma_wait3A_211 = tpu.memref_slice %arg2[%dma_wait3A_209, %dma_wait3A_210] : memref<10000x128xf32, #tpu.memory_space<hbm>> -> memref<10000x128xf32, #tpu.memory_space<hbm>>
        tpu.wait_indirect_dma semaphore(%arg20 : memref<!tpu.dma_semaphore, #tpu.memory_space<semaphore_mem>>) src(%dma_wait3A_211 : memref<10000x128xf32, #tpu.memory_space<hbm>>) dst(%dma_wait3A_207 : memref<16x128xf32, #tpu.memory_space<vmem>>)
        %mul3A_212 = arith.constant 72 : i32
        %mul3A_213 = arith.muli %add3A_187, %mul3A_212 : i32
        %add3A_214 = arith.constant 40 : i32
        %add3A_215 = arith.addi %mul3A_213, %add3A_214 : i32
        %multiple_of3A_216 = tpu.assume_multiple %add3A_215, 8 : i32
        %dma_wait3A_217 = arith.constant 40 : i32
        %dma_wait3A_218 = arith.constant 0 : i32
        %dma_wait3A_219 = tpu.memref_slice %arg13[%dma_wait3A_217, %dma_wait3A_218] : memref<72x128xf32, #tpu.memory_space<vmem>> -> memref<16x128xf32, #tpu.memory_space<vmem>>
        %dma_wait3A_220 = tpu.memref_slice %arg10[%multiple_of3A_216] : memref<10080xi32, #tpu.memory_space<vmem>> -> memref<16xi32, #tpu.memory_space<vmem>>
        %dma_wait3A_221 = arith.constant 0 : i32
        %dma_wait3A_222 = arith.constant 0 : i32
        %dma_wait3A_223 = tpu.memref_slice %arg2[%dma_wait3A_221, %dma_wait3A_222] : memref<10000x128xf32, #tpu.memory_space<hbm>> -> memref<10000x128xf32, #tpu.memory_space<hbm>>
        tpu.wait_indirect_dma semaphore(%arg21 : memref<!tpu.dma_semaphore, #tpu.memory_space<semaphore_mem>>) src(%dma_wait3A_223 : memref<10000x128xf32, #tpu.memory_space<hbm>>) dst(%dma_wait3A_219 : memref<16x128xf32, #tpu.memory_space<vmem>>)
        %mul3A_224 = arith.constant 72 : i32
        %mul3A_225 = arith.muli %add3A_187, %mul3A_224 : i32
        %add3A_226 = arith.constant 56 : i32
        %add3A_227 = arith.addi %mul3A_225, %add3A_226 : i32
        %multiple_of3A_228 = tpu.assume_multiple %add3A_227, 8 : i32
        %dma_wait3A_229 = arith.constant 56 : i32
        %dma_wait3A_230 = arith.constant 0 : i32
        %dma_wait3A_231 = tpu.memref_slice %arg13[%dma_wait3A_229, %dma_wait3A_230] : memref<72x128xf32, #tpu.memory_space<vmem>> -> memref<16x128xf32, #tpu.memory_space<vmem>>
        %dma_wait3A_232 = tpu.memref_slice %arg10[%multiple_of3A_228] : memref<10080xi32, #tpu.memory_space<vmem>> -> memref<16xi32, #tpu.memory_space<vmem>>
        %dma_wait3A_233 = arith.constant 0 : i32
        %dma_wait3A_234 = arith.constant 0 : i32
        %dma_wait3A_235 = tpu.memref_slice %arg2[%dma_wait3A_233, %dma_wait3A_234] : memref<10000x128xf32, #tpu.memory_space<hbm>> -> memref<10000x128xf32, #tpu.memory_space<hbm>>
        tpu.wait_indirect_dma semaphore(%arg22 : memref<!tpu.dma_semaphore, #tpu.memory_space<semaphore_mem>>) src(%dma_wait3A_235 : memref<10000x128xf32, #tpu.memory_space<hbm>>) dst(%dma_wait3A_231 : memref<16x128xf32, #tpu.memory_space<vmem>>)
        %add3A_236 = arith.constant 2 : i32
        %add3A_237 = arith.addi %add3A_84, %add3A_236 : i32
        %lt3A = arith.constant 140 : i32
        %lt3A_238 = arith.cmpi slt, %add3A_237, %lt3A : i32
        %convert_element_type3A_239 = arith.extui %lt3A_238 : i1 to i32
        %cond3A_240 = arith.constant 0 : i32
        %cond3A_241 = arith.cmpi ne, %convert_element_type3A_239, %cond3A_240 : i32
        scf.if %cond3A_241 {
          %add3A_247 = arith.constant 2 : i32
          %add3A_248 = arith.addi %add3A_84, %add3A_247 : i32
          %mul3A_249 = arith.constant 72 : i32
          %mul3A_250 = arith.muli %add3A_248, %mul3A_249 : i32
          %add3A_251 = arith.constant 0 : i32
          %add3A_252 = arith.addi %mul3A_250, %add3A_251 : i32
          %multiple_of3A_253 = tpu.assume_multiple %add3A_252, 8 : i32
          %dma_start3A_254 = arith.constant 0 : i32
          %dma_start3A_255 = arith.constant 0 : i32
          %dma_start3A_256 = tpu.memref_slice %arg12[%dma_start3A_254, %dma_start3A_255] : memref<72x128xf32, #tpu.memory_space<vmem>> -> memref<24x128xf32, #tpu.memory_space<vmem>>
          %dma_start3A_257 = tpu.memref_slice %arg10[%multiple_of3A_253] : memref<10080xi32, #tpu.memory_space<vmem>> -> memref<24xi32, #tpu.memory_space<vmem>>
          %dma_start3A_258 = arith.constant 0 : i32
          %dma_start3A_259 = arith.constant 0 : i32
          %dma_start3A_260 = tpu.memref_slice %arg2[%dma_start3A_258, %dma_start3A_259] : memref<10000x128xf32, #tpu.memory_space<hbm>> -> memref<10000x128xf32, #tpu.memory_space<hbm>>
          tpu.enqueue_indirect_dma source(%dma_start3A_260 : memref<10000x128xf32, #tpu.memory_space<hbm>>) target(%dma_start3A_256 : memref<24x128xf32, #tpu.memory_space<vmem>>) offsets(%dma_start3A_257 : memref<24xi32, #tpu.memory_space<vmem>>) semaphore(%arg15 : memref<!tpu.dma_semaphore, #tpu.memory_space<semaphore_mem>>)
          %mul3A_261 = arith.constant 72 : i32
          %mul3A_262 = arith.muli %add3A_248, %mul3A_261 : i32
          %add3A_263 = arith.constant 24 : i32
          %add3A_264 = arith.addi %mul3A_262, %add3A_263 : i32
          %multiple_of3A_265 = tpu.assume_multiple %add3A_264, 8 : i32
          %dma_start3A_266 = arith.constant 24 : i32
          %dma_start3A_267 = arith.constant 0 : i32
          %dma_start3A_268 = tpu.memref_slice %arg12[%dma_start3A_266, %dma_start3A_267] : memref<72x128xf32, #tpu.memory_space<vmem>> -> memref<16x128xf32, #tpu.memory_space<vmem>>
          %dma_start3A_269 = tpu.memref_slice %arg10[%multiple_of3A_265] : memref<10080xi32, #tpu.memory_space<vmem>> -> memref<16xi32, #tpu.memory_space<vmem>>
          %dma_start3A_270 = arith.constant 0 : i32
          %dma_start3A_271 = arith.constant 0 : i32
          %dma_start3A_272 = tpu.memref_slice %arg2[%dma_start3A_270, %dma_start3A_271] : memref<10000x128xf32, #tpu.memory_space<hbm>> -> memref<10000x128xf32, #tpu.memory_space<hbm>>
          tpu.enqueue_indirect_dma source(%dma_start3A_272 : memref<10000x128xf32, #tpu.memory_space<hbm>>) target(%dma_start3A_268 : memref<16x128xf32, #tpu.memory_space<vmem>>) offsets(%dma_start3A_269 : memref<16xi32, #tpu.memory_space<vmem>>) semaphore(%arg16 : memref<!tpu.dma_semaphore, #tpu.memory_space<semaphore_mem>>)
          %mul3A_273 = arith.constant 72 : i32
          %mul3A_274 = arith.muli %add3A_248, %mul3A_273 : i32
          %add3A_275 = arith.constant 40 : i32
          %add3A_276 = arith.addi %mul3A_274, %add3A_275 : i32
          %multiple_of3A_277 = tpu.assume_multiple %add3A_276, 8 : i32
          %dma_start3A_278 = arith.constant 40 : i32
          %dma_start3A_279 = arith.constant 0 : i32
          %dma_start3A_280 = tpu.memref_slice %arg12[%dma_start3A_278, %dma_start3A_279] : memref<72x128xf32, #tpu.memory_space<vmem>> -> memref<16x128xf32, #tpu.memory_space<vmem>>
          %dma_start3A_281 = tpu.memref_slice %arg10[%multiple_of3A_277] : memref<10080xi32, #tpu.memory_space<vmem>> -> memref<16xi32, #tpu.memory_space<vmem>>
          %dma_start3A_282 = arith.constant 0 : i32
          %dma_start3A_283 = arith.constant 0 : i32
          %dma_start3A_284 = tpu.memref_slice %arg2[%dma_start3A_282, %dma_start3A_283] : memref<10000x128xf32, #tpu.memory_space<hbm>> -> memref<10000x128xf32, #tpu.memory_space<hbm>>
          tpu.enqueue_indirect_dma source(%dma_start3A_284 : memref<10000x128xf32, #tpu.memory_space<hbm>>) target(%dma_start3A_280 : memref<16x128xf32, #tpu.memory_space<vmem>>) offsets(%dma_start3A_281 : memref<16xi32, #tpu.memory_space<vmem>>) semaphore(%arg17 : memref<!tpu.dma_semaphore, #tpu.memory_space<semaphore_mem>>)
          %mul3A_285 = arith.constant 72 : i32
          %mul3A_286 = arith.muli %add3A_248, %mul3A_285 : i32
          %add3A_287 = arith.constant 56 : i32
          %add3A_288 = arith.addi %mul3A_286, %add3A_287 : i32
          %multiple_of3A_289 = tpu.assume_multiple %add3A_288, 8 : i32
          %dma_start3A_290 = arith.constant 56 : i32
          %dma_start3A_291 = arith.constant 0 : i32
          %dma_start3A_292 = tpu.memref_slice %arg12[%dma_start3A_290, %dma_start3A_291] : memref<72x128xf32, #tpu.memory_space<vmem>> -> memref<16x128xf32, #tpu.memory_space<vmem>>
          %dma_start3A_293 = tpu.memref_slice %arg10[%multiple_of3A_289] : memref<10080xi32, #tpu.memory_space<vmem>> -> memref<16xi32, #tpu.memory_space<vmem>>
          %dma_start3A_294 = arith.constant 0 : i32
          %dma_start3A_295 = arith.constant 0 : i32
          %dma_start3A_296 = tpu.memref_slice %arg2[%dma_start3A_294, %dma_start3A_295] : memref<10000x128xf32, #tpu.memory_space<hbm>> -> memref<10000x128xf32, #tpu.memory_space<hbm>>
          tpu.enqueue_indirect_dma source(%dma_start3A_296 : memref<10000x128xf32, #tpu.memory_space<hbm>>) target(%dma_start3A_292 : memref<16x128xf32, #tpu.memory_space<vmem>>) offsets(%dma_start3A_293 : memref<16xi32, #tpu.memory_space<vmem>>) semaphore(%arg18 : memref<!tpu.dma_semaphore, #tpu.memory_space<semaphore_mem>>)
        } else {
        }
        %add3A_242 = arith.constant 1 : i32
        %add3A_243 = arith.addi %add3A_84, %add3A_242 : i32
        %mul3A_244 = arith.constant 72 : i32
        %mul3A_245 = arith.muli %add3A_243, %mul3A_244 : i32
        %multiple_of3A_246 = tpu.assume_multiple %mul3A_245, 8 : i32
        "tpu.region"() ({
          %run_scoped3A = tpu.sem_alloc : memref<!tpu.dma_semaphore, #tpu.memory_space<semaphore_mem>>
          %dma_start3A_247 = tpu.memref_slice %arg11[%multiple_of3A_246] : memref<10080xi32, #tpu.memory_space<vmem>> -> memref<72xi32, #tpu.memory_space<vmem>>
          %dma_start3A_248 = arith.constant 0 : i32
          %dma_start3A_249 = arith.constant 0 : i32
          %dma_start3A_250 = tpu.memref_slice %arg14[%dma_start3A_248, %dma_start3A_249] : memref<10112x128xf32, #tpu.memory_space<vmem_shared>> -> memref<10112x128xf32, #tpu.memory_space<vmem_shared>>
          tpu.enqueue_indirect_dma source(%arg13 : memref<72x128xf32, #tpu.memory_space<vmem>>) target(%dma_start3A_250 : memref<10112x128xf32, #tpu.memory_space<vmem_shared>>) offsets(%dma_start3A_247 : memref<72xi32, #tpu.memory_space<vmem>>) semaphore(%run_scoped3A : memref<!tpu.dma_semaphore, #tpu.memory_space<semaphore_mem>>) {add = true}
          %dma_wait3A_251 = tpu.memref_slice %arg11[%multiple_of3A_246] : memref<10080xi32, #tpu.memory_space<vmem>> -> memref<72xi32, #tpu.memory_space<vmem>>
          %dma_wait3A_252 = arith.constant 0 : i32
          %dma_wait3A_253 = arith.constant 0 : i32
          %dma_wait3A_254 = tpu.memref_slice %arg14[%dma_wait3A_252, %dma_wait3A_253] : memref<10112x128xf32, #tpu.memory_space<vmem_shared>> -> memref<10112x128xf32, #tpu.memory_space<vmem_shared>>
          tpu.wait_indirect_dma semaphore(%run_scoped3A : memref<!tpu.dma_semaphore, #tpu.memory_space<semaphore_mem>>) src(%arg13 : memref<72x128xf32, #tpu.memory_space<vmem>>) dst(%dma_wait3A_254 : memref<10112x128xf32, #tpu.memory_space<vmem_shared>>)
          tpu.yield
        }) : () -> ()
      }
      %scan3A_80 = arith.constant 70 : i32
    } else {
    }
    %eq3A_25 = arith.constant 1 : i32
    %eq3A_26 = arith.cmpi eq, %arg0, %eq3A_25 : i32
    %convert_element_type3A_27 = arith.extui %eq3A_26 : i1 to i32
    %cond3A_28 = arith.constant 0 : i32
    %cond3A_29 = arith.cmpi ne, %convert_element_type3A_27, %cond3A_28 : i32
    scf.if %cond3A_29 {
      %multiple_of3A_41 = arith.constant 0 : i32
      %multiple_of3A_42 = tpu.assume_multiple %multiple_of3A_41, 8 : i32
      %dma_start3A_43 = arith.constant 0 : i32
      %dma_start3A_44 = arith.constant 0 : i32
      %dma_start3A_45 = tpu.memref_slice %arg12[%dma_start3A_43, %dma_start3A_44] : memref<72x128xf32, #tpu.memory_space<vmem>> -> memref<24x128xf32, #tpu.memory_space<vmem>>
      %dma_start3A_46 = tpu.memref_slice %arg10[%multiple_of3A_42] : memref<10080xi32, #tpu.memory_space<vmem>> -> memref<24xi32, #tpu.memory_space<vmem>>
      %dma_start3A_47 = arith.constant 0 : i32
      %dma_start3A_48 = arith.constant 0 : i32
      %dma_start3A_49 = tpu.memref_slice %arg3[%dma_start3A_47, %dma_start3A_48] : memref<10000x128xf32, #tpu.memory_space<hbm>> -> memref<10000x128xf32, #tpu.memory_space<hbm>>
      tpu.enqueue_indirect_dma source(%dma_start3A_49 : memref<10000x128xf32, #tpu.memory_space<hbm>>) target(%dma_start3A_45 : memref<24x128xf32, #tpu.memory_space<vmem>>) offsets(%dma_start3A_46 : memref<24xi32, #tpu.memory_space<vmem>>) semaphore(%arg15 : memref<!tpu.dma_semaphore, #tpu.memory_space<semaphore_mem>>)
      %multiple_of3A_50 = arith.constant 24 : i32
      %multiple_of3A_51 = tpu.assume_multiple %multiple_of3A_50, 8 : i32
      %dma_start3A_52 = arith.constant 24 : i32
      %dma_start3A_53 = arith.constant 0 : i32
      %dma_start3A_54 = tpu.memref_slice %arg12[%dma_start3A_52, %dma_start3A_53] : memref<72x128xf32, #tpu.memory_space<vmem>> -> memref<16x128xf32, #tpu.memory_space<vmem>>
      %dma_start3A_55 = tpu.memref_slice %arg10[%multiple_of3A_51] : memref<10080xi32, #tpu.memory_space<vmem>> -> memref<16xi32, #tpu.memory_space<vmem>>
      %dma_start3A_56 = arith.constant 0 : i32
      %dma_start3A_57 = arith.constant 0 : i32
      %dma_start3A_58 = tpu.memref_slice %arg3[%dma_start3A_56, %dma_start3A_57] : memref<10000x128xf32, #tpu.memory_space<hbm>> -> memref<10000x128xf32, #tpu.memory_space<hbm>>
      tpu.enqueue_indirect_dma source(%dma_start3A_58 : memref<10000x128xf32, #tpu.memory_space<hbm>>) target(%dma_start3A_54 : memref<16x128xf32, #tpu.memory_space<vmem>>) offsets(%dma_start3A_55 : memref<16xi32, #tpu.memory_space<vmem>>) semaphore(%arg16 : memref<!tpu.dma_semaphore, #tpu.memory_space<semaphore_mem>>)
      %multiple_of3A_59 = arith.constant 40 : i32
      %multiple_of3A_60 = tpu.assume_multiple %multiple_of3A_59, 8 : i32
      %dma_start3A_61 = arith.constant 40 : i32
      %dma_start3A_62 = arith.constant 0 : i32
      %dma_start3A_63 = tpu.memref_slice %arg12[%dma_start3A_61, %dma_start3A_62] : memref<72x128xf32, #tpu.memory_space<vmem>> -> memref<16x128xf32, #tpu.memory_space<vmem>>
      %dma_start3A_64 = tpu.memref_slice %arg10[%multiple_of3A_60] : memref<10080xi32, #tpu.memory_space<vmem>> -> memref<16xi32, #tpu.memory_space<vmem>>
      %dma_start3A_65 = arith.constant 0 : i32
      %dma_start3A_66 = arith.constant 0 : i32
      %dma_start3A_67 = tpu.memref_slice %arg3[%dma_start3A_65, %dma_start3A_66] : memref<10000x128xf32, #tpu.memory_space<hbm>> -> memref<10000x128xf32, #tpu.memory_space<hbm>>
      tpu.enqueue_indirect_dma source(%dma_start3A_67 : memref<10000x128xf32, #tpu.memory_space<hbm>>) target(%dma_start3A_63 : memref<16x128xf32, #tpu.memory_space<vmem>>) offsets(%dma_start3A_64 : memref<16xi32, #tpu.memory_space<vmem>>) semaphore(%arg17 : memref<!tpu.dma_semaphore, #tpu.memory_space<semaphore_mem>>)
      %multiple_of3A_68 = arith.constant 56 : i32
      %multiple_of3A_69 = tpu.assume_multiple %multiple_of3A_68, 8 : i32
      %dma_start3A_70 = arith.constant 56 : i32
      %dma_start3A_71 = arith.constant 0 : i32
      %dma_start3A_72 = tpu.memref_slice %arg12[%dma_start3A_70, %dma_start3A_71] : memref<72x128xf32, #tpu.memory_space<vmem>> -> memref<16x128xf32, #tpu.memory_space<vmem>>
      %dma_start3A_73 = tpu.memref_slice %arg10[%multiple_of3A_69] : memref<10080xi32, #tpu.memory_space<vmem>> -> memref<16xi32, #tpu.memory_space<vmem>>
      %dma_start3A_74 = arith.constant 0 : i32
      %dma_start3A_75 = arith.constant 0 : i32
      %dma_start3A_76 = tpu.memref_slice %arg3[%dma_start3A_74, %dma_start3A_75] : memref<10000x128xf32, #tpu.memory_space<hbm>> -> memref<10000x128xf32, #tpu.memory_space<hbm>>
      tpu.enqueue_indirect_dma source(%dma_start3A_76 : memref<10000x128xf32, #tpu.memory_space<hbm>>) target(%dma_start3A_72 : memref<16x128xf32, #tpu.memory_space<vmem>>) offsets(%dma_start3A_73 : memref<16xi32, #tpu.memory_space<vmem>>) semaphore(%arg18 : memref<!tpu.dma_semaphore, #tpu.memory_space<semaphore_mem>>)
      %scan3A = arith.constant 0 : i32
      %scan3A_77 = arith.constant 70 : i32
      %scan3A_78 = arith.addi %scan3A, %scan3A_77 : i32
      %scan3A_79 = arith.constant 1 : i32
      scf.for %scan3A_81 = %scan3A to %scan3A_78 step %scan3A_79  : i32 {
        %mul3A_82 = arith.constant 2 : i32
        %mul3A_83 = arith.muli %scan3A_81, %mul3A_82 : i32
        %add3A = arith.constant 0 : i32
        %add3A_84 = arith.addi %add3A, %mul3A_83 : i32
        %mul3A_85 = arith.constant 72 : i32
        %mul3A_86 = arith.muli %add3A_84, %mul3A_85 : i32
        %add3A_87 = arith.constant 0 : i32
        %add3A_88 = arith.addi %mul3A_86, %add3A_87 : i32
        %multiple_of3A_89 = tpu.assume_multiple %add3A_88, 8 : i32
        %dma_wait3A_90 = arith.constant 0 : i32
        %dma_wait3A_91 = arith.constant 0 : i32
        %dma_wait3A_92 = tpu.memref_slice %arg12[%dma_wait3A_90, %dma_wait3A_91] : memref<72x128xf32, #tpu.memory_space<vmem>> -> memref<24x128xf32, #tpu.memory_space<vmem>>
        %dma_wait3A_93 = tpu.memref_slice %arg10[%multiple_of3A_89] : memref<10080xi32, #tpu.memory_space<vmem>> -> memref<24xi32, #tpu.memory_space<vmem>>
        %dma_wait3A_94 = arith.constant 0 : i32
        %dma_wait3A_95 = arith.constant 0 : i32
        %dma_wait3A_96 = tpu.memref_slice %arg3[%dma_wait3A_94, %dma_wait3A_95] : memref<10000x128xf32, #tpu.memory_space<hbm>> -> memref<10000x128xf32, #tpu.memory_space<hbm>>
        tpu.wait_indirect_dma semaphore(%arg15 : memref<!tpu.dma_semaphore, #tpu.memory_space<semaphore_mem>>) src(%dma_wait3A_96 : memref<10000x128xf32, #tpu.memory_space<hbm>>) dst(%dma_wait3A_92 : memref<24x128xf32, #tpu.memory_space<vmem>>)
        %mul3A_97 = arith.constant 72 : i32
        %mul3A_98 = arith.muli %add3A_84, %mul3A_97 : i32
        %add3A_99 = arith.constant 24 : i32
        %add3A_100 = arith.addi %mul3A_98, %add3A_99 : i32
        %multiple_of3A_101 = tpu.assume_multiple %add3A_100, 8 : i32
        %dma_wait3A_102 = arith.constant 24 : i32
        %dma_wait3A_103 = arith.constant 0 : i32
        %dma_wait3A_104 = tpu.memref_slice %arg12[%dma_wait3A_102, %dma_wait3A_103] : memref<72x128xf32, #tpu.memory_space<vmem>> -> memref<16x128xf32, #tpu.memory_space<vmem>>
        %dma_wait3A_105 = tpu.memref_slice %arg10[%multiple_of3A_101] : memref<10080xi32, #tpu.memory_space<vmem>> -> memref<16xi32, #tpu.memory_space<vmem>>
        %dma_wait3A_106 = arith.constant 0 : i32
        %dma_wait3A_107 = arith.constant 0 : i32
        %dma_wait3A_108 = tpu.memref_slice %arg3[%dma_wait3A_106, %dma_wait3A_107] : memref<10000x128xf32, #tpu.memory_space<hbm>> -> memref<10000x128xf32, #tpu.memory_space<hbm>>
        tpu.wait_indirect_dma semaphore(%arg16 : memref<!tpu.dma_semaphore, #tpu.memory_space<semaphore_mem>>) src(%dma_wait3A_108 : memref<10000x128xf32, #tpu.memory_space<hbm>>) dst(%dma_wait3A_104 : memref<16x128xf32, #tpu.memory_space<vmem>>)
        %mul3A_109 = arith.constant 72 : i32
        %mul3A_110 = arith.muli %add3A_84, %mul3A_109 : i32
        %add3A_111 = arith.constant 40 : i32
        %add3A_112 = arith.addi %mul3A_110, %add3A_111 : i32
        %multiple_of3A_113 = tpu.assume_multiple %add3A_112, 8 : i32
        %dma_wait3A_114 = arith.constant 40 : i32
        %dma_wait3A_115 = arith.constant 0 : i32
        %dma_wait3A_116 = tpu.memref_slice %arg12[%dma_wait3A_114, %dma_wait3A_115] : memref<72x128xf32, #tpu.memory_space<vmem>> -> memref<16x128xf32, #tpu.memory_space<vmem>>
        %dma_wait3A_117 = tpu.memref_slice %arg10[%multiple_of3A_113] : memref<10080xi32, #tpu.memory_space<vmem>> -> memref<16xi32, #tpu.memory_space<vmem>>
        %dma_wait3A_118 = arith.constant 0 : i32
        %dma_wait3A_119 = arith.constant 0 : i32
        %dma_wait3A_120 = tpu.memref_slice %arg3[%dma_wait3A_118, %dma_wait3A_119] : memref<10000x128xf32, #tpu.memory_space<hbm>> -> memref<10000x128xf32, #tpu.memory_space<hbm>>
        tpu.wait_indirect_dma semaphore(%arg17 : memref<!tpu.dma_semaphore, #tpu.memory_space<semaphore_mem>>) src(%dma_wait3A_120 : memref<10000x128xf32, #tpu.memory_space<hbm>>) dst(%dma_wait3A_116 : memref<16x128xf32, #tpu.memory_space<vmem>>)
        %mul3A_121 = arith.constant 72 : i32
        %mul3A_122 = arith.muli %add3A_84, %mul3A_121 : i32
        %add3A_123 = arith.constant 56 : i32
        %add3A_124 = arith.addi %mul3A_122, %add3A_123 : i32
        %multiple_of3A_125 = tpu.assume_multiple %add3A_124, 8 : i32
        %dma_wait3A_126 = arith.constant 56 : i32
        %dma_wait3A_127 = arith.constant 0 : i32
        %dma_wait3A_128 = tpu.memref_slice %arg12[%dma_wait3A_126, %dma_wait3A_127] : memref<72x128xf32, #tpu.memory_space<vmem>> -> memref<16x128xf32, #tpu.memory_space<vmem>>
        %dma_wait3A_129 = tpu.memref_slice %arg10[%multiple_of3A_125] : memref<10080xi32, #tpu.memory_space<vmem>> -> memref<16xi32, #tpu.memory_space<vmem>>
        %dma_wait3A_130 = arith.constant 0 : i32
        %dma_wait3A_131 = arith.constant 0 : i32
        %dma_wait3A_132 = tpu.memref_slice %arg3[%dma_wait3A_130, %dma_wait3A_131] : memref<10000x128xf32, #tpu.memory_space<hbm>> -> memref<10000x128xf32, #tpu.memory_space<hbm>>
        tpu.wait_indirect_dma semaphore(%arg18 : memref<!tpu.dma_semaphore, #tpu.memory_space<semaphore_mem>>) src(%dma_wait3A_132 : memref<10000x128xf32, #tpu.memory_space<hbm>>) dst(%dma_wait3A_128 : memref<16x128xf32, #tpu.memory_space<vmem>>)
        %add3A_133 = arith.constant 1 : i32
        %add3A_134 = arith.addi %add3A_84, %add3A_133 : i32
        %mul3A_135 = arith.constant 72 : i32
        %mul3A_136 = arith.muli %add3A_134, %mul3A_135 : i32
        %add3A_137 = arith.constant 0 : i32
        %add3A_138 = arith.addi %mul3A_136, %add3A_137 : i32
        %multiple_of3A_139 = tpu.assume_multiple %add3A_138, 8 : i32
        %dma_start3A_140 = arith.constant 0 : i32
        %dma_start3A_141 = arith.constant 0 : i32
        %dma_start3A_142 = tpu.memref_slice %arg13[%dma_start3A_140, %dma_start3A_141] : memref<72x128xf32, #tpu.memory_space<vmem>> -> memref<24x128xf32, #tpu.memory_space<vmem>>
        %dma_start3A_143 = tpu.memref_slice %arg10[%multiple_of3A_139] : memref<10080xi32, #tpu.memory_space<vmem>> -> memref<24xi32, #tpu.memory_space<vmem>>
        %dma_start3A_144 = arith.constant 0 : i32
        %dma_start3A_145 = arith.constant 0 : i32
        %dma_start3A_146 = tpu.memref_slice %arg3[%dma_start3A_144, %dma_start3A_145] : memref<10000x128xf32, #tpu.memory_space<hbm>> -> memref<10000x128xf32, #tpu.memory_space<hbm>>
        tpu.enqueue_indirect_dma source(%dma_start3A_146 : memref<10000x128xf32, #tpu.memory_space<hbm>>) target(%dma_start3A_142 : memref<24x128xf32, #tpu.memory_space<vmem>>) offsets(%dma_start3A_143 : memref<24xi32, #tpu.memory_space<vmem>>) semaphore(%arg19 : memref<!tpu.dma_semaphore, #tpu.memory_space<semaphore_mem>>)
        %mul3A_147 = arith.constant 72 : i32
        %mul3A_148 = arith.muli %add3A_134, %mul3A_147 : i32
        %add3A_149 = arith.constant 24 : i32
        %add3A_150 = arith.addi %mul3A_148, %add3A_149 : i32
        %multiple_of3A_151 = tpu.assume_multiple %add3A_150, 8 : i32
        %dma_start3A_152 = arith.constant 24 : i32
        %dma_start3A_153 = arith.constant 0 : i32
        %dma_start3A_154 = tpu.memref_slice %arg13[%dma_start3A_152, %dma_start3A_153] : memref<72x128xf32, #tpu.memory_space<vmem>> -> memref<16x128xf32, #tpu.memory_space<vmem>>
        %dma_start3A_155 = tpu.memref_slice %arg10[%multiple_of3A_151] : memref<10080xi32, #tpu.memory_space<vmem>> -> memref<16xi32, #tpu.memory_space<vmem>>
        %dma_start3A_156 = arith.constant 0 : i32
        %dma_start3A_157 = arith.constant 0 : i32
        %dma_start3A_158 = tpu.memref_slice %arg3[%dma_start3A_156, %dma_start3A_157] : memref<10000x128xf32, #tpu.memory_space<hbm>> -> memref<10000x128xf32, #tpu.memory_space<hbm>>
        tpu.enqueue_indirect_dma source(%dma_start3A_158 : memref<10000x128xf32, #tpu.memory_space<hbm>>) target(%dma_start3A_154 : memref<16x128xf32, #tpu.memory_space<vmem>>) offsets(%dma_start3A_155 : memref<16xi32, #tpu.memory_space<vmem>>) semaphore(%arg20 : memref<!tpu.dma_semaphore, #tpu.memory_space<semaphore_mem>>)
        %mul3A_159 = arith.constant 72 : i32
        %mul3A_160 = arith.muli %add3A_134, %mul3A_159 : i32
        %add3A_161 = arith.constant 40 : i32
        %add3A_162 = arith.addi %mul3A_160, %add3A_161 : i32
        %multiple_of3A_163 = tpu.assume_multiple %add3A_162, 8 : i32
        %dma_start3A_164 = arith.constant 40 : i32
        %dma_start3A_165 = arith.constant 0 : i32
        %dma_start3A_166 = tpu.memref_slice %arg13[%dma_start3A_164, %dma_start3A_165] : memref<72x128xf32, #tpu.memory_space<vmem>> -> memref<16x128xf32, #tpu.memory_space<vmem>>
        %dma_start3A_167 = tpu.memref_slice %arg10[%multiple_of3A_163] : memref<10080xi32, #tpu.memory_space<vmem>> -> memref<16xi32, #tpu.memory_space<vmem>>
        %dma_start3A_168 = arith.constant 0 : i32
        %dma_start3A_169 = arith.constant 0 : i32
        %dma_start3A_170 = tpu.memref_slice %arg3[%dma_start3A_168, %dma_start3A_169] : memref<10000x128xf32, #tpu.memory_space<hbm>> -> memref<10000x128xf32, #tpu.memory_space<hbm>>
        tpu.enqueue_indirect_dma source(%dma_start3A_170 : memref<10000x128xf32, #tpu.memory_space<hbm>>) target(%dma_start3A_166 : memref<16x128xf32, #tpu.memory_space<vmem>>) offsets(%dma_start3A_167 : memref<16xi32, #tpu.memory_space<vmem>>) semaphore(%arg21 : memref<!tpu.dma_semaphore, #tpu.memory_space<semaphore_mem>>)
        %mul3A_171 = arith.constant 72 : i32
        %mul3A_172 = arith.muli %add3A_134, %mul3A_171 : i32
        %add3A_173 = arith.constant 56 : i32
        %add3A_174 = arith.addi %mul3A_172, %add3A_173 : i32
        %multiple_of3A_175 = tpu.assume_multiple %add3A_174, 8 : i32
        %dma_start3A_176 = arith.constant 56 : i32
        %dma_start3A_177 = arith.constant 0 : i32
        %dma_start3A_178 = tpu.memref_slice %arg13[%dma_start3A_176, %dma_start3A_177] : memref<72x128xf32, #tpu.memory_space<vmem>> -> memref<16x128xf32, #tpu.memory_space<vmem>>
        %dma_start3A_179 = tpu.memref_slice %arg10[%multiple_of3A_175] : memref<10080xi32, #tpu.memory_space<vmem>> -> memref<16xi32, #tpu.memory_space<vmem>>
        %dma_start3A_180 = arith.constant 0 : i32
        %dma_start3A_181 = arith.constant 0 : i32
        %dma_start3A_182 = tpu.memref_slice %arg3[%dma_start3A_180, %dma_start3A_181] : memref<10000x128xf32, #tpu.memory_space<hbm>> -> memref<10000x128xf32, #tpu.memory_space<hbm>>
        tpu.enqueue_indirect_dma source(%dma_start3A_182 : memref<10000x128xf32, #tpu.memory_space<hbm>>) target(%dma_start3A_178 : memref<16x128xf32, #tpu.memory_space<vmem>>) offsets(%dma_start3A_179 : memref<16xi32, #tpu.memory_space<vmem>>) semaphore(%arg22 : memref<!tpu.dma_semaphore, #tpu.memory_space<semaphore_mem>>)
        %mul3A_183 = arith.constant 72 : i32
        %mul3A_184 = arith.muli %add3A_84, %mul3A_183 : i32
        %multiple_of3A_185 = tpu.assume_multiple %mul3A_184, 8 : i32
        "tpu.region"() ({
          %run_scoped3A = tpu.sem_alloc : memref<!tpu.dma_semaphore, #tpu.memory_space<semaphore_mem>>
          %dma_start3A_247 = tpu.memref_slice %arg11[%multiple_of3A_185] : memref<10080xi32, #tpu.memory_space<vmem>> -> memref<72xi32, #tpu.memory_space<vmem>>
          %dma_start3A_248 = arith.constant 0 : i32
          %dma_start3A_249 = arith.constant 0 : i32
          %dma_start3A_250 = tpu.memref_slice %arg14[%dma_start3A_248, %dma_start3A_249] : memref<10112x128xf32, #tpu.memory_space<vmem_shared>> -> memref<10112x128xf32, #tpu.memory_space<vmem_shared>>
          tpu.enqueue_indirect_dma source(%arg12 : memref<72x128xf32, #tpu.memory_space<vmem>>) target(%dma_start3A_250 : memref<10112x128xf32, #tpu.memory_space<vmem_shared>>) offsets(%dma_start3A_247 : memref<72xi32, #tpu.memory_space<vmem>>) semaphore(%run_scoped3A : memref<!tpu.dma_semaphore, #tpu.memory_space<semaphore_mem>>) {add = true}
          %dma_wait3A_251 = tpu.memref_slice %arg11[%multiple_of3A_185] : memref<10080xi32, #tpu.memory_space<vmem>> -> memref<72xi32, #tpu.memory_space<vmem>>
          %dma_wait3A_252 = arith.constant 0 : i32
          %dma_wait3A_253 = arith.constant 0 : i32
          %dma_wait3A_254 = tpu.memref_slice %arg14[%dma_wait3A_252, %dma_wait3A_253] : memref<10112x128xf32, #tpu.memory_space<vmem_shared>> -> memref<10112x128xf32, #tpu.memory_space<vmem_shared>>
          tpu.wait_indirect_dma semaphore(%run_scoped3A : memref<!tpu.dma_semaphore, #tpu.memory_space<semaphore_mem>>) src(%arg12 : memref<72x128xf32, #tpu.memory_space<vmem>>) dst(%dma_wait3A_254 : memref<10112x128xf32, #tpu.memory_space<vmem_shared>>)
          tpu.yield
        }) : () -> ()
        %add3A_186 = arith.constant 1 : i32
        %add3A_187 = arith.addi %add3A_84, %add3A_186 : i32
        %mul3A_188 = arith.constant 72 : i32
        %mul3A_189 = arith.muli %add3A_187, %mul3A_188 : i32
        %add3A_190 = arith.constant 0 : i32
        %add3A_191 = arith.addi %mul3A_189, %add3A_190 : i32
        %multiple_of3A_192 = tpu.assume_multiple %add3A_191, 8 : i32
        %dma_wait3A_193 = arith.constant 0 : i32
        %dma_wait3A_194 = arith.constant 0 : i32
        %dma_wait3A_195 = tpu.memref_slice %arg13[%dma_wait3A_193, %dma_wait3A_194] : memref<72x128xf32, #tpu.memory_space<vmem>> -> memref<24x128xf32, #tpu.memory_space<vmem>>
        %dma_wait3A_196 = tpu.memref_slice %arg10[%multiple_of3A_192] : memref<10080xi32, #tpu.memory_space<vmem>> -> memref<24xi32, #tpu.memory_space<vmem>>
        %dma_wait3A_197 = arith.constant 0 : i32
        %dma_wait3A_198 = arith.constant 0 : i32
        %dma_wait3A_199 = tpu.memref_slice %arg3[%dma_wait3A_197, %dma_wait3A_198] : memref<10000x128xf32, #tpu.memory_space<hbm>> -> memref<10000x128xf32, #tpu.memory_space<hbm>>
        tpu.wait_indirect_dma semaphore(%arg19 : memref<!tpu.dma_semaphore, #tpu.memory_space<semaphore_mem>>) src(%dma_wait3A_199 : memref<10000x128xf32, #tpu.memory_space<hbm>>) dst(%dma_wait3A_195 : memref<24x128xf32, #tpu.memory_space<vmem>>)
        %mul3A_200 = arith.constant 72 : i32
        %mul3A_201 = arith.muli %add3A_187, %mul3A_200 : i32
        %add3A_202 = arith.constant 24 : i32
        %add3A_203 = arith.addi %mul3A_201, %add3A_202 : i32
        %multiple_of3A_204 = tpu.assume_multiple %add3A_203, 8 : i32
        %dma_wait3A_205 = arith.constant 24 : i32
        %dma_wait3A_206 = arith.constant 0 : i32
        %dma_wait3A_207 = tpu.memref_slice %arg13[%dma_wait3A_205, %dma_wait3A_206] : memref<72x128xf32, #tpu.memory_space<vmem>> -> memref<16x128xf32, #tpu.memory_space<vmem>>
        %dma_wait3A_208 = tpu.memref_slice %arg10[%multiple_of3A_204] : memref<10080xi32, #tpu.memory_space<vmem>> -> memref<16xi32, #tpu.memory_space<vmem>>
        %dma_wait3A_209 = arith.constant 0 : i32
        %dma_wait3A_210 = arith.constant 0 : i32
        %dma_wait3A_211 = tpu.memref_slice %arg3[%dma_wait3A_209, %dma_wait3A_210] : memref<10000x128xf32, #tpu.memory_space<hbm>> -> memref<10000x128xf32, #tpu.memory_space<hbm>>
        tpu.wait_indirect_dma semaphore(%arg20 : memref<!tpu.dma_semaphore, #tpu.memory_space<semaphore_mem>>) src(%dma_wait3A_211 : memref<10000x128xf32, #tpu.memory_space<hbm>>) dst(%dma_wait3A_207 : memref<16x128xf32, #tpu.memory_space<vmem>>)
        %mul3A_212 = arith.constant 72 : i32
        %mul3A_213 = arith.muli %add3A_187, %mul3A_212 : i32
        %add3A_214 = arith.constant 40 : i32
        %add3A_215 = arith.addi %mul3A_213, %add3A_214 : i32
        %multiple_of3A_216 = tpu.assume_multiple %add3A_215, 8 : i32
        %dma_wait3A_217 = arith.constant 40 : i32
        %dma_wait3A_218 = arith.constant 0 : i32
        %dma_wait3A_219 = tpu.memref_slice %arg13[%dma_wait3A_217, %dma_wait3A_218] : memref<72x128xf32, #tpu.memory_space<vmem>> -> memref<16x128xf32, #tpu.memory_space<vmem>>
        %dma_wait3A_220 = tpu.memref_slice %arg10[%multiple_of3A_216] : memref<10080xi32, #tpu.memory_space<vmem>> -> memref<16xi32, #tpu.memory_space<vmem>>
        %dma_wait3A_221 = arith.constant 0 : i32
        %dma_wait3A_222 = arith.constant 0 : i32
        %dma_wait3A_223 = tpu.memref_slice %arg3[%dma_wait3A_221, %dma_wait3A_222] : memref<10000x128xf32, #tpu.memory_space<hbm>> -> memref<10000x128xf32, #tpu.memory_space<hbm>>
        tpu.wait_indirect_dma semaphore(%arg21 : memref<!tpu.dma_semaphore, #tpu.memory_space<semaphore_mem>>) src(%dma_wait3A_223 : memref<10000x128xf32, #tpu.memory_space<hbm>>) dst(%dma_wait3A_219 : memref<16x128xf32, #tpu.memory_space<vmem>>)
        %mul3A_224 = arith.constant 72 : i32
        %mul3A_225 = arith.muli %add3A_187, %mul3A_224 : i32
        %add3A_226 = arith.constant 56 : i32
        %add3A_227 = arith.addi %mul3A_225, %add3A_226 : i32
        %multiple_of3A_228 = tpu.assume_multiple %add3A_227, 8 : i32
        %dma_wait3A_229 = arith.constant 56 : i32
        %dma_wait3A_230 = arith.constant 0 : i32
        %dma_wait3A_231 = tpu.memref_slice %arg13[%dma_wait3A_229, %dma_wait3A_230] : memref<72x128xf32, #tpu.memory_space<vmem>> -> memref<16x128xf32, #tpu.memory_space<vmem>>
        %dma_wait3A_232 = tpu.memref_slice %arg10[%multiple_of3A_228] : memref<10080xi32, #tpu.memory_space<vmem>> -> memref<16xi32, #tpu.memory_space<vmem>>
        %dma_wait3A_233 = arith.constant 0 : i32
        %dma_wait3A_234 = arith.constant 0 : i32
        %dma_wait3A_235 = tpu.memref_slice %arg3[%dma_wait3A_233, %dma_wait3A_234] : memref<10000x128xf32, #tpu.memory_space<hbm>> -> memref<10000x128xf32, #tpu.memory_space<hbm>>
        tpu.wait_indirect_dma semaphore(%arg22 : memref<!tpu.dma_semaphore, #tpu.memory_space<semaphore_mem>>) src(%dma_wait3A_235 : memref<10000x128xf32, #tpu.memory_space<hbm>>) dst(%dma_wait3A_231 : memref<16x128xf32, #tpu.memory_space<vmem>>)
        %add3A_236 = arith.constant 2 : i32
        %add3A_237 = arith.addi %add3A_84, %add3A_236 : i32
        %lt3A = arith.constant 140 : i32
        %lt3A_238 = arith.cmpi slt, %add3A_237, %lt3A : i32
        %convert_element_type3A_239 = arith.extui %lt3A_238 : i1 to i32
        %cond3A_240 = arith.constant 0 : i32
        %cond3A_241 = arith.cmpi ne, %convert_element_type3A_239, %cond3A_240 : i32
        scf.if %cond3A_241 {
          %add3A_247 = arith.constant 2 : i32
          %add3A_248 = arith.addi %add3A_84, %add3A_247 : i32
          %mul3A_249 = arith.constant 72 : i32
          %mul3A_250 = arith.muli %add3A_248, %mul3A_249 : i32
          %add3A_251 = arith.constant 0 : i32
          %add3A_252 = arith.addi %mul3A_250, %add3A_251 : i32
          %multiple_of3A_253 = tpu.assume_multiple %add3A_252, 8 : i32
          %dma_start3A_254 = arith.constant 0 : i32
          %dma_start3A_255 = arith.constant 0 : i32
          %dma_start3A_256 = tpu.memref_slice %arg12[%dma_start3A_254, %dma_start3A_255] : memref<72x128xf32, #tpu.memory_space<vmem>> -> memref<24x128xf32, #tpu.memory_space<vmem>>
          %dma_start3A_257 = tpu.memref_slice %arg10[%multiple_of3A_253] : memref<10080xi32, #tpu.memory_space<vmem>> -> memref<24xi32, #tpu.memory_space<vmem>>
          %dma_start3A_258 = arith.constant 0 : i32
          %dma_start3A_259 = arith.constant 0 : i32
          %dma_start3A_260 = tpu.memref_slice %arg3[%dma_start3A_258, %dma_start3A_259] : memref<10000x128xf32, #tpu.memory_space<hbm>> -> memref<10000x128xf32, #tpu.memory_space<hbm>>
          tpu.enqueue_indirect_dma source(%dma_start3A_260 : memref<10000x128xf32, #tpu.memory_space<hbm>>) target(%dma_start3A_256 : memref<24x128xf32, #tpu.memory_space<vmem>>) offsets(%dma_start3A_257 : memref<24xi32, #tpu.memory_space<vmem>>) semaphore(%arg15 : memref<!tpu.dma_semaphore, #tpu.memory_space<semaphore_mem>>)
          %mul3A_261 = arith.constant 72 : i32
          %mul3A_262 = arith.muli %add3A_248, %mul3A_261 : i32
          %add3A_263 = arith.constant 24 : i32
          %add3A_264 = arith.addi %mul3A_262, %add3A_263 : i32
          %multiple_of3A_265 = tpu.assume_multiple %add3A_264, 8 : i32
          %dma_start3A_266 = arith.constant 24 : i32
          %dma_start3A_267 = arith.constant 0 : i32
          %dma_start3A_268 = tpu.memref_slice %arg12[%dma_start3A_266, %dma_start3A_267] : memref<72x128xf32, #tpu.memory_space<vmem>> -> memref<16x128xf32, #tpu.memory_space<vmem>>
          %dma_start3A_269 = tpu.memref_slice %arg10[%multiple_of3A_265] : memref<10080xi32, #tpu.memory_space<vmem>> -> memref<16xi32, #tpu.memory_space<vmem>>
          %dma_start3A_270 = arith.constant 0 : i32
          %dma_start3A_271 = arith.constant 0 : i32
          %dma_start3A_272 = tpu.memref_slice %arg3[%dma_start3A_270, %dma_start3A_271] : memref<10000x128xf32, #tpu.memory_space<hbm>> -> memref<10000x128xf32, #tpu.memory_space<hbm>>
          tpu.enqueue_indirect_dma source(%dma_start3A_272 : memref<10000x128xf32, #tpu.memory_space<hbm>>) target(%dma_start3A_268 : memref<16x128xf32, #tpu.memory_space<vmem>>) offsets(%dma_start3A_269 : memref<16xi32, #tpu.memory_space<vmem>>) semaphore(%arg16 : memref<!tpu.dma_semaphore, #tpu.memory_space<semaphore_mem>>)
          %mul3A_273 = arith.constant 72 : i32
          %mul3A_274 = arith.muli %add3A_248, %mul3A_273 : i32
          %add3A_275 = arith.constant 40 : i32
          %add3A_276 = arith.addi %mul3A_274, %add3A_275 : i32
          %multiple_of3A_277 = tpu.assume_multiple %add3A_276, 8 : i32
          %dma_start3A_278 = arith.constant 40 : i32
          %dma_start3A_279 = arith.constant 0 : i32
          %dma_start3A_280 = tpu.memref_slice %arg12[%dma_start3A_278, %dma_start3A_279] : memref<72x128xf32, #tpu.memory_space<vmem>> -> memref<16x128xf32, #tpu.memory_space<vmem>>
          %dma_start3A_281 = tpu.memref_slice %arg10[%multiple_of3A_277] : memref<10080xi32, #tpu.memory_space<vmem>> -> memref<16xi32, #tpu.memory_space<vmem>>
          %dma_start3A_282 = arith.constant 0 : i32
          %dma_start3A_283 = arith.constant 0 : i32
          %dma_start3A_284 = tpu.memref_slice %arg3[%dma_start3A_282, %dma_start3A_283] : memref<10000x128xf32, #tpu.memory_space<hbm>> -> memref<10000x128xf32, #tpu.memory_space<hbm>>
          tpu.enqueue_indirect_dma source(%dma_start3A_284 : memref<10000x128xf32, #tpu.memory_space<hbm>>) target(%dma_start3A_280 : memref<16x128xf32, #tpu.memory_space<vmem>>) offsets(%dma_start3A_281 : memref<16xi32, #tpu.memory_space<vmem>>) semaphore(%arg17 : memref<!tpu.dma_semaphore, #tpu.memory_space<semaphore_mem>>)
          %mul3A_285 = arith.constant 72 : i32
          %mul3A_286 = arith.muli %add3A_248, %mul3A_285 : i32
          %add3A_287 = arith.constant 56 : i32
          %add3A_288 = arith.addi %mul3A_286, %add3A_287 : i32
          %multiple_of3A_289 = tpu.assume_multiple %add3A_288, 8 : i32
          %dma_start3A_290 = arith.constant 56 : i32
          %dma_start3A_291 = arith.constant 0 : i32
          %dma_start3A_292 = tpu.memref_slice %arg12[%dma_start3A_290, %dma_start3A_291] : memref<72x128xf32, #tpu.memory_space<vmem>> -> memref<16x128xf32, #tpu.memory_space<vmem>>
          %dma_start3A_293 = tpu.memref_slice %arg10[%multiple_of3A_289] : memref<10080xi32, #tpu.memory_space<vmem>> -> memref<16xi32, #tpu.memory_space<vmem>>
          %dma_start3A_294 = arith.constant 0 : i32
          %dma_start3A_295 = arith.constant 0 : i32
          %dma_start3A_296 = tpu.memref_slice %arg3[%dma_start3A_294, %dma_start3A_295] : memref<10000x128xf32, #tpu.memory_space<hbm>> -> memref<10000x128xf32, #tpu.memory_space<hbm>>
          tpu.enqueue_indirect_dma source(%dma_start3A_296 : memref<10000x128xf32, #tpu.memory_space<hbm>>) target(%dma_start3A_292 : memref<16x128xf32, #tpu.memory_space<vmem>>) offsets(%dma_start3A_293 : memref<16xi32, #tpu.memory_space<vmem>>) semaphore(%arg18 : memref<!tpu.dma_semaphore, #tpu.memory_space<semaphore_mem>>)
        } else {
        }
        %add3A_242 = arith.constant 1 : i32
        %add3A_243 = arith.addi %add3A_84, %add3A_242 : i32
        %mul3A_244 = arith.constant 72 : i32
        %mul3A_245 = arith.muli %add3A_243, %mul3A_244 : i32
        %multiple_of3A_246 = tpu.assume_multiple %mul3A_245, 8 : i32
        "tpu.region"() ({
          %run_scoped3A = tpu.sem_alloc : memref<!tpu.dma_semaphore, #tpu.memory_space<semaphore_mem>>
          %dma_start3A_247 = tpu.memref_slice %arg11[%multiple_of3A_246] : memref<10080xi32, #tpu.memory_space<vmem>> -> memref<72xi32, #tpu.memory_space<vmem>>
          %dma_start3A_248 = arith.constant 0 : i32
          %dma_start3A_249 = arith.constant 0 : i32
          %dma_start3A_250 = tpu.memref_slice %arg14[%dma_start3A_248, %dma_start3A_249] : memref<10112x128xf32, #tpu.memory_space<vmem_shared>> -> memref<10112x128xf32, #tpu.memory_space<vmem_shared>>
          tpu.enqueue_indirect_dma source(%arg13 : memref<72x128xf32, #tpu.memory_space<vmem>>) target(%dma_start3A_250 : memref<10112x128xf32, #tpu.memory_space<vmem_shared>>) offsets(%dma_start3A_247 : memref<72xi32, #tpu.memory_space<vmem>>) semaphore(%run_scoped3A : memref<!tpu.dma_semaphore, #tpu.memory_space<semaphore_mem>>) {add = true}
          %dma_wait3A_251 = tpu.memref_slice %arg11[%multiple_of3A_246] : memref<10080xi32, #tpu.memory_space<vmem>> -> memref<72xi32, #tpu.memory_space<vmem>>
          %dma_wait3A_252 = arith.constant 0 : i32
          %dma_wait3A_253 = arith.constant 0 : i32
          %dma_wait3A_254 = tpu.memref_slice %arg14[%dma_wait3A_252, %dma_wait3A_253] : memref<10112x128xf32, #tpu.memory_space<vmem_shared>> -> memref<10112x128xf32, #tpu.memory_space<vmem_shared>>
          tpu.wait_indirect_dma semaphore(%run_scoped3A : memref<!tpu.dma_semaphore, #tpu.memory_space<semaphore_mem>>) src(%arg13 : memref<72x128xf32, #tpu.memory_space<vmem>>) dst(%dma_wait3A_254 : memref<10112x128xf32, #tpu.memory_space<vmem_shared>>)
          tpu.yield
        }) : () -> ()
      }
      %scan3A_80 = arith.constant 70 : i32
    } else {
    }
    %barrier3A_30 = arith.constant 0 : index
    tpu.barrier barrier_id(%barrier3A_30)
    %eq3A_31 = arith.constant 0 : i32
    %eq3A_32 = arith.cmpi eq, %arg0, %eq3A_31 : i32
    %convert_element_type3A_33 = arith.extui %eq3A_32 : i1 to i32
    %cond3A_34 = arith.constant 0 : i32
    %cond3A_35 = arith.cmpi ne, %convert_element_type3A_33, %cond3A_34 : i32
    scf.if %cond3A_35 {
      "tpu.region"() ({
        %run_scoped3A = tpu.sem_alloc : memref<!tpu.dma_semaphore, #tpu.memory_space<semaphore_mem>>
        %dma_start3A_41 = arith.constant 0 : i32
        %dma_start3A_42 = tpu.memref_slice %arg7[%multiple_of3A, %dma_start3A_41] : memref<10112x128xf32, #tpu.memory_space<hbm>> -> memref<632x128xf32, #tpu.memory_space<hbm>>
        %dma_start3A_43 = arith.constant 0 : i32
        %dma_start3A_44 = tpu.memref_slice %arg14[%multiple_of3A, %dma_start3A_43] : memref<10112x128xf32, #tpu.memory_space<vmem_shared>> -> memref<632x128xf32, #tpu.memory_space<vmem_shared>>
        tpu.enqueue_dma source(%dma_start3A_44 : memref<632x128xf32, #tpu.memory_space<vmem_shared>>) target(%dma_start3A_42 : memref<632x128xf32, #tpu.memory_space<hbm>>) target_semaphore(%run_scoped3A : memref<!tpu.dma_semaphore, #tpu.memory_space<semaphore_mem>>)
        %dma_wait3A_45 = arith.constant 0 : i32
        %dma_wait3A_46 = tpu.memref_slice %arg7[%multiple_of3A, %dma_wait3A_45] : memref<10112x128xf32, #tpu.memory_space<hbm>> -> memref<632x128xf32, #tpu.memory_space<hbm>>
        %dma_wait3A_47 = arith.constant 0 : i32
        %dma_wait3A_48 = tpu.memref_slice %arg14[%multiple_of3A, %dma_wait3A_47] : memref<10112x128xf32, #tpu.memory_space<vmem_shared>> -> memref<632x128xf32, #tpu.memory_space<vmem_shared>>
        tpu.wait_dma2 semaphore(%run_scoped3A : memref<!tpu.dma_semaphore, #tpu.memory_space<semaphore_mem>>) src(%dma_wait3A_48 : memref<632x128xf32, #tpu.memory_space<vmem_shared>>) dst(%dma_wait3A_46 : memref<632x128xf32, #tpu.memory_space<hbm>>)
        tpu.yield
      }) : () -> ()
    } else {
    }
    %eq3A_36 = arith.constant 1 : i32
    %eq3A_37 = arith.cmpi eq, %arg0, %eq3A_36 : i32
    %convert_element_type3A_38 = arith.extui %eq3A_37 : i1 to i32
    %cond3A_39 = arith.constant 0 : i32
    %cond3A_40 = arith.cmpi ne, %convert_element_type3A_38, %cond3A_39 : i32
    scf.if %cond3A_40 {
      "tpu.region"() ({
        %run_scoped3A = tpu.sem_alloc : memref<!tpu.dma_semaphore, #tpu.memory_space<semaphore_mem>>
        %dma_start3A_41 = arith.constant 0 : i32
        %dma_start3A_42 = tpu.memref_slice %arg8[%multiple_of3A, %dma_start3A_41] : memref<10112x128xf32, #tpu.memory_space<hbm>> -> memref<632x128xf32, #tpu.memory_space<hbm>>
        %dma_start3A_43 = arith.constant 0 : i32
        %dma_start3A_44 = tpu.memref_slice %arg14[%multiple_of3A, %dma_start3A_43] : memref<10112x128xf32, #tpu.memory_space<vmem_shared>> -> memref<632x128xf32, #tpu.memory_space<vmem_shared>>
        tpu.enqueue_dma source(%dma_start3A_44 : memref<632x128xf32, #tpu.memory_space<vmem_shared>>) target(%dma_start3A_42 : memref<632x128xf32, #tpu.memory_space<hbm>>) target_semaphore(%run_scoped3A : memref<!tpu.dma_semaphore, #tpu.memory_space<semaphore_mem>>)
        %dma_wait3A_45 = arith.constant 0 : i32
        %dma_wait3A_46 = tpu.memref_slice %arg8[%multiple_of3A, %dma_wait3A_45] : memref<10112x128xf32, #tpu.memory_space<hbm>> -> memref<632x128xf32, #tpu.memory_space<hbm>>
        %dma_wait3A_47 = arith.constant 0 : i32
        %dma_wait3A_48 = tpu.memref_slice %arg14[%multiple_of3A, %dma_wait3A_47] : memref<10112x128xf32, #tpu.memory_space<vmem_shared>> -> memref<632x128xf32, #tpu.memory_space<vmem_shared>>
        tpu.wait_dma2 semaphore(%run_scoped3A : memref<!tpu.dma_semaphore, #tpu.memory_space<semaphore_mem>>) src(%dma_wait3A_48 : memref<632x128xf32, #tpu.memory_space<vmem_shared>>) dst(%dma_wait3A_46 : memref<632x128xf32, #tpu.memory_space<hbm>>)
        tpu.yield
      }) : () -> ()
    } else {
    }
    return
  }
}

#map = affine_map<(d0, d1) -> (0, 0)>
#map1 = affine_map<(d0, d1) -> (0)>
module attributes {stable_mosaic.version = 14 : i64} {
  func.func @agg(%arg0: i32, %arg1: i32, %arg2: memref<10000x128xf32, #tpu.memory_space<hbm>>, %arg3: memref<10000x128xf32, #tpu.memory_space<hbm>>, %arg4: memref<161280xi32, #tpu.memory_space<hbm>>, %arg5: memref<161280xi32, #tpu.memory_space<hbm>>, %arg6: memref<10112x128xf32, #tpu.memory_space<hbm>>, %arg7: memref<10112x128xf32, #tpu.memory_space<hbm>>, %arg8: memref<10112x128xf32, #tpu.memory_space<hbm>>, %arg9: memref<10080xi32, #tpu.memory_space<vmem>>, %arg10: memref<10080xi32, #tpu.memory_space<vmem>>, %arg11: memref<72x128xf32, #tpu.memory_space<vmem>>, %arg12: memref<72x128xf32, #tpu.memory_space<vmem>>, %arg13: memref<10112x128xf32, #tpu.memory_space<vmem_shared>>, %arg14: memref<!tpu.dma_semaphore, #tpu.memory_space<semaphore_mem>>, %arg15: memref<!tpu.dma_semaphore, #tpu.memory_space<semaphore_mem>>, %arg16: memref<!tpu.dma_semaphore, #tpu.memory_space<semaphore_mem>>, %arg17: memref<!tpu.dma_semaphore, #tpu.memory_space<semaphore_mem>>, %arg18: memref<!tpu.dma_semaphore, #tpu.memory_space<semaphore_mem>>, %arg19: memref<!tpu.dma_semaphore, #tpu.memory_space<semaphore_mem>>, %arg20: memref<!tpu.dma_semaphore, #tpu.memory_space<semaphore_mem>>, %arg21: memref<!tpu.dma_semaphore, #tpu.memory_space<semaphore_mem>>) attributes {dimension_semantics = [#tpu.dimension_semantics<core_parallel>, #tpu.dimension_semantics<subcore_parallel>], iteration_bounds = array<i64: 2, 16>, scalar_prefetch = 0 : i64, scratch_operands = 13 : i64, tpu.core_type = #tpu.core_type<sc_vector_subcore>, window_params = [{transform_indices = #map}, {transform_indices = #map}, {transform_indices = #map1}, {transform_indices = #map1}, {transform_indices = #map}, {transform_indices = #map}, {transform_indices = #map}]} {
    %mul3A = arith.constant 632 : i32
    %mul3A_0 = arith.muli %arg1, %mul3A : i32
    %multiple_of3A = tpu.assume_multiple %mul3A_0, 8 : i32
    %mul3A_1 = arith.constant 10080 : i32
    %mul3A_2 = arith.muli %arg1, %mul3A_1 : i32
    %multiple_of3A_3 = tpu.assume_multiple %mul3A_2, 8 : i32
    %dma_start3A = arith.constant 0 : i32
    %dma_start3A_4 = tpu.memref_slice %arg13[%multiple_of3A, %dma_start3A] : memref<10112x128xf32, #tpu.memory_space<vmem_shared>> -> memref<632x128xf32, #tpu.memory_space<vmem_shared>>
    %dma_start3A_5 = arith.constant 0 : i32
    %dma_start3A_6 = tpu.memref_slice %arg6[%multiple_of3A, %dma_start3A_5] : memref<10112x128xf32, #tpu.memory_space<hbm>> -> memref<632x128xf32, #tpu.memory_space<hbm>>
    tpu.enqueue_dma source(%dma_start3A_6 : memref<632x128xf32, #tpu.memory_space<hbm>>) target(%dma_start3A_4 : memref<632x128xf32, #tpu.memory_space<vmem_shared>>) target_semaphore(%arg14 : memref<!tpu.dma_semaphore, #tpu.memory_space<semaphore_mem>>)
    %dma_start3A_7 = tpu.memref_slice %arg4[%multiple_of3A_3] : memref<161280xi32, #tpu.memory_space<hbm>> -> memref<10080xi32, #tpu.memory_space<hbm>>
    %dma_start3A_8 = tpu.memref_slice %arg4[%multiple_of3A_3] : memref<161280xi32, #tpu.memory_space<hbm>> -> memref<10080xi32, #tpu.memory_space<hbm>>
    tpu.enqueue_dma source(%dma_start3A_8 : memref<10080xi32, #tpu.memory_space<hbm>>) target(%arg9 : memref<10080xi32, #tpu.memory_space<vmem>>) target_semaphore(%arg15 : memref<!tpu.dma_semaphore, #tpu.memory_space<semaphore_mem>>)
    %dma_start3A_9 = tpu.memref_slice %arg5[%multiple_of3A_3] : memref<161280xi32, #tpu.memory_space<hbm>> -> memref<10080xi32, #tpu.memory_space<hbm>>
    %dma_start3A_10 = tpu.memref_slice %arg5[%multiple_of3A_3] : memref<161280xi32, #tpu.memory_space<hbm>> -> memref<10080xi32, #tpu.memory_space<hbm>>
    tpu.enqueue_dma source(%dma_start3A_10 : memref<10080xi32, #tpu.memory_space<hbm>>) target(%arg10 : memref<10080xi32, #tpu.memory_space<vmem>>) target_semaphore(%arg16 : memref<!tpu.dma_semaphore, #tpu.memory_space<semaphore_mem>>)
    %dma_wait3A = arith.constant 0 : i32
    %dma_wait3A_11 = tpu.memref_slice %arg13[%multiple_of3A, %dma_wait3A] : memref<10112x128xf32, #tpu.memory_space<vmem_shared>> -> memref<632x128xf32, #tpu.memory_space<vmem_shared>>
    %dma_wait3A_12 = arith.constant 0 : i32
    %dma_wait3A_13 = tpu.memref_slice %arg6[%multiple_of3A, %dma_wait3A_12] : memref<10112x128xf32, #tpu.memory_space<hbm>> -> memref<632x128xf32, #tpu.memory_space<hbm>>
    tpu.wait_dma2 semaphore(%arg14 : memref<!tpu.dma_semaphore, #tpu.memory_space<semaphore_mem>>) src(%dma_wait3A_13 : memref<632x128xf32, #tpu.memory_space<hbm>>) dst(%dma_wait3A_11 : memref<632x128xf32, #tpu.memory_space<vmem_shared>>)
    %dma_wait3A_14 = tpu.memref_slice %arg4[%multiple_of3A_3] : memref<161280xi32, #tpu.memory_space<hbm>> -> memref<10080xi32, #tpu.memory_space<hbm>>
    %dma_wait3A_15 = tpu.memref_slice %arg4[%multiple_of3A_3] : memref<161280xi32, #tpu.memory_space<hbm>> -> memref<10080xi32, #tpu.memory_space<hbm>>
    tpu.wait_dma2 semaphore(%arg15 : memref<!tpu.dma_semaphore, #tpu.memory_space<semaphore_mem>>) src(%dma_wait3A_15 : memref<10080xi32, #tpu.memory_space<hbm>>) dst(%arg9 : memref<10080xi32, #tpu.memory_space<vmem>>)
    %dma_wait3A_16 = tpu.memref_slice %arg5[%multiple_of3A_3] : memref<161280xi32, #tpu.memory_space<hbm>> -> memref<10080xi32, #tpu.memory_space<hbm>>
    %dma_wait3A_17 = tpu.memref_slice %arg5[%multiple_of3A_3] : memref<161280xi32, #tpu.memory_space<hbm>> -> memref<10080xi32, #tpu.memory_space<hbm>>
    tpu.wait_dma2 semaphore(%arg16 : memref<!tpu.dma_semaphore, #tpu.memory_space<semaphore_mem>>) src(%dma_wait3A_17 : memref<10080xi32, #tpu.memory_space<hbm>>) dst(%arg10 : memref<10080xi32, #tpu.memory_space<vmem>>)
    %barrier3A = arith.constant 0 : index
    tpu.barrier barrier_id(%barrier3A)
    %eq3A = arith.constant 0 : i32
    %eq3A_18 = arith.cmpi eq, %arg0, %eq3A : i32
    %convert_element_type3A = arith.extui %eq3A_18 : i1 to i32
    %cond3A = arith.constant 0 : i32
    %cond3A_19 = arith.cmpi ne, %convert_element_type3A, %cond3A : i32
    scf.if %cond3A_19 {
      %multiple_of3A_36 = arith.constant 0 : i32
      %multiple_of3A_37 = tpu.assume_multiple %multiple_of3A_36, 8 : i32
      %dma_start3A_38 = arith.constant 0 : i32
      %dma_start3A_39 = arith.constant 0 : i32
      %dma_start3A_40 = tpu.memref_slice %arg11[%dma_start3A_38, %dma_start3A_39] : memref<72x128xf32, #tpu.memory_space<vmem>> -> memref<24x128xf32, #tpu.memory_space<vmem>>
      %dma_start3A_41 = tpu.memref_slice %arg9[%multiple_of3A_37] : memref<10080xi32, #tpu.memory_space<vmem>> -> memref<24xi32, #tpu.memory_space<vmem>>
      %dma_start3A_42 = arith.constant 0 : i32
      %dma_start3A_43 = arith.constant 0 : i32
      %dma_start3A_44 = tpu.memref_slice %arg2[%dma_start3A_42, %dma_start3A_43] : memref<10000x128xf32, #tpu.memory_space<hbm>> -> memref<10000x128xf32, #tpu.memory_space<hbm>>
      tpu.enqueue_indirect_dma source(%dma_start3A_44 : memref<10000x128xf32, #tpu.memory_space<hbm>>) target(%dma_start3A_40 : memref<24x128xf32, #tpu.memory_space<vmem>>) offsets(%dma_start3A_41 : memref<24xi32, #tpu.memory_space<vmem>>) semaphore(%arg14 : memref<!tpu.dma_semaphore, #tpu.memory_space<semaphore_mem>>)
      %multiple_of3A_45 = arith.constant 24 : i32
      %multiple_of3A_46 = tpu.assume_multiple %multiple_of3A_45, 8 : i32
      %dma_start3A_47 = arith.constant 24 : i32
      %dma_start3A_48 = arith.constant 0 : i32
      %dma_start3A_49 = tpu.memref_slice %arg11[%dma_start3A_47, %dma_start3A_48] : memref<72x128xf32, #tpu.memory_space<vmem>> -> memref<16x128xf32, #tpu.memory_space<vmem>>
      %dma_start3A_50 = tpu.memref_slice %arg9[%multiple_of3A_46] : memref<10080xi32, #tpu.memory_space<vmem>> -> memref<16xi32, #tpu.memory_space<vmem>>
      %dma_start3A_51 = arith.constant 0 : i32
      %dma_start3A_52 = arith.constant 0 : i32
      %dma_start3A_53 = tpu.memref_slice %arg2[%dma_start3A_51, %dma_start3A_52] : memref<10000x128xf32, #tpu.memory_space<hbm>> -> memref<10000x128xf32, #tpu.memory_space<hbm>>
      tpu.enqueue_indirect_dma source(%dma_start3A_53 : memref<10000x128xf32, #tpu.memory_space<hbm>>) target(%dma_start3A_49 : memref<16x128xf32, #tpu.memory_space<vmem>>) offsets(%dma_start3A_50 : memref<16xi32, #tpu.memory_space<vmem>>) semaphore(%arg15 : memref<!tpu.dma_semaphore, #tpu.memory_space<semaphore_mem>>)
      %multiple_of3A_54 = arith.constant 40 : i32
      %multiple_of3A_55 = tpu.assume_multiple %multiple_of3A_54, 8 : i32
      %dma_start3A_56 = arith.constant 40 : i32
      %dma_start3A_57 = arith.constant 0 : i32
      %dma_start3A_58 = tpu.memref_slice %arg11[%dma_start3A_56, %dma_start3A_57] : memref<72x128xf32, #tpu.memory_space<vmem>> -> memref<16x128xf32, #tpu.memory_space<vmem>>
      %dma_start3A_59 = tpu.memref_slice %arg9[%multiple_of3A_55] : memref<10080xi32, #tpu.memory_space<vmem>> -> memref<16xi32, #tpu.memory_space<vmem>>
      %dma_start3A_60 = arith.constant 0 : i32
      %dma_start3A_61 = arith.constant 0 : i32
      %dma_start3A_62 = tpu.memref_slice %arg2[%dma_start3A_60, %dma_start3A_61] : memref<10000x128xf32, #tpu.memory_space<hbm>> -> memref<10000x128xf32, #tpu.memory_space<hbm>>
      tpu.enqueue_indirect_dma source(%dma_start3A_62 : memref<10000x128xf32, #tpu.memory_space<hbm>>) target(%dma_start3A_58 : memref<16x128xf32, #tpu.memory_space<vmem>>) offsets(%dma_start3A_59 : memref<16xi32, #tpu.memory_space<vmem>>) semaphore(%arg16 : memref<!tpu.dma_semaphore, #tpu.memory_space<semaphore_mem>>)
      %multiple_of3A_63 = arith.constant 56 : i32
      %multiple_of3A_64 = tpu.assume_multiple %multiple_of3A_63, 8 : i32
      %dma_start3A_65 = arith.constant 56 : i32
      %dma_start3A_66 = arith.constant 0 : i32
      %dma_start3A_67 = tpu.memref_slice %arg11[%dma_start3A_65, %dma_start3A_66] : memref<72x128xf32, #tpu.memory_space<vmem>> -> memref<16x128xf32, #tpu.memory_space<vmem>>
      %dma_start3A_68 = tpu.memref_slice %arg9[%multiple_of3A_64] : memref<10080xi32, #tpu.memory_space<vmem>> -> memref<16xi32, #tpu.memory_space<vmem>>
      %dma_start3A_69 = arith.constant 0 : i32
      %dma_start3A_70 = arith.constant 0 : i32
      %dma_start3A_71 = tpu.memref_slice %arg2[%dma_start3A_69, %dma_start3A_70] : memref<10000x128xf32, #tpu.memory_space<hbm>> -> memref<10000x128xf32, #tpu.memory_space<hbm>>
      tpu.enqueue_indirect_dma source(%dma_start3A_71 : memref<10000x128xf32, #tpu.memory_space<hbm>>) target(%dma_start3A_67 : memref<16x128xf32, #tpu.memory_space<vmem>>) offsets(%dma_start3A_68 : memref<16xi32, #tpu.memory_space<vmem>>) semaphore(%arg17 : memref<!tpu.dma_semaphore, #tpu.memory_space<semaphore_mem>>)
      %scan3A = arith.constant 0 : i32
      %scan3A_72 = arith.constant 70 : i32
      %scan3A_73 = arith.addi %scan3A, %scan3A_72 : i32
      %scan3A_74 = arith.constant 1 : i32
      scf.for %scan3A_76 = %scan3A to %scan3A_73 step %scan3A_74  : i32 {
        %mul3A_77 = arith.constant 2 : i32
        %mul3A_78 = arith.muli %scan3A_76, %mul3A_77 : i32
        %add3A = arith.constant 0 : i32
        %add3A_79 = arith.addi %add3A, %mul3A_78 : i32
        %mul3A_80 = arith.constant 72 : i32
        %mul3A_81 = arith.muli %add3A_79, %mul3A_80 : i32
        %add3A_82 = arith.constant 0 : i32
        %add3A_83 = arith.addi %mul3A_81, %add3A_82 : i32
        %multiple_of3A_84 = tpu.assume_multiple %add3A_83, 8 : i32
        %dma_wait3A_85 = arith.constant 0 : i32
        %dma_wait3A_86 = arith.constant 0 : i32
        %dma_wait3A_87 = tpu.memref_slice %arg11[%dma_wait3A_85, %dma_wait3A_86] : memref<72x128xf32, #tpu.memory_space<vmem>> -> memref<24x128xf32, #tpu.memory_space<vmem>>
        %dma_wait3A_88 = tpu.memref_slice %arg9[%multiple_of3A_84] : memref<10080xi32, #tpu.memory_space<vmem>> -> memref<24xi32, #tpu.memory_space<vmem>>
        %dma_wait3A_89 = arith.constant 0 : i32
        %dma_wait3A_90 = arith.constant 0 : i32
        %dma_wait3A_91 = tpu.memref_slice %arg2[%dma_wait3A_89, %dma_wait3A_90] : memref<10000x128xf32, #tpu.memory_space<hbm>> -> memref<10000x128xf32, #tpu.memory_space<hbm>>
        tpu.wait_indirect_dma semaphore(%arg14 : memref<!tpu.dma_semaphore, #tpu.memory_space<semaphore_mem>>) src(%dma_wait3A_91 : memref<10000x128xf32, #tpu.memory_space<hbm>>) dst(%dma_wait3A_87 : memref<24x128xf32, #tpu.memory_space<vmem>>)
        %mul3A_92 = arith.constant 72 : i32
        %mul3A_93 = arith.muli %add3A_79, %mul3A_92 : i32
        %add3A_94 = arith.constant 24 : i32
        %add3A_95 = arith.addi %mul3A_93, %add3A_94 : i32
        %multiple_of3A_96 = tpu.assume_multiple %add3A_95, 8 : i32
        %dma_wait3A_97 = arith.constant 24 : i32
        %dma_wait3A_98 = arith.constant 0 : i32
        %dma_wait3A_99 = tpu.memref_slice %arg11[%dma_wait3A_97, %dma_wait3A_98] : memref<72x128xf32, #tpu.memory_space<vmem>> -> memref<16x128xf32, #tpu.memory_space<vmem>>
        %dma_wait3A_100 = tpu.memref_slice %arg9[%multiple_of3A_96] : memref<10080xi32, #tpu.memory_space<vmem>> -> memref<16xi32, #tpu.memory_space<vmem>>
        %dma_wait3A_101 = arith.constant 0 : i32
        %dma_wait3A_102 = arith.constant 0 : i32
        %dma_wait3A_103 = tpu.memref_slice %arg2[%dma_wait3A_101, %dma_wait3A_102] : memref<10000x128xf32, #tpu.memory_space<hbm>> -> memref<10000x128xf32, #tpu.memory_space<hbm>>
        tpu.wait_indirect_dma semaphore(%arg15 : memref<!tpu.dma_semaphore, #tpu.memory_space<semaphore_mem>>) src(%dma_wait3A_103 : memref<10000x128xf32, #tpu.memory_space<hbm>>) dst(%dma_wait3A_99 : memref<16x128xf32, #tpu.memory_space<vmem>>)
        %mul3A_104 = arith.constant 72 : i32
        %mul3A_105 = arith.muli %add3A_79, %mul3A_104 : i32
        %add3A_106 = arith.constant 40 : i32
        %add3A_107 = arith.addi %mul3A_105, %add3A_106 : i32
        %multiple_of3A_108 = tpu.assume_multiple %add3A_107, 8 : i32
        %dma_wait3A_109 = arith.constant 40 : i32
        %dma_wait3A_110 = arith.constant 0 : i32
        %dma_wait3A_111 = tpu.memref_slice %arg11[%dma_wait3A_109, %dma_wait3A_110] : memref<72x128xf32, #tpu.memory_space<vmem>> -> memref<16x128xf32, #tpu.memory_space<vmem>>
        %dma_wait3A_112 = tpu.memref_slice %arg9[%multiple_of3A_108] : memref<10080xi32, #tpu.memory_space<vmem>> -> memref<16xi32, #tpu.memory_space<vmem>>
        %dma_wait3A_113 = arith.constant 0 : i32
        %dma_wait3A_114 = arith.constant 0 : i32
        %dma_wait3A_115 = tpu.memref_slice %arg2[%dma_wait3A_113, %dma_wait3A_114] : memref<10000x128xf32, #tpu.memory_space<hbm>> -> memref<10000x128xf32, #tpu.memory_space<hbm>>
        tpu.wait_indirect_dma semaphore(%arg16 : memref<!tpu.dma_semaphore, #tpu.memory_space<semaphore_mem>>) src(%dma_wait3A_115 : memref<10000x128xf32, #tpu.memory_space<hbm>>) dst(%dma_wait3A_111 : memref<16x128xf32, #tpu.memory_space<vmem>>)
        %mul3A_116 = arith.constant 72 : i32
        %mul3A_117 = arith.muli %add3A_79, %mul3A_116 : i32
        %add3A_118 = arith.constant 56 : i32
        %add3A_119 = arith.addi %mul3A_117, %add3A_118 : i32
        %multiple_of3A_120 = tpu.assume_multiple %add3A_119, 8 : i32
        %dma_wait3A_121 = arith.constant 56 : i32
        %dma_wait3A_122 = arith.constant 0 : i32
        %dma_wait3A_123 = tpu.memref_slice %arg11[%dma_wait3A_121, %dma_wait3A_122] : memref<72x128xf32, #tpu.memory_space<vmem>> -> memref<16x128xf32, #tpu.memory_space<vmem>>
        %dma_wait3A_124 = tpu.memref_slice %arg9[%multiple_of3A_120] : memref<10080xi32, #tpu.memory_space<vmem>> -> memref<16xi32, #tpu.memory_space<vmem>>
        %dma_wait3A_125 = arith.constant 0 : i32
        %dma_wait3A_126 = arith.constant 0 : i32
        %dma_wait3A_127 = tpu.memref_slice %arg2[%dma_wait3A_125, %dma_wait3A_126] : memref<10000x128xf32, #tpu.memory_space<hbm>> -> memref<10000x128xf32, #tpu.memory_space<hbm>>
        tpu.wait_indirect_dma semaphore(%arg17 : memref<!tpu.dma_semaphore, #tpu.memory_space<semaphore_mem>>) src(%dma_wait3A_127 : memref<10000x128xf32, #tpu.memory_space<hbm>>) dst(%dma_wait3A_123 : memref<16x128xf32, #tpu.memory_space<vmem>>)
        %add3A_128 = arith.constant 1 : i32
        %add3A_129 = arith.addi %add3A_79, %add3A_128 : i32
        %mul3A_130 = arith.constant 72 : i32
        %mul3A_131 = arith.muli %add3A_129, %mul3A_130 : i32
        %add3A_132 = arith.constant 0 : i32
        %add3A_133 = arith.addi %mul3A_131, %add3A_132 : i32
        %multiple_of3A_134 = tpu.assume_multiple %add3A_133, 8 : i32
        %dma_start3A_135 = arith.constant 0 : i32
        %dma_start3A_136 = arith.constant 0 : i32
        %dma_start3A_137 = tpu.memref_slice %arg12[%dma_start3A_135, %dma_start3A_136] : memref<72x128xf32, #tpu.memory_space<vmem>> -> memref<24x128xf32, #tpu.memory_space<vmem>>
        %dma_start3A_138 = tpu.memref_slice %arg9[%multiple_of3A_134] : memref<10080xi32, #tpu.memory_space<vmem>> -> memref<24xi32, #tpu.memory_space<vmem>>
        %dma_start3A_139 = arith.constant 0 : i32
        %dma_start3A_140 = arith.constant 0 : i32
        %dma_start3A_141 = tpu.memref_slice %arg2[%dma_start3A_139, %dma_start3A_140] : memref<10000x128xf32, #tpu.memory_space<hbm>> -> memref<10000x128xf32, #tpu.memory_space<hbm>>
        tpu.enqueue_indirect_dma source(%dma_start3A_141 : memref<10000x128xf32, #tpu.memory_space<hbm>>) target(%dma_start3A_137 : memref<24x128xf32, #tpu.memory_space<vmem>>) offsets(%dma_start3A_138 : memref<24xi32, #tpu.memory_space<vmem>>) semaphore(%arg18 : memref<!tpu.dma_semaphore, #tpu.memory_space<semaphore_mem>>)
        %mul3A_142 = arith.constant 72 : i32
        %mul3A_143 = arith.muli %add3A_129, %mul3A_142 : i32
        %add3A_144 = arith.constant 24 : i32
        %add3A_145 = arith.addi %mul3A_143, %add3A_144 : i32
        %multiple_of3A_146 = tpu.assume_multiple %add3A_145, 8 : i32
        %dma_start3A_147 = arith.constant 24 : i32
        %dma_start3A_148 = arith.constant 0 : i32
        %dma_start3A_149 = tpu.memref_slice %arg12[%dma_start3A_147, %dma_start3A_148] : memref<72x128xf32, #tpu.memory_space<vmem>> -> memref<16x128xf32, #tpu.memory_space<vmem>>
        %dma_start3A_150 = tpu.memref_slice %arg9[%multiple_of3A_146] : memref<10080xi32, #tpu.memory_space<vmem>> -> memref<16xi32, #tpu.memory_space<vmem>>
        %dma_start3A_151 = arith.constant 0 : i32
        %dma_start3A_152 = arith.constant 0 : i32
        %dma_start3A_153 = tpu.memref_slice %arg2[%dma_start3A_151, %dma_start3A_152] : memref<10000x128xf32, #tpu.memory_space<hbm>> -> memref<10000x128xf32, #tpu.memory_space<hbm>>
        tpu.enqueue_indirect_dma source(%dma_start3A_153 : memref<10000x128xf32, #tpu.memory_space<hbm>>) target(%dma_start3A_149 : memref<16x128xf32, #tpu.memory_space<vmem>>) offsets(%dma_start3A_150 : memref<16xi32, #tpu.memory_space<vmem>>) semaphore(%arg19 : memref<!tpu.dma_semaphore, #tpu.memory_space<semaphore_mem>>)
        %mul3A_154 = arith.constant 72 : i32
        %mul3A_155 = arith.muli %add3A_129, %mul3A_154 : i32
        %add3A_156 = arith.constant 40 : i32
        %add3A_157 = arith.addi %mul3A_155, %add3A_156 : i32
        %multiple_of3A_158 = tpu.assume_multiple %add3A_157, 8 : i32
        %dma_start3A_159 = arith.constant 40 : i32
        %dma_start3A_160 = arith.constant 0 : i32
        %dma_start3A_161 = tpu.memref_slice %arg12[%dma_start3A_159, %dma_start3A_160] : memref<72x128xf32, #tpu.memory_space<vmem>> -> memref<16x128xf32, #tpu.memory_space<vmem>>
        %dma_start3A_162 = tpu.memref_slice %arg9[%multiple_of3A_158] : memref<10080xi32, #tpu.memory_space<vmem>> -> memref<16xi32, #tpu.memory_space<vmem>>
        %dma_start3A_163 = arith.constant 0 : i32
        %dma_start3A_164 = arith.constant 0 : i32
        %dma_start3A_165 = tpu.memref_slice %arg2[%dma_start3A_163, %dma_start3A_164] : memref<10000x128xf32, #tpu.memory_space<hbm>> -> memref<10000x128xf32, #tpu.memory_space<hbm>>
        tpu.enqueue_indirect_dma source(%dma_start3A_165 : memref<10000x128xf32, #tpu.memory_space<hbm>>) target(%dma_start3A_161 : memref<16x128xf32, #tpu.memory_space<vmem>>) offsets(%dma_start3A_162 : memref<16xi32, #tpu.memory_space<vmem>>) semaphore(%arg20 : memref<!tpu.dma_semaphore, #tpu.memory_space<semaphore_mem>>)
        %mul3A_166 = arith.constant 72 : i32
        %mul3A_167 = arith.muli %add3A_129, %mul3A_166 : i32
        %add3A_168 = arith.constant 56 : i32
        %add3A_169 = arith.addi %mul3A_167, %add3A_168 : i32
        %multiple_of3A_170 = tpu.assume_multiple %add3A_169, 8 : i32
        %dma_start3A_171 = arith.constant 56 : i32
        %dma_start3A_172 = arith.constant 0 : i32
        %dma_start3A_173 = tpu.memref_slice %arg12[%dma_start3A_171, %dma_start3A_172] : memref<72x128xf32, #tpu.memory_space<vmem>> -> memref<16x128xf32, #tpu.memory_space<vmem>>
        %dma_start3A_174 = tpu.memref_slice %arg9[%multiple_of3A_170] : memref<10080xi32, #tpu.memory_space<vmem>> -> memref<16xi32, #tpu.memory_space<vmem>>
        %dma_start3A_175 = arith.constant 0 : i32
        %dma_start3A_176 = arith.constant 0 : i32
        %dma_start3A_177 = tpu.memref_slice %arg2[%dma_start3A_175, %dma_start3A_176] : memref<10000x128xf32, #tpu.memory_space<hbm>> -> memref<10000x128xf32, #tpu.memory_space<hbm>>
        tpu.enqueue_indirect_dma source(%dma_start3A_177 : memref<10000x128xf32, #tpu.memory_space<hbm>>) target(%dma_start3A_173 : memref<16x128xf32, #tpu.memory_space<vmem>>) offsets(%dma_start3A_174 : memref<16xi32, #tpu.memory_space<vmem>>) semaphore(%arg21 : memref<!tpu.dma_semaphore, #tpu.memory_space<semaphore_mem>>)
        %mul3A_178 = arith.constant 72 : i32
        %mul3A_179 = arith.muli %add3A_79, %mul3A_178 : i32
        %multiple_of3A_180 = tpu.assume_multiple %mul3A_179, 8 : i32
        "tpu.region"() ({
          %run_scoped3A = tpu.sem_alloc : memref<!tpu.dma_semaphore, #tpu.memory_space<semaphore_mem>>
          %dma_start3A_242 = tpu.memref_slice %arg10[%multiple_of3A_180] : memref<10080xi32, #tpu.memory_space<vmem>> -> memref<72xi32, #tpu.memory_space<vmem>>
          %dma_start3A_243 = arith.constant 0 : i32
          %dma_start3A_244 = arith.constant 0 : i32
          %dma_start3A_245 = tpu.memref_slice %arg13[%dma_start3A_243, %dma_start3A_244] : memref<10112x128xf32, #tpu.memory_space<vmem_shared>> -> memref<10112x128xf32, #tpu.memory_space<vmem_shared>>
          tpu.enqueue_indirect_dma source(%arg11 : memref<72x128xf32, #tpu.memory_space<vmem>>) target(%dma_start3A_245 : memref<10112x128xf32, #tpu.memory_space<vmem_shared>>) offsets(%dma_start3A_242 : memref<72xi32, #tpu.memory_space<vmem>>) semaphore(%run_scoped3A : memref<!tpu.dma_semaphore, #tpu.memory_space<semaphore_mem>>) {add = true}
          %dma_wait3A_246 = tpu.memref_slice %arg10[%multiple_of3A_180] : memref<10080xi32, #tpu.memory_space<vmem>> -> memref<72xi32, #tpu.memory_space<vmem>>
          %dma_wait3A_247 = arith.constant 0 : i32
          %dma_wait3A_248 = arith.constant 0 : i32
          %dma_wait3A_249 = tpu.memref_slice %arg13[%dma_wait3A_247, %dma_wait3A_248] : memref<10112x128xf32, #tpu.memory_space<vmem_shared>> -> memref<10112x128xf32, #tpu.memory_space<vmem_shared>>
          tpu.wait_indirect_dma semaphore(%run_scoped3A : memref<!tpu.dma_semaphore, #tpu.memory_space<semaphore_mem>>) src(%arg11 : memref<72x128xf32, #tpu.memory_space<vmem>>) dst(%dma_wait3A_249 : memref<10112x128xf32, #tpu.memory_space<vmem_shared>>)
          tpu.yield
        }) : () -> ()
        %add3A_181 = arith.constant 1 : i32
        %add3A_182 = arith.addi %add3A_79, %add3A_181 : i32
        %mul3A_183 = arith.constant 72 : i32
        %mul3A_184 = arith.muli %add3A_182, %mul3A_183 : i32
        %add3A_185 = arith.constant 0 : i32
        %add3A_186 = arith.addi %mul3A_184, %add3A_185 : i32
        %multiple_of3A_187 = tpu.assume_multiple %add3A_186, 8 : i32
        %dma_wait3A_188 = arith.constant 0 : i32
        %dma_wait3A_189 = arith.constant 0 : i32
        %dma_wait3A_190 = tpu.memref_slice %arg12[%dma_wait3A_188, %dma_wait3A_189] : memref<72x128xf32, #tpu.memory_space<vmem>> -> memref<24x128xf32, #tpu.memory_space<vmem>>
        %dma_wait3A_191 = tpu.memref_slice %arg9[%multiple_of3A_187] : memref<10080xi32, #tpu.memory_space<vmem>> -> memref<24xi32, #tpu.memory_space<vmem>>
        %dma_wait3A_192 = arith.constant 0 : i32
        %dma_wait3A_193 = arith.constant 0 : i32
        %dma_wait3A_194 = tpu.memref_slice %arg2[%dma_wait3A_192, %dma_wait3A_193] : memref<10000x128xf32, #tpu.memory_space<hbm>> -> memref<10000x128xf32, #tpu.memory_space<hbm>>
        tpu.wait_indirect_dma semaphore(%arg18 : memref<!tpu.dma_semaphore, #tpu.memory_space<semaphore_mem>>) src(%dma_wait3A_194 : memref<10000x128xf32, #tpu.memory_space<hbm>>) dst(%dma_wait3A_190 : memref<24x128xf32, #tpu.memory_space<vmem>>)
        %mul3A_195 = arith.constant 72 : i32
        %mul3A_196 = arith.muli %add3A_182, %mul3A_195 : i32
        %add3A_197 = arith.constant 24 : i32
        %add3A_198 = arith.addi %mul3A_196, %add3A_197 : i32
        %multiple_of3A_199 = tpu.assume_multiple %add3A_198, 8 : i32
        %dma_wait3A_200 = arith.constant 24 : i32
        %dma_wait3A_201 = arith.constant 0 : i32
        %dma_wait3A_202 = tpu.memref_slice %arg12[%dma_wait3A_200, %dma_wait3A_201] : memref<72x128xf32, #tpu.memory_space<vmem>> -> memref<16x128xf32, #tpu.memory_space<vmem>>
        %dma_wait3A_203 = tpu.memref_slice %arg9[%multiple_of3A_199] : memref<10080xi32, #tpu.memory_space<vmem>> -> memref<16xi32, #tpu.memory_space<vmem>>
        %dma_wait3A_204 = arith.constant 0 : i32
        %dma_wait3A_205 = arith.constant 0 : i32
        %dma_wait3A_206 = tpu.memref_slice %arg2[%dma_wait3A_204, %dma_wait3A_205] : memref<10000x128xf32, #tpu.memory_space<hbm>> -> memref<10000x128xf32, #tpu.memory_space<hbm>>
        tpu.wait_indirect_dma semaphore(%arg19 : memref<!tpu.dma_semaphore, #tpu.memory_space<semaphore_mem>>) src(%dma_wait3A_206 : memref<10000x128xf32, #tpu.memory_space<hbm>>) dst(%dma_wait3A_202 : memref<16x128xf32, #tpu.memory_space<vmem>>)
        %mul3A_207 = arith.constant 72 : i32
        %mul3A_208 = arith.muli %add3A_182, %mul3A_207 : i32
        %add3A_209 = arith.constant 40 : i32
        %add3A_210 = arith.addi %mul3A_208, %add3A_209 : i32
        %multiple_of3A_211 = tpu.assume_multiple %add3A_210, 8 : i32
        %dma_wait3A_212 = arith.constant 40 : i32
        %dma_wait3A_213 = arith.constant 0 : i32
        %dma_wait3A_214 = tpu.memref_slice %arg12[%dma_wait3A_212, %dma_wait3A_213] : memref<72x128xf32, #tpu.memory_space<vmem>> -> memref<16x128xf32, #tpu.memory_space<vmem>>
        %dma_wait3A_215 = tpu.memref_slice %arg9[%multiple_of3A_211] : memref<10080xi32, #tpu.memory_space<vmem>> -> memref<16xi32, #tpu.memory_space<vmem>>
        %dma_wait3A_216 = arith.constant 0 : i32
        %dma_wait3A_217 = arith.constant 0 : i32
        %dma_wait3A_218 = tpu.memref_slice %arg2[%dma_wait3A_216, %dma_wait3A_217] : memref<10000x128xf32, #tpu.memory_space<hbm>> -> memref<10000x128xf32, #tpu.memory_space<hbm>>
        tpu.wait_indirect_dma semaphore(%arg20 : memref<!tpu.dma_semaphore, #tpu.memory_space<semaphore_mem>>) src(%dma_wait3A_218 : memref<10000x128xf32, #tpu.memory_space<hbm>>) dst(%dma_wait3A_214 : memref<16x128xf32, #tpu.memory_space<vmem>>)
        %mul3A_219 = arith.constant 72 : i32
        %mul3A_220 = arith.muli %add3A_182, %mul3A_219 : i32
        %add3A_221 = arith.constant 56 : i32
        %add3A_222 = arith.addi %mul3A_220, %add3A_221 : i32
        %multiple_of3A_223 = tpu.assume_multiple %add3A_222, 8 : i32
        %dma_wait3A_224 = arith.constant 56 : i32
        %dma_wait3A_225 = arith.constant 0 : i32
        %dma_wait3A_226 = tpu.memref_slice %arg12[%dma_wait3A_224, %dma_wait3A_225] : memref<72x128xf32, #tpu.memory_space<vmem>> -> memref<16x128xf32, #tpu.memory_space<vmem>>
        %dma_wait3A_227 = tpu.memref_slice %arg9[%multiple_of3A_223] : memref<10080xi32, #tpu.memory_space<vmem>> -> memref<16xi32, #tpu.memory_space<vmem>>
        %dma_wait3A_228 = arith.constant 0 : i32
        %dma_wait3A_229 = arith.constant 0 : i32
        %dma_wait3A_230 = tpu.memref_slice %arg2[%dma_wait3A_228, %dma_wait3A_229] : memref<10000x128xf32, #tpu.memory_space<hbm>> -> memref<10000x128xf32, #tpu.memory_space<hbm>>
        tpu.wait_indirect_dma semaphore(%arg21 : memref<!tpu.dma_semaphore, #tpu.memory_space<semaphore_mem>>) src(%dma_wait3A_230 : memref<10000x128xf32, #tpu.memory_space<hbm>>) dst(%dma_wait3A_226 : memref<16x128xf32, #tpu.memory_space<vmem>>)
        %add3A_231 = arith.constant 2 : i32
        %add3A_232 = arith.addi %add3A_79, %add3A_231 : i32
        %lt3A = arith.constant 140 : i32
        %lt3A_233 = arith.cmpi slt, %add3A_232, %lt3A : i32
        %convert_element_type3A_234 = arith.extui %lt3A_233 : i1 to i32
        %cond3A_235 = arith.constant 0 : i32
        %cond3A_236 = arith.cmpi ne, %convert_element_type3A_234, %cond3A_235 : i32
        scf.if %cond3A_236 {
          %add3A_242 = arith.constant 2 : i32
          %add3A_243 = arith.addi %add3A_79, %add3A_242 : i32
          %mul3A_244 = arith.constant 72 : i32
          %mul3A_245 = arith.muli %add3A_243, %mul3A_244 : i32
          %add3A_246 = arith.constant 0 : i32
          %add3A_247 = arith.addi %mul3A_245, %add3A_246 : i32
          %multiple_of3A_248 = tpu.assume_multiple %add3A_247, 8 : i32
          %dma_start3A_249 = arith.constant 0 : i32
          %dma_start3A_250 = arith.constant 0 : i32
          %dma_start3A_251 = tpu.memref_slice %arg11[%dma_start3A_249, %dma_start3A_250] : memref<72x128xf32, #tpu.memory_space<vmem>> -> memref<24x128xf32, #tpu.memory_space<vmem>>
          %dma_start3A_252 = tpu.memref_slice %arg9[%multiple_of3A_248] : memref<10080xi32, #tpu.memory_space<vmem>> -> memref<24xi32, #tpu.memory_space<vmem>>
          %dma_start3A_253 = arith.constant 0 : i32
          %dma_start3A_254 = arith.constant 0 : i32
          %dma_start3A_255 = tpu.memref_slice %arg2[%dma_start3A_253, %dma_start3A_254] : memref<10000x128xf32, #tpu.memory_space<hbm>> -> memref<10000x128xf32, #tpu.memory_space<hbm>>
          tpu.enqueue_indirect_dma source(%dma_start3A_255 : memref<10000x128xf32, #tpu.memory_space<hbm>>) target(%dma_start3A_251 : memref<24x128xf32, #tpu.memory_space<vmem>>) offsets(%dma_start3A_252 : memref<24xi32, #tpu.memory_space<vmem>>) semaphore(%arg14 : memref<!tpu.dma_semaphore, #tpu.memory_space<semaphore_mem>>)
          %mul3A_256 = arith.constant 72 : i32
          %mul3A_257 = arith.muli %add3A_243, %mul3A_256 : i32
          %add3A_258 = arith.constant 24 : i32
          %add3A_259 = arith.addi %mul3A_257, %add3A_258 : i32
          %multiple_of3A_260 = tpu.assume_multiple %add3A_259, 8 : i32
          %dma_start3A_261 = arith.constant 24 : i32
          %dma_start3A_262 = arith.constant 0 : i32
          %dma_start3A_263 = tpu.memref_slice %arg11[%dma_start3A_261, %dma_start3A_262] : memref<72x128xf32, #tpu.memory_space<vmem>> -> memref<16x128xf32, #tpu.memory_space<vmem>>
          %dma_start3A_264 = tpu.memref_slice %arg9[%multiple_of3A_260] : memref<10080xi32, #tpu.memory_space<vmem>> -> memref<16xi32, #tpu.memory_space<vmem>>
          %dma_start3A_265 = arith.constant 0 : i32
          %dma_start3A_266 = arith.constant 0 : i32
          %dma_start3A_267 = tpu.memref_slice %arg2[%dma_start3A_265, %dma_start3A_266] : memref<10000x128xf32, #tpu.memory_space<hbm>> -> memref<10000x128xf32, #tpu.memory_space<hbm>>
          tpu.enqueue_indirect_dma source(%dma_start3A_267 : memref<10000x128xf32, #tpu.memory_space<hbm>>) target(%dma_start3A_263 : memref<16x128xf32, #tpu.memory_space<vmem>>) offsets(%dma_start3A_264 : memref<16xi32, #tpu.memory_space<vmem>>) semaphore(%arg15 : memref<!tpu.dma_semaphore, #tpu.memory_space<semaphore_mem>>)
          %mul3A_268 = arith.constant 72 : i32
          %mul3A_269 = arith.muli %add3A_243, %mul3A_268 : i32
          %add3A_270 = arith.constant 40 : i32
          %add3A_271 = arith.addi %mul3A_269, %add3A_270 : i32
          %multiple_of3A_272 = tpu.assume_multiple %add3A_271, 8 : i32
          %dma_start3A_273 = arith.constant 40 : i32
          %dma_start3A_274 = arith.constant 0 : i32
          %dma_start3A_275 = tpu.memref_slice %arg11[%dma_start3A_273, %dma_start3A_274] : memref<72x128xf32, #tpu.memory_space<vmem>> -> memref<16x128xf32, #tpu.memory_space<vmem>>
          %dma_start3A_276 = tpu.memref_slice %arg9[%multiple_of3A_272] : memref<10080xi32, #tpu.memory_space<vmem>> -> memref<16xi32, #tpu.memory_space<vmem>>
          %dma_start3A_277 = arith.constant 0 : i32
          %dma_start3A_278 = arith.constant 0 : i32
          %dma_start3A_279 = tpu.memref_slice %arg2[%dma_start3A_277, %dma_start3A_278] : memref<10000x128xf32, #tpu.memory_space<hbm>> -> memref<10000x128xf32, #tpu.memory_space<hbm>>
          tpu.enqueue_indirect_dma source(%dma_start3A_279 : memref<10000x128xf32, #tpu.memory_space<hbm>>) target(%dma_start3A_275 : memref<16x128xf32, #tpu.memory_space<vmem>>) offsets(%dma_start3A_276 : memref<16xi32, #tpu.memory_space<vmem>>) semaphore(%arg16 : memref<!tpu.dma_semaphore, #tpu.memory_space<semaphore_mem>>)
          %mul3A_280 = arith.constant 72 : i32
          %mul3A_281 = arith.muli %add3A_243, %mul3A_280 : i32
          %add3A_282 = arith.constant 56 : i32
          %add3A_283 = arith.addi %mul3A_281, %add3A_282 : i32
          %multiple_of3A_284 = tpu.assume_multiple %add3A_283, 8 : i32
          %dma_start3A_285 = arith.constant 56 : i32
          %dma_start3A_286 = arith.constant 0 : i32
          %dma_start3A_287 = tpu.memref_slice %arg11[%dma_start3A_285, %dma_start3A_286] : memref<72x128xf32, #tpu.memory_space<vmem>> -> memref<16x128xf32, #tpu.memory_space<vmem>>
          %dma_start3A_288 = tpu.memref_slice %arg9[%multiple_of3A_284] : memref<10080xi32, #tpu.memory_space<vmem>> -> memref<16xi32, #tpu.memory_space<vmem>>
          %dma_start3A_289 = arith.constant 0 : i32
          %dma_start3A_290 = arith.constant 0 : i32
          %dma_start3A_291 = tpu.memref_slice %arg2[%dma_start3A_289, %dma_start3A_290] : memref<10000x128xf32, #tpu.memory_space<hbm>> -> memref<10000x128xf32, #tpu.memory_space<hbm>>
          tpu.enqueue_indirect_dma source(%dma_start3A_291 : memref<10000x128xf32, #tpu.memory_space<hbm>>) target(%dma_start3A_287 : memref<16x128xf32, #tpu.memory_space<vmem>>) offsets(%dma_start3A_288 : memref<16xi32, #tpu.memory_space<vmem>>) semaphore(%arg17 : memref<!tpu.dma_semaphore, #tpu.memory_space<semaphore_mem>>)
        } else {
        }
        %add3A_237 = arith.constant 1 : i32
        %add3A_238 = arith.addi %add3A_79, %add3A_237 : i32
        %mul3A_239 = arith.constant 72 : i32
        %mul3A_240 = arith.muli %add3A_238, %mul3A_239 : i32
        %multiple_of3A_241 = tpu.assume_multiple %mul3A_240, 8 : i32
        "tpu.region"() ({
          %run_scoped3A = tpu.sem_alloc : memref<!tpu.dma_semaphore, #tpu.memory_space<semaphore_mem>>
          %dma_start3A_242 = tpu.memref_slice %arg10[%multiple_of3A_241] : memref<10080xi32, #tpu.memory_space<vmem>> -> memref<72xi32, #tpu.memory_space<vmem>>
          %dma_start3A_243 = arith.constant 0 : i32
          %dma_start3A_244 = arith.constant 0 : i32
          %dma_start3A_245 = tpu.memref_slice %arg13[%dma_start3A_243, %dma_start3A_244] : memref<10112x128xf32, #tpu.memory_space<vmem_shared>> -> memref<10112x128xf32, #tpu.memory_space<vmem_shared>>
          tpu.enqueue_indirect_dma source(%arg12 : memref<72x128xf32, #tpu.memory_space<vmem>>) target(%dma_start3A_245 : memref<10112x128xf32, #tpu.memory_space<vmem_shared>>) offsets(%dma_start3A_242 : memref<72xi32, #tpu.memory_space<vmem>>) semaphore(%run_scoped3A : memref<!tpu.dma_semaphore, #tpu.memory_space<semaphore_mem>>) {add = true}
          %dma_wait3A_246 = tpu.memref_slice %arg10[%multiple_of3A_241] : memref<10080xi32, #tpu.memory_space<vmem>> -> memref<72xi32, #tpu.memory_space<vmem>>
          %dma_wait3A_247 = arith.constant 0 : i32
          %dma_wait3A_248 = arith.constant 0 : i32
          %dma_wait3A_249 = tpu.memref_slice %arg13[%dma_wait3A_247, %dma_wait3A_248] : memref<10112x128xf32, #tpu.memory_space<vmem_shared>> -> memref<10112x128xf32, #tpu.memory_space<vmem_shared>>
          tpu.wait_indirect_dma semaphore(%run_scoped3A : memref<!tpu.dma_semaphore, #tpu.memory_space<semaphore_mem>>) src(%arg12 : memref<72x128xf32, #tpu.memory_space<vmem>>) dst(%dma_wait3A_249 : memref<10112x128xf32, #tpu.memory_space<vmem_shared>>)
          tpu.yield
        }) : () -> ()
      }
      %scan3A_75 = arith.constant 70 : i32
    } else {
    }
    %eq3A_20 = arith.constant 1 : i32
    %eq3A_21 = arith.cmpi eq, %arg0, %eq3A_20 : i32
    %convert_element_type3A_22 = arith.extui %eq3A_21 : i1 to i32
    %cond3A_23 = arith.constant 0 : i32
    %cond3A_24 = arith.cmpi ne, %convert_element_type3A_22, %cond3A_23 : i32
    scf.if %cond3A_24 {
      %multiple_of3A_36 = arith.constant 0 : i32
      %multiple_of3A_37 = tpu.assume_multiple %multiple_of3A_36, 8 : i32
      %dma_start3A_38 = arith.constant 0 : i32
      %dma_start3A_39 = arith.constant 0 : i32
      %dma_start3A_40 = tpu.memref_slice %arg11[%dma_start3A_38, %dma_start3A_39] : memref<72x128xf32, #tpu.memory_space<vmem>> -> memref<24x128xf32, #tpu.memory_space<vmem>>
      %dma_start3A_41 = tpu.memref_slice %arg9[%multiple_of3A_37] : memref<10080xi32, #tpu.memory_space<vmem>> -> memref<24xi32, #tpu.memory_space<vmem>>
      %dma_start3A_42 = arith.constant 0 : i32
      %dma_start3A_43 = arith.constant 0 : i32
      %dma_start3A_44 = tpu.memref_slice %arg3[%dma_start3A_42, %dma_start3A_43] : memref<10000x128xf32, #tpu.memory_space<hbm>> -> memref<10000x128xf32, #tpu.memory_space<hbm>>
      tpu.enqueue_indirect_dma source(%dma_start3A_44 : memref<10000x128xf32, #tpu.memory_space<hbm>>) target(%dma_start3A_40 : memref<24x128xf32, #tpu.memory_space<vmem>>) offsets(%dma_start3A_41 : memref<24xi32, #tpu.memory_space<vmem>>) semaphore(%arg14 : memref<!tpu.dma_semaphore, #tpu.memory_space<semaphore_mem>>)
      %multiple_of3A_45 = arith.constant 24 : i32
      %multiple_of3A_46 = tpu.assume_multiple %multiple_of3A_45, 8 : i32
      %dma_start3A_47 = arith.constant 24 : i32
      %dma_start3A_48 = arith.constant 0 : i32
      %dma_start3A_49 = tpu.memref_slice %arg11[%dma_start3A_47, %dma_start3A_48] : memref<72x128xf32, #tpu.memory_space<vmem>> -> memref<16x128xf32, #tpu.memory_space<vmem>>
      %dma_start3A_50 = tpu.memref_slice %arg9[%multiple_of3A_46] : memref<10080xi32, #tpu.memory_space<vmem>> -> memref<16xi32, #tpu.memory_space<vmem>>
      %dma_start3A_51 = arith.constant 0 : i32
      %dma_start3A_52 = arith.constant 0 : i32
      %dma_start3A_53 = tpu.memref_slice %arg3[%dma_start3A_51, %dma_start3A_52] : memref<10000x128xf32, #tpu.memory_space<hbm>> -> memref<10000x128xf32, #tpu.memory_space<hbm>>
      tpu.enqueue_indirect_dma source(%dma_start3A_53 : memref<10000x128xf32, #tpu.memory_space<hbm>>) target(%dma_start3A_49 : memref<16x128xf32, #tpu.memory_space<vmem>>) offsets(%dma_start3A_50 : memref<16xi32, #tpu.memory_space<vmem>>) semaphore(%arg15 : memref<!tpu.dma_semaphore, #tpu.memory_space<semaphore_mem>>)
      %multiple_of3A_54 = arith.constant 40 : i32
      %multiple_of3A_55 = tpu.assume_multiple %multiple_of3A_54, 8 : i32
      %dma_start3A_56 = arith.constant 40 : i32
      %dma_start3A_57 = arith.constant 0 : i32
      %dma_start3A_58 = tpu.memref_slice %arg11[%dma_start3A_56, %dma_start3A_57] : memref<72x128xf32, #tpu.memory_space<vmem>> -> memref<16x128xf32, #tpu.memory_space<vmem>>
      %dma_start3A_59 = tpu.memref_slice %arg9[%multiple_of3A_55] : memref<10080xi32, #tpu.memory_space<vmem>> -> memref<16xi32, #tpu.memory_space<vmem>>
      %dma_start3A_60 = arith.constant 0 : i32
      %dma_start3A_61 = arith.constant 0 : i32
      %dma_start3A_62 = tpu.memref_slice %arg3[%dma_start3A_60, %dma_start3A_61] : memref<10000x128xf32, #tpu.memory_space<hbm>> -> memref<10000x128xf32, #tpu.memory_space<hbm>>
      tpu.enqueue_indirect_dma source(%dma_start3A_62 : memref<10000x128xf32, #tpu.memory_space<hbm>>) target(%dma_start3A_58 : memref<16x128xf32, #tpu.memory_space<vmem>>) offsets(%dma_start3A_59 : memref<16xi32, #tpu.memory_space<vmem>>) semaphore(%arg16 : memref<!tpu.dma_semaphore, #tpu.memory_space<semaphore_mem>>)
      %multiple_of3A_63 = arith.constant 56 : i32
      %multiple_of3A_64 = tpu.assume_multiple %multiple_of3A_63, 8 : i32
      %dma_start3A_65 = arith.constant 56 : i32
      %dma_start3A_66 = arith.constant 0 : i32
      %dma_start3A_67 = tpu.memref_slice %arg11[%dma_start3A_65, %dma_start3A_66] : memref<72x128xf32, #tpu.memory_space<vmem>> -> memref<16x128xf32, #tpu.memory_space<vmem>>
      %dma_start3A_68 = tpu.memref_slice %arg9[%multiple_of3A_64] : memref<10080xi32, #tpu.memory_space<vmem>> -> memref<16xi32, #tpu.memory_space<vmem>>
      %dma_start3A_69 = arith.constant 0 : i32
      %dma_start3A_70 = arith.constant 0 : i32
      %dma_start3A_71 = tpu.memref_slice %arg3[%dma_start3A_69, %dma_start3A_70] : memref<10000x128xf32, #tpu.memory_space<hbm>> -> memref<10000x128xf32, #tpu.memory_space<hbm>>
      tpu.enqueue_indirect_dma source(%dma_start3A_71 : memref<10000x128xf32, #tpu.memory_space<hbm>>) target(%dma_start3A_67 : memref<16x128xf32, #tpu.memory_space<vmem>>) offsets(%dma_start3A_68 : memref<16xi32, #tpu.memory_space<vmem>>) semaphore(%arg17 : memref<!tpu.dma_semaphore, #tpu.memory_space<semaphore_mem>>)
      %scan3A = arith.constant 0 : i32
      %scan3A_72 = arith.constant 70 : i32
      %scan3A_73 = arith.addi %scan3A, %scan3A_72 : i32
      %scan3A_74 = arith.constant 1 : i32
      scf.for %scan3A_76 = %scan3A to %scan3A_73 step %scan3A_74  : i32 {
        %mul3A_77 = arith.constant 2 : i32
        %mul3A_78 = arith.muli %scan3A_76, %mul3A_77 : i32
        %add3A = arith.constant 0 : i32
        %add3A_79 = arith.addi %add3A, %mul3A_78 : i32
        %mul3A_80 = arith.constant 72 : i32
        %mul3A_81 = arith.muli %add3A_79, %mul3A_80 : i32
        %add3A_82 = arith.constant 0 : i32
        %add3A_83 = arith.addi %mul3A_81, %add3A_82 : i32
        %multiple_of3A_84 = tpu.assume_multiple %add3A_83, 8 : i32
        %dma_wait3A_85 = arith.constant 0 : i32
        %dma_wait3A_86 = arith.constant 0 : i32
        %dma_wait3A_87 = tpu.memref_slice %arg11[%dma_wait3A_85, %dma_wait3A_86] : memref<72x128xf32, #tpu.memory_space<vmem>> -> memref<24x128xf32, #tpu.memory_space<vmem>>
        %dma_wait3A_88 = tpu.memref_slice %arg9[%multiple_of3A_84] : memref<10080xi32, #tpu.memory_space<vmem>> -> memref<24xi32, #tpu.memory_space<vmem>>
        %dma_wait3A_89 = arith.constant 0 : i32
        %dma_wait3A_90 = arith.constant 0 : i32
        %dma_wait3A_91 = tpu.memref_slice %arg3[%dma_wait3A_89, %dma_wait3A_90] : memref<10000x128xf32, #tpu.memory_space<hbm>> -> memref<10000x128xf32, #tpu.memory_space<hbm>>
        tpu.wait_indirect_dma semaphore(%arg14 : memref<!tpu.dma_semaphore, #tpu.memory_space<semaphore_mem>>) src(%dma_wait3A_91 : memref<10000x128xf32, #tpu.memory_space<hbm>>) dst(%dma_wait3A_87 : memref<24x128xf32, #tpu.memory_space<vmem>>)
        %mul3A_92 = arith.constant 72 : i32
        %mul3A_93 = arith.muli %add3A_79, %mul3A_92 : i32
        %add3A_94 = arith.constant 24 : i32
        %add3A_95 = arith.addi %mul3A_93, %add3A_94 : i32
        %multiple_of3A_96 = tpu.assume_multiple %add3A_95, 8 : i32
        %dma_wait3A_97 = arith.constant 24 : i32
        %dma_wait3A_98 = arith.constant 0 : i32
        %dma_wait3A_99 = tpu.memref_slice %arg11[%dma_wait3A_97, %dma_wait3A_98] : memref<72x128xf32, #tpu.memory_space<vmem>> -> memref<16x128xf32, #tpu.memory_space<vmem>>
        %dma_wait3A_100 = tpu.memref_slice %arg9[%multiple_of3A_96] : memref<10080xi32, #tpu.memory_space<vmem>> -> memref<16xi32, #tpu.memory_space<vmem>>
        %dma_wait3A_101 = arith.constant 0 : i32
        %dma_wait3A_102 = arith.constant 0 : i32
        %dma_wait3A_103 = tpu.memref_slice %arg3[%dma_wait3A_101, %dma_wait3A_102] : memref<10000x128xf32, #tpu.memory_space<hbm>> -> memref<10000x128xf32, #tpu.memory_space<hbm>>
        tpu.wait_indirect_dma semaphore(%arg15 : memref<!tpu.dma_semaphore, #tpu.memory_space<semaphore_mem>>) src(%dma_wait3A_103 : memref<10000x128xf32, #tpu.memory_space<hbm>>) dst(%dma_wait3A_99 : memref<16x128xf32, #tpu.memory_space<vmem>>)
        %mul3A_104 = arith.constant 72 : i32
        %mul3A_105 = arith.muli %add3A_79, %mul3A_104 : i32
        %add3A_106 = arith.constant 40 : i32
        %add3A_107 = arith.addi %mul3A_105, %add3A_106 : i32
        %multiple_of3A_108 = tpu.assume_multiple %add3A_107, 8 : i32
        %dma_wait3A_109 = arith.constant 40 : i32
        %dma_wait3A_110 = arith.constant 0 : i32
        %dma_wait3A_111 = tpu.memref_slice %arg11[%dma_wait3A_109, %dma_wait3A_110] : memref<72x128xf32, #tpu.memory_space<vmem>> -> memref<16x128xf32, #tpu.memory_space<vmem>>
        %dma_wait3A_112 = tpu.memref_slice %arg9[%multiple_of3A_108] : memref<10080xi32, #tpu.memory_space<vmem>> -> memref<16xi32, #tpu.memory_space<vmem>>
        %dma_wait3A_113 = arith.constant 0 : i32
        %dma_wait3A_114 = arith.constant 0 : i32
        %dma_wait3A_115 = tpu.memref_slice %arg3[%dma_wait3A_113, %dma_wait3A_114] : memref<10000x128xf32, #tpu.memory_space<hbm>> -> memref<10000x128xf32, #tpu.memory_space<hbm>>
        tpu.wait_indirect_dma semaphore(%arg16 : memref<!tpu.dma_semaphore, #tpu.memory_space<semaphore_mem>>) src(%dma_wait3A_115 : memref<10000x128xf32, #tpu.memory_space<hbm>>) dst(%dma_wait3A_111 : memref<16x128xf32, #tpu.memory_space<vmem>>)
        %mul3A_116 = arith.constant 72 : i32
        %mul3A_117 = arith.muli %add3A_79, %mul3A_116 : i32
        %add3A_118 = arith.constant 56 : i32
        %add3A_119 = arith.addi %mul3A_117, %add3A_118 : i32
        %multiple_of3A_120 = tpu.assume_multiple %add3A_119, 8 : i32
        %dma_wait3A_121 = arith.constant 56 : i32
        %dma_wait3A_122 = arith.constant 0 : i32
        %dma_wait3A_123 = tpu.memref_slice %arg11[%dma_wait3A_121, %dma_wait3A_122] : memref<72x128xf32, #tpu.memory_space<vmem>> -> memref<16x128xf32, #tpu.memory_space<vmem>>
        %dma_wait3A_124 = tpu.memref_slice %arg9[%multiple_of3A_120] : memref<10080xi32, #tpu.memory_space<vmem>> -> memref<16xi32, #tpu.memory_space<vmem>>
        %dma_wait3A_125 = arith.constant 0 : i32
        %dma_wait3A_126 = arith.constant 0 : i32
        %dma_wait3A_127 = tpu.memref_slice %arg3[%dma_wait3A_125, %dma_wait3A_126] : memref<10000x128xf32, #tpu.memory_space<hbm>> -> memref<10000x128xf32, #tpu.memory_space<hbm>>
        tpu.wait_indirect_dma semaphore(%arg17 : memref<!tpu.dma_semaphore, #tpu.memory_space<semaphore_mem>>) src(%dma_wait3A_127 : memref<10000x128xf32, #tpu.memory_space<hbm>>) dst(%dma_wait3A_123 : memref<16x128xf32, #tpu.memory_space<vmem>>)
        %add3A_128 = arith.constant 1 : i32
        %add3A_129 = arith.addi %add3A_79, %add3A_128 : i32
        %mul3A_130 = arith.constant 72 : i32
        %mul3A_131 = arith.muli %add3A_129, %mul3A_130 : i32
        %add3A_132 = arith.constant 0 : i32
        %add3A_133 = arith.addi %mul3A_131, %add3A_132 : i32
        %multiple_of3A_134 = tpu.assume_multiple %add3A_133, 8 : i32
        %dma_start3A_135 = arith.constant 0 : i32
        %dma_start3A_136 = arith.constant 0 : i32
        %dma_start3A_137 = tpu.memref_slice %arg12[%dma_start3A_135, %dma_start3A_136] : memref<72x128xf32, #tpu.memory_space<vmem>> -> memref<24x128xf32, #tpu.memory_space<vmem>>
        %dma_start3A_138 = tpu.memref_slice %arg9[%multiple_of3A_134] : memref<10080xi32, #tpu.memory_space<vmem>> -> memref<24xi32, #tpu.memory_space<vmem>>
        %dma_start3A_139 = arith.constant 0 : i32
        %dma_start3A_140 = arith.constant 0 : i32
        %dma_start3A_141 = tpu.memref_slice %arg3[%dma_start3A_139, %dma_start3A_140] : memref<10000x128xf32, #tpu.memory_space<hbm>> -> memref<10000x128xf32, #tpu.memory_space<hbm>>
        tpu.enqueue_indirect_dma source(%dma_start3A_141 : memref<10000x128xf32, #tpu.memory_space<hbm>>) target(%dma_start3A_137 : memref<24x128xf32, #tpu.memory_space<vmem>>) offsets(%dma_start3A_138 : memref<24xi32, #tpu.memory_space<vmem>>) semaphore(%arg18 : memref<!tpu.dma_semaphore, #tpu.memory_space<semaphore_mem>>)
        %mul3A_142 = arith.constant 72 : i32
        %mul3A_143 = arith.muli %add3A_129, %mul3A_142 : i32
        %add3A_144 = arith.constant 24 : i32
        %add3A_145 = arith.addi %mul3A_143, %add3A_144 : i32
        %multiple_of3A_146 = tpu.assume_multiple %add3A_145, 8 : i32
        %dma_start3A_147 = arith.constant 24 : i32
        %dma_start3A_148 = arith.constant 0 : i32
        %dma_start3A_149 = tpu.memref_slice %arg12[%dma_start3A_147, %dma_start3A_148] : memref<72x128xf32, #tpu.memory_space<vmem>> -> memref<16x128xf32, #tpu.memory_space<vmem>>
        %dma_start3A_150 = tpu.memref_slice %arg9[%multiple_of3A_146] : memref<10080xi32, #tpu.memory_space<vmem>> -> memref<16xi32, #tpu.memory_space<vmem>>
        %dma_start3A_151 = arith.constant 0 : i32
        %dma_start3A_152 = arith.constant 0 : i32
        %dma_start3A_153 = tpu.memref_slice %arg3[%dma_start3A_151, %dma_start3A_152] : memref<10000x128xf32, #tpu.memory_space<hbm>> -> memref<10000x128xf32, #tpu.memory_space<hbm>>
        tpu.enqueue_indirect_dma source(%dma_start3A_153 : memref<10000x128xf32, #tpu.memory_space<hbm>>) target(%dma_start3A_149 : memref<16x128xf32, #tpu.memory_space<vmem>>) offsets(%dma_start3A_150 : memref<16xi32, #tpu.memory_space<vmem>>) semaphore(%arg19 : memref<!tpu.dma_semaphore, #tpu.memory_space<semaphore_mem>>)
        %mul3A_154 = arith.constant 72 : i32
        %mul3A_155 = arith.muli %add3A_129, %mul3A_154 : i32
        %add3A_156 = arith.constant 40 : i32
        %add3A_157 = arith.addi %mul3A_155, %add3A_156 : i32
        %multiple_of3A_158 = tpu.assume_multiple %add3A_157, 8 : i32
        %dma_start3A_159 = arith.constant 40 : i32
        %dma_start3A_160 = arith.constant 0 : i32
        %dma_start3A_161 = tpu.memref_slice %arg12[%dma_start3A_159, %dma_start3A_160] : memref<72x128xf32, #tpu.memory_space<vmem>> -> memref<16x128xf32, #tpu.memory_space<vmem>>
        %dma_start3A_162 = tpu.memref_slice %arg9[%multiple_of3A_158] : memref<10080xi32, #tpu.memory_space<vmem>> -> memref<16xi32, #tpu.memory_space<vmem>>
        %dma_start3A_163 = arith.constant 0 : i32
        %dma_start3A_164 = arith.constant 0 : i32
        %dma_start3A_165 = tpu.memref_slice %arg3[%dma_start3A_163, %dma_start3A_164] : memref<10000x128xf32, #tpu.memory_space<hbm>> -> memref<10000x128xf32, #tpu.memory_space<hbm>>
        tpu.enqueue_indirect_dma source(%dma_start3A_165 : memref<10000x128xf32, #tpu.memory_space<hbm>>) target(%dma_start3A_161 : memref<16x128xf32, #tpu.memory_space<vmem>>) offsets(%dma_start3A_162 : memref<16xi32, #tpu.memory_space<vmem>>) semaphore(%arg20 : memref<!tpu.dma_semaphore, #tpu.memory_space<semaphore_mem>>)
        %mul3A_166 = arith.constant 72 : i32
        %mul3A_167 = arith.muli %add3A_129, %mul3A_166 : i32
        %add3A_168 = arith.constant 56 : i32
        %add3A_169 = arith.addi %mul3A_167, %add3A_168 : i32
        %multiple_of3A_170 = tpu.assume_multiple %add3A_169, 8 : i32
        %dma_start3A_171 = arith.constant 56 : i32
        %dma_start3A_172 = arith.constant 0 : i32
        %dma_start3A_173 = tpu.memref_slice %arg12[%dma_start3A_171, %dma_start3A_172] : memref<72x128xf32, #tpu.memory_space<vmem>> -> memref<16x128xf32, #tpu.memory_space<vmem>>
        %dma_start3A_174 = tpu.memref_slice %arg9[%multiple_of3A_170] : memref<10080xi32, #tpu.memory_space<vmem>> -> memref<16xi32, #tpu.memory_space<vmem>>
        %dma_start3A_175 = arith.constant 0 : i32
        %dma_start3A_176 = arith.constant 0 : i32
        %dma_start3A_177 = tpu.memref_slice %arg3[%dma_start3A_175, %dma_start3A_176] : memref<10000x128xf32, #tpu.memory_space<hbm>> -> memref<10000x128xf32, #tpu.memory_space<hbm>>
        tpu.enqueue_indirect_dma source(%dma_start3A_177 : memref<10000x128xf32, #tpu.memory_space<hbm>>) target(%dma_start3A_173 : memref<16x128xf32, #tpu.memory_space<vmem>>) offsets(%dma_start3A_174 : memref<16xi32, #tpu.memory_space<vmem>>) semaphore(%arg21 : memref<!tpu.dma_semaphore, #tpu.memory_space<semaphore_mem>>)
        %mul3A_178 = arith.constant 72 : i32
        %mul3A_179 = arith.muli %add3A_79, %mul3A_178 : i32
        %multiple_of3A_180 = tpu.assume_multiple %mul3A_179, 8 : i32
        "tpu.region"() ({
          %run_scoped3A = tpu.sem_alloc : memref<!tpu.dma_semaphore, #tpu.memory_space<semaphore_mem>>
          %dma_start3A_242 = tpu.memref_slice %arg10[%multiple_of3A_180] : memref<10080xi32, #tpu.memory_space<vmem>> -> memref<72xi32, #tpu.memory_space<vmem>>
          %dma_start3A_243 = arith.constant 0 : i32
          %dma_start3A_244 = arith.constant 0 : i32
          %dma_start3A_245 = tpu.memref_slice %arg13[%dma_start3A_243, %dma_start3A_244] : memref<10112x128xf32, #tpu.memory_space<vmem_shared>> -> memref<10112x128xf32, #tpu.memory_space<vmem_shared>>
          tpu.enqueue_indirect_dma source(%arg11 : memref<72x128xf32, #tpu.memory_space<vmem>>) target(%dma_start3A_245 : memref<10112x128xf32, #tpu.memory_space<vmem_shared>>) offsets(%dma_start3A_242 : memref<72xi32, #tpu.memory_space<vmem>>) semaphore(%run_scoped3A : memref<!tpu.dma_semaphore, #tpu.memory_space<semaphore_mem>>) {add = true}
          %dma_wait3A_246 = tpu.memref_slice %arg10[%multiple_of3A_180] : memref<10080xi32, #tpu.memory_space<vmem>> -> memref<72xi32, #tpu.memory_space<vmem>>
          %dma_wait3A_247 = arith.constant 0 : i32
          %dma_wait3A_248 = arith.constant 0 : i32
          %dma_wait3A_249 = tpu.memref_slice %arg13[%dma_wait3A_247, %dma_wait3A_248] : memref<10112x128xf32, #tpu.memory_space<vmem_shared>> -> memref<10112x128xf32, #tpu.memory_space<vmem_shared>>
          tpu.wait_indirect_dma semaphore(%run_scoped3A : memref<!tpu.dma_semaphore, #tpu.memory_space<semaphore_mem>>) src(%arg11 : memref<72x128xf32, #tpu.memory_space<vmem>>) dst(%dma_wait3A_249 : memref<10112x128xf32, #tpu.memory_space<vmem_shared>>)
          tpu.yield
        }) : () -> ()
        %add3A_181 = arith.constant 1 : i32
        %add3A_182 = arith.addi %add3A_79, %add3A_181 : i32
        %mul3A_183 = arith.constant 72 : i32
        %mul3A_184 = arith.muli %add3A_182, %mul3A_183 : i32
        %add3A_185 = arith.constant 0 : i32
        %add3A_186 = arith.addi %mul3A_184, %add3A_185 : i32
        %multiple_of3A_187 = tpu.assume_multiple %add3A_186, 8 : i32
        %dma_wait3A_188 = arith.constant 0 : i32
        %dma_wait3A_189 = arith.constant 0 : i32
        %dma_wait3A_190 = tpu.memref_slice %arg12[%dma_wait3A_188, %dma_wait3A_189] : memref<72x128xf32, #tpu.memory_space<vmem>> -> memref<24x128xf32, #tpu.memory_space<vmem>>
        %dma_wait3A_191 = tpu.memref_slice %arg9[%multiple_of3A_187] : memref<10080xi32, #tpu.memory_space<vmem>> -> memref<24xi32, #tpu.memory_space<vmem>>
        %dma_wait3A_192 = arith.constant 0 : i32
        %dma_wait3A_193 = arith.constant 0 : i32
        %dma_wait3A_194 = tpu.memref_slice %arg3[%dma_wait3A_192, %dma_wait3A_193] : memref<10000x128xf32, #tpu.memory_space<hbm>> -> memref<10000x128xf32, #tpu.memory_space<hbm>>
        tpu.wait_indirect_dma semaphore(%arg18 : memref<!tpu.dma_semaphore, #tpu.memory_space<semaphore_mem>>) src(%dma_wait3A_194 : memref<10000x128xf32, #tpu.memory_space<hbm>>) dst(%dma_wait3A_190 : memref<24x128xf32, #tpu.memory_space<vmem>>)
        %mul3A_195 = arith.constant 72 : i32
        %mul3A_196 = arith.muli %add3A_182, %mul3A_195 : i32
        %add3A_197 = arith.constant 24 : i32
        %add3A_198 = arith.addi %mul3A_196, %add3A_197 : i32
        %multiple_of3A_199 = tpu.assume_multiple %add3A_198, 8 : i32
        %dma_wait3A_200 = arith.constant 24 : i32
        %dma_wait3A_201 = arith.constant 0 : i32
        %dma_wait3A_202 = tpu.memref_slice %arg12[%dma_wait3A_200, %dma_wait3A_201] : memref<72x128xf32, #tpu.memory_space<vmem>> -> memref<16x128xf32, #tpu.memory_space<vmem>>
        %dma_wait3A_203 = tpu.memref_slice %arg9[%multiple_of3A_199] : memref<10080xi32, #tpu.memory_space<vmem>> -> memref<16xi32, #tpu.memory_space<vmem>>
        %dma_wait3A_204 = arith.constant 0 : i32
        %dma_wait3A_205 = arith.constant 0 : i32
        %dma_wait3A_206 = tpu.memref_slice %arg3[%dma_wait3A_204, %dma_wait3A_205] : memref<10000x128xf32, #tpu.memory_space<hbm>> -> memref<10000x128xf32, #tpu.memory_space<hbm>>
        tpu.wait_indirect_dma semaphore(%arg19 : memref<!tpu.dma_semaphore, #tpu.memory_space<semaphore_mem>>) src(%dma_wait3A_206 : memref<10000x128xf32, #tpu.memory_space<hbm>>) dst(%dma_wait3A_202 : memref<16x128xf32, #tpu.memory_space<vmem>>)
        %mul3A_207 = arith.constant 72 : i32
        %mul3A_208 = arith.muli %add3A_182, %mul3A_207 : i32
        %add3A_209 = arith.constant 40 : i32
        %add3A_210 = arith.addi %mul3A_208, %add3A_209 : i32
        %multiple_of3A_211 = tpu.assume_multiple %add3A_210, 8 : i32
        %dma_wait3A_212 = arith.constant 40 : i32
        %dma_wait3A_213 = arith.constant 0 : i32
        %dma_wait3A_214 = tpu.memref_slice %arg12[%dma_wait3A_212, %dma_wait3A_213] : memref<72x128xf32, #tpu.memory_space<vmem>> -> memref<16x128xf32, #tpu.memory_space<vmem>>
        %dma_wait3A_215 = tpu.memref_slice %arg9[%multiple_of3A_211] : memref<10080xi32, #tpu.memory_space<vmem>> -> memref<16xi32, #tpu.memory_space<vmem>>
        %dma_wait3A_216 = arith.constant 0 : i32
        %dma_wait3A_217 = arith.constant 0 : i32
        %dma_wait3A_218 = tpu.memref_slice %arg3[%dma_wait3A_216, %dma_wait3A_217] : memref<10000x128xf32, #tpu.memory_space<hbm>> -> memref<10000x128xf32, #tpu.memory_space<hbm>>
        tpu.wait_indirect_dma semaphore(%arg20 : memref<!tpu.dma_semaphore, #tpu.memory_space<semaphore_mem>>) src(%dma_wait3A_218 : memref<10000x128xf32, #tpu.memory_space<hbm>>) dst(%dma_wait3A_214 : memref<16x128xf32, #tpu.memory_space<vmem>>)
        %mul3A_219 = arith.constant 72 : i32
        %mul3A_220 = arith.muli %add3A_182, %mul3A_219 : i32
        %add3A_221 = arith.constant 56 : i32
        %add3A_222 = arith.addi %mul3A_220, %add3A_221 : i32
        %multiple_of3A_223 = tpu.assume_multiple %add3A_222, 8 : i32
        %dma_wait3A_224 = arith.constant 56 : i32
        %dma_wait3A_225 = arith.constant 0 : i32
        %dma_wait3A_226 = tpu.memref_slice %arg12[%dma_wait3A_224, %dma_wait3A_225] : memref<72x128xf32, #tpu.memory_space<vmem>> -> memref<16x128xf32, #tpu.memory_space<vmem>>
        %dma_wait3A_227 = tpu.memref_slice %arg9[%multiple_of3A_223] : memref<10080xi32, #tpu.memory_space<vmem>> -> memref<16xi32, #tpu.memory_space<vmem>>
        %dma_wait3A_228 = arith.constant 0 : i32
        %dma_wait3A_229 = arith.constant 0 : i32
        %dma_wait3A_230 = tpu.memref_slice %arg3[%dma_wait3A_228, %dma_wait3A_229] : memref<10000x128xf32, #tpu.memory_space<hbm>> -> memref<10000x128xf32, #tpu.memory_space<hbm>>
        tpu.wait_indirect_dma semaphore(%arg21 : memref<!tpu.dma_semaphore, #tpu.memory_space<semaphore_mem>>) src(%dma_wait3A_230 : memref<10000x128xf32, #tpu.memory_space<hbm>>) dst(%dma_wait3A_226 : memref<16x128xf32, #tpu.memory_space<vmem>>)
        %add3A_231 = arith.constant 2 : i32
        %add3A_232 = arith.addi %add3A_79, %add3A_231 : i32
        %lt3A = arith.constant 140 : i32
        %lt3A_233 = arith.cmpi slt, %add3A_232, %lt3A : i32
        %convert_element_type3A_234 = arith.extui %lt3A_233 : i1 to i32
        %cond3A_235 = arith.constant 0 : i32
        %cond3A_236 = arith.cmpi ne, %convert_element_type3A_234, %cond3A_235 : i32
        scf.if %cond3A_236 {
          %add3A_242 = arith.constant 2 : i32
          %add3A_243 = arith.addi %add3A_79, %add3A_242 : i32
          %mul3A_244 = arith.constant 72 : i32
          %mul3A_245 = arith.muli %add3A_243, %mul3A_244 : i32
          %add3A_246 = arith.constant 0 : i32
          %add3A_247 = arith.addi %mul3A_245, %add3A_246 : i32
          %multiple_of3A_248 = tpu.assume_multiple %add3A_247, 8 : i32
          %dma_start3A_249 = arith.constant 0 : i32
          %dma_start3A_250 = arith.constant 0 : i32
          %dma_start3A_251 = tpu.memref_slice %arg11[%dma_start3A_249, %dma_start3A_250] : memref<72x128xf32, #tpu.memory_space<vmem>> -> memref<24x128xf32, #tpu.memory_space<vmem>>
          %dma_start3A_252 = tpu.memref_slice %arg9[%multiple_of3A_248] : memref<10080xi32, #tpu.memory_space<vmem>> -> memref<24xi32, #tpu.memory_space<vmem>>
          %dma_start3A_253 = arith.constant 0 : i32
          %dma_start3A_254 = arith.constant 0 : i32
          %dma_start3A_255 = tpu.memref_slice %arg3[%dma_start3A_253, %dma_start3A_254] : memref<10000x128xf32, #tpu.memory_space<hbm>> -> memref<10000x128xf32, #tpu.memory_space<hbm>>
          tpu.enqueue_indirect_dma source(%dma_start3A_255 : memref<10000x128xf32, #tpu.memory_space<hbm>>) target(%dma_start3A_251 : memref<24x128xf32, #tpu.memory_space<vmem>>) offsets(%dma_start3A_252 : memref<24xi32, #tpu.memory_space<vmem>>) semaphore(%arg14 : memref<!tpu.dma_semaphore, #tpu.memory_space<semaphore_mem>>)
          %mul3A_256 = arith.constant 72 : i32
          %mul3A_257 = arith.muli %add3A_243, %mul3A_256 : i32
          %add3A_258 = arith.constant 24 : i32
          %add3A_259 = arith.addi %mul3A_257, %add3A_258 : i32
          %multiple_of3A_260 = tpu.assume_multiple %add3A_259, 8 : i32
          %dma_start3A_261 = arith.constant 24 : i32
          %dma_start3A_262 = arith.constant 0 : i32
          %dma_start3A_263 = tpu.memref_slice %arg11[%dma_start3A_261, %dma_start3A_262] : memref<72x128xf32, #tpu.memory_space<vmem>> -> memref<16x128xf32, #tpu.memory_space<vmem>>
          %dma_start3A_264 = tpu.memref_slice %arg9[%multiple_of3A_260] : memref<10080xi32, #tpu.memory_space<vmem>> -> memref<16xi32, #tpu.memory_space<vmem>>
          %dma_start3A_265 = arith.constant 0 : i32
          %dma_start3A_266 = arith.constant 0 : i32
          %dma_start3A_267 = tpu.memref_slice %arg3[%dma_start3A_265, %dma_start3A_266] : memref<10000x128xf32, #tpu.memory_space<hbm>> -> memref<10000x128xf32, #tpu.memory_space<hbm>>
          tpu.enqueue_indirect_dma source(%dma_start3A_267 : memref<10000x128xf32, #tpu.memory_space<hbm>>) target(%dma_start3A_263 : memref<16x128xf32, #tpu.memory_space<vmem>>) offsets(%dma_start3A_264 : memref<16xi32, #tpu.memory_space<vmem>>) semaphore(%arg15 : memref<!tpu.dma_semaphore, #tpu.memory_space<semaphore_mem>>)
          %mul3A_268 = arith.constant 72 : i32
          %mul3A_269 = arith.muli %add3A_243, %mul3A_268 : i32
          %add3A_270 = arith.constant 40 : i32
          %add3A_271 = arith.addi %mul3A_269, %add3A_270 : i32
          %multiple_of3A_272 = tpu.assume_multiple %add3A_271, 8 : i32
          %dma_start3A_273 = arith.constant 40 : i32
          %dma_start3A_274 = arith.constant 0 : i32
          %dma_start3A_275 = tpu.memref_slice %arg11[%dma_start3A_273, %dma_start3A_274] : memref<72x128xf32, #tpu.memory_space<vmem>> -> memref<16x128xf32, #tpu.memory_space<vmem>>
          %dma_start3A_276 = tpu.memref_slice %arg9[%multiple_of3A_272] : memref<10080xi32, #tpu.memory_space<vmem>> -> memref<16xi32, #tpu.memory_space<vmem>>
          %dma_start3A_277 = arith.constant 0 : i32
          %dma_start3A_278 = arith.constant 0 : i32
          %dma_start3A_279 = tpu.memref_slice %arg3[%dma_start3A_277, %dma_start3A_278] : memref<10000x128xf32, #tpu.memory_space<hbm>> -> memref<10000x128xf32, #tpu.memory_space<hbm>>
          tpu.enqueue_indirect_dma source(%dma_start3A_279 : memref<10000x128xf32, #tpu.memory_space<hbm>>) target(%dma_start3A_275 : memref<16x128xf32, #tpu.memory_space<vmem>>) offsets(%dma_start3A_276 : memref<16xi32, #tpu.memory_space<vmem>>) semaphore(%arg16 : memref<!tpu.dma_semaphore, #tpu.memory_space<semaphore_mem>>)
          %mul3A_280 = arith.constant 72 : i32
          %mul3A_281 = arith.muli %add3A_243, %mul3A_280 : i32
          %add3A_282 = arith.constant 56 : i32
          %add3A_283 = arith.addi %mul3A_281, %add3A_282 : i32
          %multiple_of3A_284 = tpu.assume_multiple %add3A_283, 8 : i32
          %dma_start3A_285 = arith.constant 56 : i32
          %dma_start3A_286 = arith.constant 0 : i32
          %dma_start3A_287 = tpu.memref_slice %arg11[%dma_start3A_285, %dma_start3A_286] : memref<72x128xf32, #tpu.memory_space<vmem>> -> memref<16x128xf32, #tpu.memory_space<vmem>>
          %dma_start3A_288 = tpu.memref_slice %arg9[%multiple_of3A_284] : memref<10080xi32, #tpu.memory_space<vmem>> -> memref<16xi32, #tpu.memory_space<vmem>>
          %dma_start3A_289 = arith.constant 0 : i32
          %dma_start3A_290 = arith.constant 0 : i32
          %dma_start3A_291 = tpu.memref_slice %arg3[%dma_start3A_289, %dma_start3A_290] : memref<10000x128xf32, #tpu.memory_space<hbm>> -> memref<10000x128xf32, #tpu.memory_space<hbm>>
          tpu.enqueue_indirect_dma source(%dma_start3A_291 : memref<10000x128xf32, #tpu.memory_space<hbm>>) target(%dma_start3A_287 : memref<16x128xf32, #tpu.memory_space<vmem>>) offsets(%dma_start3A_288 : memref<16xi32, #tpu.memory_space<vmem>>) semaphore(%arg17 : memref<!tpu.dma_semaphore, #tpu.memory_space<semaphore_mem>>)
        } else {
        }
        %add3A_237 = arith.constant 1 : i32
        %add3A_238 = arith.addi %add3A_79, %add3A_237 : i32
        %mul3A_239 = arith.constant 72 : i32
        %mul3A_240 = arith.muli %add3A_238, %mul3A_239 : i32
        %multiple_of3A_241 = tpu.assume_multiple %mul3A_240, 8 : i32
        "tpu.region"() ({
          %run_scoped3A = tpu.sem_alloc : memref<!tpu.dma_semaphore, #tpu.memory_space<semaphore_mem>>
          %dma_start3A_242 = tpu.memref_slice %arg10[%multiple_of3A_241] : memref<10080xi32, #tpu.memory_space<vmem>> -> memref<72xi32, #tpu.memory_space<vmem>>
          %dma_start3A_243 = arith.constant 0 : i32
          %dma_start3A_244 = arith.constant 0 : i32
          %dma_start3A_245 = tpu.memref_slice %arg13[%dma_start3A_243, %dma_start3A_244] : memref<10112x128xf32, #tpu.memory_space<vmem_shared>> -> memref<10112x128xf32, #tpu.memory_space<vmem_shared>>
          tpu.enqueue_indirect_dma source(%arg12 : memref<72x128xf32, #tpu.memory_space<vmem>>) target(%dma_start3A_245 : memref<10112x128xf32, #tpu.memory_space<vmem_shared>>) offsets(%dma_start3A_242 : memref<72xi32, #tpu.memory_space<vmem>>) semaphore(%run_scoped3A : memref<!tpu.dma_semaphore, #tpu.memory_space<semaphore_mem>>) {add = true}
          %dma_wait3A_246 = tpu.memref_slice %arg10[%multiple_of3A_241] : memref<10080xi32, #tpu.memory_space<vmem>> -> memref<72xi32, #tpu.memory_space<vmem>>
          %dma_wait3A_247 = arith.constant 0 : i32
          %dma_wait3A_248 = arith.constant 0 : i32
          %dma_wait3A_249 = tpu.memref_slice %arg13[%dma_wait3A_247, %dma_wait3A_248] : memref<10112x128xf32, #tpu.memory_space<vmem_shared>> -> memref<10112x128xf32, #tpu.memory_space<vmem_shared>>
          tpu.wait_indirect_dma semaphore(%run_scoped3A : memref<!tpu.dma_semaphore, #tpu.memory_space<semaphore_mem>>) src(%arg12 : memref<72x128xf32, #tpu.memory_space<vmem>>) dst(%dma_wait3A_249 : memref<10112x128xf32, #tpu.memory_space<vmem_shared>>)
          tpu.yield
        }) : () -> ()
      }
      %scan3A_75 = arith.constant 70 : i32
    } else {
    }
    %barrier3A_25 = arith.constant 0 : index
    tpu.barrier barrier_id(%barrier3A_25)
    %eq3A_26 = arith.constant 0 : i32
    %eq3A_27 = arith.cmpi eq, %arg0, %eq3A_26 : i32
    %convert_element_type3A_28 = arith.extui %eq3A_27 : i1 to i32
    %cond3A_29 = arith.constant 0 : i32
    %cond3A_30 = arith.cmpi ne, %convert_element_type3A_28, %cond3A_29 : i32
    scf.if %cond3A_30 {
      "tpu.region"() ({
        %run_scoped3A = tpu.sem_alloc : memref<!tpu.dma_semaphore, #tpu.memory_space<semaphore_mem>>
        %dma_start3A_36 = arith.constant 0 : i32
        %dma_start3A_37 = tpu.memref_slice %arg7[%multiple_of3A, %dma_start3A_36] : memref<10112x128xf32, #tpu.memory_space<hbm>> -> memref<632x128xf32, #tpu.memory_space<hbm>>
        %dma_start3A_38 = arith.constant 0 : i32
        %dma_start3A_39 = tpu.memref_slice %arg13[%multiple_of3A, %dma_start3A_38] : memref<10112x128xf32, #tpu.memory_space<vmem_shared>> -> memref<632x128xf32, #tpu.memory_space<vmem_shared>>
        tpu.enqueue_dma source(%dma_start3A_39 : memref<632x128xf32, #tpu.memory_space<vmem_shared>>) target(%dma_start3A_37 : memref<632x128xf32, #tpu.memory_space<hbm>>) target_semaphore(%run_scoped3A : memref<!tpu.dma_semaphore, #tpu.memory_space<semaphore_mem>>)
        %dma_wait3A_40 = arith.constant 0 : i32
        %dma_wait3A_41 = tpu.memref_slice %arg7[%multiple_of3A, %dma_wait3A_40] : memref<10112x128xf32, #tpu.memory_space<hbm>> -> memref<632x128xf32, #tpu.memory_space<hbm>>
        %dma_wait3A_42 = arith.constant 0 : i32
        %dma_wait3A_43 = tpu.memref_slice %arg13[%multiple_of3A, %dma_wait3A_42] : memref<10112x128xf32, #tpu.memory_space<vmem_shared>> -> memref<632x128xf32, #tpu.memory_space<vmem_shared>>
        tpu.wait_dma2 semaphore(%run_scoped3A : memref<!tpu.dma_semaphore, #tpu.memory_space<semaphore_mem>>) src(%dma_wait3A_43 : memref<632x128xf32, #tpu.memory_space<vmem_shared>>) dst(%dma_wait3A_41 : memref<632x128xf32, #tpu.memory_space<hbm>>)
        tpu.yield
      }) : () -> ()
    } else {
    }
    %eq3A_31 = arith.constant 1 : i32
    %eq3A_32 = arith.cmpi eq, %arg0, %eq3A_31 : i32
    %convert_element_type3A_33 = arith.extui %eq3A_32 : i1 to i32
    %cond3A_34 = arith.constant 0 : i32
    %cond3A_35 = arith.cmpi ne, %convert_element_type3A_33, %cond3A_34 : i32
    scf.if %cond3A_35 {
      "tpu.region"() ({
        %run_scoped3A = tpu.sem_alloc : memref<!tpu.dma_semaphore, #tpu.memory_space<semaphore_mem>>
        %dma_start3A_36 = arith.constant 0 : i32
        %dma_start3A_37 = tpu.memref_slice %arg8[%multiple_of3A, %dma_start3A_36] : memref<10112x128xf32, #tpu.memory_space<hbm>> -> memref<632x128xf32, #tpu.memory_space<hbm>>
        %dma_start3A_38 = arith.constant 0 : i32
        %dma_start3A_39 = tpu.memref_slice %arg13[%multiple_of3A, %dma_start3A_38] : memref<10112x128xf32, #tpu.memory_space<vmem_shared>> -> memref<632x128xf32, #tpu.memory_space<vmem_shared>>
        tpu.enqueue_dma source(%dma_start3A_39 : memref<632x128xf32, #tpu.memory_space<vmem_shared>>) target(%dma_start3A_37 : memref<632x128xf32, #tpu.memory_space<hbm>>) target_semaphore(%run_scoped3A : memref<!tpu.dma_semaphore, #tpu.memory_space<semaphore_mem>>)
        %dma_wait3A_40 = arith.constant 0 : i32
        %dma_wait3A_41 = tpu.memref_slice %arg8[%multiple_of3A, %dma_wait3A_40] : memref<10112x128xf32, #tpu.memory_space<hbm>> -> memref<632x128xf32, #tpu.memory_space<hbm>>
        %dma_wait3A_42 = arith.constant 0 : i32
        %dma_wait3A_43 = tpu.memref_slice %arg13[%multiple_of3A, %dma_wait3A_42] : memref<10112x128xf32, #tpu.memory_space<vmem_shared>> -> memref<632x128xf32, #tpu.memory_space<vmem_shared>>
        tpu.wait_dma2 semaphore(%run_scoped3A : memref<!tpu.dma_semaphore, #tpu.memory_space<semaphore_mem>>) src(%dma_wait3A_43 : memref<632x128xf32, #tpu.memory_space<vmem_shared>>) dst(%dma_wait3A_41 : memref<632x128xf32, #tpu.memory_space<hbm>>)
        tpu.yield
      }) : () -> ()
    } else {
    }
    return
  }
}

#map = affine_map<(d0, d1) -> (0, 0)>
#map1 = affine_map<(d0, d1) -> (0)>
module attributes {stable_mosaic.version = 14 : i64} {
  func.func @agg(%arg0: i32, %arg1: i32, %arg2: memref<10000x128xf32, #tpu.memory_space<hbm>>, %arg3: memref<10000x128xf32, #tpu.memory_space<hbm>>, %arg4: memref<161280xi32, #tpu.memory_space<hbm>>, %arg5: memref<161280xi32, #tpu.memory_space<hbm>>, %arg6: memref<10112x128xf32, #tpu.memory_space<hbm>>, %arg7: memref<10112x128xf32, #tpu.memory_space<hbm>>, %arg8: memref<10112x128xf32, #tpu.memory_space<hbm>>, %arg9: memref<10080xi32, #tpu.memory_space<vmem>>, %arg10: memref<10080xi32, #tpu.memory_space<vmem>>, %arg11: memref<72x128xf32, #tpu.memory_space<vmem>>, %arg12: memref<72x128xf32, #tpu.memory_space<vmem>>, %arg13: memref<10112x128xf32, #tpu.memory_space<vmem_shared>>, %arg14: memref<!tpu.dma_semaphore, #tpu.memory_space<semaphore_mem>>, %arg15: memref<!tpu.dma_semaphore, #tpu.memory_space<semaphore_mem>>, %arg16: memref<!tpu.dma_semaphore, #tpu.memory_space<semaphore_mem>>, %arg17: memref<!tpu.dma_semaphore, #tpu.memory_space<semaphore_mem>>, %arg18: memref<!tpu.dma_semaphore, #tpu.memory_space<semaphore_mem>>, %arg19: memref<!tpu.dma_semaphore, #tpu.memory_space<semaphore_mem>>, %arg20: memref<!tpu.dma_semaphore, #tpu.memory_space<semaphore_mem>>, %arg21: memref<!tpu.dma_semaphore, #tpu.memory_space<semaphore_mem>>) attributes {dimension_semantics = [#tpu.dimension_semantics<core_parallel>, #tpu.dimension_semantics<subcore_parallel>], iteration_bounds = array<i64: 2, 16>, scalar_prefetch = 0 : i64, scratch_operands = 13 : i64, tpu.core_type = #tpu.core_type<sc_vector_subcore>, window_params = [{transform_indices = #map}, {transform_indices = #map}, {transform_indices = #map1}, {transform_indices = #map1}, {transform_indices = #map}, {transform_indices = #map}, {transform_indices = #map}]} {
    %mul3A = arith.constant 632 : i32
    %mul3A_0 = arith.muli %arg1, %mul3A : i32
    %multiple_of3A = tpu.assume_multiple %mul3A_0, 8 : i32
    %mul3A_1 = arith.constant 10080 : i32
    %mul3A_2 = arith.muli %arg1, %mul3A_1 : i32
    %multiple_of3A_3 = tpu.assume_multiple %mul3A_2, 8 : i32
    %dma_start3A = arith.constant 0 : i32
    %dma_start3A_4 = tpu.memref_slice %arg13[%multiple_of3A, %dma_start3A] : memref<10112x128xf32, #tpu.memory_space<vmem_shared>> -> memref<632x128xf32, #tpu.memory_space<vmem_shared>>
    %dma_start3A_5 = arith.constant 0 : i32
    %dma_start3A_6 = tpu.memref_slice %arg6[%multiple_of3A, %dma_start3A_5] : memref<10112x128xf32, #tpu.memory_space<hbm>> -> memref<632x128xf32, #tpu.memory_space<hbm>>
    tpu.enqueue_dma source(%dma_start3A_6 : memref<632x128xf32, #tpu.memory_space<hbm>>) target(%dma_start3A_4 : memref<632x128xf32, #tpu.memory_space<vmem_shared>>) target_semaphore(%arg14 : memref<!tpu.dma_semaphore, #tpu.memory_space<semaphore_mem>>)
    %dma_start3A_7 = tpu.memref_slice %arg4[%multiple_of3A_3] : memref<161280xi32, #tpu.memory_space<hbm>> -> memref<10080xi32, #tpu.memory_space<hbm>>
    %dma_start3A_8 = tpu.memref_slice %arg4[%multiple_of3A_3] : memref<161280xi32, #tpu.memory_space<hbm>> -> memref<10080xi32, #tpu.memory_space<hbm>>
    tpu.enqueue_dma source(%dma_start3A_8 : memref<10080xi32, #tpu.memory_space<hbm>>) target(%arg9 : memref<10080xi32, #tpu.memory_space<vmem>>) target_semaphore(%arg15 : memref<!tpu.dma_semaphore, #tpu.memory_space<semaphore_mem>>)
    %dma_start3A_9 = tpu.memref_slice %arg5[%multiple_of3A_3] : memref<161280xi32, #tpu.memory_space<hbm>> -> memref<10080xi32, #tpu.memory_space<hbm>>
    %dma_start3A_10 = tpu.memref_slice %arg5[%multiple_of3A_3] : memref<161280xi32, #tpu.memory_space<hbm>> -> memref<10080xi32, #tpu.memory_space<hbm>>
    tpu.enqueue_dma source(%dma_start3A_10 : memref<10080xi32, #tpu.memory_space<hbm>>) target(%arg10 : memref<10080xi32, #tpu.memory_space<vmem>>) target_semaphore(%arg16 : memref<!tpu.dma_semaphore, #tpu.memory_space<semaphore_mem>>)
    %dma_wait3A = arith.constant 0 : i32
    %dma_wait3A_11 = tpu.memref_slice %arg13[%multiple_of3A, %dma_wait3A] : memref<10112x128xf32, #tpu.memory_space<vmem_shared>> -> memref<632x128xf32, #tpu.memory_space<vmem_shared>>
    %dma_wait3A_12 = arith.constant 0 : i32
    %dma_wait3A_13 = tpu.memref_slice %arg6[%multiple_of3A, %dma_wait3A_12] : memref<10112x128xf32, #tpu.memory_space<hbm>> -> memref<632x128xf32, #tpu.memory_space<hbm>>
    tpu.wait_dma2 semaphore(%arg14 : memref<!tpu.dma_semaphore, #tpu.memory_space<semaphore_mem>>) src(%dma_wait3A_13 : memref<632x128xf32, #tpu.memory_space<hbm>>) dst(%dma_wait3A_11 : memref<632x128xf32, #tpu.memory_space<vmem_shared>>)
    %dma_wait3A_14 = tpu.memref_slice %arg4[%multiple_of3A_3] : memref<161280xi32, #tpu.memory_space<hbm>> -> memref<10080xi32, #tpu.memory_space<hbm>>
    %dma_wait3A_15 = tpu.memref_slice %arg4[%multiple_of3A_3] : memref<161280xi32, #tpu.memory_space<hbm>> -> memref<10080xi32, #tpu.memory_space<hbm>>
    tpu.wait_dma2 semaphore(%arg15 : memref<!tpu.dma_semaphore, #tpu.memory_space<semaphore_mem>>) src(%dma_wait3A_15 : memref<10080xi32, #tpu.memory_space<hbm>>) dst(%arg9 : memref<10080xi32, #tpu.memory_space<vmem>>)
    %dma_wait3A_16 = tpu.memref_slice %arg5[%multiple_of3A_3] : memref<161280xi32, #tpu.memory_space<hbm>> -> memref<10080xi32, #tpu.memory_space<hbm>>
    %dma_wait3A_17 = tpu.memref_slice %arg5[%multiple_of3A_3] : memref<161280xi32, #tpu.memory_space<hbm>> -> memref<10080xi32, #tpu.memory_space<hbm>>
    tpu.wait_dma2 semaphore(%arg16 : memref<!tpu.dma_semaphore, #tpu.memory_space<semaphore_mem>>) src(%dma_wait3A_17 : memref<10080xi32, #tpu.memory_space<hbm>>) dst(%arg10 : memref<10080xi32, #tpu.memory_space<vmem>>)
    %barrier3A = arith.constant 0 : index
    tpu.barrier barrier_id(%barrier3A)
    %eq3A = arith.constant 0 : i32
    %eq3A_18 = arith.cmpi eq, %arg0, %eq3A : i32
    %convert_element_type3A = arith.extui %eq3A_18 : i1 to i32
    %cond3A = arith.constant 0 : i32
    %cond3A_19 = arith.cmpi ne, %convert_element_type3A, %cond3A : i32
    scf.if %cond3A_19 {
      %multiple_of3A_36 = arith.constant 0 : i32
      %multiple_of3A_37 = tpu.assume_multiple %multiple_of3A_36, 8 : i32
      %dma_start3A_38 = arith.constant 0 : i32
      %dma_start3A_39 = arith.constant 0 : i32
      %dma_start3A_40 = tpu.memref_slice %arg11[%dma_start3A_38, %dma_start3A_39] : memref<72x128xf32, #tpu.memory_space<vmem>> -> memref<24x128xf32, #tpu.memory_space<vmem>>
      %dma_start3A_41 = tpu.memref_slice %arg9[%multiple_of3A_37] : memref<10080xi32, #tpu.memory_space<vmem>> -> memref<24xi32, #tpu.memory_space<vmem>>
      %dma_start3A_42 = arith.constant 0 : i32
      %dma_start3A_43 = arith.constant 0 : i32
      %dma_start3A_44 = tpu.memref_slice %arg2[%dma_start3A_42, %dma_start3A_43] : memref<10000x128xf32, #tpu.memory_space<hbm>> -> memref<10000x128xf32, #tpu.memory_space<hbm>>
      tpu.enqueue_indirect_dma source(%dma_start3A_44 : memref<10000x128xf32, #tpu.memory_space<hbm>>) target(%dma_start3A_40 : memref<24x128xf32, #tpu.memory_space<vmem>>) offsets(%dma_start3A_41 : memref<24xi32, #tpu.memory_space<vmem>>) semaphore(%arg14 : memref<!tpu.dma_semaphore, #tpu.memory_space<semaphore_mem>>)
      %multiple_of3A_45 = arith.constant 24 : i32
      %multiple_of3A_46 = tpu.assume_multiple %multiple_of3A_45, 8 : i32
      %dma_start3A_47 = arith.constant 24 : i32
      %dma_start3A_48 = arith.constant 0 : i32
      %dma_start3A_49 = tpu.memref_slice %arg11[%dma_start3A_47, %dma_start3A_48] : memref<72x128xf32, #tpu.memory_space<vmem>> -> memref<16x128xf32, #tpu.memory_space<vmem>>
      %dma_start3A_50 = tpu.memref_slice %arg9[%multiple_of3A_46] : memref<10080xi32, #tpu.memory_space<vmem>> -> memref<16xi32, #tpu.memory_space<vmem>>
      %dma_start3A_51 = arith.constant 0 : i32
      %dma_start3A_52 = arith.constant 0 : i32
      %dma_start3A_53 = tpu.memref_slice %arg2[%dma_start3A_51, %dma_start3A_52] : memref<10000x128xf32, #tpu.memory_space<hbm>> -> memref<10000x128xf32, #tpu.memory_space<hbm>>
      tpu.enqueue_indirect_dma source(%dma_start3A_53 : memref<10000x128xf32, #tpu.memory_space<hbm>>) target(%dma_start3A_49 : memref<16x128xf32, #tpu.memory_space<vmem>>) offsets(%dma_start3A_50 : memref<16xi32, #tpu.memory_space<vmem>>) semaphore(%arg15 : memref<!tpu.dma_semaphore, #tpu.memory_space<semaphore_mem>>)
      %multiple_of3A_54 = arith.constant 40 : i32
      %multiple_of3A_55 = tpu.assume_multiple %multiple_of3A_54, 8 : i32
      %dma_start3A_56 = arith.constant 40 : i32
      %dma_start3A_57 = arith.constant 0 : i32
      %dma_start3A_58 = tpu.memref_slice %arg11[%dma_start3A_56, %dma_start3A_57] : memref<72x128xf32, #tpu.memory_space<vmem>> -> memref<16x128xf32, #tpu.memory_space<vmem>>
      %dma_start3A_59 = tpu.memref_slice %arg9[%multiple_of3A_55] : memref<10080xi32, #tpu.memory_space<vmem>> -> memref<16xi32, #tpu.memory_space<vmem>>
      %dma_start3A_60 = arith.constant 0 : i32
      %dma_start3A_61 = arith.constant 0 : i32
      %dma_start3A_62 = tpu.memref_slice %arg2[%dma_start3A_60, %dma_start3A_61] : memref<10000x128xf32, #tpu.memory_space<hbm>> -> memref<10000x128xf32, #tpu.memory_space<hbm>>
      tpu.enqueue_indirect_dma source(%dma_start3A_62 : memref<10000x128xf32, #tpu.memory_space<hbm>>) target(%dma_start3A_58 : memref<16x128xf32, #tpu.memory_space<vmem>>) offsets(%dma_start3A_59 : memref<16xi32, #tpu.memory_space<vmem>>) semaphore(%arg16 : memref<!tpu.dma_semaphore, #tpu.memory_space<semaphore_mem>>)
      %multiple_of3A_63 = arith.constant 56 : i32
      %multiple_of3A_64 = tpu.assume_multiple %multiple_of3A_63, 8 : i32
      %dma_start3A_65 = arith.constant 56 : i32
      %dma_start3A_66 = arith.constant 0 : i32
      %dma_start3A_67 = tpu.memref_slice %arg11[%dma_start3A_65, %dma_start3A_66] : memref<72x128xf32, #tpu.memory_space<vmem>> -> memref<16x128xf32, #tpu.memory_space<vmem>>
      %dma_start3A_68 = tpu.memref_slice %arg9[%multiple_of3A_64] : memref<10080xi32, #tpu.memory_space<vmem>> -> memref<16xi32, #tpu.memory_space<vmem>>
      %dma_start3A_69 = arith.constant 0 : i32
      %dma_start3A_70 = arith.constant 0 : i32
      %dma_start3A_71 = tpu.memref_slice %arg2[%dma_start3A_69, %dma_start3A_70] : memref<10000x128xf32, #tpu.memory_space<hbm>> -> memref<10000x128xf32, #tpu.memory_space<hbm>>
      tpu.enqueue_indirect_dma source(%dma_start3A_71 : memref<10000x128xf32, #tpu.memory_space<hbm>>) target(%dma_start3A_67 : memref<16x128xf32, #tpu.memory_space<vmem>>) offsets(%dma_start3A_68 : memref<16xi32, #tpu.memory_space<vmem>>) semaphore(%arg17 : memref<!tpu.dma_semaphore, #tpu.memory_space<semaphore_mem>>)
      %scan3A = arith.constant 0 : i32
      %scan3A_72 = arith.constant 70 : i32
      %scan3A_73 = arith.addi %scan3A, %scan3A_72 : i32
      %scan3A_74 = arith.constant 1 : i32
      scf.for %scan3A_76 = %scan3A to %scan3A_73 step %scan3A_74  : i32 {
        %mul3A_77 = arith.constant 2 : i32
        %mul3A_78 = arith.muli %scan3A_76, %mul3A_77 : i32
        %add3A = arith.constant 0 : i32
        %add3A_79 = arith.addi %add3A, %mul3A_78 : i32
        %mul3A_80 = arith.constant 72 : i32
        %mul3A_81 = arith.muli %add3A_79, %mul3A_80 : i32
        %add3A_82 = arith.constant 0 : i32
        %add3A_83 = arith.addi %mul3A_81, %add3A_82 : i32
        %multiple_of3A_84 = tpu.assume_multiple %add3A_83, 8 : i32
        %dma_wait3A_85 = arith.constant 0 : i32
        %dma_wait3A_86 = arith.constant 0 : i32
        %dma_wait3A_87 = tpu.memref_slice %arg11[%dma_wait3A_85, %dma_wait3A_86] : memref<72x128xf32, #tpu.memory_space<vmem>> -> memref<24x128xf32, #tpu.memory_space<vmem>>
        %dma_wait3A_88 = tpu.memref_slice %arg9[%multiple_of3A_84] : memref<10080xi32, #tpu.memory_space<vmem>> -> memref<24xi32, #tpu.memory_space<vmem>>
        %dma_wait3A_89 = arith.constant 0 : i32
        %dma_wait3A_90 = arith.constant 0 : i32
        %dma_wait3A_91 = tpu.memref_slice %arg2[%dma_wait3A_89, %dma_wait3A_90] : memref<10000x128xf32, #tpu.memory_space<hbm>> -> memref<10000x128xf32, #tpu.memory_space<hbm>>
        tpu.wait_indirect_dma semaphore(%arg14 : memref<!tpu.dma_semaphore, #tpu.memory_space<semaphore_mem>>) src(%dma_wait3A_91 : memref<10000x128xf32, #tpu.memory_space<hbm>>) dst(%dma_wait3A_87 : memref<24x128xf32, #tpu.memory_space<vmem>>)
        %mul3A_92 = arith.constant 72 : i32
        %mul3A_93 = arith.muli %add3A_79, %mul3A_92 : i32
        %add3A_94 = arith.constant 24 : i32
        %add3A_95 = arith.addi %mul3A_93, %add3A_94 : i32
        %multiple_of3A_96 = tpu.assume_multiple %add3A_95, 8 : i32
        %dma_wait3A_97 = arith.constant 24 : i32
        %dma_wait3A_98 = arith.constant 0 : i32
        %dma_wait3A_99 = tpu.memref_slice %arg11[%dma_wait3A_97, %dma_wait3A_98] : memref<72x128xf32, #tpu.memory_space<vmem>> -> memref<16x128xf32, #tpu.memory_space<vmem>>
        %dma_wait3A_100 = tpu.memref_slice %arg9[%multiple_of3A_96] : memref<10080xi32, #tpu.memory_space<vmem>> -> memref<16xi32, #tpu.memory_space<vmem>>
        %dma_wait3A_101 = arith.constant 0 : i32
        %dma_wait3A_102 = arith.constant 0 : i32
        %dma_wait3A_103 = tpu.memref_slice %arg2[%dma_wait3A_101, %dma_wait3A_102] : memref<10000x128xf32, #tpu.memory_space<hbm>> -> memref<10000x128xf32, #tpu.memory_space<hbm>>
        tpu.wait_indirect_dma semaphore(%arg15 : memref<!tpu.dma_semaphore, #tpu.memory_space<semaphore_mem>>) src(%dma_wait3A_103 : memref<10000x128xf32, #tpu.memory_space<hbm>>) dst(%dma_wait3A_99 : memref<16x128xf32, #tpu.memory_space<vmem>>)
        %mul3A_104 = arith.constant 72 : i32
        %mul3A_105 = arith.muli %add3A_79, %mul3A_104 : i32
        %add3A_106 = arith.constant 40 : i32
        %add3A_107 = arith.addi %mul3A_105, %add3A_106 : i32
        %multiple_of3A_108 = tpu.assume_multiple %add3A_107, 8 : i32
        %dma_wait3A_109 = arith.constant 40 : i32
        %dma_wait3A_110 = arith.constant 0 : i32
        %dma_wait3A_111 = tpu.memref_slice %arg11[%dma_wait3A_109, %dma_wait3A_110] : memref<72x128xf32, #tpu.memory_space<vmem>> -> memref<16x128xf32, #tpu.memory_space<vmem>>
        %dma_wait3A_112 = tpu.memref_slice %arg9[%multiple_of3A_108] : memref<10080xi32, #tpu.memory_space<vmem>> -> memref<16xi32, #tpu.memory_space<vmem>>
        %dma_wait3A_113 = arith.constant 0 : i32
        %dma_wait3A_114 = arith.constant 0 : i32
        %dma_wait3A_115 = tpu.memref_slice %arg2[%dma_wait3A_113, %dma_wait3A_114] : memref<10000x128xf32, #tpu.memory_space<hbm>> -> memref<10000x128xf32, #tpu.memory_space<hbm>>
        tpu.wait_indirect_dma semaphore(%arg16 : memref<!tpu.dma_semaphore, #tpu.memory_space<semaphore_mem>>) src(%dma_wait3A_115 : memref<10000x128xf32, #tpu.memory_space<hbm>>) dst(%dma_wait3A_111 : memref<16x128xf32, #tpu.memory_space<vmem>>)
        %mul3A_116 = arith.constant 72 : i32
        %mul3A_117 = arith.muli %add3A_79, %mul3A_116 : i32
        %add3A_118 = arith.constant 56 : i32
        %add3A_119 = arith.addi %mul3A_117, %add3A_118 : i32
        %multiple_of3A_120 = tpu.assume_multiple %add3A_119, 8 : i32
        %dma_wait3A_121 = arith.constant 56 : i32
        %dma_wait3A_122 = arith.constant 0 : i32
        %dma_wait3A_123 = tpu.memref_slice %arg11[%dma_wait3A_121, %dma_wait3A_122] : memref<72x128xf32, #tpu.memory_space<vmem>> -> memref<16x128xf32, #tpu.memory_space<vmem>>
        %dma_wait3A_124 = tpu.memref_slice %arg9[%multiple_of3A_120] : memref<10080xi32, #tpu.memory_space<vmem>> -> memref<16xi32, #tpu.memory_space<vmem>>
        %dma_wait3A_125 = arith.constant 0 : i32
        %dma_wait3A_126 = arith.constant 0 : i32
        %dma_wait3A_127 = tpu.memref_slice %arg2[%dma_wait3A_125, %dma_wait3A_126] : memref<10000x128xf32, #tpu.memory_space<hbm>> -> memref<10000x128xf32, #tpu.memory_space<hbm>>
        tpu.wait_indirect_dma semaphore(%arg17 : memref<!tpu.dma_semaphore, #tpu.memory_space<semaphore_mem>>) src(%dma_wait3A_127 : memref<10000x128xf32, #tpu.memory_space<hbm>>) dst(%dma_wait3A_123 : memref<16x128xf32, #tpu.memory_space<vmem>>)
        %add3A_128 = arith.constant 1 : i32
        %add3A_129 = arith.addi %add3A_79, %add3A_128 : i32
        %mul3A_130 = arith.constant 72 : i32
        %mul3A_131 = arith.muli %add3A_129, %mul3A_130 : i32
        %add3A_132 = arith.constant 0 : i32
        %add3A_133 = arith.addi %mul3A_131, %add3A_132 : i32
        %multiple_of3A_134 = tpu.assume_multiple %add3A_133, 8 : i32
        %dma_start3A_135 = arith.constant 0 : i32
        %dma_start3A_136 = arith.constant 0 : i32
        %dma_start3A_137 = tpu.memref_slice %arg12[%dma_start3A_135, %dma_start3A_136] : memref<72x128xf32, #tpu.memory_space<vmem>> -> memref<24x128xf32, #tpu.memory_space<vmem>>
        %dma_start3A_138 = tpu.memref_slice %arg9[%multiple_of3A_134] : memref<10080xi32, #tpu.memory_space<vmem>> -> memref<24xi32, #tpu.memory_space<vmem>>
        %dma_start3A_139 = arith.constant 0 : i32
        %dma_start3A_140 = arith.constant 0 : i32
        %dma_start3A_141 = tpu.memref_slice %arg2[%dma_start3A_139, %dma_start3A_140] : memref<10000x128xf32, #tpu.memory_space<hbm>> -> memref<10000x128xf32, #tpu.memory_space<hbm>>
        tpu.enqueue_indirect_dma source(%dma_start3A_141 : memref<10000x128xf32, #tpu.memory_space<hbm>>) target(%dma_start3A_137 : memref<24x128xf32, #tpu.memory_space<vmem>>) offsets(%dma_start3A_138 : memref<24xi32, #tpu.memory_space<vmem>>) semaphore(%arg18 : memref<!tpu.dma_semaphore, #tpu.memory_space<semaphore_mem>>)
        %mul3A_142 = arith.constant 72 : i32
        %mul3A_143 = arith.muli %add3A_129, %mul3A_142 : i32
        %add3A_144 = arith.constant 24 : i32
        %add3A_145 = arith.addi %mul3A_143, %add3A_144 : i32
        %multiple_of3A_146 = tpu.assume_multiple %add3A_145, 8 : i32
        %dma_start3A_147 = arith.constant 24 : i32
        %dma_start3A_148 = arith.constant 0 : i32
        %dma_start3A_149 = tpu.memref_slice %arg12[%dma_start3A_147, %dma_start3A_148] : memref<72x128xf32, #tpu.memory_space<vmem>> -> memref<16x128xf32, #tpu.memory_space<vmem>>
        %dma_start3A_150 = tpu.memref_slice %arg9[%multiple_of3A_146] : memref<10080xi32, #tpu.memory_space<vmem>> -> memref<16xi32, #tpu.memory_space<vmem>>
        %dma_start3A_151 = arith.constant 0 : i32
        %dma_start3A_152 = arith.constant 0 : i32
        %dma_start3A_153 = tpu.memref_slice %arg2[%dma_start3A_151, %dma_start3A_152] : memref<10000x128xf32, #tpu.memory_space<hbm>> -> memref<10000x128xf32, #tpu.memory_space<hbm>>
        tpu.enqueue_indirect_dma source(%dma_start3A_153 : memref<10000x128xf32, #tpu.memory_space<hbm>>) target(%dma_start3A_149 : memref<16x128xf32, #tpu.memory_space<vmem>>) offsets(%dma_start3A_150 : memref<16xi32, #tpu.memory_space<vmem>>) semaphore(%arg19 : memref<!tpu.dma_semaphore, #tpu.memory_space<semaphore_mem>>)
        %mul3A_154 = arith.constant 72 : i32
        %mul3A_155 = arith.muli %add3A_129, %mul3A_154 : i32
        %add3A_156 = arith.constant 40 : i32
        %add3A_157 = arith.addi %mul3A_155, %add3A_156 : i32
        %multiple_of3A_158 = tpu.assume_multiple %add3A_157, 8 : i32
        %dma_start3A_159 = arith.constant 40 : i32
        %dma_start3A_160 = arith.constant 0 : i32
        %dma_start3A_161 = tpu.memref_slice %arg12[%dma_start3A_159, %dma_start3A_160] : memref<72x128xf32, #tpu.memory_space<vmem>> -> memref<16x128xf32, #tpu.memory_space<vmem>>
        %dma_start3A_162 = tpu.memref_slice %arg9[%multiple_of3A_158] : memref<10080xi32, #tpu.memory_space<vmem>> -> memref<16xi32, #tpu.memory_space<vmem>>
        %dma_start3A_163 = arith.constant 0 : i32
        %dma_start3A_164 = arith.constant 0 : i32
        %dma_start3A_165 = tpu.memref_slice %arg2[%dma_start3A_163, %dma_start3A_164] : memref<10000x128xf32, #tpu.memory_space<hbm>> -> memref<10000x128xf32, #tpu.memory_space<hbm>>
        tpu.enqueue_indirect_dma source(%dma_start3A_165 : memref<10000x128xf32, #tpu.memory_space<hbm>>) target(%dma_start3A_161 : memref<16x128xf32, #tpu.memory_space<vmem>>) offsets(%dma_start3A_162 : memref<16xi32, #tpu.memory_space<vmem>>) semaphore(%arg20 : memref<!tpu.dma_semaphore, #tpu.memory_space<semaphore_mem>>)
        %mul3A_166 = arith.constant 72 : i32
        %mul3A_167 = arith.muli %add3A_129, %mul3A_166 : i32
        %add3A_168 = arith.constant 56 : i32
        %add3A_169 = arith.addi %mul3A_167, %add3A_168 : i32
        %multiple_of3A_170 = tpu.assume_multiple %add3A_169, 8 : i32
        %dma_start3A_171 = arith.constant 56 : i32
        %dma_start3A_172 = arith.constant 0 : i32
        %dma_start3A_173 = tpu.memref_slice %arg12[%dma_start3A_171, %dma_start3A_172] : memref<72x128xf32, #tpu.memory_space<vmem>> -> memref<16x128xf32, #tpu.memory_space<vmem>>
        %dma_start3A_174 = tpu.memref_slice %arg9[%multiple_of3A_170] : memref<10080xi32, #tpu.memory_space<vmem>> -> memref<16xi32, #tpu.memory_space<vmem>>
        %dma_start3A_175 = arith.constant 0 : i32
        %dma_start3A_176 = arith.constant 0 : i32
        %dma_start3A_177 = tpu.memref_slice %arg2[%dma_start3A_175, %dma_start3A_176] : memref<10000x128xf32, #tpu.memory_space<hbm>> -> memref<10000x128xf32, #tpu.memory_space<hbm>>
        tpu.enqueue_indirect_dma source(%dma_start3A_177 : memref<10000x128xf32, #tpu.memory_space<hbm>>) target(%dma_start3A_173 : memref<16x128xf32, #tpu.memory_space<vmem>>) offsets(%dma_start3A_174 : memref<16xi32, #tpu.memory_space<vmem>>) semaphore(%arg21 : memref<!tpu.dma_semaphore, #tpu.memory_space<semaphore_mem>>)
        %mul3A_178 = arith.constant 72 : i32
        %mul3A_179 = arith.muli %add3A_79, %mul3A_178 : i32
        %multiple_of3A_180 = tpu.assume_multiple %mul3A_179, 8 : i32
        "tpu.region"() ({
          %run_scoped3A = tpu.sem_alloc : memref<!tpu.dma_semaphore, #tpu.memory_space<semaphore_mem>>
          %dma_start3A_242 = tpu.memref_slice %arg10[%multiple_of3A_180] : memref<10080xi32, #tpu.memory_space<vmem>> -> memref<72xi32, #tpu.memory_space<vmem>>
          %dma_start3A_243 = arith.constant 0 : i32
          %dma_start3A_244 = arith.constant 0 : i32
          %dma_start3A_245 = tpu.memref_slice %arg13[%dma_start3A_243, %dma_start3A_244] : memref<10112x128xf32, #tpu.memory_space<vmem_shared>> -> memref<10112x128xf32, #tpu.memory_space<vmem_shared>>
          tpu.enqueue_indirect_dma source(%arg11 : memref<72x128xf32, #tpu.memory_space<vmem>>) target(%dma_start3A_245 : memref<10112x128xf32, #tpu.memory_space<vmem_shared>>) offsets(%dma_start3A_242 : memref<72xi32, #tpu.memory_space<vmem>>) semaphore(%run_scoped3A : memref<!tpu.dma_semaphore, #tpu.memory_space<semaphore_mem>>) {add = true}
          %dma_wait3A_246 = tpu.memref_slice %arg10[%multiple_of3A_180] : memref<10080xi32, #tpu.memory_space<vmem>> -> memref<72xi32, #tpu.memory_space<vmem>>
          %dma_wait3A_247 = arith.constant 0 : i32
          %dma_wait3A_248 = arith.constant 0 : i32
          %dma_wait3A_249 = tpu.memref_slice %arg13[%dma_wait3A_247, %dma_wait3A_248] : memref<10112x128xf32, #tpu.memory_space<vmem_shared>> -> memref<10112x128xf32, #tpu.memory_space<vmem_shared>>
          tpu.wait_indirect_dma semaphore(%run_scoped3A : memref<!tpu.dma_semaphore, #tpu.memory_space<semaphore_mem>>) src(%arg11 : memref<72x128xf32, #tpu.memory_space<vmem>>) dst(%dma_wait3A_249 : memref<10112x128xf32, #tpu.memory_space<vmem_shared>>)
          tpu.yield
        }) : () -> ()
        %add3A_181 = arith.constant 1 : i32
        %add3A_182 = arith.addi %add3A_79, %add3A_181 : i32
        %mul3A_183 = arith.constant 72 : i32
        %mul3A_184 = arith.muli %add3A_182, %mul3A_183 : i32
        %add3A_185 = arith.constant 0 : i32
        %add3A_186 = arith.addi %mul3A_184, %add3A_185 : i32
        %multiple_of3A_187 = tpu.assume_multiple %add3A_186, 8 : i32
        %dma_wait3A_188 = arith.constant 0 : i32
        %dma_wait3A_189 = arith.constant 0 : i32
        %dma_wait3A_190 = tpu.memref_slice %arg12[%dma_wait3A_188, %dma_wait3A_189] : memref<72x128xf32, #tpu.memory_space<vmem>> -> memref<24x128xf32, #tpu.memory_space<vmem>>
        %dma_wait3A_191 = tpu.memref_slice %arg9[%multiple_of3A_187] : memref<10080xi32, #tpu.memory_space<vmem>> -> memref<24xi32, #tpu.memory_space<vmem>>
        %dma_wait3A_192 = arith.constant 0 : i32
        %dma_wait3A_193 = arith.constant 0 : i32
        %dma_wait3A_194 = tpu.memref_slice %arg2[%dma_wait3A_192, %dma_wait3A_193] : memref<10000x128xf32, #tpu.memory_space<hbm>> -> memref<10000x128xf32, #tpu.memory_space<hbm>>
        tpu.wait_indirect_dma semaphore(%arg18 : memref<!tpu.dma_semaphore, #tpu.memory_space<semaphore_mem>>) src(%dma_wait3A_194 : memref<10000x128xf32, #tpu.memory_space<hbm>>) dst(%dma_wait3A_190 : memref<24x128xf32, #tpu.memory_space<vmem>>)
        %mul3A_195 = arith.constant 72 : i32
        %mul3A_196 = arith.muli %add3A_182, %mul3A_195 : i32
        %add3A_197 = arith.constant 24 : i32
        %add3A_198 = arith.addi %mul3A_196, %add3A_197 : i32
        %multiple_of3A_199 = tpu.assume_multiple %add3A_198, 8 : i32
        %dma_wait3A_200 = arith.constant 24 : i32
        %dma_wait3A_201 = arith.constant 0 : i32
        %dma_wait3A_202 = tpu.memref_slice %arg12[%dma_wait3A_200, %dma_wait3A_201] : memref<72x128xf32, #tpu.memory_space<vmem>> -> memref<16x128xf32, #tpu.memory_space<vmem>>
        %dma_wait3A_203 = tpu.memref_slice %arg9[%multiple_of3A_199] : memref<10080xi32, #tpu.memory_space<vmem>> -> memref<16xi32, #tpu.memory_space<vmem>>
        %dma_wait3A_204 = arith.constant 0 : i32
        %dma_wait3A_205 = arith.constant 0 : i32
        %dma_wait3A_206 = tpu.memref_slice %arg2[%dma_wait3A_204, %dma_wait3A_205] : memref<10000x128xf32, #tpu.memory_space<hbm>> -> memref<10000x128xf32, #tpu.memory_space<hbm>>
        tpu.wait_indirect_dma semaphore(%arg19 : memref<!tpu.dma_semaphore, #tpu.memory_space<semaphore_mem>>) src(%dma_wait3A_206 : memref<10000x128xf32, #tpu.memory_space<hbm>>) dst(%dma_wait3A_202 : memref<16x128xf32, #tpu.memory_space<vmem>>)
        %mul3A_207 = arith.constant 72 : i32
        %mul3A_208 = arith.muli %add3A_182, %mul3A_207 : i32
        %add3A_209 = arith.constant 40 : i32
        %add3A_210 = arith.addi %mul3A_208, %add3A_209 : i32
        %multiple_of3A_211 = tpu.assume_multiple %add3A_210, 8 : i32
        %dma_wait3A_212 = arith.constant 40 : i32
        %dma_wait3A_213 = arith.constant 0 : i32
        %dma_wait3A_214 = tpu.memref_slice %arg12[%dma_wait3A_212, %dma_wait3A_213] : memref<72x128xf32, #tpu.memory_space<vmem>> -> memref<16x128xf32, #tpu.memory_space<vmem>>
        %dma_wait3A_215 = tpu.memref_slice %arg9[%multiple_of3A_211] : memref<10080xi32, #tpu.memory_space<vmem>> -> memref<16xi32, #tpu.memory_space<vmem>>
        %dma_wait3A_216 = arith.constant 0 : i32
        %dma_wait3A_217 = arith.constant 0 : i32
        %dma_wait3A_218 = tpu.memref_slice %arg2[%dma_wait3A_216, %dma_wait3A_217] : memref<10000x128xf32, #tpu.memory_space<hbm>> -> memref<10000x128xf32, #tpu.memory_space<hbm>>
        tpu.wait_indirect_dma semaphore(%arg20 : memref<!tpu.dma_semaphore, #tpu.memory_space<semaphore_mem>>) src(%dma_wait3A_218 : memref<10000x128xf32, #tpu.memory_space<hbm>>) dst(%dma_wait3A_214 : memref<16x128xf32, #tpu.memory_space<vmem>>)
        %mul3A_219 = arith.constant 72 : i32
        %mul3A_220 = arith.muli %add3A_182, %mul3A_219 : i32
        %add3A_221 = arith.constant 56 : i32
        %add3A_222 = arith.addi %mul3A_220, %add3A_221 : i32
        %multiple_of3A_223 = tpu.assume_multiple %add3A_222, 8 : i32
        %dma_wait3A_224 = arith.constant 56 : i32
        %dma_wait3A_225 = arith.constant 0 : i32
        %dma_wait3A_226 = tpu.memref_slice %arg12[%dma_wait3A_224, %dma_wait3A_225] : memref<72x128xf32, #tpu.memory_space<vmem>> -> memref<16x128xf32, #tpu.memory_space<vmem>>
        %dma_wait3A_227 = tpu.memref_slice %arg9[%multiple_of3A_223] : memref<10080xi32, #tpu.memory_space<vmem>> -> memref<16xi32, #tpu.memory_space<vmem>>
        %dma_wait3A_228 = arith.constant 0 : i32
        %dma_wait3A_229 = arith.constant 0 : i32
        %dma_wait3A_230 = tpu.memref_slice %arg2[%dma_wait3A_228, %dma_wait3A_229] : memref<10000x128xf32, #tpu.memory_space<hbm>> -> memref<10000x128xf32, #tpu.memory_space<hbm>>
        tpu.wait_indirect_dma semaphore(%arg21 : memref<!tpu.dma_semaphore, #tpu.memory_space<semaphore_mem>>) src(%dma_wait3A_230 : memref<10000x128xf32, #tpu.memory_space<hbm>>) dst(%dma_wait3A_226 : memref<16x128xf32, #tpu.memory_space<vmem>>)
        %add3A_231 = arith.constant 2 : i32
        %add3A_232 = arith.addi %add3A_79, %add3A_231 : i32
        %lt3A = arith.constant 140 : i32
        %lt3A_233 = arith.cmpi slt, %add3A_232, %lt3A : i32
        %convert_element_type3A_234 = arith.extui %lt3A_233 : i1 to i32
        %cond3A_235 = arith.constant 0 : i32
        %cond3A_236 = arith.cmpi ne, %convert_element_type3A_234, %cond3A_235 : i32
        scf.if %cond3A_236 {
          %add3A_242 = arith.constant 2 : i32
          %add3A_243 = arith.addi %add3A_79, %add3A_242 : i32
          %mul3A_244 = arith.constant 72 : i32
          %mul3A_245 = arith.muli %add3A_243, %mul3A_244 : i32
          %add3A_246 = arith.constant 0 : i32
          %add3A_247 = arith.addi %mul3A_245, %add3A_246 : i32
          %multiple_of3A_248 = tpu.assume_multiple %add3A_247, 8 : i32
          %dma_start3A_249 = arith.constant 0 : i32
          %dma_start3A_250 = arith.constant 0 : i32
          %dma_start3A_251 = tpu.memref_slice %arg11[%dma_start3A_249, %dma_start3A_250] : memref<72x128xf32, #tpu.memory_space<vmem>> -> memref<24x128xf32, #tpu.memory_space<vmem>>
          %dma_start3A_252 = tpu.memref_slice %arg9[%multiple_of3A_248] : memref<10080xi32, #tpu.memory_space<vmem>> -> memref<24xi32, #tpu.memory_space<vmem>>
          %dma_start3A_253 = arith.constant 0 : i32
          %dma_start3A_254 = arith.constant 0 : i32
          %dma_start3A_255 = tpu.memref_slice %arg2[%dma_start3A_253, %dma_start3A_254] : memref<10000x128xf32, #tpu.memory_space<hbm>> -> memref<10000x128xf32, #tpu.memory_space<hbm>>
          tpu.enqueue_indirect_dma source(%dma_start3A_255 : memref<10000x128xf32, #tpu.memory_space<hbm>>) target(%dma_start3A_251 : memref<24x128xf32, #tpu.memory_space<vmem>>) offsets(%dma_start3A_252 : memref<24xi32, #tpu.memory_space<vmem>>) semaphore(%arg14 : memref<!tpu.dma_semaphore, #tpu.memory_space<semaphore_mem>>)
          %mul3A_256 = arith.constant 72 : i32
          %mul3A_257 = arith.muli %add3A_243, %mul3A_256 : i32
          %add3A_258 = arith.constant 24 : i32
          %add3A_259 = arith.addi %mul3A_257, %add3A_258 : i32
          %multiple_of3A_260 = tpu.assume_multiple %add3A_259, 8 : i32
          %dma_start3A_261 = arith.constant 24 : i32
          %dma_start3A_262 = arith.constant 0 : i32
          %dma_start3A_263 = tpu.memref_slice %arg11[%dma_start3A_261, %dma_start3A_262] : memref<72x128xf32, #tpu.memory_space<vmem>> -> memref<16x128xf32, #tpu.memory_space<vmem>>
          %dma_start3A_264 = tpu.memref_slice %arg9[%multiple_of3A_260] : memref<10080xi32, #tpu.memory_space<vmem>> -> memref<16xi32, #tpu.memory_space<vmem>>
          %dma_start3A_265 = arith.constant 0 : i32
          %dma_start3A_266 = arith.constant 0 : i32
          %dma_start3A_267 = tpu.memref_slice %arg2[%dma_start3A_265, %dma_start3A_266] : memref<10000x128xf32, #tpu.memory_space<hbm>> -> memref<10000x128xf32, #tpu.memory_space<hbm>>
          tpu.enqueue_indirect_dma source(%dma_start3A_267 : memref<10000x128xf32, #tpu.memory_space<hbm>>) target(%dma_start3A_263 : memref<16x128xf32, #tpu.memory_space<vmem>>) offsets(%dma_start3A_264 : memref<16xi32, #tpu.memory_space<vmem>>) semaphore(%arg15 : memref<!tpu.dma_semaphore, #tpu.memory_space<semaphore_mem>>)
          %mul3A_268 = arith.constant 72 : i32
          %mul3A_269 = arith.muli %add3A_243, %mul3A_268 : i32
          %add3A_270 = arith.constant 40 : i32
          %add3A_271 = arith.addi %mul3A_269, %add3A_270 : i32
          %multiple_of3A_272 = tpu.assume_multiple %add3A_271, 8 : i32
          %dma_start3A_273 = arith.constant 40 : i32
          %dma_start3A_274 = arith.constant 0 : i32
          %dma_start3A_275 = tpu.memref_slice %arg11[%dma_start3A_273, %dma_start3A_274] : memref<72x128xf32, #tpu.memory_space<vmem>> -> memref<16x128xf32, #tpu.memory_space<vmem>>
          %dma_start3A_276 = tpu.memref_slice %arg9[%multiple_of3A_272] : memref<10080xi32, #tpu.memory_space<vmem>> -> memref<16xi32, #tpu.memory_space<vmem>>
          %dma_start3A_277 = arith.constant 0 : i32
          %dma_start3A_278 = arith.constant 0 : i32
          %dma_start3A_279 = tpu.memref_slice %arg2[%dma_start3A_277, %dma_start3A_278] : memref<10000x128xf32, #tpu.memory_space<hbm>> -> memref<10000x128xf32, #tpu.memory_space<hbm>>
          tpu.enqueue_indirect_dma source(%dma_start3A_279 : memref<10000x128xf32, #tpu.memory_space<hbm>>) target(%dma_start3A_275 : memref<16x128xf32, #tpu.memory_space<vmem>>) offsets(%dma_start3A_276 : memref<16xi32, #tpu.memory_space<vmem>>) semaphore(%arg16 : memref<!tpu.dma_semaphore, #tpu.memory_space<semaphore_mem>>)
          %mul3A_280 = arith.constant 72 : i32
          %mul3A_281 = arith.muli %add3A_243, %mul3A_280 : i32
          %add3A_282 = arith.constant 56 : i32
          %add3A_283 = arith.addi %mul3A_281, %add3A_282 : i32
          %multiple_of3A_284 = tpu.assume_multiple %add3A_283, 8 : i32
          %dma_start3A_285 = arith.constant 56 : i32
          %dma_start3A_286 = arith.constant 0 : i32
          %dma_start3A_287 = tpu.memref_slice %arg11[%dma_start3A_285, %dma_start3A_286] : memref<72x128xf32, #tpu.memory_space<vmem>> -> memref<16x128xf32, #tpu.memory_space<vmem>>
          %dma_start3A_288 = tpu.memref_slice %arg9[%multiple_of3A_284] : memref<10080xi32, #tpu.memory_space<vmem>> -> memref<16xi32, #tpu.memory_space<vmem>>
          %dma_start3A_289 = arith.constant 0 : i32
          %dma_start3A_290 = arith.constant 0 : i32
          %dma_start3A_291 = tpu.memref_slice %arg2[%dma_start3A_289, %dma_start3A_290] : memref<10000x128xf32, #tpu.memory_space<hbm>> -> memref<10000x128xf32, #tpu.memory_space<hbm>>
          tpu.enqueue_indirect_dma source(%dma_start3A_291 : memref<10000x128xf32, #tpu.memory_space<hbm>>) target(%dma_start3A_287 : memref<16x128xf32, #tpu.memory_space<vmem>>) offsets(%dma_start3A_288 : memref<16xi32, #tpu.memory_space<vmem>>) semaphore(%arg17 : memref<!tpu.dma_semaphore, #tpu.memory_space<semaphore_mem>>)
        } else {
        }
        %add3A_237 = arith.constant 1 : i32
        %add3A_238 = arith.addi %add3A_79, %add3A_237 : i32
        %mul3A_239 = arith.constant 72 : i32
        %mul3A_240 = arith.muli %add3A_238, %mul3A_239 : i32
        %multiple_of3A_241 = tpu.assume_multiple %mul3A_240, 8 : i32
        "tpu.region"() ({
          %run_scoped3A = tpu.sem_alloc : memref<!tpu.dma_semaphore, #tpu.memory_space<semaphore_mem>>
          %dma_start3A_242 = tpu.memref_slice %arg10[%multiple_of3A_241] : memref<10080xi32, #tpu.memory_space<vmem>> -> memref<72xi32, #tpu.memory_space<vmem>>
          %dma_start3A_243 = arith.constant 0 : i32
          %dma_start3A_244 = arith.constant 0 : i32
          %dma_start3A_245 = tpu.memref_slice %arg13[%dma_start3A_243, %dma_start3A_244] : memref<10112x128xf32, #tpu.memory_space<vmem_shared>> -> memref<10112x128xf32, #tpu.memory_space<vmem_shared>>
          tpu.enqueue_indirect_dma source(%arg12 : memref<72x128xf32, #tpu.memory_space<vmem>>) target(%dma_start3A_245 : memref<10112x128xf32, #tpu.memory_space<vmem_shared>>) offsets(%dma_start3A_242 : memref<72xi32, #tpu.memory_space<vmem>>) semaphore(%run_scoped3A : memref<!tpu.dma_semaphore, #tpu.memory_space<semaphore_mem>>) {add = true}
          %dma_wait3A_246 = tpu.memref_slice %arg10[%multiple_of3A_241] : memref<10080xi32, #tpu.memory_space<vmem>> -> memref<72xi32, #tpu.memory_space<vmem>>
          %dma_wait3A_247 = arith.constant 0 : i32
          %dma_wait3A_248 = arith.constant 0 : i32
          %dma_wait3A_249 = tpu.memref_slice %arg13[%dma_wait3A_247, %dma_wait3A_248] : memref<10112x128xf32, #tpu.memory_space<vmem_shared>> -> memref<10112x128xf32, #tpu.memory_space<vmem_shared>>
          tpu.wait_indirect_dma semaphore(%run_scoped3A : memref<!tpu.dma_semaphore, #tpu.memory_space<semaphore_mem>>) src(%arg12 : memref<72x128xf32, #tpu.memory_space<vmem>>) dst(%dma_wait3A_249 : memref<10112x128xf32, #tpu.memory_space<vmem_shared>>)
          tpu.yield
        }) : () -> ()
      }
      %scan3A_75 = arith.constant 70 : i32
    } else {
    }
    %eq3A_20 = arith.constant 1 : i32
    %eq3A_21 = arith.cmpi eq, %arg0, %eq3A_20 : i32
    %convert_element_type3A_22 = arith.extui %eq3A_21 : i1 to i32
    %cond3A_23 = arith.constant 0 : i32
    %cond3A_24 = arith.cmpi ne, %convert_element_type3A_22, %cond3A_23 : i32
    scf.if %cond3A_24 {
      %multiple_of3A_36 = arith.constant 0 : i32
      %multiple_of3A_37 = tpu.assume_multiple %multiple_of3A_36, 8 : i32
      %dma_start3A_38 = arith.constant 0 : i32
      %dma_start3A_39 = arith.constant 0 : i32
      %dma_start3A_40 = tpu.memref_slice %arg11[%dma_start3A_38, %dma_start3A_39] : memref<72x128xf32, #tpu.memory_space<vmem>> -> memref<24x128xf32, #tpu.memory_space<vmem>>
      %dma_start3A_41 = tpu.memref_slice %arg9[%multiple_of3A_37] : memref<10080xi32, #tpu.memory_space<vmem>> -> memref<24xi32, #tpu.memory_space<vmem>>
      %dma_start3A_42 = arith.constant 0 : i32
      %dma_start3A_43 = arith.constant 0 : i32
      %dma_start3A_44 = tpu.memref_slice %arg3[%dma_start3A_42, %dma_start3A_43] : memref<10000x128xf32, #tpu.memory_space<hbm>> -> memref<10000x128xf32, #tpu.memory_space<hbm>>
      tpu.enqueue_indirect_dma source(%dma_start3A_44 : memref<10000x128xf32, #tpu.memory_space<hbm>>) target(%dma_start3A_40 : memref<24x128xf32, #tpu.memory_space<vmem>>) offsets(%dma_start3A_41 : memref<24xi32, #tpu.memory_space<vmem>>) semaphore(%arg14 : memref<!tpu.dma_semaphore, #tpu.memory_space<semaphore_mem>>)
      %multiple_of3A_45 = arith.constant 24 : i32
      %multiple_of3A_46 = tpu.assume_multiple %multiple_of3A_45, 8 : i32
      %dma_start3A_47 = arith.constant 24 : i32
      %dma_start3A_48 = arith.constant 0 : i32
      %dma_start3A_49 = tpu.memref_slice %arg11[%dma_start3A_47, %dma_start3A_48] : memref<72x128xf32, #tpu.memory_space<vmem>> -> memref<16x128xf32, #tpu.memory_space<vmem>>
      %dma_start3A_50 = tpu.memref_slice %arg9[%multiple_of3A_46] : memref<10080xi32, #tpu.memory_space<vmem>> -> memref<16xi32, #tpu.memory_space<vmem>>
      %dma_start3A_51 = arith.constant 0 : i32
      %dma_start3A_52 = arith.constant 0 : i32
      %dma_start3A_53 = tpu.memref_slice %arg3[%dma_start3A_51, %dma_start3A_52] : memref<10000x128xf32, #tpu.memory_space<hbm>> -> memref<10000x128xf32, #tpu.memory_space<hbm>>
      tpu.enqueue_indirect_dma source(%dma_start3A_53 : memref<10000x128xf32, #tpu.memory_space<hbm>>) target(%dma_start3A_49 : memref<16x128xf32, #tpu.memory_space<vmem>>) offsets(%dma_start3A_50 : memref<16xi32, #tpu.memory_space<vmem>>) semaphore(%arg15 : memref<!tpu.dma_semaphore, #tpu.memory_space<semaphore_mem>>)
      %multiple_of3A_54 = arith.constant 40 : i32
      %multiple_of3A_55 = tpu.assume_multiple %multiple_of3A_54, 8 : i32
      %dma_start3A_56 = arith.constant 40 : i32
      %dma_start3A_57 = arith.constant 0 : i32
      %dma_start3A_58 = tpu.memref_slice %arg11[%dma_start3A_56, %dma_start3A_57] : memref<72x128xf32, #tpu.memory_space<vmem>> -> memref<16x128xf32, #tpu.memory_space<vmem>>
      %dma_start3A_59 = tpu.memref_slice %arg9[%multiple_of3A_55] : memref<10080xi32, #tpu.memory_space<vmem>> -> memref<16xi32, #tpu.memory_space<vmem>>
      %dma_start3A_60 = arith.constant 0 : i32
      %dma_start3A_61 = arith.constant 0 : i32
      %dma_start3A_62 = tpu.memref_slice %arg3[%dma_start3A_60, %dma_start3A_61] : memref<10000x128xf32, #tpu.memory_space<hbm>> -> memref<10000x128xf32, #tpu.memory_space<hbm>>
      tpu.enqueue_indirect_dma source(%dma_start3A_62 : memref<10000x128xf32, #tpu.memory_space<hbm>>) target(%dma_start3A_58 : memref<16x128xf32, #tpu.memory_space<vmem>>) offsets(%dma_start3A_59 : memref<16xi32, #tpu.memory_space<vmem>>) semaphore(%arg16 : memref<!tpu.dma_semaphore, #tpu.memory_space<semaphore_mem>>)
      %multiple_of3A_63 = arith.constant 56 : i32
      %multiple_of3A_64 = tpu.assume_multiple %multiple_of3A_63, 8 : i32
      %dma_start3A_65 = arith.constant 56 : i32
      %dma_start3A_66 = arith.constant 0 : i32
      %dma_start3A_67 = tpu.memref_slice %arg11[%dma_start3A_65, %dma_start3A_66] : memref<72x128xf32, #tpu.memory_space<vmem>> -> memref<16x128xf32, #tpu.memory_space<vmem>>
      %dma_start3A_68 = tpu.memref_slice %arg9[%multiple_of3A_64] : memref<10080xi32, #tpu.memory_space<vmem>> -> memref<16xi32, #tpu.memory_space<vmem>>
      %dma_start3A_69 = arith.constant 0 : i32
      %dma_start3A_70 = arith.constant 0 : i32
      %dma_start3A_71 = tpu.memref_slice %arg3[%dma_start3A_69, %dma_start3A_70] : memref<10000x128xf32, #tpu.memory_space<hbm>> -> memref<10000x128xf32, #tpu.memory_space<hbm>>
      tpu.enqueue_indirect_dma source(%dma_start3A_71 : memref<10000x128xf32, #tpu.memory_space<hbm>>) target(%dma_start3A_67 : memref<16x128xf32, #tpu.memory_space<vmem>>) offsets(%dma_start3A_68 : memref<16xi32, #tpu.memory_space<vmem>>) semaphore(%arg17 : memref<!tpu.dma_semaphore, #tpu.memory_space<semaphore_mem>>)
      %scan3A = arith.constant 0 : i32
      %scan3A_72 = arith.constant 70 : i32
      %scan3A_73 = arith.addi %scan3A, %scan3A_72 : i32
      %scan3A_74 = arith.constant 1 : i32
      scf.for %scan3A_76 = %scan3A to %scan3A_73 step %scan3A_74  : i32 {
        %mul3A_77 = arith.constant 2 : i32
        %mul3A_78 = arith.muli %scan3A_76, %mul3A_77 : i32
        %add3A = arith.constant 0 : i32
        %add3A_79 = arith.addi %add3A, %mul3A_78 : i32
        %mul3A_80 = arith.constant 72 : i32
        %mul3A_81 = arith.muli %add3A_79, %mul3A_80 : i32
        %add3A_82 = arith.constant 0 : i32
        %add3A_83 = arith.addi %mul3A_81, %add3A_82 : i32
        %multiple_of3A_84 = tpu.assume_multiple %add3A_83, 8 : i32
        %dma_wait3A_85 = arith.constant 0 : i32
        %dma_wait3A_86 = arith.constant 0 : i32
        %dma_wait3A_87 = tpu.memref_slice %arg11[%dma_wait3A_85, %dma_wait3A_86] : memref<72x128xf32, #tpu.memory_space<vmem>> -> memref<24x128xf32, #tpu.memory_space<vmem>>
        %dma_wait3A_88 = tpu.memref_slice %arg9[%multiple_of3A_84] : memref<10080xi32, #tpu.memory_space<vmem>> -> memref<24xi32, #tpu.memory_space<vmem>>
        %dma_wait3A_89 = arith.constant 0 : i32
        %dma_wait3A_90 = arith.constant 0 : i32
        %dma_wait3A_91 = tpu.memref_slice %arg3[%dma_wait3A_89, %dma_wait3A_90] : memref<10000x128xf32, #tpu.memory_space<hbm>> -> memref<10000x128xf32, #tpu.memory_space<hbm>>
        tpu.wait_indirect_dma semaphore(%arg14 : memref<!tpu.dma_semaphore, #tpu.memory_space<semaphore_mem>>) src(%dma_wait3A_91 : memref<10000x128xf32, #tpu.memory_space<hbm>>) dst(%dma_wait3A_87 : memref<24x128xf32, #tpu.memory_space<vmem>>)
        %mul3A_92 = arith.constant 72 : i32
        %mul3A_93 = arith.muli %add3A_79, %mul3A_92 : i32
        %add3A_94 = arith.constant 24 : i32
        %add3A_95 = arith.addi %mul3A_93, %add3A_94 : i32
        %multiple_of3A_96 = tpu.assume_multiple %add3A_95, 8 : i32
        %dma_wait3A_97 = arith.constant 24 : i32
        %dma_wait3A_98 = arith.constant 0 : i32
        %dma_wait3A_99 = tpu.memref_slice %arg11[%dma_wait3A_97, %dma_wait3A_98] : memref<72x128xf32, #tpu.memory_space<vmem>> -> memref<16x128xf32, #tpu.memory_space<vmem>>
        %dma_wait3A_100 = tpu.memref_slice %arg9[%multiple_of3A_96] : memref<10080xi32, #tpu.memory_space<vmem>> -> memref<16xi32, #tpu.memory_space<vmem>>
        %dma_wait3A_101 = arith.constant 0 : i32
        %dma_wait3A_102 = arith.constant 0 : i32
        %dma_wait3A_103 = tpu.memref_slice %arg3[%dma_wait3A_101, %dma_wait3A_102] : memref<10000x128xf32, #tpu.memory_space<hbm>> -> memref<10000x128xf32, #tpu.memory_space<hbm>>
        tpu.wait_indirect_dma semaphore(%arg15 : memref<!tpu.dma_semaphore, #tpu.memory_space<semaphore_mem>>) src(%dma_wait3A_103 : memref<10000x128xf32, #tpu.memory_space<hbm>>) dst(%dma_wait3A_99 : memref<16x128xf32, #tpu.memory_space<vmem>>)
        %mul3A_104 = arith.constant 72 : i32
        %mul3A_105 = arith.muli %add3A_79, %mul3A_104 : i32
        %add3A_106 = arith.constant 40 : i32
        %add3A_107 = arith.addi %mul3A_105, %add3A_106 : i32
        %multiple_of3A_108 = tpu.assume_multiple %add3A_107, 8 : i32
        %dma_wait3A_109 = arith.constant 40 : i32
        %dma_wait3A_110 = arith.constant 0 : i32
        %dma_wait3A_111 = tpu.memref_slice %arg11[%dma_wait3A_109, %dma_wait3A_110] : memref<72x128xf32, #tpu.memory_space<vmem>> -> memref<16x128xf32, #tpu.memory_space<vmem>>
        %dma_wait3A_112 = tpu.memref_slice %arg9[%multiple_of3A_108] : memref<10080xi32, #tpu.memory_space<vmem>> -> memref<16xi32, #tpu.memory_space<vmem>>
        %dma_wait3A_113 = arith.constant 0 : i32
        %dma_wait3A_114 = arith.constant 0 : i32
        %dma_wait3A_115 = tpu.memref_slice %arg3[%dma_wait3A_113, %dma_wait3A_114] : memref<10000x128xf32, #tpu.memory_space<hbm>> -> memref<10000x128xf32, #tpu.memory_space<hbm>>
        tpu.wait_indirect_dma semaphore(%arg16 : memref<!tpu.dma_semaphore, #tpu.memory_space<semaphore_mem>>) src(%dma_wait3A_115 : memref<10000x128xf32, #tpu.memory_space<hbm>>) dst(%dma_wait3A_111 : memref<16x128xf32, #tpu.memory_space<vmem>>)
        %mul3A_116 = arith.constant 72 : i32
        %mul3A_117 = arith.muli %add3A_79, %mul3A_116 : i32
        %add3A_118 = arith.constant 56 : i32
        %add3A_119 = arith.addi %mul3A_117, %add3A_118 : i32
        %multiple_of3A_120 = tpu.assume_multiple %add3A_119, 8 : i32
        %dma_wait3A_121 = arith.constant 56 : i32
        %dma_wait3A_122 = arith.constant 0 : i32
        %dma_wait3A_123 = tpu.memref_slice %arg11[%dma_wait3A_121, %dma_wait3A_122] : memref<72x128xf32, #tpu.memory_space<vmem>> -> memref<16x128xf32, #tpu.memory_space<vmem>>
        %dma_wait3A_124 = tpu.memref_slice %arg9[%multiple_of3A_120] : memref<10080xi32, #tpu.memory_space<vmem>> -> memref<16xi32, #tpu.memory_space<vmem>>
        %dma_wait3A_125 = arith.constant 0 : i32
        %dma_wait3A_126 = arith.constant 0 : i32
        %dma_wait3A_127 = tpu.memref_slice %arg3[%dma_wait3A_125, %dma_wait3A_126] : memref<10000x128xf32, #tpu.memory_space<hbm>> -> memref<10000x128xf32, #tpu.memory_space<hbm>>
        tpu.wait_indirect_dma semaphore(%arg17 : memref<!tpu.dma_semaphore, #tpu.memory_space<semaphore_mem>>) src(%dma_wait3A_127 : memref<10000x128xf32, #tpu.memory_space<hbm>>) dst(%dma_wait3A_123 : memref<16x128xf32, #tpu.memory_space<vmem>>)
        %add3A_128 = arith.constant 1 : i32
        %add3A_129 = arith.addi %add3A_79, %add3A_128 : i32
        %mul3A_130 = arith.constant 72 : i32
        %mul3A_131 = arith.muli %add3A_129, %mul3A_130 : i32
        %add3A_132 = arith.constant 0 : i32
        %add3A_133 = arith.addi %mul3A_131, %add3A_132 : i32
        %multiple_of3A_134 = tpu.assume_multiple %add3A_133, 8 : i32
        %dma_start3A_135 = arith.constant 0 : i32
        %dma_start3A_136 = arith.constant 0 : i32
        %dma_start3A_137 = tpu.memref_slice %arg12[%dma_start3A_135, %dma_start3A_136] : memref<72x128xf32, #tpu.memory_space<vmem>> -> memref<24x128xf32, #tpu.memory_space<vmem>>
        %dma_start3A_138 = tpu.memref_slice %arg9[%multiple_of3A_134] : memref<10080xi32, #tpu.memory_space<vmem>> -> memref<24xi32, #tpu.memory_space<vmem>>
        %dma_start3A_139 = arith.constant 0 : i32
        %dma_start3A_140 = arith.constant 0 : i32
        %dma_start3A_141 = tpu.memref_slice %arg3[%dma_start3A_139, %dma_start3A_140] : memref<10000x128xf32, #tpu.memory_space<hbm>> -> memref<10000x128xf32, #tpu.memory_space<hbm>>
        tpu.enqueue_indirect_dma source(%dma_start3A_141 : memref<10000x128xf32, #tpu.memory_space<hbm>>) target(%dma_start3A_137 : memref<24x128xf32, #tpu.memory_space<vmem>>) offsets(%dma_start3A_138 : memref<24xi32, #tpu.memory_space<vmem>>) semaphore(%arg18 : memref<!tpu.dma_semaphore, #tpu.memory_space<semaphore_mem>>)
        %mul3A_142 = arith.constant 72 : i32
        %mul3A_143 = arith.muli %add3A_129, %mul3A_142 : i32
        %add3A_144 = arith.constant 24 : i32
        %add3A_145 = arith.addi %mul3A_143, %add3A_144 : i32
        %multiple_of3A_146 = tpu.assume_multiple %add3A_145, 8 : i32
        %dma_start3A_147 = arith.constant 24 : i32
        %dma_start3A_148 = arith.constant 0 : i32
        %dma_start3A_149 = tpu.memref_slice %arg12[%dma_start3A_147, %dma_start3A_148] : memref<72x128xf32, #tpu.memory_space<vmem>> -> memref<16x128xf32, #tpu.memory_space<vmem>>
        %dma_start3A_150 = tpu.memref_slice %arg9[%multiple_of3A_146] : memref<10080xi32, #tpu.memory_space<vmem>> -> memref<16xi32, #tpu.memory_space<vmem>>
        %dma_start3A_151 = arith.constant 0 : i32
        %dma_start3A_152 = arith.constant 0 : i32
        %dma_start3A_153 = tpu.memref_slice %arg3[%dma_start3A_151, %dma_start3A_152] : memref<10000x128xf32, #tpu.memory_space<hbm>> -> memref<10000x128xf32, #tpu.memory_space<hbm>>
        tpu.enqueue_indirect_dma source(%dma_start3A_153 : memref<10000x128xf32, #tpu.memory_space<hbm>>) target(%dma_start3A_149 : memref<16x128xf32, #tpu.memory_space<vmem>>) offsets(%dma_start3A_150 : memref<16xi32, #tpu.memory_space<vmem>>) semaphore(%arg19 : memref<!tpu.dma_semaphore, #tpu.memory_space<semaphore_mem>>)
        %mul3A_154 = arith.constant 72 : i32
        %mul3A_155 = arith.muli %add3A_129, %mul3A_154 : i32
        %add3A_156 = arith.constant 40 : i32
        %add3A_157 = arith.addi %mul3A_155, %add3A_156 : i32
        %multiple_of3A_158 = tpu.assume_multiple %add3A_157, 8 : i32
        %dma_start3A_159 = arith.constant 40 : i32
        %dma_start3A_160 = arith.constant 0 : i32
        %dma_start3A_161 = tpu.memref_slice %arg12[%dma_start3A_159, %dma_start3A_160] : memref<72x128xf32, #tpu.memory_space<vmem>> -> memref<16x128xf32, #tpu.memory_space<vmem>>
        %dma_start3A_162 = tpu.memref_slice %arg9[%multiple_of3A_158] : memref<10080xi32, #tpu.memory_space<vmem>> -> memref<16xi32, #tpu.memory_space<vmem>>
        %dma_start3A_163 = arith.constant 0 : i32
        %dma_start3A_164 = arith.constant 0 : i32
        %dma_start3A_165 = tpu.memref_slice %arg3[%dma_start3A_163, %dma_start3A_164] : memref<10000x128xf32, #tpu.memory_space<hbm>> -> memref<10000x128xf32, #tpu.memory_space<hbm>>
        tpu.enqueue_indirect_dma source(%dma_start3A_165 : memref<10000x128xf32, #tpu.memory_space<hbm>>) target(%dma_start3A_161 : memref<16x128xf32, #tpu.memory_space<vmem>>) offsets(%dma_start3A_162 : memref<16xi32, #tpu.memory_space<vmem>>) semaphore(%arg20 : memref<!tpu.dma_semaphore, #tpu.memory_space<semaphore_mem>>)
        %mul3A_166 = arith.constant 72 : i32
        %mul3A_167 = arith.muli %add3A_129, %mul3A_166 : i32
        %add3A_168 = arith.constant 56 : i32
        %add3A_169 = arith.addi %mul3A_167, %add3A_168 : i32
        %multiple_of3A_170 = tpu.assume_multiple %add3A_169, 8 : i32
        %dma_start3A_171 = arith.constant 56 : i32
        %dma_start3A_172 = arith.constant 0 : i32
        %dma_start3A_173 = tpu.memref_slice %arg12[%dma_start3A_171, %dma_start3A_172] : memref<72x128xf32, #tpu.memory_space<vmem>> -> memref<16x128xf32, #tpu.memory_space<vmem>>
        %dma_start3A_174 = tpu.memref_slice %arg9[%multiple_of3A_170] : memref<10080xi32, #tpu.memory_space<vmem>> -> memref<16xi32, #tpu.memory_space<vmem>>
        %dma_start3A_175 = arith.constant 0 : i32
        %dma_start3A_176 = arith.constant 0 : i32
        %dma_start3A_177 = tpu.memref_slice %arg3[%dma_start3A_175, %dma_start3A_176] : memref<10000x128xf32, #tpu.memory_space<hbm>> -> memref<10000x128xf32, #tpu.memory_space<hbm>>
        tpu.enqueue_indirect_dma source(%dma_start3A_177 : memref<10000x128xf32, #tpu.memory_space<hbm>>) target(%dma_start3A_173 : memref<16x128xf32, #tpu.memory_space<vmem>>) offsets(%dma_start3A_174 : memref<16xi32, #tpu.memory_space<vmem>>) semaphore(%arg21 : memref<!tpu.dma_semaphore, #tpu.memory_space<semaphore_mem>>)
        %mul3A_178 = arith.constant 72 : i32
        %mul3A_179 = arith.muli %add3A_79, %mul3A_178 : i32
        %multiple_of3A_180 = tpu.assume_multiple %mul3A_179, 8 : i32
        "tpu.region"() ({
          %run_scoped3A = tpu.sem_alloc : memref<!tpu.dma_semaphore, #tpu.memory_space<semaphore_mem>>
          %dma_start3A_242 = tpu.memref_slice %arg10[%multiple_of3A_180] : memref<10080xi32, #tpu.memory_space<vmem>> -> memref<72xi32, #tpu.memory_space<vmem>>
          %dma_start3A_243 = arith.constant 0 : i32
          %dma_start3A_244 = arith.constant 0 : i32
          %dma_start3A_245 = tpu.memref_slice %arg13[%dma_start3A_243, %dma_start3A_244] : memref<10112x128xf32, #tpu.memory_space<vmem_shared>> -> memref<10112x128xf32, #tpu.memory_space<vmem_shared>>
          tpu.enqueue_indirect_dma source(%arg11 : memref<72x128xf32, #tpu.memory_space<vmem>>) target(%dma_start3A_245 : memref<10112x128xf32, #tpu.memory_space<vmem_shared>>) offsets(%dma_start3A_242 : memref<72xi32, #tpu.memory_space<vmem>>) semaphore(%run_scoped3A : memref<!tpu.dma_semaphore, #tpu.memory_space<semaphore_mem>>) {add = true}
          %dma_wait3A_246 = tpu.memref_slice %arg10[%multiple_of3A_180] : memref<10080xi32, #tpu.memory_space<vmem>> -> memref<72xi32, #tpu.memory_space<vmem>>
          %dma_wait3A_247 = arith.constant 0 : i32
          %dma_wait3A_248 = arith.constant 0 : i32
          %dma_wait3A_249 = tpu.memref_slice %arg13[%dma_wait3A_247, %dma_wait3A_248] : memref<10112x128xf32, #tpu.memory_space<vmem_shared>> -> memref<10112x128xf32, #tpu.memory_space<vmem_shared>>
          tpu.wait_indirect_dma semaphore(%run_scoped3A : memref<!tpu.dma_semaphore, #tpu.memory_space<semaphore_mem>>) src(%arg11 : memref<72x128xf32, #tpu.memory_space<vmem>>) dst(%dma_wait3A_249 : memref<10112x128xf32, #tpu.memory_space<vmem_shared>>)
          tpu.yield
        }) : () -> ()
        %add3A_181 = arith.constant 1 : i32
        %add3A_182 = arith.addi %add3A_79, %add3A_181 : i32
        %mul3A_183 = arith.constant 72 : i32
        %mul3A_184 = arith.muli %add3A_182, %mul3A_183 : i32
        %add3A_185 = arith.constant 0 : i32
        %add3A_186 = arith.addi %mul3A_184, %add3A_185 : i32
        %multiple_of3A_187 = tpu.assume_multiple %add3A_186, 8 : i32
        %dma_wait3A_188 = arith.constant 0 : i32
        %dma_wait3A_189 = arith.constant 0 : i32
        %dma_wait3A_190 = tpu.memref_slice %arg12[%dma_wait3A_188, %dma_wait3A_189] : memref<72x128xf32, #tpu.memory_space<vmem>> -> memref<24x128xf32, #tpu.memory_space<vmem>>
        %dma_wait3A_191 = tpu.memref_slice %arg9[%multiple_of3A_187] : memref<10080xi32, #tpu.memory_space<vmem>> -> memref<24xi32, #tpu.memory_space<vmem>>
        %dma_wait3A_192 = arith.constant 0 : i32
        %dma_wait3A_193 = arith.constant 0 : i32
        %dma_wait3A_194 = tpu.memref_slice %arg3[%dma_wait3A_192, %dma_wait3A_193] : memref<10000x128xf32, #tpu.memory_space<hbm>> -> memref<10000x128xf32, #tpu.memory_space<hbm>>
        tpu.wait_indirect_dma semaphore(%arg18 : memref<!tpu.dma_semaphore, #tpu.memory_space<semaphore_mem>>) src(%dma_wait3A_194 : memref<10000x128xf32, #tpu.memory_space<hbm>>) dst(%dma_wait3A_190 : memref<24x128xf32, #tpu.memory_space<vmem>>)
        %mul3A_195 = arith.constant 72 : i32
        %mul3A_196 = arith.muli %add3A_182, %mul3A_195 : i32
        %add3A_197 = arith.constant 24 : i32
        %add3A_198 = arith.addi %mul3A_196, %add3A_197 : i32
        %multiple_of3A_199 = tpu.assume_multiple %add3A_198, 8 : i32
        %dma_wait3A_200 = arith.constant 24 : i32
        %dma_wait3A_201 = arith.constant 0 : i32
        %dma_wait3A_202 = tpu.memref_slice %arg12[%dma_wait3A_200, %dma_wait3A_201] : memref<72x128xf32, #tpu.memory_space<vmem>> -> memref<16x128xf32, #tpu.memory_space<vmem>>
        %dma_wait3A_203 = tpu.memref_slice %arg9[%multiple_of3A_199] : memref<10080xi32, #tpu.memory_space<vmem>> -> memref<16xi32, #tpu.memory_space<vmem>>
        %dma_wait3A_204 = arith.constant 0 : i32
        %dma_wait3A_205 = arith.constant 0 : i32
        %dma_wait3A_206 = tpu.memref_slice %arg3[%dma_wait3A_204, %dma_wait3A_205] : memref<10000x128xf32, #tpu.memory_space<hbm>> -> memref<10000x128xf32, #tpu.memory_space<hbm>>
        tpu.wait_indirect_dma semaphore(%arg19 : memref<!tpu.dma_semaphore, #tpu.memory_space<semaphore_mem>>) src(%dma_wait3A_206 : memref<10000x128xf32, #tpu.memory_space<hbm>>) dst(%dma_wait3A_202 : memref<16x128xf32, #tpu.memory_space<vmem>>)
        %mul3A_207 = arith.constant 72 : i32
        %mul3A_208 = arith.muli %add3A_182, %mul3A_207 : i32
        %add3A_209 = arith.constant 40 : i32
        %add3A_210 = arith.addi %mul3A_208, %add3A_209 : i32
        %multiple_of3A_211 = tpu.assume_multiple %add3A_210, 8 : i32
        %dma_wait3A_212 = arith.constant 40 : i32
        %dma_wait3A_213 = arith.constant 0 : i32
        %dma_wait3A_214 = tpu.memref_slice %arg12[%dma_wait3A_212, %dma_wait3A_213] : memref<72x128xf32, #tpu.memory_space<vmem>> -> memref<16x128xf32, #tpu.memory_space<vmem>>
        %dma_wait3A_215 = tpu.memref_slice %arg9[%multiple_of3A_211] : memref<10080xi32, #tpu.memory_space<vmem>> -> memref<16xi32, #tpu.memory_space<vmem>>
        %dma_wait3A_216 = arith.constant 0 : i32
        %dma_wait3A_217 = arith.constant 0 : i32
        %dma_wait3A_218 = tpu.memref_slice %arg3[%dma_wait3A_216, %dma_wait3A_217] : memref<10000x128xf32, #tpu.memory_space<hbm>> -> memref<10000x128xf32, #tpu.memory_space<hbm>>
        tpu.wait_indirect_dma semaphore(%arg20 : memref<!tpu.dma_semaphore, #tpu.memory_space<semaphore_mem>>) src(%dma_wait3A_218 : memref<10000x128xf32, #tpu.memory_space<hbm>>) dst(%dma_wait3A_214 : memref<16x128xf32, #tpu.memory_space<vmem>>)
        %mul3A_219 = arith.constant 72 : i32
        %mul3A_220 = arith.muli %add3A_182, %mul3A_219 : i32
        %add3A_221 = arith.constant 56 : i32
        %add3A_222 = arith.addi %mul3A_220, %add3A_221 : i32
        %multiple_of3A_223 = tpu.assume_multiple %add3A_222, 8 : i32
        %dma_wait3A_224 = arith.constant 56 : i32
        %dma_wait3A_225 = arith.constant 0 : i32
        %dma_wait3A_226 = tpu.memref_slice %arg12[%dma_wait3A_224, %dma_wait3A_225] : memref<72x128xf32, #tpu.memory_space<vmem>> -> memref<16x128xf32, #tpu.memory_space<vmem>>
        %dma_wait3A_227 = tpu.memref_slice %arg9[%multiple_of3A_223] : memref<10080xi32, #tpu.memory_space<vmem>> -> memref<16xi32, #tpu.memory_space<vmem>>
        %dma_wait3A_228 = arith.constant 0 : i32
        %dma_wait3A_229 = arith.constant 0 : i32
        %dma_wait3A_230 = tpu.memref_slice %arg3[%dma_wait3A_228, %dma_wait3A_229] : memref<10000x128xf32, #tpu.memory_space<hbm>> -> memref<10000x128xf32, #tpu.memory_space<hbm>>
        tpu.wait_indirect_dma semaphore(%arg21 : memref<!tpu.dma_semaphore, #tpu.memory_space<semaphore_mem>>) src(%dma_wait3A_230 : memref<10000x128xf32, #tpu.memory_space<hbm>>) dst(%dma_wait3A_226 : memref<16x128xf32, #tpu.memory_space<vmem>>)
        %add3A_231 = arith.constant 2 : i32
        %add3A_232 = arith.addi %add3A_79, %add3A_231 : i32
        %lt3A = arith.constant 140 : i32
        %lt3A_233 = arith.cmpi slt, %add3A_232, %lt3A : i32
        %convert_element_type3A_234 = arith.extui %lt3A_233 : i1 to i32
        %cond3A_235 = arith.constant 0 : i32
        %cond3A_236 = arith.cmpi ne, %convert_element_type3A_234, %cond3A_235 : i32
        scf.if %cond3A_236 {
          %add3A_242 = arith.constant 2 : i32
          %add3A_243 = arith.addi %add3A_79, %add3A_242 : i32
          %mul3A_244 = arith.constant 72 : i32
          %mul3A_245 = arith.muli %add3A_243, %mul3A_244 : i32
          %add3A_246 = arith.constant 0 : i32
          %add3A_247 = arith.addi %mul3A_245, %add3A_246 : i32
          %multiple_of3A_248 = tpu.assume_multiple %add3A_247, 8 : i32
          %dma_start3A_249 = arith.constant 0 : i32
          %dma_start3A_250 = arith.constant 0 : i32
          %dma_start3A_251 = tpu.memref_slice %arg11[%dma_start3A_249, %dma_start3A_250] : memref<72x128xf32, #tpu.memory_space<vmem>> -> memref<24x128xf32, #tpu.memory_space<vmem>>
          %dma_start3A_252 = tpu.memref_slice %arg9[%multiple_of3A_248] : memref<10080xi32, #tpu.memory_space<vmem>> -> memref<24xi32, #tpu.memory_space<vmem>>
          %dma_start3A_253 = arith.constant 0 : i32
          %dma_start3A_254 = arith.constant 0 : i32
          %dma_start3A_255 = tpu.memref_slice %arg3[%dma_start3A_253, %dma_start3A_254] : memref<10000x128xf32, #tpu.memory_space<hbm>> -> memref<10000x128xf32, #tpu.memory_space<hbm>>
          tpu.enqueue_indirect_dma source(%dma_start3A_255 : memref<10000x128xf32, #tpu.memory_space<hbm>>) target(%dma_start3A_251 : memref<24x128xf32, #tpu.memory_space<vmem>>) offsets(%dma_start3A_252 : memref<24xi32, #tpu.memory_space<vmem>>) semaphore(%arg14 : memref<!tpu.dma_semaphore, #tpu.memory_space<semaphore_mem>>)
          %mul3A_256 = arith.constant 72 : i32
          %mul3A_257 = arith.muli %add3A_243, %mul3A_256 : i32
          %add3A_258 = arith.constant 24 : i32
          %add3A_259 = arith.addi %mul3A_257, %add3A_258 : i32
          %multiple_of3A_260 = tpu.assume_multiple %add3A_259, 8 : i32
          %dma_start3A_261 = arith.constant 24 : i32
          %dma_start3A_262 = arith.constant 0 : i32
          %dma_start3A_263 = tpu.memref_slice %arg11[%dma_start3A_261, %dma_start3A_262] : memref<72x128xf32, #tpu.memory_space<vmem>> -> memref<16x128xf32, #tpu.memory_space<vmem>>
          %dma_start3A_264 = tpu.memref_slice %arg9[%multiple_of3A_260] : memref<10080xi32, #tpu.memory_space<vmem>> -> memref<16xi32, #tpu.memory_space<vmem>>
          %dma_start3A_265 = arith.constant 0 : i32
          %dma_start3A_266 = arith.constant 0 : i32
          %dma_start3A_267 = tpu.memref_slice %arg3[%dma_start3A_265, %dma_start3A_266] : memref<10000x128xf32, #tpu.memory_space<hbm>> -> memref<10000x128xf32, #tpu.memory_space<hbm>>
          tpu.enqueue_indirect_dma source(%dma_start3A_267 : memref<10000x128xf32, #tpu.memory_space<hbm>>) target(%dma_start3A_263 : memref<16x128xf32, #tpu.memory_space<vmem>>) offsets(%dma_start3A_264 : memref<16xi32, #tpu.memory_space<vmem>>) semaphore(%arg15 : memref<!tpu.dma_semaphore, #tpu.memory_space<semaphore_mem>>)
          %mul3A_268 = arith.constant 72 : i32
          %mul3A_269 = arith.muli %add3A_243, %mul3A_268 : i32
          %add3A_270 = arith.constant 40 : i32
          %add3A_271 = arith.addi %mul3A_269, %add3A_270 : i32
          %multiple_of3A_272 = tpu.assume_multiple %add3A_271, 8 : i32
          %dma_start3A_273 = arith.constant 40 : i32
          %dma_start3A_274 = arith.constant 0 : i32
          %dma_start3A_275 = tpu.memref_slice %arg11[%dma_start3A_273, %dma_start3A_274] : memref<72x128xf32, #tpu.memory_space<vmem>> -> memref<16x128xf32, #tpu.memory_space<vmem>>
          %dma_start3A_276 = tpu.memref_slice %arg9[%multiple_of3A_272] : memref<10080xi32, #tpu.memory_space<vmem>> -> memref<16xi32, #tpu.memory_space<vmem>>
          %dma_start3A_277 = arith.constant 0 : i32
          %dma_start3A_278 = arith.constant 0 : i32
          %dma_start3A_279 = tpu.memref_slice %arg3[%dma_start3A_277, %dma_start3A_278] : memref<10000x128xf32, #tpu.memory_space<hbm>> -> memref<10000x128xf32, #tpu.memory_space<hbm>>
          tpu.enqueue_indirect_dma source(%dma_start3A_279 : memref<10000x128xf32, #tpu.memory_space<hbm>>) target(%dma_start3A_275 : memref<16x128xf32, #tpu.memory_space<vmem>>) offsets(%dma_start3A_276 : memref<16xi32, #tpu.memory_space<vmem>>) semaphore(%arg16 : memref<!tpu.dma_semaphore, #tpu.memory_space<semaphore_mem>>)
          %mul3A_280 = arith.constant 72 : i32
          %mul3A_281 = arith.muli %add3A_243, %mul3A_280 : i32
          %add3A_282 = arith.constant 56 : i32
          %add3A_283 = arith.addi %mul3A_281, %add3A_282 : i32
          %multiple_of3A_284 = tpu.assume_multiple %add3A_283, 8 : i32
          %dma_start3A_285 = arith.constant 56 : i32
          %dma_start3A_286 = arith.constant 0 : i32
          %dma_start3A_287 = tpu.memref_slice %arg11[%dma_start3A_285, %dma_start3A_286] : memref<72x128xf32, #tpu.memory_space<vmem>> -> memref<16x128xf32, #tpu.memory_space<vmem>>
          %dma_start3A_288 = tpu.memref_slice %arg9[%multiple_of3A_284] : memref<10080xi32, #tpu.memory_space<vmem>> -> memref<16xi32, #tpu.memory_space<vmem>>
          %dma_start3A_289 = arith.constant 0 : i32
          %dma_start3A_290 = arith.constant 0 : i32
          %dma_start3A_291 = tpu.memref_slice %arg3[%dma_start3A_289, %dma_start3A_290] : memref<10000x128xf32, #tpu.memory_space<hbm>> -> memref<10000x128xf32, #tpu.memory_space<hbm>>
          tpu.enqueue_indirect_dma source(%dma_start3A_291 : memref<10000x128xf32, #tpu.memory_space<hbm>>) target(%dma_start3A_287 : memref<16x128xf32, #tpu.memory_space<vmem>>) offsets(%dma_start3A_288 : memref<16xi32, #tpu.memory_space<vmem>>) semaphore(%arg17 : memref<!tpu.dma_semaphore, #tpu.memory_space<semaphore_mem>>)
        } else {
        }
        %add3A_237 = arith.constant 1 : i32
        %add3A_238 = arith.addi %add3A_79, %add3A_237 : i32
        %mul3A_239 = arith.constant 72 : i32
        %mul3A_240 = arith.muli %add3A_238, %mul3A_239 : i32
        %multiple_of3A_241 = tpu.assume_multiple %mul3A_240, 8 : i32
        "tpu.region"() ({
          %run_scoped3A = tpu.sem_alloc : memref<!tpu.dma_semaphore, #tpu.memory_space<semaphore_mem>>
          %dma_start3A_242 = tpu.memref_slice %arg10[%multiple_of3A_241] : memref<10080xi32, #tpu.memory_space<vmem>> -> memref<72xi32, #tpu.memory_space<vmem>>
          %dma_start3A_243 = arith.constant 0 : i32
          %dma_start3A_244 = arith.constant 0 : i32
          %dma_start3A_245 = tpu.memref_slice %arg13[%dma_start3A_243, %dma_start3A_244] : memref<10112x128xf32, #tpu.memory_space<vmem_shared>> -> memref<10112x128xf32, #tpu.memory_space<vmem_shared>>
          tpu.enqueue_indirect_dma source(%arg12 : memref<72x128xf32, #tpu.memory_space<vmem>>) target(%dma_start3A_245 : memref<10112x128xf32, #tpu.memory_space<vmem_shared>>) offsets(%dma_start3A_242 : memref<72xi32, #tpu.memory_space<vmem>>) semaphore(%run_scoped3A : memref<!tpu.dma_semaphore, #tpu.memory_space<semaphore_mem>>) {add = true}
          %dma_wait3A_246 = tpu.memref_slice %arg10[%multiple_of3A_241] : memref<10080xi32, #tpu.memory_space<vmem>> -> memref<72xi32, #tpu.memory_space<vmem>>
          %dma_wait3A_247 = arith.constant 0 : i32
          %dma_wait3A_248 = arith.constant 0 : i32
          %dma_wait3A_249 = tpu.memref_slice %arg13[%dma_wait3A_247, %dma_wait3A_248] : memref<10112x128xf32, #tpu.memory_space<vmem_shared>> -> memref<10112x128xf32, #tpu.memory_space<vmem_shared>>
          tpu.wait_indirect_dma semaphore(%run_scoped3A : memref<!tpu.dma_semaphore, #tpu.memory_space<semaphore_mem>>) src(%arg12 : memref<72x128xf32, #tpu.memory_space<vmem>>) dst(%dma_wait3A_249 : memref<10112x128xf32, #tpu.memory_space<vmem_shared>>)
          tpu.yield
        }) : () -> ()
      }
      %scan3A_75 = arith.constant 70 : i32
    } else {
    }
    %barrier3A_25 = arith.constant 0 : index
    tpu.barrier barrier_id(%barrier3A_25)
    %eq3A_26 = arith.constant 0 : i32
    %eq3A_27 = arith.cmpi eq, %arg0, %eq3A_26 : i32
    %convert_element_type3A_28 = arith.extui %eq3A_27 : i1 to i32
    %cond3A_29 = arith.constant 0 : i32
    %cond3A_30 = arith.cmpi ne, %convert_element_type3A_28, %cond3A_29 : i32
    scf.if %cond3A_30 {
      "tpu.region"() ({
        %run_scoped3A = tpu.sem_alloc : memref<!tpu.dma_semaphore, #tpu.memory_space<semaphore_mem>>
        %dma_start3A_36 = arith.constant 0 : i32
        %dma_start3A_37 = tpu.memref_slice %arg7[%multiple_of3A, %dma_start3A_36] : memref<10112x128xf32, #tpu.memory_space<hbm>> -> memref<632x128xf32, #tpu.memory_space<hbm>>
        %dma_start3A_38 = arith.constant 0 : i32
        %dma_start3A_39 = tpu.memref_slice %arg13[%multiple_of3A, %dma_start3A_38] : memref<10112x128xf32, #tpu.memory_space<vmem_shared>> -> memref<632x128xf32, #tpu.memory_space<vmem_shared>>
        tpu.enqueue_dma source(%dma_start3A_39 : memref<632x128xf32, #tpu.memory_space<vmem_shared>>) target(%dma_start3A_37 : memref<632x128xf32, #tpu.memory_space<hbm>>) target_semaphore(%run_scoped3A : memref<!tpu.dma_semaphore, #tpu.memory_space<semaphore_mem>>)
        %dma_wait3A_40 = arith.constant 0 : i32
        %dma_wait3A_41 = tpu.memref_slice %arg7[%multiple_of3A, %dma_wait3A_40] : memref<10112x128xf32, #tpu.memory_space<hbm>> -> memref<632x128xf32, #tpu.memory_space<hbm>>
        %dma_wait3A_42 = arith.constant 0 : i32
        %dma_wait3A_43 = tpu.memref_slice %arg13[%multiple_of3A, %dma_wait3A_42] : memref<10112x128xf32, #tpu.memory_space<vmem_shared>> -> memref<632x128xf32, #tpu.memory_space<vmem_shared>>
        tpu.wait_dma2 semaphore(%run_scoped3A : memref<!tpu.dma_semaphore, #tpu.memory_space<semaphore_mem>>) src(%dma_wait3A_43 : memref<632x128xf32, #tpu.memory_space<vmem_shared>>) dst(%dma_wait3A_41 : memref<632x128xf32, #tpu.memory_space<hbm>>)
        tpu.yield
      }) : () -> ()
    } else {
    }
    %eq3A_31 = arith.constant 1 : i32
    %eq3A_32 = arith.cmpi eq, %arg0, %eq3A_31 : i32
    %convert_element_type3A_33 = arith.extui %eq3A_32 : i1 to i32
    %cond3A_34 = arith.constant 0 : i32
    %cond3A_35 = arith.cmpi ne, %convert_element_type3A_33, %cond3A_34 : i32
    scf.if %cond3A_35 {
      "tpu.region"() ({
        %run_scoped3A = tpu.sem_alloc : memref<!tpu.dma_semaphore, #tpu.memory_space<semaphore_mem>>
        %dma_start3A_36 = arith.constant 0 : i32
        %dma_start3A_37 = tpu.memref_slice %arg8[%multiple_of3A, %dma_start3A_36] : memref<10112x128xf32, #tpu.memory_space<hbm>> -> memref<632x128xf32, #tpu.memory_space<hbm>>
        %dma_start3A_38 = arith.constant 0 : i32
        %dma_start3A_39 = tpu.memref_slice %arg13[%multiple_of3A, %dma_start3A_38] : memref<10112x128xf32, #tpu.memory_space<vmem_shared>> -> memref<632x128xf32, #tpu.memory_space<vmem_shared>>
        tpu.enqueue_dma source(%dma_start3A_39 : memref<632x128xf32, #tpu.memory_space<vmem_shared>>) target(%dma_start3A_37 : memref<632x128xf32, #tpu.memory_space<hbm>>) target_semaphore(%run_scoped3A : memref<!tpu.dma_semaphore, #tpu.memory_space<semaphore_mem>>)
        %dma_wait3A_40 = arith.constant 0 : i32
        %dma_wait3A_41 = tpu.memref_slice %arg8[%multiple_of3A, %dma_wait3A_40] : memref<10112x128xf32, #tpu.memory_space<hbm>> -> memref<632x128xf32, #tpu.memory_space<hbm>>
        %dma_wait3A_42 = arith.constant 0 : i32
        %dma_wait3A_43 = tpu.memref_slice %arg13[%multiple_of3A, %dma_wait3A_42] : memref<10112x128xf32, #tpu.memory_space<vmem_shared>> -> memref<632x128xf32, #tpu.memory_space<vmem_shared>>
        tpu.wait_dma2 semaphore(%run_scoped3A : memref<!tpu.dma_semaphore, #tpu.memory_space<semaphore_mem>>) src(%dma_wait3A_43 : memref<632x128xf32, #tpu.memory_space<vmem_shared>>) dst(%dma_wait3A_41 : memref<632x128xf32, #tpu.memory_space<hbm>>)
        tpu.yield
      }) : () -> ()
    } else {
    }
    return
  }
}

module attributes {stable_mosaic.version = 14 : i64} {
  func.func @body(%arg0: i32, %arg1: memref<1000x128xf32, #tpu.memory_space<vmem>>, %arg2: memref<1000x128xf32, #tpu.memory_space<vmem>>, %arg3: memref<1000x1xf32, #tpu.memory_space<vmem>>, %arg4: memref<1000x128xf32, #tpu.memory_space<vmem>>, %arg5: memref<1000x128xf32, #tpu.memory_space<vmem>>, %arg6: memref<256x256xf32, #tpu.memory_space<vmem>>, %arg7: memref<1x256xf32, #tpu.memory_space<vmem>>, %arg8: memref<256x256xf32, #tpu.memory_space<vmem>>, %arg9: memref<1000x128xf32, #tpu.memory_space<vmem>>, %arg10: memref<1000x128xf32, #tpu.memory_space<vmem>>) attributes {dimension_semantics = [#tpu.dimension_semantics<arbitrary>], iteration_bounds = array<i64: 10>, scalar_prefetch = 0 : i64, scratch_operands = 0 : i64, tpu.core_type = #tpu.core_type<tc>, window_params = [{transform_indices = @transform_0, window_bounds = array<i64: 1000, 128>}, {transform_indices = @transform_1, window_bounds = array<i64: 1000, 128>}, {transform_indices = @transform_2, window_bounds = array<i64: 1000, 1>}, {transform_indices = @transform_3, window_bounds = array<i64: 1000, 128>}, {transform_indices = @transform_4, window_bounds = array<i64: 1000, 128>}, {pipeline_mode = #tpu.pipeline_mode<synchronous>, transform_indices = @transform_5, window_bounds = array<i64: 256, 256>}, {pipeline_mode = #tpu.pipeline_mode<synchronous>, transform_indices = @transform_6, window_bounds = array<i64: 1, 256>}, {pipeline_mode = #tpu.pipeline_mode<synchronous>, transform_indices = @transform_7, window_bounds = array<i64: 256, 256>}, {transform_indices = @transform_8, window_bounds = array<i64: 1000, 128>}, {transform_indices = @transform_9, window_bounds = array<i64: 1000, 128>}]} {
    %get3A = arith.constant 0 : index
    %get3A_0 = arith.constant 0 : index
    %get3A_1 = vector.load %arg3[%get3A, %get3A_0] : memref<1000x1xf32, #tpu.memory_space<vmem>>, vector<1000x1xf32>
    %max3A = arith.constant 1.000000e+00 : f32
    %max3A_2 = vector.broadcast %max3A : f32 to vector<1000x1xf32>
    %max3A_3 = arith.maximumf %get3A_1, %max3A_2 : vector<1000x1xf32>
    %div3A = arith.constant 1.000000e+00 : f32
    %div3A_4 = vector.broadcast %div3A : f32 to vector<1000x1xf32>
    %div3A_5 = arith.divf %div3A_4, %max3A_3 : vector<1000x1xf32>
    %get3A_6 = arith.constant 0 : index
    %get3A_7 = arith.constant 0 : index
    %get3A_8 = vector.load %arg1[%get3A_6, %get3A_7] : memref<1000x128xf32, #tpu.memory_space<vmem>>, vector<1000x128xf32>
    %mul3A = vector.broadcast %div3A_5 : vector<1000x1xf32> to vector<1000x128xf32>
    %mul3A_9 = arith.mulf %get3A_8, %mul3A : vector<1000x128xf32>
    %get3A_10 = arith.constant 0 : index
    %get3A_11 = arith.constant 0 : index
    %get3A_12 = vector.load %arg6[%get3A_10, %get3A_11] : memref<256x256xf32, #tpu.memory_space<vmem>>, vector<128x256xf32>
    %dot_general3A = arith.constant dense<0.000000e+00> : vector<1000x256xf32>
    %dot_general3A_13 = tpu.matmul %mul3A_9, %get3A_12, %dot_general3A {dimension_numbers = #tpu.dot_dimension_numbers<[1], [0], [0], [1], [0, 0, 1, 1], [], []>, transpose_lhs_hint = false} : vector<1000x128xf32>, vector<128x256xf32>, vector<1000x256xf32> -> vector<1000x256xf32>
    %get3A_14 = arith.constant 0 : index
    %get3A_15 = arith.constant 0 : index
    %get3A_16 = vector.load %arg2[%get3A_14, %get3A_15] : memref<1000x128xf32, #tpu.memory_space<vmem>>, vector<1000x128xf32>
    %mul3A_17 = vector.broadcast %div3A_5 : vector<1000x1xf32> to vector<1000x128xf32>
    %mul3A_18 = arith.mulf %get3A_16, %mul3A_17 : vector<1000x128xf32>
    %get3A_19 = arith.constant 128 : index
    %get3A_20 = arith.constant 0 : index
    %get3A_21 = vector.load %arg6[%get3A_19, %get3A_20] : memref<256x256xf32, #tpu.memory_space<vmem>>, vector<128x256xf32>
    %dot_general3A_22 = arith.constant dense<0.000000e+00> : vector<1000x256xf32>
    %dot_general3A_23 = tpu.matmul %mul3A_18, %get3A_21, %dot_general3A_22 {dimension_numbers = #tpu.dot_dimension_numbers<[1], [0], [0], [1], [0, 0, 1, 1], [], []>, transpose_lhs_hint = false} : vector<1000x128xf32>, vector<128x256xf32>, vector<1000x256xf32> -> vector<1000x256xf32>
    %add3A = arith.addf %dot_general3A_13, %dot_general3A_23 : vector<1000x256xf32>
    %get3A_24 = arith.constant 0 : index
    %get3A_25 = arith.constant 0 : index
    %get3A_26 = vector.load %arg4[%get3A_24, %get3A_25] : memref<1000x128xf32, #tpu.memory_space<vmem>>, vector<1000x128xf32>
    %get3A_27 = arith.constant 0 : index
    %get3A_28 = arith.constant 0 : index
    %get3A_29 = vector.load %arg8[%get3A_27, %get3A_28] : memref<256x256xf32, #tpu.memory_space<vmem>>, vector<128x256xf32>
    %dot_general3A_30 = arith.constant dense<0.000000e+00> : vector<1000x256xf32>
    %dot_general3A_31 = tpu.matmul %get3A_26, %get3A_29, %dot_general3A_30 {dimension_numbers = #tpu.dot_dimension_numbers<[1], [0], [0], [1], [0, 0, 1, 1], [], []>, transpose_lhs_hint = false} : vector<1000x128xf32>, vector<128x256xf32>, vector<1000x256xf32> -> vector<1000x256xf32>
    %add3A_32 = arith.addf %add3A, %dot_general3A_31 : vector<1000x256xf32>
    %get3A_33 = arith.constant 0 : index
    %get3A_34 = arith.constant 0 : index
    %get3A_35 = vector.load %arg5[%get3A_33, %get3A_34] : memref<1000x128xf32, #tpu.memory_space<vmem>>, vector<1000x128xf32>
    %get3A_36 = arith.constant 128 : index
    %get3A_37 = arith.constant 0 : index
    %get3A_38 = vector.load %arg8[%get3A_36, %get3A_37] : memref<256x256xf32, #tpu.memory_space<vmem>>, vector<128x256xf32>
    %dot_general3A_39 = arith.constant dense<0.000000e+00> : vector<1000x256xf32>
    %dot_general3A_40 = tpu.matmul %get3A_35, %get3A_38, %dot_general3A_39 {dimension_numbers = #tpu.dot_dimension_numbers<[1], [0], [0], [1], [0, 0, 1, 1], [], []>, transpose_lhs_hint = false} : vector<1000x128xf32>, vector<128x256xf32>, vector<1000x256xf32> -> vector<1000x256xf32>
    %add3A_41 = arith.addf %add3A_32, %dot_general3A_40 : vector<1000x256xf32>
    %get3A_42 = arith.constant 0 : index
    %get3A_43 = arith.constant 0 : index
    %get3A_44 = vector.load %arg7[%get3A_42, %get3A_43] : memref<1x256xf32, #tpu.memory_space<vmem>>, vector<1x256xf32>
    %add3A_45 = vector.broadcast %get3A_44 : vector<1x256xf32> to vector<1000x256xf32>
    %add3A_46 = arith.addf %add3A_41, %add3A_45 : vector<1000x256xf32>
    %max3A_47 = arith.constant 0.000000e+00 : f32
    %max3A_48 = vector.broadcast %max3A_47 : f32 to vector<1000x256xf32>
    %max3A_49 = arith.maximumf %add3A_46, %max3A_48 : vector<1000x256xf32>
    %slice3A = vector.extract_strided_slice %max3A_49 {offsets = [0, 0], sizes = [1000, 128], strides = [1, 1]} : vector<1000x256xf32> to vector<1000x128xf32>
    %swap3A = arith.constant 0 : index
    %swap3A_50 = arith.constant 0 : index
    %swap3A_51 = vector.load %arg9[%swap3A, %swap3A_50] : memref<1000x128xf32, #tpu.memory_space<vmem>>, vector<1000x128xf32>
    tpu.vector_store %arg9[%swap3A, %swap3A_50], %slice3A {strides = array<i32>} : memref<1000x128xf32, #tpu.memory_space<vmem>>, vector<1000x128xf32>,
    %slice3A_52 = vector.extract_strided_slice %max3A_49 {offsets = [0, 128], sizes = [1000, 128], strides = [1, 1]} : vector<1000x256xf32> to vector<1000x128xf32>
    %swap3A_53 = arith.constant 0 : index
    %swap3A_54 = arith.constant 0 : index
    %swap3A_55 = vector.load %arg10[%swap3A_53, %swap3A_54] : memref<1000x128xf32, #tpu.memory_space<vmem>>, vector<1000x128xf32>
    tpu.vector_store %arg10[%swap3A_53, %swap3A_54], %slice3A_52 {strides = array<i32>} : memref<1000x128xf32, #tpu.memory_space<vmem>>, vector<1000x128xf32>,
    return
  }
  func.func @transform_0(%arg0: i32) -> (i32, i32) {
    %c0_i32 = arith.constant 0 : i32
    %c0_i32_0 = arith.constant 0 : i32
    return %arg0, %c0_i32 : i32, i32
  }
  func.func @transform_1(%arg0: i32) -> (i32, i32) {
    %c0_i32 = arith.constant 0 : i32
    %c0_i32_0 = arith.constant 0 : i32
    return %arg0, %c0_i32 : i32, i32
  }
  func.func @transform_2(%arg0: i32) -> (i32, i32) {
    %c0_i32 = arith.constant 0 : i32
    %c0_i32_0 = arith.constant 0 : i32
    return %arg0, %c0_i32 : i32, i32
  }
  func.func @transform_3(%arg0: i32) -> (i32, i32) {
    %c0_i32 = arith.constant 0 : i32
    %c0_i32_0 = arith.constant 0 : i32
    return %arg0, %c0_i32 : i32, i32
  }
  func.func @transform_4(%arg0: i32) -> (i32, i32) {
    %c0_i32 = arith.constant 0 : i32
    %c0_i32_0 = arith.constant 0 : i32
    return %arg0, %c0_i32 : i32, i32
  }
  func.func @transform_5(%arg0: i32) -> (i32, i32) {
    %c0_i32 = arith.constant 0 : i32
    %c0_i32_0 = arith.constant 0 : i32
    %c0_i32_1 = arith.constant 0 : i32
    return %c0_i32, %c0_i32_0 : i32, i32
  }
  func.func @transform_6(%arg0: i32) -> (i32, i32) {
    %c0_i32 = arith.constant 0 : i32
    %c0_i32_0 = arith.constant 0 : i32
    %c0_i32_1 = arith.constant 0 : i32
    return %c0_i32, %c0_i32_0 : i32, i32
  }
  func.func @transform_7(%arg0: i32) -> (i32, i32) {
    %c0_i32 = arith.constant 0 : i32
    %c0_i32_0 = arith.constant 0 : i32
    %c0_i32_1 = arith.constant 0 : i32
    return %c0_i32, %c0_i32_0 : i32, i32
  }
  func.func @transform_8(%arg0: i32) -> (i32, i32) {
    %c0_i32 = arith.constant 0 : i32
    %c0_i32_0 = arith.constant 0 : i32
    return %arg0, %c0_i32 : i32, i32
  }
  func.func @transform_9(%arg0: i32) -> (i32, i32) {
    %c0_i32 = arith.constant 0 : i32
    %c0_i32_0 = arith.constant 0 : i32
    return %arg0, %c0_i32 : i32, i32
  }
}

module attributes {stable_mosaic.version = 14 : i64} {
  func.func @body(%arg0: i32, %arg1: memref<1000x128xf32, #tpu.memory_space<vmem>>, %arg2: memref<1000x128xf32, #tpu.memory_space<vmem>>, %arg3: memref<1000x1xf32, #tpu.memory_space<vmem>>, %arg4: memref<1000x128xf32, #tpu.memory_space<vmem>>, %arg5: memref<1000x128xf32, #tpu.memory_space<vmem>>, %arg6: memref<256x256xf32, #tpu.memory_space<vmem>>, %arg7: memref<1x256xf32, #tpu.memory_space<vmem>>, %arg8: memref<256x256xf32, #tpu.memory_space<vmem>>, %arg9: memref<1000x256xf32, #tpu.memory_space<vmem>>) attributes {dimension_semantics = [#tpu.dimension_semantics<arbitrary>], iteration_bounds = array<i64: 10>, scalar_prefetch = 0 : i64, scratch_operands = 0 : i64, tpu.core_type = #tpu.core_type<tc>, window_params = [{transform_indices = @transform_0, window_bounds = array<i64: 1000, 128>}, {transform_indices = @transform_1, window_bounds = array<i64: 1000, 128>}, {transform_indices = @transform_2, window_bounds = array<i64: 1000, 1>}, {transform_indices = @transform_3, window_bounds = array<i64: 1000, 128>}, {transform_indices = @transform_4, window_bounds = array<i64: 1000, 128>}, {pipeline_mode = #tpu.pipeline_mode<synchronous>, transform_indices = @transform_5, window_bounds = array<i64: 256, 256>}, {pipeline_mode = #tpu.pipeline_mode<synchronous>, transform_indices = @transform_6, window_bounds = array<i64: 1, 256>}, {pipeline_mode = #tpu.pipeline_mode<synchronous>, transform_indices = @transform_7, window_bounds = array<i64: 256, 256>}, {transform_indices = @transform_8, window_bounds = array<i64: 1000, 256>}]} {
    %get3A = arith.constant 0 : index
    %get3A_0 = arith.constant 0 : index
    %get3A_1 = vector.load %arg3[%get3A, %get3A_0] : memref<1000x1xf32, #tpu.memory_space<vmem>>, vector<1000x1xf32>
    %max3A = arith.constant 1.000000e+00 : f32
    %max3A_2 = vector.broadcast %max3A : f32 to vector<1000x1xf32>
    %max3A_3 = arith.maximumf %get3A_1, %max3A_2 : vector<1000x1xf32>
    %div3A = arith.constant 1.000000e+00 : f32
    %div3A_4 = vector.broadcast %div3A : f32 to vector<1000x1xf32>
    %div3A_5 = arith.divf %div3A_4, %max3A_3 : vector<1000x1xf32>
    %get3A_6 = arith.constant 0 : index
    %get3A_7 = arith.constant 0 : index
    %get3A_8 = vector.load %arg1[%get3A_6, %get3A_7] : memref<1000x128xf32, #tpu.memory_space<vmem>>, vector<1000x128xf32>
    %mul3A = vector.broadcast %div3A_5 : vector<1000x1xf32> to vector<1000x128xf32>
    %mul3A_9 = arith.mulf %get3A_8, %mul3A : vector<1000x128xf32>
    %get3A_10 = arith.constant 0 : index
    %get3A_11 = arith.constant 0 : index
    %get3A_12 = vector.load %arg6[%get3A_10, %get3A_11] : memref<256x256xf32, #tpu.memory_space<vmem>>, vector<128x256xf32>
    %dot_general3A = arith.constant dense<0.000000e+00> : vector<1000x256xf32>
    %dot_general3A_13 = tpu.matmul %mul3A_9, %get3A_12, %dot_general3A {dimension_numbers = #tpu.dot_dimension_numbers<[1], [0], [0], [1], [0, 0, 1, 1], [], []>, transpose_lhs_hint = false} : vector<1000x128xf32>, vector<128x256xf32>, vector<1000x256xf32> -> vector<1000x256xf32>
    %get3A_14 = arith.constant 0 : index
    %get3A_15 = arith.constant 0 : index
    %get3A_16 = vector.load %arg2[%get3A_14, %get3A_15] : memref<1000x128xf32, #tpu.memory_space<vmem>>, vector<1000x128xf32>
    %mul3A_17 = vector.broadcast %div3A_5 : vector<1000x1xf32> to vector<1000x128xf32>
    %mul3A_18 = arith.mulf %get3A_16, %mul3A_17 : vector<1000x128xf32>
    %get3A_19 = arith.constant 128 : index
    %get3A_20 = arith.constant 0 : index
    %get3A_21 = vector.load %arg6[%get3A_19, %get3A_20] : memref<256x256xf32, #tpu.memory_space<vmem>>, vector<128x256xf32>
    %dot_general3A_22 = arith.constant dense<0.000000e+00> : vector<1000x256xf32>
    %dot_general3A_23 = tpu.matmul %mul3A_18, %get3A_21, %dot_general3A_22 {dimension_numbers = #tpu.dot_dimension_numbers<[1], [0], [0], [1], [0, 0, 1, 1], [], []>, transpose_lhs_hint = false} : vector<1000x128xf32>, vector<128x256xf32>, vector<1000x256xf32> -> vector<1000x256xf32>
    %add3A = arith.addf %dot_general3A_13, %dot_general3A_23 : vector<1000x256xf32>
    %get3A_24 = arith.constant 0 : index
    %get3A_25 = arith.constant 0 : index
    %get3A_26 = vector.load %arg4[%get3A_24, %get3A_25] : memref<1000x128xf32, #tpu.memory_space<vmem>>, vector<1000x128xf32>
    %get3A_27 = arith.constant 0 : index
    %get3A_28 = arith.constant 0 : index
    %get3A_29 = vector.load %arg8[%get3A_27, %get3A_28] : memref<256x256xf32, #tpu.memory_space<vmem>>, vector<128x256xf32>
    %dot_general3A_30 = arith.constant dense<0.000000e+00> : vector<1000x256xf32>
    %dot_general3A_31 = tpu.matmul %get3A_26, %get3A_29, %dot_general3A_30 {dimension_numbers = #tpu.dot_dimension_numbers<[1], [0], [0], [1], [0, 0, 1, 1], [], []>, transpose_lhs_hint = false} : vector<1000x128xf32>, vector<128x256xf32>, vector<1000x256xf32> -> vector<1000x256xf32>
    %add3A_32 = arith.addf %add3A, %dot_general3A_31 : vector<1000x256xf32>
    %get3A_33 = arith.constant 0 : index
    %get3A_34 = arith.constant 0 : index
    %get3A_35 = vector.load %arg5[%get3A_33, %get3A_34] : memref<1000x128xf32, #tpu.memory_space<vmem>>, vector<1000x128xf32>
    %get3A_36 = arith.constant 128 : index
    %get3A_37 = arith.constant 0 : index
    %get3A_38 = vector.load %arg8[%get3A_36, %get3A_37] : memref<256x256xf32, #tpu.memory_space<vmem>>, vector<128x256xf32>
    %dot_general3A_39 = arith.constant dense<0.000000e+00> : vector<1000x256xf32>
    %dot_general3A_40 = tpu.matmul %get3A_35, %get3A_38, %dot_general3A_39 {dimension_numbers = #tpu.dot_dimension_numbers<[1], [0], [0], [1], [0, 0, 1, 1], [], []>, transpose_lhs_hint = false} : vector<1000x128xf32>, vector<128x256xf32>, vector<1000x256xf32> -> vector<1000x256xf32>
    %add3A_41 = arith.addf %add3A_32, %dot_general3A_40 : vector<1000x256xf32>
    %get3A_42 = arith.constant 0 : index
    %get3A_43 = arith.constant 0 : index
    %get3A_44 = vector.load %arg7[%get3A_42, %get3A_43] : memref<1x256xf32, #tpu.memory_space<vmem>>, vector<1x256xf32>
    %add3A_45 = vector.broadcast %get3A_44 : vector<1x256xf32> to vector<1000x256xf32>
    %add3A_46 = arith.addf %add3A_41, %add3A_45 : vector<1000x256xf32>
    %swap3A = arith.constant 0 : index
    %swap3A_47 = arith.constant 0 : index
    %swap3A_48 = vector.load %arg9[%swap3A, %swap3A_47] : memref<1000x256xf32, #tpu.memory_space<vmem>>, vector<1000x256xf32>
    tpu.vector_store %arg9[%swap3A, %swap3A_47], %add3A_46 {strides = array<i32>} : memref<1000x256xf32, #tpu.memory_space<vmem>>, vector<1000x256xf32>,
    return
  }
  func.func @transform_0(%arg0: i32) -> (i32, i32) {
    %c0_i32 = arith.constant 0 : i32
    %c0_i32_0 = arith.constant 0 : i32
    return %arg0, %c0_i32 : i32, i32
  }
  func.func @transform_1(%arg0: i32) -> (i32, i32) {
    %c0_i32 = arith.constant 0 : i32
    %c0_i32_0 = arith.constant 0 : i32
    return %arg0, %c0_i32 : i32, i32
  }
  func.func @transform_2(%arg0: i32) -> (i32, i32) {
    %c0_i32 = arith.constant 0 : i32
    %c0_i32_0 = arith.constant 0 : i32
    return %arg0, %c0_i32 : i32, i32
  }
  func.func @transform_3(%arg0: i32) -> (i32, i32) {
    %c0_i32 = arith.constant 0 : i32
    %c0_i32_0 = arith.constant 0 : i32
    return %arg0, %c0_i32 : i32, i32
  }
  func.func @transform_4(%arg0: i32) -> (i32, i32) {
    %c0_i32 = arith.constant 0 : i32
    %c0_i32_0 = arith.constant 0 : i32
    return %arg0, %c0_i32 : i32, i32
  }
  func.func @transform_5(%arg0: i32) -> (i32, i32) {
    %c0_i32 = arith.constant 0 : i32
    %c0_i32_0 = arith.constant 0 : i32
    %c0_i32_1 = arith.constant 0 : i32
    return %c0_i32, %c0_i32_0 : i32, i32
  }
  func.func @transform_6(%arg0: i32) -> (i32, i32) {
    %c0_i32 = arith.constant 0 : i32
    %c0_i32_0 = arith.constant 0 : i32
    %c0_i32_1 = arith.constant 0 : i32
    return %c0_i32, %c0_i32_0 : i32, i32
  }
  func.func @transform_7(%arg0: i32) -> (i32, i32) {
    %c0_i32 = arith.constant 0 : i32
    %c0_i32_0 = arith.constant 0 : i32
    %c0_i32_1 = arith.constant 0 : i32
    return %c0_i32, %c0_i32_0 : i32, i32
  }
  func.func @transform_8(%arg0: i32) -> (i32, i32) {
    %c0_i32 = arith.constant 0 : i32
    %c0_i32_0 = arith.constant 0 : i32
    return %arg0, %c0_i32 : i32, i32
  }
}

</mosaic_0001>

<sc_bundles>
// kernel: kernel.10.cloned.1.call-start
scs
__scs_entry_jumppad:
0x0: {  	(pc) =	sbr.rel $0x88, $3  }
0x1: {  	(tag) =	ssettag $0x0;
	lr =	simm.s32 $0x1  }
0x2: {  	[smem:$0x3F91] =	sst lr;
	_ =	strace $0xD0000000  }
0x3: {  	_ = 	snop  }
0x4: {  	_ = 	snop  }
0x5: {  	_ = 	snop  }
0x6: {  	_ = 	snop  }
0x7: {  	_ = 	snop  }
__scs_overlays_trampoline_lowered:
0x8: {  	[smem:$0x3FA0] =	sst s0  }
0x9: {  	[smem:$0x3FA1] =	sst s1  }
0xa: {  	[smem:$0x3FA2] =	sst s2  }
0xb: {  	[smem:$0x3FA3] =	sst s3  }
0xc: {  	[smem:$0x3FA4] =	sst s4  }
0xd: {  	[smem:$0x3FA5] =	sst s5  }
0xe: {  	[smem:$0x3FA6] =	sst s6  }
0xf: {  	[smem:$0x3FA7] =	sst s7  }
0x10: {  	[smem:$0x3FA8] =	sst s8  }
0x11: {  	[smem:$0x3FA9] =	sst s9;
	s0 =	simm.s32 @!p0 $0x0  }
0x12: {  	s1 =	sld [smem:$0x3F8F];
	s0 =	simm.s32 @p0 $0x1  }
0x13: {  	[smem:$0x3FAA] =	sst s0;
	s0 =	simm.s32 @!p1 $0x0  }
0x14: {  	s2 =	sld [smem:$0x3F8E];
	s0 =	simm.s32 @p1 $0x1  }
0x15: {  	[smem:$0x3FAB] =	sst s0;
	s0 =	simm.s32 @!p2 $0x0  }
0x16: {  	s3 =	sld [smem:$0x3FDB];
	s0 =	simm.s32 @p2 $0x1  }
0x17: {  	s4 =	simm.s32 $0x1BF5;
	[smem:$0x3FAD] =	sst s0  }
0x18: {  	s0 =	sld [smem:$0x3F90];
	_ =	swait.ge [sflag:s4], $0x0  }
0x19: {  	s7 =	sld [smem:$0x3F91]  }
0x1a: {  	s8 =	sadd.s32 $0xFFFFE003, lr  }
0x1b: {  	s9 =	sadd.s32 $0xFFFFFEF7, lr;
	s5 =	simm.s32 $0xFFFFFFFF;
	p2 =	slt.u32 s8, $0xFFFFF086  }
0x1c: {  	p1 =	slt.u32 s9, $0xF7A;
	s5 =	simm.s32 @!p2 $0x0  }
0x1d: {  	s5 =	simm.s32 @p1 $0x1;
	p0 =	seq.s32 s7, s2  }
0x1e: {  	s7 =	smul.u32 @!p0 $0xF7A, s2;
	p2 =	seq.s32 @!p0 s5, $0x0  }
0x1f: {  	s9 =	smul.u32 $0xF7A, s1;
	s8 =	simm.s32 @!p0 $0x1BF5;
	p2 =	por !p2, p0  }
0x20: {  	[sflag:s8] =	ssyncset.s32 @!p0 $0xFFFFF086;
	s6 =	sadd.s32 @!p0 s3, s7;
	s7 =	simm.s32 @!p0 $0x108  }
0x21: {  	s3 =	sadd.s32 s3, s9;
	s6 =	sadd.s32 @!p0 $0x88, s6;
	s7 =	simm.s32 @p2 $0x1082  }
0x22: {  	[simem:s7], [sflag:s8] =	dma.local @!p0 [hbm:s6], $0xF7A  }
0x23: {  	s9 =	sor.u32 $0xD0000000, s2;
	s6 =	simm.s32 $0x108;
	_ =	swait.ge @!p0 [sflag:s8], $0x0  }
0x24: {  	s3 =	sadd.s32 $0x88, s3;
	s6 =	simm.s32 @!p1 $0x1082;
	[sflag:s4] =	ssyncset.s32 $0xFFFFF086  }
0x25: {  	[simem:s6], [sflag:s4] =	dma.local [hbm:s3], $0xF7A  }
0x26: {  	[smem:$0x3F91] =	sst s1;
	(tag) =	ssettag s2;
	_ =	strace s9  }
0x27: {  	s1 =	sld [smem:$0x3FA1]  }
0x28: {  	s2 =	sld [smem:$0x3FA2]  }
0x29: {  	s4 =	sld [smem:$0x3FA4]  }
0x2a: {  	p0 =	seq.s32 s5, $0x0;
	s5 =	sld [smem:$0x3FA5]  }
0x2b: {  	s6 =	sld [smem:$0x3FA6]  }
0x2c: {  	s7 =	sld [smem:$0x3FA7]  }
0x2d: {  	s3 =	simm.s32 $0x108;
	s8 =	sld [smem:$0x3FA8]  }
0x2e: {  	s3 =	simm.s32 @!p0 $0x1082;
	s9 =	sld [smem:$0x3FA9]  }
0x2f: {  	lr =	sadd.s32 s0, s3;
	s0 =	sld [smem:$0x3FA0]  }
0x30: {  	s3 =	sld [smem:$0x3FA3]  }
0x31: {  	[smem:$0x3FAC] =	sst s10  }
0x32: {  	s10 =	sld [smem:$0x3FAA];
	_ =	sdelay $0x3  }
0x33: {  	p0 =	seq.s32 s10, $0x1;
	s10 =	sld [smem:$0x3FAC];
	_ =	sdelay $0x3  }
0x34: {  	[smem:$0x3FAC] =	sst s10  }
0x35: {  	s10 =	sld [smem:$0x3FAB];
	_ =	sdelay $0x3  }
0x36: {  	p1 =	seq.s32 s10, $0x1;
	s10 =	sld [smem:$0x3FAC];
	_ =	sdelay $0x3  }
0x37: {  	[smem:$0x3FAC] =	sst s10  }
0x38: {  	s10 =	sld [smem:$0x3FAD]  }
0x39: {  	_ = 	snop;
	(pc) =	sbr.ind lr, $3  }
0x3a: {  	_ = 	snop  }
0x3b: {  	_ = 	snop  }
0x3c: {  	p2 =	seq.s32 s10, $0x1;
	s10 =	sld [smem:$0x3FAC]  }
0x3d: {  	_ =	shalt  }
0x3e: {  	_ =	shalt  }
0x3f: {  	_ =	shalt  }
0x40: {  	_ =	shalt  }
0x41: {  	_ =	shalt  }
0x42: {  	_ =	shalt  }
0x43: {  	_ =	shalt  }
0x44: {  	_ =	shalt  }
0x45: {  	_ =	shalt  }
0x46: {  	_ =	shalt  }
0x47: {  	_ =	shalt  }
0x48: {  	_ =	shalt  }
0x49: {  	_ =	shalt  }
0x4a: {  	_ =	shalt  }
0x4b: {  	_ =	shalt  }
0x4c: {  	_ =	shalt  }
0x4d: {  	_ =	shalt  }
0x4e: {  	_ =	shalt  }
0x4f: {  	_ =	shalt  }
0x50: {  	_ =	shalt  }
0x51: {  	_ =	shalt  }
0x52: {  	_ =	shalt  }
0x53: {  	_ =	shalt  }
0x54: {  	_ =	shalt  }
0x55: {  	_ =	shalt  }
0x56: {  	_ =	shalt  }
0x57: {  	_ =	shalt  }
0x58: {  	_ =	shalt  }
0x59: {  	_ =	shalt  }
0x5a: {  	_ =	shalt  }
0x5b: {  	_ =	shalt  }
0x5c: {  	_ =	shalt  }
0x5d: {  	_ =	shalt  }
0x5e: {  	_ =	shalt  }
0x5f: {  	_ =	shalt  }
0x60: {  	_ =	shalt  }
0x61: {  	_ =	shalt  }
0x62: {  	_ =	shalt  }
0x63: {  	_ =	shalt  }
0x64: {  	_ =	shalt  }
0x65: {  	_ =	shalt  }
0x66: {  	_ =	shalt  }
0x67: {  	_ =	shalt  }
0x68: {  	_ =	shalt  }
0x69: {  	_ =	shalt  }
0x6a: {  	_ =	shalt  }
0x6b: {  	_ =	shalt  }
0x6c: {  	_ =	shalt  }
0x6d: {  	_ =	shalt  }
0x6e: {  	_ =	shalt  }
0x6f: {  	_ =	shalt  }
0x70: {  	_ =	shalt  }
0x71: {  	_ =	shalt  }
0x72: {  	_ =	shalt  }
0x73: {  	_ =	shalt  }
0x74: {  	_ =	shalt  }
0x75: {  	_ =	shalt  }
0x76: {  	_ =	shalt  }
0x77: {  	_ =	shalt  }
0x78: {  	_ =	shalt  }
0x79: {  	_ =	shalt  }
0x7a: {  	_ =	shalt  }
0x7b: {  	_ =	shalt  }
0x7c: {  	_ =	shalt  }
0x7d: {  	_ =	shalt  }
0x7e: {  	_ =	shalt  }
0x7f: {  	_ =	shalt  }
0x80: {  	_ =	shalt  }
0x81: {  	_ =	shalt  }
0x82: {  	_ =	shalt  }
0x83: {  	_ =	shalt  }
0x84: {  	_ =	shalt  }
0x85: {  	_ =	shalt  }
0x86: {  	_ =	shalt  }
0x87: {  	_ =	shalt  }
.Lfunc_end0:
.L_simem_size_0:
called_computation_lowered:
.L_overlay_start_0:
0x88: {  	s2 =	sld [smem:$0x3FD9]  }
0x89: {  	s3 =	sld [smem:$0x3FFE];
	_ =	sdelay $0x1  }
0x8a: {  	s1 =	srdreg.scid  }
0x8b: {  	s0 =	sand.u32 $0x1, s1  }
0x8c: {  	s15 =	sshll.u32 s0, $0xA;
	s2 =	sadd.s32 s3, s2  }
0x8d: {  	s2 =	sadd.s32 s2, s15  }
0x8e: {  	[smem:$0x3FB8] =	sst s2  }
0x8f: {  	_ = 	snop  }
0x90: {  	s2 =	sld [smem:$0x3FD0];
	_ =	sdelay $0x2  }
0x91: {  	s16 =	simm.s32 $0xB;
	s4 =	simm.s32 $0x10  }
0x92: {  	[smem:s4], [sflag:s16] =	dma.local [hbm:s2], $0x1  }
0x93: {  	_ =	swait.eq [sflag:s16], $0x1  }
0x94: {  	[sflag:s16] =	ssyncset.done $0x0  }
0x95: {  	[sflag:s16] =	ssyncadd.s32 $0xFFFFFFFF  }
0x96: {  	s17 =	sld [smem:$0x10];
	(tm) =	ssettm $0x1  }
0x97: {  	s18 =	sld [smem:$0x3FFB];
	_ =	sdelay $0x3  }
0x98: {  	_ =	strace s18  }
0x99: {  	s2 =	sld [smem:$0x3FFC];
	_ =	sdelay $0x3  }
0x9a: {  	_ =	strace s2  }
0x9b: {  	s2 =	sld [smem:$0x3FFD];
	_ =	sdelay $0x3  }
0x9c: {  	_ =	strace s2  }
0x9d: {  	_ =	strace $0x8FFFFFFF  }
0x9e: {  	s19 =	sld [smem:$0x3FDB];
	_ =	sdelay $0x1  }
0x9f: {  	s20 =	simm.s32 $_scs_section_size  }
0xa0: {  	s5 =	simm.s32 $_size__tile_overlayer_lowered;
	s6 =	simm.s32 $_tile_overlayer_lowered  }
0xa1: {  	s7 =	simm.s32 $0x1BFF;
	s21 =	sshll.u32 s6, $0x1;
	s4 =	sadd.s32 s20, s19  }
0xa2: {  	s22 =	simm.s32 $0x0;
	s5 =	sshll.u32 s5, $0x1;
	s6 =	sadd.s32 s21, s4  }
0xa3: {  	[timem:s22], [sflag:s7] =	dma.local [hbm:s6], s5  }
0xa4: {  	_ =	swait.ge [sflag:s7], s5  }
0xa5: {  	s5 =	ssub.s32 $0x0, s5;
	[sflag:s7] =	ssyncset.done $0x0  }
0xa6: {  	[sflag:s7] =	ssyncadd.s32 s5;
	_ =	sdelay $0x1  }
0xa7: {  	s23 =	simm.s32 $0x1B8B  }
0xa8: {  	_ =	swait.ge [sflag:s23], $0x1  }
0xa9: {  	[sflag:s23] =	ssyncset.done $0x0  }
0xaa: {  	[sflag:s23] =	ssyncadd.s32 $0xFFFFFFFF  }
0xab: {  	s5 =	sld [smem:$0x0]  }
0xac: {  	s6 =	sand.u32 $0xFFFFFFFE, s1  }
0xad: {  	p0 =	sne.s32 s1, s6  }
0xae: {  	s6 =	sshll.u32 @p0 s6, $0xE  }
0xaf: {  	s6 =	sadd.s32 @p0 $0x11B8D, s6;
	s7 =	sshll.u32 @p0 s5, $0x11  }
0xb0: {  	s6 =	sor.u32 @p0 s7, s6  }
0xb1: {  	[sflag:s6] =	ssyncadd.remote.s32 @p0 $0x1;
	_ =	sdelay $0x1  }
0xb2: {  	s6 =	simm.s32 @p0 $0x1B8D  }
0xb3: {  	_ =	swait.eq @p0 [sflag:s6], $0x1  }
0xb4: {  	[sflag:s6] =	ssyncadd.s32 @p0 $0xFFFFFFFF  }
0xb5: {  	s7 =	sshll.u32 @!p0 s1, $0xE  }
0xb6: {  	s7 =	sor.u32 @!p0 $0x4000, s7;
	s6 =	simm.s32 @!p0 $0x1B8D  }
0xb7: {  	s5 =	sshll.u32 @!p0 s5, $0x11;
	s7 =	sadd.s32 @!p0 $0x11B8D, s7;
	_ =	swait.eq @!p0 [sflag:s6], $0x1  }
0xb8: {  	s5 =	sor.u32 @!p0 s5, s7;
	[sflag:s6] =	ssyncadd.s32 @!p0 $0xFFFFFFFF  }
0xb9: {  	s25 =	simm.s32 $0x1B8E;
	s24 =	sld [smem:$0x3FFE];
	[sflag:s5] =	ssyncadd.remote.s32 @!p0 $0x1  }
0xba: {  	s26 =	simm.s32 $execute0_lowered;
	[smem:$0x3FD2] =	sst s25  }
0xbb: {  	s6 =	sshll.u32 s26, $0x1;
	_ =	strace $0x80000049;
	[dreg:$0x1] =	wrdreg $0xFFFFFFFF  }
0xbc: {  	s28 =	simm.s32 $_size_execute0_lowered;
	s4 =	sadd.s32 s4, s6;
	[dreg:$0x0] =	wrdreg $0x0  }
0xbd: {  	s6 =	sshll.u32 s28, $0x1;
	[dreg:$0x2] =	wrdreg s4  }
0xbe: {  	[dreg:$0x3] =	wrdreg s6  }
0xbf: {  	[dreg:$0x4] =	wrdreg $0xC0  }
0xc0: {  	_ =	task [dreg:s22], $0x5FFFF  }
0xc1: {  	[dreg:$0x1] =	wrdreg $0xFFFFFFFF  }
0xc2: {  	[dreg:$0x0] =	wrdreg $0x60  }
0xc3: {  	[dreg:$0x2] =	wrdreg s24  }
0xc4: {  	[dreg:$0x3] =	wrdreg s17  }
0xc5: {  	[dreg:$0x4] =	wrdreg $0x97000  }
0xc6: {  	[dreg:$0x5] =	wrdreg $0x9  }
0xc7: {  	_ =	task.clear_ibuf [dreg:s22], $0x6FFFF;
	_ =	strace $0x90000049  }
0xc8: {  	s29 =	simm.s32 $0x9;
	_ =	strace $0x8000004B  }
0xc9: {  	_ =	swait.ge [sflag:s29], $0x1  }
0xca: {  	[sflag:s29] =	ssyncadd.s32 $0xFFFFFFFF  }
0xcb: {  	_ =	strace $0x9000004B  }
0xcc: {  	_ =	sfence  }
0xcd: {  	s30 =	sld [smem:$0x0];
	_ =	sdelay $0x2  }
0xce: {  	s31 =	sshll.u32 s1, $0xD;
	s1 =	sshrl.u32 s1, $0x2  }
0xcf: {  	s4 =	sand.u32 $0x4000, s31;
	s1 =	sadd.s32 s1, s30  }
0xd0: {  	s0 =	sor.u32 s4, s0;
	s1 =	sshll.u32 s1, $0x11  }
0xd1: {  	s0 =	sor.u32 s1, s0  }
0xd2: {  	s0 =	sadd.s32 $0x8F2B, s0  }
0xd3: {  	[sflag:s0] =	ssyncadd.remote.s32 $0x1  }
0xd4: {  	_ =	sfence.sel $0xFFFF  }
0xd5: {  	[dreg:$0x0] =	wrdreg $0xFFFFFFFF;
	(pc) =	sbr.abs _section_cstart, $3  }
0xd6: {  	[dreg:$0x1] =	wrdreg $0xFFFFFFFF  }
0xd7: {  	_ =	task.clear_ibuf [dreg:s22], $0x2FFFF;
	_ =	strace $0x9FFFFFFF  }
0xd8: {  	(tm) =	ssettm $0x7FFFFFFF  }
0xd9: {  	_ =	shalt  }
tec
execute0_lowered:
.L_overlay_start_1:
0x0: {  	(tag) =	ssettag $0x1  }
0x1: {  	s0 =	rddreg [dreg:$0x0]  }
0x2: {  	s1 =	rddreg [dreg:$0x1]  }
0x3: {  	s2 =	rddreg [dreg:$0x2]  }
0x4: {  	s3 =	simm.s32 $0x0;
	s11 =	stileid.u32;
	s19 =	srdreg.scid  }
0x5: {  	s28 =	simm.s32 $0x10;
	s29 =	simm.s32 $0x5B00;
	s31 =	simm.s32 $0x6300  }
0x6: {  	s17 =	simm.s32 $0x8700;
	s30 =	simm.s32 $0x48;
	s14 =	simm.s32 $0x5  }
0x7: {  	[smem:$0x7FF] =	sst s3;
	s18 =	smul.u32 $0x4EC, s11;
	s4 =	sadd.s32 $0xBD200, s0  }
0x8: {  	s5 =	sadd.s32 $0x96000, s0;
	s6 =	sshrl.u32 s11, $0x3;
	s7 =	sshll.u32 s11, $0x7  }
0x9: {  	s8 =	sadd.s32 $0xE9400, s0;
	s9 =	sadd.s32 $0x110C00, s0;
	s20 =	sand.u32 $0x1, s19  }
0xa: {  	s10 =	smul.u32 $0x4F000, s11;
	s19 =	simm.s32 $0x2;
	_ =	strace $0x8000004A  }
0xb: {  	s6 =	smul.u32 $0x13C00, s6;
	[dreg:$0x4] =	wrdreg s8;
	s7 =	sand.u32 $0x380, s7  }
0xc: {  	[dreg:$0x5] =	wrdreg s9;
	s21 =	ssub.s32 $0x2, s20;
	s8 =	smul.u32 $0x2780, s11  }
0xd: {  	s9 =	sshll.u32 s11, $0x6;
	p0 =	sne.s32 s20, $0x0;
	s20 =	simm.s32 $0x3  }
0xe: {  	s11 =	simm.s32 $0x0;
	s3 =	sadd.s32 s18, s0;
	s22 =	sshrl.u32 s21, $0x1  }
0xf: {  	s10 =	sshrl.u32 s10, $0x2;
	s23 =	sor.u32 $0x1C01, s9;
	s18 =	simm.s32 $0x1  }
0x10: {  	s6 =	sor.u32 s7, s6;
	s10 =	sadd.s32 s10, s2;
	s1 =	sadd.s32 s1, s8  }
0x11: {  	[dreg:$0x7] =	wrdreg s23;
	s24 =	sadd.s32 $0x55800, s3;
	s25 =	sadd.s32 $0x5A800, s3  }
0x12: {  	s23 =	simm.s32 $0x7300;
	s7 =	simm.s32 $0x8F00;
	[dreg:$0x6] =	wrdreg s1  }
0x13: {  	s3 =	simm.s32 $0x7;
	s6 =	sshrl.u32 s6, $0x3;
	[dreg:$0x8] =	wrdreg s24  }
0x14: {  	[dreg:$0x9] =	wrdreg s25;
	s16 =	sshrl.u32 s10, $0x3;
	s24 =	simm.s32 $0x9  }
.Ltmp0:
0x15: {  	s25 =	simm.s32 $0x18;
	s1 =	simm.s32 $0x6B00;
	(pc) =	sbr.rel .LBB2_1-.Ltmp0, $4  }
0x16: {  	s10 =	simm.s32 $0x8;
	s0 =	sadd.s32 s6, s0;
	s6 =	ssub.s32 s21, s22  }
0x17: {  	s21 =	simm.s32 $0x1D300;
	s22 =	simm.s32 $0x4;
	s0 =	sadd.s32 $0xE4400, s0  }
0x18: {  	s26 =	smax.u32 s6, $0x1;
	s6 =	simm.s32 $0x7F00;
	[dreg:$0xa] =	wrdreg s0  }
0x19: {  	v0 =	vimm.f32 $0.0e+00;
	[dreg:$0xb] =	wrdreg s26;
	s26 =	simm.s32 $0x4F00;
	s0 =	simm.s32 $0x6  }
.LBB2_10:
0x1a: {  	[sflag:s24] =	ssyncadd.s32 $0xFFFFDC00  }
0x1b: {  	_ =	swait.ge [sflag:s18], $0xC00  }
0x1c: {  	[sflag:s18] =	ssyncset.done $0x0  }
0x1d: {  	[sflag:s18] =	ssyncadd.s32 $0xFFFFF400  }
0x1e: {  	_ =	swait.ge [sflag:s19], $0x800  }
0x1f: {  	[sflag:s19] =	ssyncset.done $0x0  }
0x20: {  	[sflag:s19] =	ssyncadd.s32 $0xFFFFF800  }
0x21: {  	_ =	swait.ge [sflag:s20], $0x800  }
0x22: {  	[sflag:s20] =	ssyncset.done $0x0  }
0x23: {  	[sflag:s20] =	ssyncadd.s32 $0xFFFFF800  }
0x24: {  	_ =	swait.ge [sflag:s22], $0x800  }
0x25: {  	[sflag:s22] =	ssyncset.done $0x0  }
0x26: {  	s12 =	simm.s32 $0x2718;
	[sflag:s22] =	ssyncadd.s32 $0xFFFFF800  }
0x27: {  	[tilespmem:s23], [sflag:$0x5] =	stream.indirect.gather [hbm4b:s5+s25], $0x80, s12, s25, $0xb8;
	[tilespmem:$0x1FA80] =	vst v63  }
0x28: {  	s15 =	simm.s32 $0x2730  }
0x29: {  	[tilespmem:s6], [sflag:$0x6] =	stream.indirect.gather [hbm4b:s5+s28], $0x80, s15, s28, $0xb8;
	[tilespmem:$0x1FA80] =	vst v63  }
0x2a: {  	s13 =	simm.s32 $0x2740  }
0x2b: {  	[tilespmem:s17], [sflag:$0x7] =	stream.indirect.gather [hbm4b:s5+s28], $0x80, s13, s28, $0xb8;
	[tilespmem:$0x1FA80] =	vst v63  }
0x2c: {  	s15 =	simm.s32 $0x2750  }
0x2d: {  	[tilespmem:s7], [sflag:$0x8] =	stream.indirect.gather [hbm4b:s5+s28], $0x80, s15, s28, $0xb8;
	[tilespmem:$0x1FA80] =	vst v63  }
0x2e: {  	s13 =	simm.s32 $0x4E50  }
0x2f: {  	[spmem:s2] =	stream.indirect.scatter.add.f32 [tilespmem:s26], [sflag:$0x9], $0x80, s13, s30, $0xb8;
	[tilespmem:$0x1FA80] =	vst v63  }
0x30: {  	_ =	swait.ge [sflag:s24], $0x2400  }
0x31: {  	[sflag:s24] =	ssyncset.done $0x0  }
0x32: {  	[sflag:s24] =	ssyncadd.s32 $0xFFFFDC00  }
0x33: {  	_ =	swait.ge [sflag:s14], $0xC00  }
0x34: {  	[sflag:s14] =	ssyncset.done $0x0  }
0x35: {  	[sflag:s14] =	ssyncadd.s32 $0xFFFFF400  }
0x36: {  	_ =	swait.ge [sflag:s0], $0x800  }
0x37: {  	[sflag:s0] =	ssyncset.done $0x0  }
0x38: {  	[sflag:s0] =	ssyncadd.s32 $0xFFFFF800  }
0x39: {  	_ =	swait.ge [sflag:s3], $0x800  }
0x3a: {  	[sflag:s3] =	ssyncset.done $0x0  }
0x3b: {  	[sflag:s3] =	ssyncadd.s32 $0xFFFFF800  }
0x3c: {  	_ =	swait.ge [sflag:s10], $0x800  }
0x3d: {  	[sflag:s10] =	ssyncset.done $0x0  }
0x3e: {  	s15 =	simm.s32 $0x4E98;
	s12 =	rddreg [dreg:$0x5];
	[sflag:s10] =	ssyncadd.s32 $0xFFFFF800  }
0x3f: {  	[spmem:s2] =	stream.indirect.scatter.add.f32 [tilespmem:s23], [sflag:$0x9], $0x80, s15, s30, $0xb8;
	[tilespmem:$0x1FA80] =	vst v63  }
.LBB2_11:
0x40: {  	_ =	swait.ge [sflag:s24], $0x2400  }
0x41: {  	[sflag:s24] =	ssyncset.done $0x0  }
0x42: {  	[sflag:s24] =	ssyncadd.s32 $0xFFFFDC00  }
0x43: {  	s12 =	sadd.s32 s12, s8;
	s13 =	sor.u32 $0x1C09, s9;
	[bflag:$0x0] =	sbarrier.arrive $0xFFFF  }
0x44: {  	[hbm:s12], [sflag:s13] =	dma.local [spmem:s16], $0x2780  }
0x45: {  	_ =	swait.ge [sflag:s24], $0x2780  }
0x46: {  	s11 =	sadd.s32 $0x1, s11;
	s15 =	rddreg [dreg:$0xb]  }
0x47: {  	p1 =	sne.s32 s11, s15  }
.Ltmp1:
0x48: {  	_ = 	snop;
	(pc) =	sbr.rel @!p1 .LBB2_12-.Ltmp1, $3  }
0x49: {  	_ =	sdelay $0x1  }
0x4a: {  	[sflag:s24] =	ssyncset.done $0x0  }
0x4b: {  	[sflag:s24] =	ssyncadd.s32 $0xFFFFD880  }
.LBB2_1:
0x4c: {  	s12 =	rddreg [dreg:$0x6]  }
0x4d: {  	s13 =	rddreg [dreg:$0x7]  }
0x4e: {  	[spmem:s16], [sflag:s13] =	dma.local [hbm:s12], $0x2780  }
0x4f: {  	s12 =	simm.s32 $0x0;
	s13 =	rddreg [dreg:$0x8]  }
0x50: {  	[tilespmem:s12], [sflag:$0x2] =	stream.linear.gather [hbm4b:s13+s12], $0x2760, $0x38;
	[tilespmem:$0x1FA80] =	vst v63  }
0x51: {  	s15 =	simm.s32 $0x2780;
	s13 =	rddreg [dreg:$0x9]  }
0x52: {  	[tilespmem:s15], [sflag:$0x3] =	stream.linear.gather [hbm4b:s13+s12], $0x2760, $0x38;
	[tilespmem:$0x1FA80] =	vst v63  }
0x53: {  	_ =	swait.ge [sflag:s18], $0x2780  }
0x54: {  	[sflag:s18] =	ssyncset.done $0x0  }
0x55: {  	[sflag:s18] =	ssyncadd.s32 $0xFFFFD880  }
0x56: {  	_ =	swait.ge [sflag:s19], $0x2760  }
0x57: {  	[sflag:s19] =	ssyncset.done $0x0  }
0x58: {  	[sflag:s19] =	ssyncadd.s32 $0xFFFFD8A0  }
.Ltmp2:
0x59: {  	_ =	swait.ge [sflag:s20], $0x2760;
	(pc) =	sbr.rel @p0 .LBB2_8-.Ltmp2, $4  }
0x5a: {  	[sflag:s20] =	ssyncset.done $0x0  }
0x5b: {  	[sflag:s20] =	ssyncadd.s32 $0xFFFFD8A0  }
0x5c: {  	[bflag:$0x0] =	sbarrier.arrive $0xFFFF  }
0x5d: {  	s12 =	simm.s32 $0x0  }
.LBB2_2:
0x5e: {  	p1 =	sne.s32 s12, $0x9DC0  }
.Ltmp3:
0x5f: {  	_ = 	snop;
	(pc) =	sbr.rel @p1 .LBB2_2-.Ltmp3, $3  }
0x60: {  	_ =	sdelay $0x1  }
0x61: {  	s13 =	sshra.s32 s12, $0x2  }
0x62: {  	s12 =	sadd.s32 $0x40, s12;
	[tilespmem:s13+$0x1D300] =	vst v0  }
0x63: {  	s13 =	simm.s32 $0x0;
	s12 =	simm.s32 $0x40  }
.LBB2_4:
0x64: {  	p1 =	sne.s32 s12, $0x9D40;
	v1 =	vld [tilespmem:s13+$0x2780];
	_ =	sdelay $0x4  }
0x65: {  	(xrf1) =	vunique.msk.u32 $0xffff, v1;
	_ =	sdelay $0xd  }
0x66: {  	_, v2, vm0 =	vpop (xrf1);
	_ =	sdelay $0x1  }
.Ltmp4:
0x67: {  	(pc) =	sbr.rel @p1 .LBB2_4-.Ltmp4, $3  }
0x68: {  	_ = 	snop  }
0x69: {  	v2 =	vcvt.s32.f32 v2;
	_ =	sdelay $0x1  }
0x6a: {  	s13 =	sshra.s32 s12, $0x2;
	s12 =	sadd.s32 $0x40, s12;
	[tilespmem:v1+s21+$0x0] =	vst.idx.add.f32.msk vm0, v2  }
0x6b: {  	v1 =	vld [tilespmem:s13+$0x2780];
	_ =	sdelay $0x4  }
0x6c: {  	(xrf1) =	vunique.msk.u32 $0xffff, v1;
	_ =	sdelay $0xd  }
0x6d: {  	_, v2, vm0 =	vpop (xrf1);
	_ =	sdelay $0x3  }
0x6e: {  	v2 =	vcvt.s32.f32 v2;
	_ =	sdelay $0x1  }
0x6f: {  	s12 =	rddreg [dreg:$0xa];
	s13 =	simm.s32 $0x80;
	s15 =	simm.s32 $0x400;
	[tilespmem:v1+s21+$0x0] =	vst.idx.add.f32.msk vm0, v2  }
0x70: {  	[hbm4b:s12+s13] =	stream.strided.scatter [tilespmem:s21], [sflag:$0x9], $0x2780, s15, s13, $0x38;
	[tilespmem:$0x1FA80] =	vst v63  }
0x71: {  	_ =	swait.ge [sflag:s24], $0x2780  }
0x72: {  	[sflag:s24] =	ssyncset.done $0x0  }
0x73: {  	s15 =	simm.s32 $0x0;
	[sflag:s24] =	ssyncadd.s32 $0xFFFFD880  }
0x74: {  	[tilespmem:s26], [sflag:$0x1] =	stream.indirect.gather [hbm4b:s4+s25], $0x80, s15, s25, $0xb8;
	[tilespmem:$0x1FA80] =	vst v63  }
0x75: {  	_ = 	snop  }
0x76: {  	[tilespmem:s29], [sflag:$0x2] =	stream.indirect.gather [hbm4b:s4+s28], $0x80, s25, s28, $0xb8;
	[tilespmem:$0x1FA80] =	vst v63  }
0x77: {  	s13 =	simm.s32 $0x28  }
0x78: {  	[tilespmem:s31], [sflag:$0x3] =	stream.indirect.gather [hbm4b:s4+s28], $0x80, s13, s28, $0xb8;
	[tilespmem:$0x1FA80] =	vst v63  }
0x79: {  	s15 =	simm.s32 $0x38  }
0x7a: {  	[tilespmem:s1], [sflag:$0x4] =	stream.indirect.gather [hbm4b:s4+s28], $0x80, s15, s28, $0xb8;
	[tilespmem:$0x1FA80] =	vst v63  }
0x7b: {  	_ =	swait.ge [sflag:s18], $0xC00  }
0x7c: {  	[sflag:s18] =	ssyncset.done $0x0  }
0x7d: {  	[sflag:s18] =	ssyncadd.s32 $0xFFFFF400  }
0x7e: {  	_ =	swait.ge [sflag:s19], $0x800  }
0x7f: {  	[sflag:s19] =	ssyncset.done $0x0  }
0x80: {  	[sflag:s19] =	ssyncadd.s32 $0xFFFFF800  }
0x81: {  	_ =	swait.ge [sflag:s20], $0x800  }
0x82: {  	[sflag:s20] =	ssyncset.done $0x0  }
0x83: {  	[sflag:s20] =	ssyncadd.s32 $0xFFFFF800  }
0x84: {  	_ =	swait.ge [sflag:s22], $0x800  }
0x85: {  	[sflag:s22] =	ssyncset.done $0x0  }
0x86: {  	s13 =	simm.s32 $0x48;
	[sflag:s22] =	ssyncadd.s32 $0xFFFFF800  }
0x87: {  	[tilespmem:s23], [sflag:$0x5] =	stream.indirect.gather [hbm4b:s4+s25], $0x80, s13, s25, $0xb8;
	[tilespmem:$0x1FA80] =	vst v63  }
0x88: {  	s15 =	simm.s32 $0x60  }
0x89: {  	[tilespmem:s6], [sflag:$0x6] =	stream.indirect.gather [hbm4b:s4+s28], $0x80, s15, s28, $0xb8;
	[tilespmem:$0x1FA80] =	vst v63  }
0x8a: {  	s13 =	simm.s32 $0x70  }
0x8b: {  	[tilespmem:s17], [sflag:$0x7] =	stream.indirect.gather [hbm4b:s4+s28], $0x80, s13, s28, $0xb8;
	[tilespmem:$0x1FA80] =	vst v63  }
0x8c: {  	s15 =	simm.s32 $0x80  }
0x8d: {  	[tilespmem:s7], [sflag:$0x8] =	stream.indirect.gather [hbm4b:s4+s28], $0x80, s15, s28, $0xb8;
	[tilespmem:$0x1FA80] =	vst v63  }
0x8e: {  	s13 =	simm.s32 $0x2780  }
0x8f: {  	[spmem:s2] =	stream.indirect.scatter.add.f32 [tilespmem:s26], [sflag:$0x9], $0x80, s13, s30, $0xb8;
	[tilespmem:$0x1FA80] =	vst v63  }
0x90: {  	_ =	swait.ge [sflag:s24], $0x2400  }
0x91: {  	[sflag:s24] =	ssyncset.done $0x0  }
0x92: {  	[sflag:s24] =	ssyncadd.s32 $0xFFFFDC00  }
0x93: {  	_ =	swait.ge [sflag:s14], $0xC00  }
0x94: {  	[sflag:s14] =	ssyncset.done $0x0  }
0x95: {  	[sflag:s14] =	ssyncadd.s32 $0xFFFFF400  }
0x96: {  	_ =	swait.ge [sflag:s0], $0x800  }
0x97: {  	[sflag:s0] =	ssyncset.done $0x0  }
0x98: {  	[sflag:s0] =	ssyncadd.s32 $0xFFFFF800  }
0x99: {  	_ =	swait.ge [sflag:s3], $0x800  }
0x9a: {  	[sflag:s3] =	ssyncset.done $0x0  }
0x9b: {  	[sflag:s3] =	ssyncadd.s32 $0xFFFFF800  }
0x9c: {  	_ =	swait.ge [sflag:s10], $0x800  }
0x9d: {  	[sflag:s10] =	ssyncset.done $0x0  }
0x9e: {  	s15 =	simm.s32 $0x90;
	[sflag:s10] =	ssyncadd.s32 $0xFFFFF800  }
0x9f: {  	[tilespmem:s26], [sflag:$0x1] =	stream.indirect.gather [hbm4b:s4+s25], $0x80, s15, s25, $0xb8;
	[tilespmem:$0x1FA80] =	vst v63  }
0xa0: {  	s13 =	simm.s32 $0xA8  }
0xa1: {  	[tilespmem:s29], [sflag:$0x2] =	stream.indirect.gather [hbm4b:s4+s28], $0x80, s13, s28, $0xb8;
	[tilespmem:$0x1FA80] =	vst v63  }
0xa2: {  	s15 =	simm.s32 $0xB8  }
0xa3: {  	[tilespmem:s31], [sflag:$0x3] =	stream.indirect.gather [hbm4b:s4+s28], $0x80, s15, s28, $0xb8;
	[tilespmem:$0x1FA80] =	vst v63  }
0xa4: {  	s13 =	simm.s32 $0xC8  }
0xa5: {  	[tilespmem:s1], [sflag:$0x4] =	stream.indirect.gather [hbm4b:s4+s28], $0x80, s13, s28, $0xb8;
	[tilespmem:$0x1FA80] =	vst v63  }
0xa6: {  	s15 =	simm.s32 $0x27C8  }
0xa7: {  	[spmem:s2] =	stream.indirect.scatter.add.f32 [tilespmem:s23], [sflag:$0x9], $0x80, s15, s30, $0xb8;
	[tilespmem:$0x1FA80] =	vst v63  }
0xa8: {  	_ =	swait.ge [sflag:s24], $0x2400  }
0xa9: {  	s12 =	simm.s32 $0x240;
	[sflag:s24] =	ssyncset.done $0x0  }
.LBB2_6:
0xaa: {  	p1 =	sne.s32 s12, $0x9900  }
0xab: {  	[sflag:s24] =	ssyncadd.s32 $0xFFFFDC00;
	s13 =	smov.u32 s12;
	s12 =	sadd.s32 $0x240, s12  }
0xac: {  	_ = 	snop  }
0xad: {  	_ =	swait.ge [sflag:s18], $0xC00  }
0xae: {  	[sflag:s18] =	ssyncset.done $0x0  }
0xaf: {  	[sflag:s18] =	ssyncadd.s32 $0xFFFFF400  }
0xb0: {  	_ =	swait.ge [sflag:s19], $0x800  }
0xb1: {  	[sflag:s19] =	ssyncset.done $0x0  }
0xb2: {  	[sflag:s19] =	ssyncadd.s32 $0xFFFFF800  }
0xb3: {  	_ =	swait.ge [sflag:s20], $0x800  }
0xb4: {  	[sflag:s20] =	ssyncset.done $0x0  }
0xb5: {  	[sflag:s20] =	ssyncadd.s32 $0xFFFFF800  }
0xb6: {  	_ =	swait.ge [sflag:s22], $0x800  }
0xb7: {  	s13 =	sshra.s32 s13, $0x2;
	[sflag:s22] =	ssyncset.done $0x0  }
0xb8: {  	s15 =	sadd.s32 $0x48, s13;
	[sflag:s22] =	ssyncadd.s32 $0xFFFFF800  }
0xb9: {  	[tilespmem:s23], [sflag:$0x5] =	stream.indirect.gather [hbm4b:s4+s25], $0x80, s15, s25, $0xb8;
	[tilespmem:$0x1FA80] =	vst v63  }
0xba: {  	s15 =	sadd.s32 $0x60, s13  }
0xbb: {  	[tilespmem:s6], [sflag:$0x6] =	stream.indirect.gather [hbm4b:s4+s28], $0x80, s15, s28, $0xb8;
	[tilespmem:$0x1FA80] =	vst v63  }
0xbc: {  	s15 =	sadd.s32 $0x70, s13  }
0xbd: {  	[tilespmem:s17], [sflag:$0x7] =	stream.indirect.gather [hbm4b:s4+s28], $0x80, s15, s28, $0xb8;
	[tilespmem:$0x1FA80] =	vst v63  }
0xbe: {  	s15 =	sadd.s32 $0x80, s13  }
0xbf: {  	[tilespmem:s7], [sflag:$0x8] =	stream.indirect.gather [hbm4b:s4+s28], $0x80, s15, s28, $0xb8;
	[tilespmem:$0x1FA80] =	vst v63  }
0xc0: {  	s15 =	sadd.s32 $0x2780, s13  }
0xc1: {  	[spmem:s2] =	stream.indirect.scatter.add.f32 [tilespmem:s26], [sflag:$0x9], $0x80, s15, s30, $0xb8;
	[tilespmem:$0x1FA80] =	vst v63  }
0xc2: {  	_ =	swait.ge [sflag:s24], $0x2400  }
0xc3: {  	[sflag:s24] =	ssyncset.done $0x0  }
0xc4: {  	[sflag:s24] =	ssyncadd.s32 $0xFFFFDC00  }
0xc5: {  	_ =	swait.ge [sflag:s14], $0xC00  }
0xc6: {  	[sflag:s14] =	ssyncset.done $0x0  }
0xc7: {  	[sflag:s14] =	ssyncadd.s32 $0xFFFFF400  }
0xc8: {  	_ =	swait.ge [sflag:s0], $0x800  }
0xc9: {  	[sflag:s0] =	ssyncset.done $0x0  }
0xca: {  	[sflag:s0] =	ssyncadd.s32 $0xFFFFF800  }
0xcb: {  	_ =	swait.ge [sflag:s3], $0x800  }
0xcc: {  	[sflag:s3] =	ssyncset.done $0x0  }
0xcd: {  	[sflag:s3] =	ssyncadd.s32 $0xFFFFF800  }
0xce: {  	_ =	swait.ge [sflag:s10], $0x800  }
0xcf: {  	[sflag:s10] =	ssyncset.done $0x0  }
0xd0: {  	s15 =	sadd.s32 $0x90, s13;
	[sflag:s10] =	ssyncadd.s32 $0xFFFFF800  }
0xd1: {  	[tilespmem:s26], [sflag:$0x1] =	stream.indirect.gather [hbm4b:s4+s25], $0x80, s15, s25, $0xb8;
	[tilespmem:$0x1FA80] =	vst v63  }
0xd2: {  	s15 =	sadd.s32 $0xA8, s13  }
0xd3: {  	[tilespmem:s29], [sflag:$0x2] =	stream.indirect.gather [hbm4b:s4+s28], $0x80, s15, s28, $0xb8;
	[tilespmem:$0x1FA80] =	vst v63  }
0xd4: {  	s15 =	sadd.s32 $0xB8, s13  }
0xd5: {  	[tilespmem:s31], [sflag:$0x3] =	stream.indirect.gather [hbm4b:s4+s28], $0x80, s15, s28, $0xb8;
	[tilespmem:$0x1FA80] =	vst v63  }
0xd6: {  	s15 =	sadd.s32 $0xC8, s13  }
0xd7: {  	[tilespmem:s1], [sflag:$0x4] =	stream.indirect.gather [hbm4b:s4+s28], $0x80, s15, s28, $0xb8;
	[tilespmem:$0x1FA80] =	vst v63  }
.Ltmp5:
0xd8: {  	_ = 	snop;
	(pc) =	sbr.rel @p1 .LBB2_6-.Ltmp5, $4  }
0xd9: {  	s13 =	sadd.s32 $0x27C8, s13  }
0xda: {  	[spmem:s2] =	stream.indirect.scatter.add.f32 [tilespmem:s23], [sflag:$0x9], $0x80, s13, s30, $0xb8;
	[tilespmem:$0x1FA80] =	vst v63  }
0xdb: {  	_ =	swait.ge [sflag:s24], $0x2400  }
0xdc: {  	[sflag:s24] =	ssyncset.done $0x0  }
0xdd: {  	[sflag:s24] =	ssyncadd.s32 $0xFFFFDC00  }
0xde: {  	_ =	swait.ge [sflag:s18], $0xC00  }
0xdf: {  	[sflag:s18] =	ssyncset.done $0x0  }
0xe0: {  	[sflag:s18] =	ssyncadd.s32 $0xFFFFF400  }
0xe1: {  	_ =	swait.ge [sflag:s19], $0x800  }
0xe2: {  	[sflag:s19] =	ssyncset.done $0x0  }
0xe3: {  	[sflag:s19] =	ssyncadd.s32 $0xFFFFF800  }
0xe4: {  	_ =	swait.ge [sflag:s20], $0x800  }
0xe5: {  	[sflag:s20] =	ssyncset.done $0x0  }
0xe6: {  	[sflag:s20] =	ssyncadd.s32 $0xFFFFF800  }
0xe7: {  	_ =	swait.ge [sflag:s22], $0x800  }
0xe8: {  	[sflag:s22] =	ssyncset.done $0x0  }
0xe9: {  	s12 =	simm.s32 $0x2718;
	[sflag:s22] =	ssyncadd.s32 $0xFFFFF800  }
0xea: {  	[tilespmem:s23], [sflag:$0x5] =	stream.indirect.gather [hbm4b:s4+s25], $0x80, s12, s25, $0xb8;
	[tilespmem:$0x1FA80] =	vst v63  }
0xeb: {  	s15 =	simm.s32 $0x2730  }
0xec: {  	[tilespmem:s6], [sflag:$0x6] =	stream.indirect.gather [hbm4b:s4+s28], $0x80, s15, s28, $0xb8;
	[tilespmem:$0x1FA80] =	vst v63  }
0xed: {  	s13 =	simm.s32 $0x2740  }
0xee: {  	[tilespmem:s17], [sflag:$0x7] =	stream.indirect.gather [hbm4b:s4+s28], $0x80, s13, s28, $0xb8;
	[tilespmem:$0x1FA80] =	vst v63  }
0xef: {  	s15 =	simm.s32 $0x2750  }
0xf0: {  	[tilespmem:s7], [sflag:$0x8] =	stream.indirect.gather [hbm4b:s4+s28], $0x80, s15, s28, $0xb8;
	[tilespmem:$0x1FA80] =	vst v63  }
0xf1: {  	s13 =	simm.s32 $0x4E50  }
0xf2: {  	[spmem:s2] =	stream.indirect.scatter.add.f32 [tilespmem:s26], [sflag:$0x9], $0x80, s13, s30, $0xb8;
	[tilespmem:$0x1FA80] =	vst v63  }
0xf3: {  	_ =	swait.ge [sflag:s24], $0x2400  }
0xf4: {  	[sflag:s24] =	ssyncset.done $0x0  }
0xf5: {  	[sflag:s24] =	ssyncadd.s32 $0xFFFFDC00  }
0xf6: {  	_ =	swait.ge [sflag:s14], $0xC00  }
0xf7: {  	[sflag:s14] =	ssyncset.done $0x0  }
0xf8: {  	[sflag:s14] =	ssyncadd.s32 $0xFFFFF400  }
0xf9: {  	_ =	swait.ge [sflag:s0], $0x800  }
0xfa: {  	[sflag:s0] =	ssyncset.done $0x0  }
0xfb: {  	[sflag:s0] =	ssyncadd.s32 $0xFFFFF800  }
0xfc: {  	_ =	swait.ge [sflag:s3], $0x800  }
0xfd: {  	[sflag:s3] =	ssyncset.done $0x0  }
.Ltmp6:
0xfe: {  	[sflag:s3] =	ssyncadd.s32 $0xFFFFF800;
	(pc) =	sbr.rel .LBB2_11-.Ltmp6, $4  }
0xff: {  	_ =	swait.ge [sflag:s10], $0x800  }
0x100: {  	[sflag:s10] =	ssyncset.done $0x0  }
0x101: {  	s15 =	simm.s32 $0x4E98;
	s12 =	rddreg [dreg:$0x4];
	[sflag:s10] =	ssyncadd.s32 $0xFFFFF800  }
0x102: {  	[spmem:s2] =	stream.indirect.scatter.add.f32 [tilespmem:s23], [sflag:$0x9], $0x80, s15, s30, $0xb8;
	[tilespmem:$0x1FA80] =	vst v63  }
.LBB2_8:
0x103: {  	s12 =	simm.s32 $0x0  }
0x104: {  	[tilespmem:s26], [sflag:$0x1] =	stream.indirect.gather [hbm4b:s5+s25], $0x80, s12, s25, $0xb8;
	[tilespmem:$0x1FA80] =	vst v63  }
0x105: {  	_ = 	snop  }
0x106: {  	[tilespmem:s29], [sflag:$0x2] =	stream.indirect.gather [hbm4b:s5+s28], $0x80, s25, s28, $0xb8;
	[tilespmem:$0x1FA80] =	vst v63  }
0x107: {  	s13 =	simm.s32 $0x28  }
0x108: {  	[tilespmem:s31], [sflag:$0x3] =	stream.indirect.gather [hbm4b:s5+s28], $0x80, s13, s28, $0xb8;
	[tilespmem:$0x1FA80] =	vst v63  }
0x109: {  	s15 =	simm.s32 $0x38  }
0x10a: {  	[tilespmem:s1], [sflag:$0x4] =	stream.indirect.gather [hbm4b:s5+s28], $0x80, s15, s28, $0xb8;
	[tilespmem:$0x1FA80] =	vst v63  }
0x10b: {  	_ =	swait.ge [sflag:s18], $0xC00  }
0x10c: {  	[sflag:s18] =	ssyncset.done $0x0  }
0x10d: {  	[sflag:s18] =	ssyncadd.s32 $0xFFFFF400  }
0x10e: {  	_ =	swait.ge [sflag:s19], $0x800  }
0x10f: {  	[sflag:s19] =	ssyncset.done $0x0  }
0x110: {  	[sflag:s19] =	ssyncadd.s32 $0xFFFFF800  }
0x111: {  	_ =	swait.ge [sflag:s20], $0x800  }
0x112: {  	[sflag:s20] =	ssyncset.done $0x0  }
0x113: {  	[sflag:s20] =	ssyncadd.s32 $0xFFFFF800  }
0x114: {  	_ =	swait.ge [sflag:s22], $0x800  }
0x115: {  	[sflag:s22] =	ssyncset.done $0x0  }
0x116: {  	s13 =	simm.s32 $0x48;
	[sflag:s22] =	ssyncadd.s32 $0xFFFFF800  }
0x117: {  	[tilespmem:s23], [sflag:$0x5] =	stream.indirect.gather [hbm4b:s5+s25], $0x80, s13, s25, $0xb8;
	[tilespmem:$0x1FA80] =	vst v63  }
0x118: {  	s15 =	simm.s32 $0x60  }
0x119: {  	[tilespmem:s6], [sflag:$0x6] =	stream.indirect.gather [hbm4b:s5+s28], $0x80, s15, s28, $0xb8;
	[tilespmem:$0x1FA80] =	vst v63  }
0x11a: {  	s13 =	simm.s32 $0x70  }
0x11b: {  	[tilespmem:s17], [sflag:$0x7] =	stream.indirect.gather [hbm4b:s5+s28], $0x80, s13, s28, $0xb8;
	[tilespmem:$0x1FA80] =	vst v63  }
0x11c: {  	s15 =	simm.s32 $0x80  }
0x11d: {  	[tilespmem:s7], [sflag:$0x8] =	stream.indirect.gather [hbm4b:s5+s28], $0x80, s15, s28, $0xb8;
	[tilespmem:$0x1FA80] =	vst v63  }
0x11e: {  	s13 =	simm.s32 $0x2780  }
0x11f: {  	[spmem:s2] =	stream.indirect.scatter.add.f32 [tilespmem:s26], [sflag:$0x9], $0x80, s13, s30, $0xb8;
	[tilespmem:$0x1FA80] =	vst v63  }
0x120: {  	_ =	swait.ge [sflag:s24], $0x2400  }
0x121: {  	[sflag:s24] =	ssyncset.done $0x0  }
0x122: {  	[sflag:s24] =	ssyncadd.s32 $0xFFFFDC00  }
0x123: {  	_ =	swait.ge [sflag:s14], $0xC00  }
0x124: {  	[sflag:s14] =	ssyncset.done $0x0  }
0x125: {  	[sflag:s14] =	ssyncadd.s32 $0xFFFFF400  }
0x126: {  	_ =	swait.ge [sflag:s0], $0x800  }
0x127: {  	[sflag:s0] =	ssyncset.done $0x0  }
0x128: {  	[sflag:s0] =	ssyncadd.s32 $0xFFFFF800  }
0x129: {  	_ =	swait.ge [sflag:s3], $0x800  }
0x12a: {  	[sflag:s3] =	ssyncset.done $0x0  }
0x12b: {  	[sflag:s3] =	ssyncadd.s32 $0xFFFFF800  }
0x12c: {  	_ =	swait.ge [sflag:s10], $0x800  }
0x12d: {  	[sflag:s10] =	ssyncset.done $0x0  }
0x12e: {  	s15 =	simm.s32 $0x90;
	[sflag:s10] =	ssyncadd.s32 $0xFFFFF800  }
0x12f: {  	[tilespmem:s26], [sflag:$0x1] =	stream.indirect.gather [hbm4b:s5+s25], $0x80, s15, s25, $0xb8;
	[tilespmem:$0x1FA80] =	vst v63  }
0x130: {  	s13 =	simm.s32 $0xA8  }
0x131: {  	[tilespmem:s29], [sflag:$0x2] =	stream.indirect.gather [hbm4b:s5+s28], $0x80, s13, s28, $0xb8;
	[tilespmem:$0x1FA80] =	vst v63  }
0x132: {  	s15 =	simm.s32 $0xB8  }
0x133: {  	[tilespmem:s31], [sflag:$0x3] =	stream.indirect.gather [hbm4b:s5+s28], $0x80, s15, s28, $0xb8;
	[tilespmem:$0x1FA80] =	vst v63  }
0x134: {  	s13 =	simm.s32 $0xC8  }
0x135: {  	[tilespmem:s1], [sflag:$0x4] =	stream.indirect.gather [hbm4b:s5+s28], $0x80, s13, s28, $0xb8;
	[tilespmem:$0x1FA80] =	vst v63  }
0x136: {  	s15 =	simm.s32 $0x27C8  }
0x137: {  	[spmem:s2] =	stream.indirect.scatter.add.f32 [tilespmem:s23], [sflag:$0x9], $0x80, s15, s30, $0xb8;
	[tilespmem:$0x1FA80] =	vst v63  }
0x138: {  	_ =	swait.ge [sflag:s24], $0x2400  }
0x139: {  	s12 =	simm.s32 $0x240;
	[sflag:s24] =	ssyncset.done $0x0  }
.LBB2_9:
0x13a: {  	p1 =	sne.s32 s12, $0x9900  }
0x13b: {  	[sflag:s24] =	ssyncadd.s32 $0xFFFFDC00;
	s13 =	smov.u32 s12;
	s12 =	sadd.s32 $0x240, s12  }
0x13c: {  	_ = 	snop  }
0x13d: {  	_ =	swait.ge [sflag:s18], $0xC00  }
0x13e: {  	[sflag:s18] =	ssyncset.done $0x0  }
0x13f: {  	[sflag:s18] =	ssyncadd.s32 $0xFFFFF400  }
0x140: {  	_ =	swait.ge [sflag:s19], $0x800  }
0x141: {  	[sflag:s19] =	ssyncset.done $0x0  }
0x142: {  	[sflag:s19] =	ssyncadd.s32 $0xFFFFF800  }
0x143: {  	_ =	swait.ge [sflag:s20], $0x800  }
0x144: {  	[sflag:s20] =	ssyncset.done $0x0  }
0x145: {  	[sflag:s20] =	ssyncadd.s32 $0xFFFFF800  }
0x146: {  	_ =	swait.ge [sflag:s22], $0x800  }
0x147: {  	s13 =	sshra.s32 s13, $0x2;
	[sflag:s22] =	ssyncset.done $0x0  }
0x148: {  	s15 =	sadd.s32 $0x48, s13;
	[sflag:s22] =	ssyncadd.s32 $0xFFFFF800  }
0x149: {  	[tilespmem:s23], [sflag:$0x5] =	stream.indirect.gather [hbm4b:s5+s25], $0x80, s15, s25, $0xb8;
	[tilespmem:$0x1FA80] =	vst v63  }
0x14a: {  	s15 =	sadd.s32 $0x60, s13  }
0x14b: {  	[tilespmem:s6], [sflag:$0x6] =	stream.indirect.gather [hbm4b:s5+s28], $0x80, s15, s28, $0xb8;
	[tilespmem:$0x1FA80] =	vst v63  }
0x14c: {  	s15 =	sadd.s32 $0x70, s13  }
0x14d: {  	[tilespmem:s17], [sflag:$0x7] =	stream.indirect.gather [hbm4b:s5+s28], $0x80, s15, s28, $0xb8;
	[tilespmem:$0x1FA80] =	vst v63  }
0x14e: {  	s15 =	sadd.s32 $0x80, s13  }
0x14f: {  	[tilespmem:s7], [sflag:$0x8] =	stream.indirect.gather [hbm4b:s5+s28], $0x80, s15, s28, $0xb8;
	[tilespmem:$0x1FA80] =	vst v63  }
0x150: {  	s15 =	sadd.s32 $0x2780, s13  }
0x151: {  	[spmem:s2] =	stream.indirect.scatter.add.f32 [tilespmem:s26], [sflag:$0x9], $0x80, s15, s30, $0xb8;
	[tilespmem:$0x1FA80] =	vst v63  }
0x152: {  	_ =	swait.ge [sflag:s24], $0x2400  }
0x153: {  	[sflag:s24] =	ssyncset.done $0x0  }
0x154: {  	[sflag:s24] =	ssyncadd.s32 $0xFFFFDC00  }
0x155: {  	_ =	swait.ge [sflag:s14], $0xC00  }
0x156: {  	[sflag:s14] =	ssyncset.done $0x0  }
0x157: {  	[sflag:s14] =	ssyncadd.s32 $0xFFFFF400  }
0x158: {  	_ =	swait.ge [sflag:s0], $0x800  }
0x159: {  	[sflag:s0] =	ssyncset.done $0x0  }
0x15a: {  	[sflag:s0] =	ssyncadd.s32 $0xFFFFF800  }
0x15b: {  	_ =	swait.ge [sflag:s3], $0x800  }
0x15c: {  	[sflag:s3] =	ssyncset.done $0x0  }
0x15d: {  	[sflag:s3] =	ssyncadd.s32 $0xFFFFF800  }
0x15e: {  	_ =	swait.ge [sflag:s10], $0x800  }
0x15f: {  	[sflag:s10] =	ssyncset.done $0x0  }
0x160: {  	s15 =	sadd.s32 $0x90, s13;
	[sflag:s10] =	ssyncadd.s32 $0xFFFFF800  }
0x161: {  	[tilespmem:s26], [sflag:$0x1] =	stream.indirect.gather [hbm4b:s5+s25], $0x80, s15, s25, $0xb8;
	[tilespmem:$0x1FA80] =	vst v63  }
0x162: {  	s15 =	sadd.s32 $0xA8, s13  }
0x163: {  	[tilespmem:s29], [sflag:$0x2] =	stream.indirect.gather [hbm4b:s5+s28], $0x80, s15, s28, $0xb8;
	[tilespmem:$0x1FA80] =	vst v63  }
0x164: {  	s15 =	sadd.s32 $0xB8, s13  }
0x165: {  	[tilespmem:s31], [sflag:$0x3] =	stream.indirect.gather [hbm4b:s5+s28], $0x80, s15, s28, $0xb8;
	[tilespmem:$0x1FA80] =	vst v63  }
0x166: {  	s15 =	sadd.s32 $0xC8, s13  }
0x167: {  	[tilespmem:s1], [sflag:$0x4] =	stream.indirect.gather [hbm4b:s5+s28], $0x80, s15, s28, $0xb8;
	[tilespmem:$0x1FA80] =	vst v63  }
.Ltmp7:
0x168: {  	_ = 	snop;
	(pc) =	sbr.rel @p1 .LBB2_9-.Ltmp7, $4  }
0x169: {  	s13 =	sadd.s32 $0x27C8, s13  }
0x16a: {  	[spmem:s2] =	stream.indirect.scatter.add.f32 [tilespmem:s23], [sflag:$0x9], $0x80, s13, s30, $0xb8;
	[tilespmem:$0x1FA80] =	vst v63  }
0x16b: {  	_ =	swait.ge [sflag:s24], $0x2400  }
0x16c: {  	[sflag:s24] =	ssyncset.done $0x0  }
.Ltmp8:
0x16d: {  	_ = 	snop;
	(pc) =	sbr.rel .LBB2_10-.Ltmp8, $1  }
0x16e: {  	_ =	sdelay $0x3  }
.LBB2_12:
0x16f: {  	_ =	sfence.sel $0x180000  }
0x170: {  	[bflag:$0x0] =	sbarrier.arrive $0xFFFF  }
0x171: {  	_ =	strace $0x9000004A  }
0x172: {  	s0 =	stileid.u32;
	[bflag:$0x2] =	sbarrier.arrive $0xFFFF  }
0x173: {  	p0 =	sne.s32 s0, $0x0;
	s0 =	rddreg [dreg:$0x3]  }
0x174: {  	s0 =	sadd.s32 @!p0 $0x100000, s0  }
0x175: {  	[sflag:s0] =	ssyncadd.tile.s32 @!p0 $0x1;
	_ =	shalt  }
.Lfunc_end2:
_tile_overlayer_lowered:
.L_overlay_start_2:
0x176: {  	(tag) =	ssettag $0x2  }
0x177: {  	s0 =	rddreg [dreg:$0x0];
	s2 =	stileid.u32  }
0x178: {  	s1 =	rddreg [dreg:$0x1];
	p0 =	sne.s32 s2, $0x0  }
0x179: {  	s3 =	rddreg [dreg:$0x2];
	[bflag:$0x3] =	sbarrier.arrive $0xFFFF;
	s2 =	simm.s32 @!p0 $0x1C09  }
0x17a: {  	[timem:s3], [sflag:s2] =	dma.local @!p0 [hbm:s0], s1  }
0x17b: {  	s0 =	simm.s32 @!p0 $0x9  }
0x17c: {  	_ =	swait.ge @!p0 [sflag:s0], s1  }
0x17d: {  	s1 =	ssub.s32 @!p0 $0x0, s1;
	[sflag:s0] =	ssyncset.done @!p0 $0x0  }
0x17e: {  	[sflag:s0] =	ssyncadd.s32 @!p0 s1  }
0x17f: {  	[bflag:$0x3] =	sbarrier.arrive $0xFFFF  }
0x180: {  	_ =	shalt  }

// kernel: kernel.13.cloned.1.call-start
scs
__scs_entry_jumppad:
0x0: {  	(pc) =	sbr.rel $0x88, $3  }
0x1: {  	(tag) =	ssettag $0x0;
	lr =	simm.s32 $0x1  }
0x2: {  	[smem:$0x3F91] =	sst lr;
	_ =	strace $0xD0000000  }
0x3: {  	_ = 	snop  }
0x4: {  	_ = 	snop  }
0x5: {  	_ = 	snop  }
0x6: {  	_ = 	snop  }
0x7: {  	_ = 	snop  }
__scs_overlays_trampoline_lowered:
0x8: {  	[smem:$0x3FA0] =	sst s0  }
0x9: {  	[smem:$0x3FA1] =	sst s1  }
0xa: {  	[smem:$0x3FA2] =	sst s2  }
0xb: {  	[smem:$0x3FA3] =	sst s3  }
0xc: {  	[smem:$0x3FA4] =	sst s4  }
0xd: {  	[smem:$0x3FA5] =	sst s5  }
0xe: {  	[smem:$0x3FA6] =	sst s6  }
0xf: {  	[smem:$0x3FA7] =	sst s7  }
0x10: {  	[smem:$0x3FA8] =	sst s8  }
0x11: {  	[smem:$0x3FA9] =	sst s9;
	s0 =	simm.s32 @!p0 $0x0  }
0x12: {  	s1 =	sld [smem:$0x3F8F];
	s0 =	simm.s32 @p0 $0x1  }
0x13: {  	[smem:$0x3FAA] =	sst s0;
	s0 =	simm.s32 @!p1 $0x0  }
0x14: {  	s2 =	sld [smem:$0x3F8E];
	s0 =	simm.s32 @p1 $0x1  }
0x15: {  	[smem:$0x3FAB] =	sst s0;
	s0 =	simm.s32 @!p2 $0x0  }
0x16: {  	s3 =	sld [smem:$0x3FDB];
	s0 =	simm.s32 @p2 $0x1  }
0x17: {  	s4 =	simm.s32 $0x1BF5;
	[smem:$0x3FAD] =	sst s0  }
0x18: {  	s0 =	sld [smem:$0x3F90];
	_ =	swait.ge [sflag:s4], $0x0  }
0x19: {  	s7 =	sld [smem:$0x3F91]  }
0x1a: {  	s8 =	sadd.s32 $0xFFFFE003, lr  }
0x1b: {  	s9 =	sadd.s32 $0xFFFFFEF7, lr;
	s5 =	simm.s32 $0xFFFFFFFF;
	p2 =	slt.u32 s8, $0xFFFFF086  }
0x1c: {  	p1 =	slt.u32 s9, $0xF7A;
	s5 =	simm.s32 @!p2 $0x0  }
0x1d: {  	s5 =	simm.s32 @p1 $0x1;
	p0 =	seq.s32 s7, s2  }
0x1e: {  	s7 =	smul.u32 @!p0 $0xF7A, s2;
	p2 =	seq.s32 @!p0 s5, $0x0  }
0x1f: {  	s9 =	smul.u32 $0xF7A, s1;
	s8 =	simm.s32 @!p0 $0x1BF5;
	p2 =	por !p2, p0  }
0x20: {  	[sflag:s8] =	ssyncset.s32 @!p0 $0xFFFFF086;
	s6 =	sadd.s32 @!p0 s3, s7;
	s7 =	simm.s32 @!p0 $0x108  }
0x21: {  	s3 =	sadd.s32 s3, s9;
	s6 =	sadd.s32 @!p0 $0x88, s6;
	s7 =	simm.s32 @p2 $0x1082  }
0x22: {  	[simem:s7], [sflag:s8] =	dma.local @!p0 [hbm:s6], $0xF7A  }
0x23: {  	s9 =	sor.u32 $0xD0000000, s2;
	s6 =	simm.s32 $0x108;
	_ =	swait.ge @!p0 [sflag:s8], $0x0  }
0x24: {  	s3 =	sadd.s32 $0x88, s3;
	s6 =	simm.s32 @!p1 $0x1082;
	[sflag:s4] =	ssyncset.s32 $0xFFFFF086  }
0x25: {  	[simem:s6], [sflag:s4] =	dma.local [hbm:s3], $0xF7A  }
0x26: {  	[smem:$0x3F91] =	sst s1;
	(tag) =	ssettag s2;
	_ =	strace s9  }
0x27: {  	s1 =	sld [smem:$0x3FA1]  }
0x28: {  	s2 =	sld [smem:$0x3FA2]  }
0x29: {  	s4 =	sld [smem:$0x3FA4]  }
0x2a: {  	p0 =	seq.s32 s5, $0x0;
	s5 =	sld [smem:$0x3FA5]  }
0x2b: {  	s6 =	sld [smem:$0x3FA6]  }
0x2c: {  	s7 =	sld [smem:$0x3FA7]  }
0x2d: {  	s3 =	simm.s32 $0x108;
	s8 =	sld [smem:$0x3FA8]  }
0x2e: {  	s3 =	simm.s32 @!p0 $0x1082;
	s9 =	sld [smem:$0x3FA9]  }
0x2f: {  	lr =	sadd.s32 s0, s3;
	s0 =	sld [smem:$0x3FA0]  }
0x30: {  	s3 =	sld [smem:$0x3FA3]  }
0x31: {  	[smem:$0x3FAC] =	sst s10  }
0x32: {  	s10 =	sld [smem:$0x3FAA];
	_ =	sdelay $0x3  }
0x33: {  	p0 =	seq.s32 s10, $0x1;
	s10 =	sld [smem:$0x3FAC];
	_ =	sdelay $0x3  }
0x34: {  	[smem:$0x3FAC] =	sst s10  }
0x35: {  	s10 =	sld [smem:$0x3FAB];
	_ =	sdelay $0x3  }
0x36: {  	p1 =	seq.s32 s10, $0x1;
	s10 =	sld [smem:$0x3FAC];
	_ =	sdelay $0x3  }
0x37: {  	[smem:$0x3FAC] =	sst s10  }
0x38: {  	s10 =	sld [smem:$0x3FAD]  }
0x39: {  	_ = 	snop;
	(pc) =	sbr.ind lr, $3  }
0x3a: {  	_ = 	snop  }
0x3b: {  	_ = 	snop  }
0x3c: {  	p2 =	seq.s32 s10, $0x1;
	s10 =	sld [smem:$0x3FAC]  }
0x3d: {  	_ =	shalt  }
0x3e: {  	_ =	shalt  }
0x3f: {  	_ =	shalt  }
0x40: {  	_ =	shalt  }
0x41: {  	_ =	shalt  }
0x42: {  	_ =	shalt  }
0x43: {  	_ =	shalt  }
0x44: {  	_ =	shalt  }
0x45: {  	_ =	shalt  }
0x46: {  	_ =	shalt  }
0x47: {  	_ =	shalt  }
0x48: {  	_ =	shalt  }
0x49: {  	_ =	shalt  }
0x4a: {  	_ =	shalt  }
0x4b: {  	_ =	shalt  }
0x4c: {  	_ =	shalt  }
0x4d: {  	_ =	shalt  }
0x4e: {  	_ =	shalt  }
0x4f: {  	_ =	shalt  }
0x50: {  	_ =	shalt  }
0x51: {  	_ =	shalt  }
0x52: {  	_ =	shalt  }
0x53: {  	_ =	shalt  }
0x54: {  	_ =	shalt  }
0x55: {  	_ =	shalt  }
0x56: {  	_ =	shalt  }
0x57: {  	_ =	shalt  }
0x58: {  	_ =	shalt  }
0x59: {  	_ =	shalt  }
0x5a: {  	_ =	shalt  }
0x5b: {  	_ =	shalt  }
0x5c: {  	_ =	shalt  }
0x5d: {  	_ =	shalt  }
0x5e: {  	_ =	shalt  }
0x5f: {  	_ =	shalt  }
0x60: {  	_ =	shalt  }
0x61: {  	_ =	shalt  }
0x62: {  	_ =	shalt  }
0x63: {  	_ =	shalt  }
0x64: {  	_ =	shalt  }
0x65: {  	_ =	shalt  }
0x66: {  	_ =	shalt  }
0x67: {  	_ =	shalt  }
0x68: {  	_ =	shalt  }
0x69: {  	_ =	shalt  }
0x6a: {  	_ =	shalt  }
0x6b: {  	_ =	shalt  }
0x6c: {  	_ =	shalt  }
0x6d: {  	_ =	shalt  }
0x6e: {  	_ =	shalt  }
0x6f: {  	_ =	shalt  }
0x70: {  	_ =	shalt  }
0x71: {  	_ =	shalt  }
0x72: {  	_ =	shalt  }
0x73: {  	_ =	shalt  }
0x74: {  	_ =	shalt  }
0x75: {  	_ =	shalt  }
0x76: {  	_ =	shalt  }
0x77: {  	_ =	shalt  }
0x78: {  	_ =	shalt  }
0x79: {  	_ =	shalt  }
0x7a: {  	_ =	shalt  }
0x7b: {  	_ =	shalt  }
0x7c: {  	_ =	shalt  }
0x7d: {  	_ =	shalt  }
0x7e: {  	_ =	shalt  }
0x7f: {  	_ =	shalt  }
0x80: {  	_ =	shalt  }
0x81: {  	_ =	shalt  }
0x82: {  	_ =	shalt  }
0x83: {  	_ =	shalt  }
0x84: {  	_ =	shalt  }
0x85: {  	_ =	shalt  }
0x86: {  	_ =	shalt  }
0x87: {  	_ =	shalt  }
.Lfunc_end0:
.L_simem_size_0:
called_computation.1_lowered:
.L_overlay_start_0:
0x88: {  	s2 =	sld [smem:$0x3FD9]  }
0x89: {  	s3 =	sld [smem:$0x3FFE];
	_ =	sdelay $0x1  }
0x8a: {  	s1 =	srdreg.scid  }
0x8b: {  	s0 =	sand.u32 $0x1, s1  }
0x8c: {  	s14 =	sshll.u32 s0, $0xA;
	s2 =	sadd.s32 s3, s2  }
0x8d: {  	s2 =	sadd.s32 s2, s14  }
0x8e: {  	[smem:$0x3FB8] =	sst s2  }
0x8f: {  	_ = 	snop  }
0x90: {  	s2 =	sld [smem:$0x3FD0];
	_ =	sdelay $0x2  }
0x91: {  	s15 =	simm.s32 $0xB;
	s4 =	simm.s32 $0x10  }
0x92: {  	[smem:s4], [sflag:s15] =	dma.local [hbm:s2], $0x1  }
0x93: {  	_ =	swait.eq [sflag:s15], $0x1  }
0x94: {  	[sflag:s15] =	ssyncset.done $0x0  }
0x95: {  	s16 =	sld [smem:$0x10];
	[sflag:s15] =	ssyncadd.s32 $0xFFFFFFFF  }
0x96: {  	s17 =	sld [smem:$0x11];
	(tm) =	ssettm $0x1  }
0x97: {  	s18 =	sld [smem:$0x3FFB];
	_ =	sdelay $0x3  }
0x98: {  	_ =	strace s18  }
0x99: {  	s4 =	sld [smem:$0x3FFC];
	_ =	sdelay $0x3  }
0x9a: {  	_ =	strace s4  }
0x9b: {  	s4 =	sld [smem:$0x3FFD];
	_ =	sdelay $0x3  }
0x9c: {  	_ =	strace s4  }
0x9d: {  	_ =	strace $0x8FFFFFFF  }
0x9e: {  	s19 =	sld [smem:$0x3FDB];
	_ =	sdelay $0x1  }
0x9f: {  	s5 =	simm.s32 $_scs_section_size  }
0xa0: {  	s6 =	simm.s32 $_size__tile_overlayer_lowered;
	s7 =	simm.s32 $_tile_overlayer_lowered  }
0xa1: {  	s22 =	simm.s32 $0x1BFF;
	s21 =	sshll.u32 s7, $0x1;
	s4 =	sadd.s32 s5, s19  }
0xa2: {  	s8 =	simm.s32 $0x0;
	s20 =	sshll.u32 s6, $0x1;
	s6 =	sadd.s32 s21, s4  }
0xa3: {  	[timem:s8], [sflag:s22] =	dma.local [hbm:s6], s20  }
0xa4: {  	_ =	swait.ge [sflag:s22], s20  }
0xa5: {  	s5 =	ssub.s32 $0x0, s20;
	[sflag:s22] =	ssyncset.done $0x0  }
0xa6: {  	[sflag:s22] =	ssyncadd.s32 s5;
	_ =	sdelay $0x1  }
0xa7: {  	s23 =	simm.s32 $0x1B8B  }
0xa8: {  	_ =	swait.ge [sflag:s23], $0x1  }
0xa9: {  	[sflag:s23] =	ssyncset.done $0x0  }
0xaa: {  	s25 =	simm.s32 $0x1B8E;
	s24 =	sld [smem:$0x3FFE];
	[sflag:s23] =	ssyncadd.s32 $0xFFFFFFFF  }
0xab: {  	s26 =	simm.s32 $execute0_lowered;
	[smem:$0x3FD2] =	sst s25  }
0xac: {  	s6 =	sshll.u32 s26, $0x1;
	_ =	strace $0x80000046;
	[dreg:$0x1] =	wrdreg $0xFFFFFFFF  }
0xad: {  	s28 =	simm.s32 $_size_execute0_lowered;
	s4 =	sadd.s32 s4, s6;
	[dreg:$0x0] =	wrdreg $0x0  }
0xae: {  	s6 =	sshll.u32 s28, $0x1;
	[dreg:$0x2] =	wrdreg s4  }
0xaf: {  	[dreg:$0x3] =	wrdreg s6  }
0xb0: {  	[dreg:$0x4] =	wrdreg $0xC0  }
0xb1: {  	_ =	task [dreg:s8], $0x5FFFF  }
0xb2: {  	[dreg:$0x1] =	wrdreg $0xFFFFFFFF  }
0xb3: {  	[dreg:$0x0] =	wrdreg $0x60  }
0xb4: {  	[dreg:$0x2] =	wrdreg s24  }
0xb5: {  	[dreg:$0x3] =	wrdreg s16  }
0xb6: {  	[dreg:$0x4] =	wrdreg s17  }
0xb7: {  	[dreg:$0x5] =	wrdreg $0x97000  }
0xb8: {  	[dreg:$0x6] =	wrdreg $0xA  }
0xb9: {  	_ =	task.clear_ibuf [dreg:s8], $0x7FFFF;
	_ =	strace $0x90000046  }
0xba: {  	s29 =	simm.s32 $0xA;
	_ =	strace $0x80000048  }
0xbb: {  	_ =	swait.ge [sflag:s29], $0x1  }
0xbc: {  	[sflag:s29] =	ssyncadd.s32 $0xFFFFFFFF  }
0xbd: {  	_ =	strace $0x90000048  }
0xbe: {  	_ =	sfence  }
0xbf: {  	s30 =	sld [smem:$0x0];
	_ =	sdelay $0x2  }
0xc0: {  	s31 =	sshll.u32 s1, $0xD;
	s1 =	sshrl.u32 s1, $0x2  }
0xc1: {  	s3 =	sand.u32 $0x4000, s31;
	s1 =	sadd.s32 s1, s30  }
0xc2: {  	s0 =	sor.u32 s3, s0;
	s1 =	sshll.u32 s1, $0x11  }
0xc3: {  	s0 =	sor.u32 s1, s0  }
0xc4: {  	s0 =	sadd.s32 $0x8F2B, s0  }
0xc5: {  	[sflag:s0] =	ssyncadd.remote.s32 $0x1  }
0xc6: {  	_ =	sfence.sel $0xFFFF  }
0xc7: {  	[dreg:$0x0] =	wrdreg $0xFFFFFFFF;
	(pc) =	sbr.abs _section_cstart, $3  }
0xc8: {  	[dreg:$0x1] =	wrdreg $0xFFFFFFFF  }
0xc9: {  	_ =	task.clear_ibuf [dreg:s8], $0x2FFFF;
	_ =	strace $0x9FFFFFFF  }
0xca: {  	(tm) =	ssettm $0x7FFFFFFF  }
0xcb: {  	_ =	shalt  }
tec
execute0_lowered:
.L_overlay_start_1:
0x0: {  	(tag) =	ssettag $0x1  }
0x1: {  	s0 =	rddreg [dreg:$0x0]  }
0x2: {  	s1 =	rddreg [dreg:$0x1]  }
0x3: {  	s2 =	rddreg [dreg:$0x3];
	s3 =	simm.s32 $0x0  }
0x4: {  	s11 =	stileid.u32;
	s8 =	srdreg.scid;
	s18 =	simm.s32 $0x1  }
0x5: {  	s28 =	simm.s32 $0x10;
	s29 =	simm.s32 $0x5B00;
	s31 =	simm.s32 $0x6300  }
0x6: {  	s17 =	simm.s32 $0x8700;
	s30 =	simm.s32 $0x48;
	s14 =	simm.s32 $0x5  }
0x7: {  	[smem:$0x7FF] =	sst s3;
	s5 =	sadd.s32 $0x7400, s0;
	s19 =	smul.u32 $0x4EC, s11  }
0x8: {  	s4 =	sshrl.u32 s11, $0x3;
	s6 =	sadd.s32 $0x2E600, s0;
	s10 =	smul.u32 $0x4F000, s11  }
0x9: {  	s7 =	sshll.u32 s11, $0x7;
	s20 =	sand.u32 $0x1, s8;
	s8 =	smul.u32 $0x2780, s11  }
0xa: {  	s9 =	sadd.s32 $0x6E800, s0;
	_ =	strace $0x80000047;
	s4 =	smul.u32 $0x13C00, s4  }
0xb: {  	s7 =	sand.u32 $0x380, s7;
	[dreg:$0x5] =	wrdreg s9;
	s21 =	ssub.s32 $0x2, s20  }
0xc: {  	s9 =	sshll.u32 s11, $0x6;
	p0 =	sne.s32 s20, $0x0;
	s20 =	simm.s32 $0x3  }
0xd: {  	s11 =	simm.s32 $0x0;
	s3 =	sadd.s32 s19, s0;
	s22 =	sshrl.u32 s21, $0x1  }
0xe: {  	s10 =	sshrl.u32 s10, $0x2;
	s1 =	sadd.s32 s1, s8;
	s23 =	sor.u32 $0x1C01, s9  }
0xf: {  	s19 =	simm.s32 $0x2;
	s4 =	sor.u32 s7, s4;
	[dreg:$0x6] =	wrdreg s1  }
0x10: {  	s10 =	sadd.s32 s10, s2;
	[dreg:$0x7] =	wrdreg s23;
	s24 =	sadd.s32 $0x5F800, s3  }
0x11: {  	s25 =	sadd.s32 $0x64800, s3;
	s3 =	simm.s32 $0x6B00;
	s1 =	simm.s32 $0x4  }
0x12: {  	s23 =	simm.s32 $0x7F00;
	s7 =	simm.s32 $0x8F00;
	[dreg:$0x8] =	wrdreg s24  }
0x13: {  	s4 =	sshrl.u32 s4, $0x3;
	[dreg:$0x9] =	wrdreg s25;
	s16 =	sshrl.u32 s10, $0x3  }
.Ltmp0:
0x14: {  	s24 =	simm.s32 $0x9;
	s25 =	simm.s32 $0x18;
	(pc) =	sbr.rel .LBB2_1-.Ltmp0, $4  }
0x15: {  	s10 =	simm.s32 $0x8;
	s0 =	sadd.s32 s4, s0;
	s4 =	ssub.s32 s21, s22  }
0x16: {  	s21 =	simm.s32 $0x1D300;
	s22 =	simm.s32 $0x7300;
	s0 =	sadd.s32 $0x69800, s0  }
0x17: {  	s26 =	smax.u32 s4, $0x1;
	s4 =	simm.s32 $0x7;
	[dreg:$0xa] =	wrdreg s0  }
0x18: {  	v0 =	vimm.f32 $0.0e+00;
	[dreg:$0xb] =	wrdreg s26;
	s26 =	simm.s32 $0x4F00;
	s0 =	simm.s32 $0x6  }
.LBB2_10:
0x19: {  	[sflag:s24] =	ssyncadd.s32 $0xFFFFDC00  }
0x1a: {  	_ =	swait.ge [sflag:s18], $0xC00  }
0x1b: {  	[sflag:s18] =	ssyncset.done $0x0  }
0x1c: {  	[sflag:s18] =	ssyncadd.s32 $0xFFFFF400  }
0x1d: {  	_ =	swait.ge [sflag:s19], $0x800  }
0x1e: {  	[sflag:s19] =	ssyncset.done $0x0  }
0x1f: {  	[sflag:s19] =	ssyncadd.s32 $0xFFFFF800  }
0x20: {  	_ =	swait.ge [sflag:s20], $0x800  }
0x21: {  	[sflag:s20] =	ssyncset.done $0x0  }
0x22: {  	[sflag:s20] =	ssyncadd.s32 $0xFFFFF800  }
0x23: {  	_ =	swait.ge [sflag:s1], $0x800  }
0x24: {  	[sflag:s1] =	ssyncset.done $0x0  }
0x25: {  	s12 =	simm.s32 $0x2718;
	[sflag:s1] =	ssyncadd.s32 $0xFFFFF800  }
0x26: {  	[tilespmem:s22], [sflag:$0x5] =	stream.indirect.gather [hbm4b:s6+s25], $0x80, s12, s25, $0xb8;
	[tilespmem:$0x1FA80] =	vst v63  }
0x27: {  	s15 =	simm.s32 $0x2730  }
0x28: {  	[tilespmem:s23], [sflag:$0x6] =	stream.indirect.gather [hbm4b:s6+s28], $0x80, s15, s28, $0xb8;
	[tilespmem:$0x1FA80] =	vst v63  }
0x29: {  	s13 =	simm.s32 $0x2740  }
0x2a: {  	[tilespmem:s17], [sflag:$0x7] =	stream.indirect.gather [hbm4b:s6+s28], $0x80, s13, s28, $0xb8;
	[tilespmem:$0x1FA80] =	vst v63  }
0x2b: {  	s15 =	simm.s32 $0x2750  }
0x2c: {  	[tilespmem:s7], [sflag:$0x8] =	stream.indirect.gather [hbm4b:s6+s28], $0x80, s15, s28, $0xb8;
	[tilespmem:$0x1FA80] =	vst v63  }
0x2d: {  	s13 =	simm.s32 $0x4E50  }
0x2e: {  	[spmem:s2] =	stream.indirect.scatter.add.f32 [tilespmem:s26], [sflag:$0x9], $0x80, s13, s30, $0xb8;
	[tilespmem:$0x1FA80] =	vst v63  }
0x2f: {  	_ =	swait.ge [sflag:s24], $0x2400  }
0x30: {  	[sflag:s24] =	ssyncset.done $0x0  }
0x31: {  	[sflag:s24] =	ssyncadd.s32 $0xFFFFDC00  }
0x32: {  	_ =	swait.ge [sflag:s14], $0xC00  }
0x33: {  	[sflag:s14] =	ssyncset.done $0x0  }
0x34: {  	[sflag:s14] =	ssyncadd.s32 $0xFFFFF400  }
0x35: {  	_ =	swait.ge [sflag:s0], $0x800  }
0x36: {  	[sflag:s0] =	ssyncset.done $0x0  }
0x37: {  	[sflag:s0] =	ssyncadd.s32 $0xFFFFF800  }
0x38: {  	_ =	swait.ge [sflag:s4], $0x800  }
0x39: {  	[sflag:s4] =	ssyncset.done $0x0  }
0x3a: {  	[sflag:s4] =	ssyncadd.s32 $0xFFFFF800  }
0x3b: {  	_ =	swait.ge [sflag:s10], $0x800  }
0x3c: {  	[sflag:s10] =	ssyncset.done $0x0  }
0x3d: {  	s15 =	simm.s32 $0x4E98;
	s12 =	rddreg [dreg:$0x5];
	[sflag:s10] =	ssyncadd.s32 $0xFFFFF800  }
0x3e: {  	[spmem:s2] =	stream.indirect.scatter.add.f32 [tilespmem:s22], [sflag:$0x9], $0x80, s15, s30, $0xb8;
	[tilespmem:$0x1FA80] =	vst v63  }
.LBB2_11:
0x3f: {  	_ =	swait.ge [sflag:s24], $0x2400  }
0x40: {  	[sflag:s24] =	ssyncset.done $0x0  }
0x41: {  	[sflag:s24] =	ssyncadd.s32 $0xFFFFDC00  }
0x42: {  	s12 =	sadd.s32 s12, s8;
	s13 =	sor.u32 $0x1C09, s9;
	[bflag:$0x0] =	sbarrier.arrive $0xFFFF  }
0x43: {  	[hbm:s12], [sflag:s13] =	dma.local [spmem:s16], $0x2780  }
0x44: {  	_ =	swait.ge [sflag:s24], $0x2780  }
0x45: {  	s11 =	sadd.s32 $0x1, s11;
	s15 =	rddreg [dreg:$0xb]  }
0x46: {  	p1 =	sne.s32 s11, s15  }
.Ltmp1:
0x47: {  	_ = 	snop;
	(pc) =	sbr.rel @!p1 .LBB2_12-.Ltmp1, $3  }
0x48: {  	_ =	sdelay $0x1  }
0x49: {  	[sflag:s24] =	ssyncset.done $0x0  }
0x4a: {  	[sflag:s24] =	ssyncadd.s32 $0xFFFFD880  }
.LBB2_1:
0x4b: {  	s12 =	rddreg [dreg:$0x6]  }
0x4c: {  	s13 =	rddreg [dreg:$0x7]  }
0x4d: {  	[spmem:s16], [sflag:s13] =	dma.local [hbm:s12], $0x2780  }
0x4e: {  	s12 =	simm.s32 $0x0;
	s13 =	rddreg [dreg:$0x8]  }
0x4f: {  	[tilespmem:s12], [sflag:$0x2] =	stream.linear.gather [hbm4b:s13+s12], $0x2760, $0x38;
	[tilespmem:$0x1FA80] =	vst v63  }
0x50: {  	s15 =	simm.s32 $0x2780;
	s13 =	rddreg [dreg:$0x9]  }
0x51: {  	[tilespmem:s15], [sflag:$0x3] =	stream.linear.gather [hbm4b:s13+s12], $0x2760, $0x38;
	[tilespmem:$0x1FA80] =	vst v63  }
0x52: {  	_ =	swait.ge [sflag:s18], $0x2780  }
0x53: {  	[sflag:s18] =	ssyncset.done $0x0  }
0x54: {  	[sflag:s18] =	ssyncadd.s32 $0xFFFFD880  }
0x55: {  	_ =	swait.ge [sflag:s19], $0x2760  }
0x56: {  	[sflag:s19] =	ssyncset.done $0x0  }
0x57: {  	[sflag:s19] =	ssyncadd.s32 $0xFFFFD8A0  }
.Ltmp2:
0x58: {  	_ =	swait.ge [sflag:s20], $0x2760;
	(pc) =	sbr.rel @p0 .LBB2_8-.Ltmp2, $4  }
0x59: {  	[sflag:s20] =	ssyncset.done $0x0  }
0x5a: {  	[sflag:s20] =	ssyncadd.s32 $0xFFFFD8A0  }
0x5b: {  	[bflag:$0x0] =	sbarrier.arrive $0xFFFF  }
0x5c: {  	s12 =	simm.s32 $0x0  }
.LBB2_2:
0x5d: {  	p1 =	sne.s32 s12, $0x9DC0  }
.Ltmp3:
0x5e: {  	_ = 	snop;
	(pc) =	sbr.rel @p1 .LBB2_2-.Ltmp3, $3  }
0x5f: {  	_ =	sdelay $0x1  }
0x60: {  	s13 =	sshra.s32 s12, $0x2  }
0x61: {  	s12 =	sadd.s32 $0x40, s12;
	[tilespmem:s13+$0x1D300] =	vst v0  }
0x62: {  	s13 =	simm.s32 $0x0;
	s12 =	simm.s32 $0x40  }
.LBB2_4:
0x63: {  	p1 =	sne.s32 s12, $0x9D40;
	v1 =	vld [tilespmem:s13+$0x2780];
	_ =	sdelay $0x4  }
0x64: {  	(xrf1) =	vunique.msk.u32 $0xffff, v1;
	_ =	sdelay $0xd  }
0x65: {  	_, v2, vm0 =	vpop (xrf1);
	_ =	sdelay $0x1  }
.Ltmp4:
0x66: {  	(pc) =	sbr.rel @p1 .LBB2_4-.Ltmp4, $3  }
0x67: {  	_ = 	snop  }
0x68: {  	v2 =	vcvt.s32.f32 v2;
	_ =	sdelay $0x1  }
0x69: {  	s13 =	sshra.s32 s12, $0x2;
	s12 =	sadd.s32 $0x40, s12;
	[tilespmem:v1+s21+$0x0] =	vst.idx.add.f32.msk vm0, v2  }
0x6a: {  	v1 =	vld [tilespmem:s13+$0x2780];
	_ =	sdelay $0x4  }
0x6b: {  	(xrf1) =	vunique.msk.u32 $0xffff, v1;
	_ =	sdelay $0xd  }
0x6c: {  	_, v2, vm0 =	vpop (xrf1);
	_ =	sdelay $0x3  }
0x6d: {  	v2 =	vcvt.s32.f32 v2;
	_ =	sdelay $0x1  }
0x6e: {  	s12 =	rddreg [dreg:$0xa];
	s13 =	simm.s32 $0x80;
	s15 =	simm.s32 $0x400;
	[tilespmem:v1+s21+$0x0] =	vst.idx.add.f32.msk vm0, v2  }
0x6f: {  	[hbm4b:s12+s13] =	stream.strided.scatter [tilespmem:s21], [sflag:$0x9], $0x2780, s15, s13, $0x38;
	[tilespmem:$0x1FA80] =	vst v63  }
0x70: {  	_ =	swait.ge [sflag:s24], $0x2780  }
0x71: {  	[sflag:s24] =	ssyncset.done $0x0  }
0x72: {  	s15 =	simm.s32 $0x0;
	[sflag:s24] =	ssyncadd.s32 $0xFFFFD880  }
0x73: {  	[tilespmem:s26], [sflag:$0x1] =	stream.indirect.gather [hbm4b:s5+s25], $0x80, s15, s25, $0xb8;
	[tilespmem:$0x1FA80] =	vst v63  }
0x74: {  	_ = 	snop  }
0x75: {  	[tilespmem:s29], [sflag:$0x2] =	stream.indirect.gather [hbm4b:s5+s28], $0x80, s25, s28, $0xb8;
	[tilespmem:$0x1FA80] =	vst v63  }
0x76: {  	s13 =	simm.s32 $0x28  }
0x77: {  	[tilespmem:s31], [sflag:$0x3] =	stream.indirect.gather [hbm4b:s5+s28], $0x80, s13, s28, $0xb8;
	[tilespmem:$0x1FA80] =	vst v63  }
0x78: {  	s15 =	simm.s32 $0x38  }
0x79: {  	[tilespmem:s3], [sflag:$0x4] =	stream.indirect.gather [hbm4b:s5+s28], $0x80, s15, s28, $0xb8;
	[tilespmem:$0x1FA80] =	vst v63  }
0x7a: {  	_ =	swait.ge [sflag:s18], $0xC00  }
0x7b: {  	[sflag:s18] =	ssyncset.done $0x0  }
0x7c: {  	[sflag:s18] =	ssyncadd.s32 $0xFFFFF400  }
0x7d: {  	_ =	swait.ge [sflag:s19], $0x800  }
0x7e: {  	[sflag:s19] =	ssyncset.done $0x0  }
0x7f: {  	[sflag:s19] =	ssyncadd.s32 $0xFFFFF800  }
0x80: {  	_ =	swait.ge [sflag:s20], $0x800  }
0x81: {  	[sflag:s20] =	ssyncset.done $0x0  }
0x82: {  	[sflag:s20] =	ssyncadd.s32 $0xFFFFF800  }
0x83: {  	_ =	swait.ge [sflag:s1], $0x800  }
0x84: {  	[sflag:s1] =	ssyncset.done $0x0  }
0x85: {  	s13 =	simm.s32 $0x48;
	[sflag:s1] =	ssyncadd.s32 $0xFFFFF800  }
0x86: {  	[tilespmem:s22], [sflag:$0x5] =	stream.indirect.gather [hbm4b:s5+s25], $0x80, s13, s25, $0xb8;
	[tilespmem:$0x1FA80] =	vst v63  }
0x87: {  	s15 =	simm.s32 $0x60  }
0x88: {  	[tilespmem:s23], [sflag:$0x6] =	stream.indirect.gather [hbm4b:s5+s28], $0x80, s15, s28, $0xb8;
	[tilespmem:$0x1FA80] =	vst v63  }
0x89: {  	s13 =	simm.s32 $0x70  }
0x8a: {  	[tilespmem:s17], [sflag:$0x7] =	stream.indirect.gather [hbm4b:s5+s28], $0x80, s13, s28, $0xb8;
	[tilespmem:$0x1FA80] =	vst v63  }
0x8b: {  	s15 =	simm.s32 $0x80  }
0x8c: {  	[tilespmem:s7], [sflag:$0x8] =	stream.indirect.gather [hbm4b:s5+s28], $0x80, s15, s28, $0xb8;
	[tilespmem:$0x1FA80] =	vst v63  }
0x8d: {  	s13 =	simm.s32 $0x2780  }
0x8e: {  	[spmem:s2] =	stream.indirect.scatter.add.f32 [tilespmem:s26], [sflag:$0x9], $0x80, s13, s30, $0xb8;
	[tilespmem:$0x1FA80] =	vst v63  }
0x8f: {  	_ =	swait.ge [sflag:s24], $0x2400  }
0x90: {  	[sflag:s24] =	ssyncset.done $0x0  }
0x91: {  	[sflag:s24] =	ssyncadd.s32 $0xFFFFDC00  }
0x92: {  	_ =	swait.ge [sflag:s14], $0xC00  }
0x93: {  	[sflag:s14] =	ssyncset.done $0x0  }
0x94: {  	[sflag:s14] =	ssyncadd.s32 $0xFFFFF400  }
0x95: {  	_ =	swait.ge [sflag:s0], $0x800  }
0x96: {  	[sflag:s0] =	ssyncset.done $0x0  }
0x97: {  	[sflag:s0] =	ssyncadd.s32 $0xFFFFF800  }
0x98: {  	_ =	swait.ge [sflag:s4], $0x800  }
0x99: {  	[sflag:s4] =	ssyncset.done $0x0  }
0x9a: {  	[sflag:s4] =	ssyncadd.s32 $0xFFFFF800  }
0x9b: {  	_ =	swait.ge [sflag:s10], $0x800  }
0x9c: {  	[sflag:s10] =	ssyncset.done $0x0  }
0x9d: {  	s15 =	simm.s32 $0x90;
	[sflag:s10] =	ssyncadd.s32 $0xFFFFF800  }
0x9e: {  	[tilespmem:s26], [sflag:$0x1] =	stream.indirect.gather [hbm4b:s5+s25], $0x80, s15, s25, $0xb8;
	[tilespmem:$0x1FA80] =	vst v63  }
0x9f: {  	s13 =	simm.s32 $0xA8  }
0xa0: {  	[tilespmem:s29], [sflag:$0x2] =	stream.indirect.gather [hbm4b:s5+s28], $0x80, s13, s28, $0xb8;
	[tilespmem:$0x1FA80] =	vst v63  }
0xa1: {  	s15 =	simm.s32 $0xB8  }
0xa2: {  	[tilespmem:s31], [sflag:$0x3] =	stream.indirect.gather [hbm4b:s5+s28], $0x80, s15, s28, $0xb8;
	[tilespmem:$0x1FA80] =	vst v63  }
0xa3: {  	s13 =	simm.s32 $0xC8  }
0xa4: {  	[tilespmem:s3], [sflag:$0x4] =	stream.indirect.gather [hbm4b:s5+s28], $0x80, s13, s28, $0xb8;
	[tilespmem:$0x1FA80] =	vst v63  }
0xa5: {  	s15 =	simm.s32 $0x27C8  }
0xa6: {  	[spmem:s2] =	stream.indirect.scatter.add.f32 [tilespmem:s22], [sflag:$0x9], $0x80, s15, s30, $0xb8;
	[tilespmem:$0x1FA80] =	vst v63  }
0xa7: {  	_ =	swait.ge [sflag:s24], $0x2400  }
0xa8: {  	s12 =	simm.s32 $0x240;
	[sflag:s24] =	ssyncset.done $0x0  }
.LBB2_6:
0xa9: {  	p1 =	sne.s32 s12, $0x9900  }
0xaa: {  	[sflag:s24] =	ssyncadd.s32 $0xFFFFDC00;
	s13 =	smov.u32 s12;
	s12 =	sadd.s32 $0x240, s12  }
0xab: {  	_ = 	snop  }
0xac: {  	_ =	swait.ge [sflag:s18], $0xC00  }
0xad: {  	[sflag:s18] =	ssyncset.done $0x0  }
0xae: {  	[sflag:s18] =	ssyncadd.s32 $0xFFFFF400  }
0xaf: {  	_ =	swait.ge [sflag:s19], $0x800  }
0xb0: {  	[sflag:s19] =	ssyncset.done $0x0  }
0xb1: {  	[sflag:s19] =	ssyncadd.s32 $0xFFFFF800  }
0xb2: {  	_ =	swait.ge [sflag:s20], $0x800  }
0xb3: {  	[sflag:s20] =	ssyncset.done $0x0  }
0xb4: {  	[sflag:s20] =	ssyncadd.s32 $0xFFFFF800  }
0xb5: {  	_ =	swait.ge [sflag:s1], $0x800  }
0xb6: {  	s13 =	sshra.s32 s13, $0x2;
	[sflag:s1] =	ssyncset.done $0x0  }
0xb7: {  	s15 =	sadd.s32 $0x48, s13;
	[sflag:s1] =	ssyncadd.s32 $0xFFFFF800  }
0xb8: {  	[tilespmem:s22], [sflag:$0x5] =	stream.indirect.gather [hbm4b:s5+s25], $0x80, s15, s25, $0xb8;
	[tilespmem:$0x1FA80] =	vst v63  }
0xb9: {  	s15 =	sadd.s32 $0x60, s13  }
0xba: {  	[tilespmem:s23], [sflag:$0x6] =	stream.indirect.gather [hbm4b:s5+s28], $0x80, s15, s28, $0xb8;
	[tilespmem:$0x1FA80] =	vst v63  }
0xbb: {  	s15 =	sadd.s32 $0x70, s13  }
0xbc: {  	[tilespmem:s17], [sflag:$0x7] =	stream.indirect.gather [hbm4b:s5+s28], $0x80, s15, s28, $0xb8;
	[tilespmem:$0x1FA80] =	vst v63  }
0xbd: {  	s15 =	sadd.s32 $0x80, s13  }
0xbe: {  	[tilespmem:s7], [sflag:$0x8] =	stream.indirect.gather [hbm4b:s5+s28], $0x80, s15, s28, $0xb8;
	[tilespmem:$0x1FA80] =	vst v63  }
0xbf: {  	s15 =	sadd.s32 $0x2780, s13  }
0xc0: {  	[spmem:s2] =	stream.indirect.scatter.add.f32 [tilespmem:s26], [sflag:$0x9], $0x80, s15, s30, $0xb8;
	[tilespmem:$0x1FA80] =	vst v63  }
0xc1: {  	_ =	swait.ge [sflag:s24], $0x2400  }
0xc2: {  	[sflag:s24] =	ssyncset.done $0x0  }
0xc3: {  	[sflag:s24] =	ssyncadd.s32 $0xFFFFDC00  }
0xc4: {  	_ =	swait.ge [sflag:s14], $0xC00  }
0xc5: {  	[sflag:s14] =	ssyncset.done $0x0  }
0xc6: {  	[sflag:s14] =	ssyncadd.s32 $0xFFFFF400  }
0xc7: {  	_ =	swait.ge [sflag:s0], $0x800  }
0xc8: {  	[sflag:s0] =	ssyncset.done $0x0  }
0xc9: {  	[sflag:s0] =	ssyncadd.s32 $0xFFFFF800  }
0xca: {  	_ =	swait.ge [sflag:s4], $0x800  }
0xcb: {  	[sflag:s4] =	ssyncset.done $0x0  }
0xcc: {  	[sflag:s4] =	ssyncadd.s32 $0xFFFFF800  }
0xcd: {  	_ =	swait.ge [sflag:s10], $0x800  }
0xce: {  	[sflag:s10] =	ssyncset.done $0x0  }
0xcf: {  	s15 =	sadd.s32 $0x90, s13;
	[sflag:s10] =	ssyncadd.s32 $0xFFFFF800  }
0xd0: {  	[tilespmem:s26], [sflag:$0x1] =	stream.indirect.gather [hbm4b:s5+s25], $0x80, s15, s25, $0xb8;
	[tilespmem:$0x1FA80] =	vst v63  }
0xd1: {  	s15 =	sadd.s32 $0xA8, s13  }
0xd2: {  	[tilespmem:s29], [sflag:$0x2] =	stream.indirect.gather [hbm4b:s5+s28], $0x80, s15, s28, $0xb8;
	[tilespmem:$0x1FA80] =	vst v63  }
0xd3: {  	s15 =	sadd.s32 $0xB8, s13  }
0xd4: {  	[tilespmem:s31], [sflag:$0x3] =	stream.indirect.gather [hbm4b:s5+s28], $0x80, s15, s28, $0xb8;
	[tilespmem:$0x1FA80] =	vst v63  }
0xd5: {  	s15 =	sadd.s32 $0xC8, s13  }
0xd6: {  	[tilespmem:s3], [sflag:$0x4] =	stream.indirect.gather [hbm4b:s5+s28], $0x80, s15, s28, $0xb8;
	[tilespmem:$0x1FA80] =	vst v63  }
.Ltmp5:
0xd7: {  	_ = 	snop;
	(pc) =	sbr.rel @p1 .LBB2_6-.Ltmp5, $4  }
0xd8: {  	s13 =	sadd.s32 $0x27C8, s13  }
0xd9: {  	[spmem:s2] =	stream.indirect.scatter.add.f32 [tilespmem:s22], [sflag:$0x9], $0x80, s13, s30, $0xb8;
	[tilespmem:$0x1FA80] =	vst v63  }
0xda: {  	_ =	swait.ge [sflag:s24], $0x2400  }
0xdb: {  	[sflag:s24] =	ssyncset.done $0x0  }
0xdc: {  	[sflag:s24] =	ssyncadd.s32 $0xFFFFDC00  }
0xdd: {  	_ =	swait.ge [sflag:s18], $0xC00  }
0xde: {  	[sflag:s18] =	ssyncset.done $0x0  }
0xdf: {  	[sflag:s18] =	ssyncadd.s32 $0xFFFFF400  }
0xe0: {  	_ =	swait.ge [sflag:s19], $0x800  }
0xe1: {  	[sflag:s19] =	ssyncset.done $0x0  }
0xe2: {  	[sflag:s19] =	ssyncadd.s32 $0xFFFFF800  }
0xe3: {  	_ =	swait.ge [sflag:s20], $0x800  }
0xe4: {  	[sflag:s20] =	ssyncset.done $0x0  }
0xe5: {  	[sflag:s20] =	ssyncadd.s32 $0xFFFFF800  }
0xe6: {  	_ =	swait.ge [sflag:s1], $0x800  }
0xe7: {  	[sflag:s1] =	ssyncset.done $0x0  }
0xe8: {  	s12 =	simm.s32 $0x2718;
	[sflag:s1] =	ssyncadd.s32 $0xFFFFF800  }
0xe9: {  	[tilespmem:s22], [sflag:$0x5] =	stream.indirect.gather [hbm4b:s5+s25], $0x80, s12, s25, $0xb8;
	[tilespmem:$0x1FA80] =	vst v63  }
0xea: {  	s15 =	simm.s32 $0x2730  }
0xeb: {  	[tilespmem:s23], [sflag:$0x6] =	stream.indirect.gather [hbm4b:s5+s28], $0x80, s15, s28, $0xb8;
	[tilespmem:$0x1FA80] =	vst v63  }
0xec: {  	s13 =	simm.s32 $0x2740  }
0xed: {  	[tilespmem:s17], [sflag:$0x7] =	stream.indirect.gather [hbm4b:s5+s28], $0x80, s13, s28, $0xb8;
	[tilespmem:$0x1FA80] =	vst v63  }
0xee: {  	s15 =	simm.s32 $0x2750  }
0xef: {  	[tilespmem:s7], [sflag:$0x8] =	stream.indirect.gather [hbm4b:s5+s28], $0x80, s15, s28, $0xb8;
	[tilespmem:$0x1FA80] =	vst v63  }
0xf0: {  	s13 =	simm.s32 $0x4E50  }
0xf1: {  	[spmem:s2] =	stream.indirect.scatter.add.f32 [tilespmem:s26], [sflag:$0x9], $0x80, s13, s30, $0xb8;
	[tilespmem:$0x1FA80] =	vst v63  }
0xf2: {  	_ =	swait.ge [sflag:s24], $0x2400  }
0xf3: {  	[sflag:s24] =	ssyncset.done $0x0  }
0xf4: {  	[sflag:s24] =	ssyncadd.s32 $0xFFFFDC00  }
0xf5: {  	_ =	swait.ge [sflag:s14], $0xC00  }
0xf6: {  	[sflag:s14] =	ssyncset.done $0x0  }
0xf7: {  	[sflag:s14] =	ssyncadd.s32 $0xFFFFF400  }
0xf8: {  	_ =	swait.ge [sflag:s0], $0x800  }
0xf9: {  	[sflag:s0] =	ssyncset.done $0x0  }
0xfa: {  	[sflag:s0] =	ssyncadd.s32 $0xFFFFF800  }
0xfb: {  	_ =	swait.ge [sflag:s4], $0x800  }
0xfc: {  	[sflag:s4] =	ssyncset.done $0x0  }
0xfd: {  	[sflag:s4] =	ssyncadd.s32 $0xFFFFF800  }
.Ltmp6:
0xfe: {  	_ =	swait.ge [sflag:s10], $0x800;
	(pc) =	sbr.rel .LBB2_11-.Ltmp6, $4  }
0xff: {  	[sflag:s10] =	ssyncset.done $0x0  }
0x100: {  	s15 =	simm.s32 $0x4E98;
	[sflag:s10] =	ssyncadd.s32 $0xFFFFF800  }
0x101: {  	[spmem:s2] =	stream.indirect.scatter.add.f32 [tilespmem:s22], [sflag:$0x9], $0x80, s15, s30, $0xb8;
	[tilespmem:$0x1FA80] =	vst v63  }
0x102: {  	s12 =	rddreg [dreg:$0x2]  }
.LBB2_8:
0x103: {  	s12 =	simm.s32 $0x0  }
0x104: {  	[tilespmem:s26], [sflag:$0x1] =	stream.indirect.gather [hbm4b:s6+s25], $0x80, s12, s25, $0xb8;
	[tilespmem:$0x1FA80] =	vst v63  }
0x105: {  	_ = 	snop  }
0x106: {  	[tilespmem:s29], [sflag:$0x2] =	stream.indirect.gather [hbm4b:s6+s28], $0x80, s25, s28, $0xb8;
	[tilespmem:$0x1FA80] =	vst v63  }
0x107: {  	s13 =	simm.s32 $0x28  }
0x108: {  	[tilespmem:s31], [sflag:$0x3] =	stream.indirect.gather [hbm4b:s6+s28], $0x80, s13, s28, $0xb8;
	[tilespmem:$0x1FA80] =	vst v63  }
0x109: {  	s15 =	simm.s32 $0x38  }
0x10a: {  	[tilespmem:s3], [sflag:$0x4] =	stream.indirect.gather [hbm4b:s6+s28], $0x80, s15, s28, $0xb8;
	[tilespmem:$0x1FA80] =	vst v63  }
0x10b: {  	_ =	swait.ge [sflag:s18], $0xC00  }
0x10c: {  	[sflag:s18] =	ssyncset.done $0x0  }
0x10d: {  	[sflag:s18] =	ssyncadd.s32 $0xFFFFF400  }
0x10e: {  	_ =	swait.ge [sflag:s19], $0x800  }
0x10f: {  	[sflag:s19] =	ssyncset.done $0x0  }
0x110: {  	[sflag:s19] =	ssyncadd.s32 $0xFFFFF800  }
0x111: {  	_ =	swait.ge [sflag:s20], $0x800  }
0x112: {  	[sflag:s20] =	ssyncset.done $0x0  }
0x113: {  	[sflag:s20] =	ssyncadd.s32 $0xFFFFF800  }
0x114: {  	_ =	swait.ge [sflag:s1], $0x800  }
0x115: {  	[sflag:s1] =	ssyncset.done $0x0  }
0x116: {  	s13 =	simm.s32 $0x48;
	[sflag:s1] =	ssyncadd.s32 $0xFFFFF800  }
0x117: {  	[tilespmem:s22], [sflag:$0x5] =	stream.indirect.gather [hbm4b:s6+s25], $0x80, s13, s25, $0xb8;
	[tilespmem:$0x1FA80] =	vst v63  }
0x118: {  	s15 =	simm.s32 $0x60  }
0x119: {  	[tilespmem:s23], [sflag:$0x6] =	stream.indirect.gather [hbm4b:s6+s28], $0x80, s15, s28, $0xb8;
	[tilespmem:$0x1FA80] =	vst v63  }
0x11a: {  	s13 =	simm.s32 $0x70  }
0x11b: {  	[tilespmem:s17], [sflag:$0x7] =	stream.indirect.gather [hbm4b:s6+s28], $0x80, s13, s28, $0xb8;
	[tilespmem:$0x1FA80] =	vst v63  }
0x11c: {  	s15 =	simm.s32 $0x80  }
0x11d: {  	[tilespmem:s7], [sflag:$0x8] =	stream.indirect.gather [hbm4b:s6+s28], $0x80, s15, s28, $0xb8;
	[tilespmem:$0x1FA80] =	vst v63  }
0x11e: {  	s13 =	simm.s32 $0x2780  }
0x11f: {  	[spmem:s2] =	stream.indirect.scatter.add.f32 [tilespmem:s26], [sflag:$0x9], $0x80, s13, s30, $0xb8;
	[tilespmem:$0x1FA80] =	vst v63  }
0x120: {  	_ =	swait.ge [sflag:s24], $0x2400  }
0x121: {  	[sflag:s24] =	ssyncset.done $0x0  }
0x122: {  	[sflag:s24] =	ssyncadd.s32 $0xFFFFDC00  }
0x123: {  	_ =	swait.ge [sflag:s14], $0xC00  }
0x124: {  	[sflag:s14] =	ssyncset.done $0x0  }
0x125: {  	[sflag:s14] =	ssyncadd.s32 $0xFFFFF400  }
0x126: {  	_ =	swait.ge [sflag:s0], $0x800  }
0x127: {  	[sflag:s0] =	ssyncset.done $0x0  }
0x128: {  	[sflag:s0] =	ssyncadd.s32 $0xFFFFF800  }
0x129: {  	_ =	swait.ge [sflag:s4], $0x800  }
0x12a: {  	[sflag:s4] =	ssyncset.done $0x0  }
0x12b: {  	[sflag:s4] =	ssyncadd.s32 $0xFFFFF800  }
0x12c: {  	_ =	swait.ge [sflag:s10], $0x800  }
0x12d: {  	[sflag:s10] =	ssyncset.done $0x0  }
0x12e: {  	s15 =	simm.s32 $0x90;
	[sflag:s10] =	ssyncadd.s32 $0xFFFFF800  }
0x12f: {  	[tilespmem:s26], [sflag:$0x1] =	stream.indirect.gather [hbm4b:s6+s25], $0x80, s15, s25, $0xb8;
	[tilespmem:$0x1FA80] =	vst v63  }
0x130: {  	s13 =	simm.s32 $0xA8  }
0x131: {  	[tilespmem:s29], [sflag:$0x2] =	stream.indirect.gather [hbm4b:s6+s28], $0x80, s13, s28, $0xb8;
	[tilespmem:$0x1FA80] =	vst v63  }
0x132: {  	s15 =	simm.s32 $0xB8  }
0x133: {  	[tilespmem:s31], [sflag:$0x3] =	stream.indirect.gather [hbm4b:s6+s28], $0x80, s15, s28, $0xb8;
	[tilespmem:$0x1FA80] =	vst v63  }
0x134: {  	s13 =	simm.s32 $0xC8  }
0x135: {  	[tilespmem:s3], [sflag:$0x4] =	stream.indirect.gather [hbm4b:s6+s28], $0x80, s13, s28, $0xb8;
	[tilespmem:$0x1FA80] =	vst v63  }
0x136: {  	s15 =	simm.s32 $0x27C8  }
0x137: {  	[spmem:s2] =	stream.indirect.scatter.add.f32 [tilespmem:s22], [sflag:$0x9], $0x80, s15, s30, $0xb8;
	[tilespmem:$0x1FA80] =	vst v63  }
0x138: {  	_ =	swait.ge [sflag:s24], $0x2400  }
0x139: {  	s12 =	simm.s32 $0x240;
	[sflag:s24] =	ssyncset.done $0x0  }
.LBB2_9:
0x13a: {  	p1 =	sne.s32 s12, $0x9900  }
0x13b: {  	[sflag:s24] =	ssyncadd.s32 $0xFFFFDC00;
	s13 =	smov.u32 s12;
	s12 =	sadd.s32 $0x240, s12  }
0x13c: {  	_ = 	snop  }
0x13d: {  	_ =	swait.ge [sflag:s18], $0xC00  }
0x13e: {  	[sflag:s18] =	ssyncset.done $0x0  }
0x13f: {  	[sflag:s18] =	ssyncadd.s32 $0xFFFFF400  }
0x140: {  	_ =	swait.ge [sflag:s19], $0x800  }
0x141: {  	[sflag:s19] =	ssyncset.done $0x0  }
0x142: {  	[sflag:s19] =	ssyncadd.s32 $0xFFFFF800  }
0x143: {  	_ =	swait.ge [sflag:s20], $0x800  }
0x144: {  	[sflag:s20] =	ssyncset.done $0x0  }
0x145: {  	[sflag:s20] =	ssyncadd.s32 $0xFFFFF800  }
0x146: {  	_ =	swait.ge [sflag:s1], $0x800  }
0x147: {  	s13 =	sshra.s32 s13, $0x2;
	[sflag:s1] =	ssyncset.done $0x0  }
0x148: {  	s15 =	sadd.s32 $0x48, s13;
	[sflag:s1] =	ssyncadd.s32 $0xFFFFF800  }
0x149: {  	[tilespmem:s22], [sflag:$0x5] =	stream.indirect.gather [hbm4b:s6+s25], $0x80, s15, s25, $0xb8;
	[tilespmem:$0x1FA80] =	vst v63  }
0x14a: {  	s15 =	sadd.s32 $0x60, s13  }
0x14b: {  	[tilespmem:s23], [sflag:$0x6] =	stream.indirect.gather [hbm4b:s6+s28], $0x80, s15, s28, $0xb8;
	[tilespmem:$0x1FA80] =	vst v63  }
0x14c: {  	s15 =	sadd.s32 $0x70, s13  }
0x14d: {  	[tilespmem:s17], [sflag:$0x7] =	stream.indirect.gather [hbm4b:s6+s28], $0x80, s15, s28, $0xb8;
	[tilespmem:$0x1FA80] =	vst v63  }
0x14e: {  	s15 =	sadd.s32 $0x80, s13  }
0x14f: {  	[tilespmem:s7], [sflag:$0x8] =	stream.indirect.gather [hbm4b:s6+s28], $0x80, s15, s28, $0xb8;
	[tilespmem:$0x1FA80] =	vst v63  }
0x150: {  	s15 =	sadd.s32 $0x2780, s13  }
0x151: {  	[spmem:s2] =	stream.indirect.scatter.add.f32 [tilespmem:s26], [sflag:$0x9], $0x80, s15, s30, $0xb8;
	[tilespmem:$0x1FA80] =	vst v63  }
0x152: {  	_ =	swait.ge [sflag:s24], $0x2400  }
0x153: {  	[sflag:s24] =	ssyncset.done $0x0  }
0x154: {  	[sflag:s24] =	ssyncadd.s32 $0xFFFFDC00  }
0x155: {  	_ =	swait.ge [sflag:s14], $0xC00  }
0x156: {  	[sflag:s14] =	ssyncset.done $0x0  }
0x157: {  	[sflag:s14] =	ssyncadd.s32 $0xFFFFF400  }
0x158: {  	_ =	swait.ge [sflag:s0], $0x800  }
0x159: {  	[sflag:s0] =	ssyncset.done $0x0  }
0x15a: {  	[sflag:s0] =	ssyncadd.s32 $0xFFFFF800  }
0x15b: {  	_ =	swait.ge [sflag:s4], $0x800  }
0x15c: {  	[sflag:s4] =	ssyncset.done $0x0  }
0x15d: {  	[sflag:s4] =	ssyncadd.s32 $0xFFFFF800  }
0x15e: {  	_ =	swait.ge [sflag:s10], $0x800  }
0x15f: {  	[sflag:s10] =	ssyncset.done $0x0  }
0x160: {  	s15 =	sadd.s32 $0x90, s13;
	[sflag:s10] =	ssyncadd.s32 $0xFFFFF800  }
0x161: {  	[tilespmem:s26], [sflag:$0x1] =	stream.indirect.gather [hbm4b:s6+s25], $0x80, s15, s25, $0xb8;
	[tilespmem:$0x1FA80] =	vst v63  }
0x162: {  	s15 =	sadd.s32 $0xA8, s13  }
0x163: {  	[tilespmem:s29], [sflag:$0x2] =	stream.indirect.gather [hbm4b:s6+s28], $0x80, s15, s28, $0xb8;
	[tilespmem:$0x1FA80] =	vst v63  }
0x164: {  	s15 =	sadd.s32 $0xB8, s13  }
0x165: {  	[tilespmem:s31], [sflag:$0x3] =	stream.indirect.gather [hbm4b:s6+s28], $0x80, s15, s28, $0xb8;
	[tilespmem:$0x1FA80] =	vst v63  }
0x166: {  	s15 =	sadd.s32 $0xC8, s13  }
0x167: {  	[tilespmem:s3], [sflag:$0x4] =	stream.indirect.gather [hbm4b:s6+s28], $0x80, s15, s28, $0xb8;
	[tilespmem:$0x1FA80] =	vst v63  }
.Ltmp7:
0x168: {  	_ = 	snop;
	(pc) =	sbr.rel @p1 .LBB2_9-.Ltmp7, $4  }
0x169: {  	s13 =	sadd.s32 $0x27C8, s13  }
0x16a: {  	[spmem:s2] =	stream.indirect.scatter.add.f32 [tilespmem:s22], [sflag:$0x9], $0x80, s13, s30, $0xb8;
	[tilespmem:$0x1FA80] =	vst v63  }
0x16b: {  	_ =	swait.ge [sflag:s24], $0x2400  }
0x16c: {  	[sflag:s24] =	ssyncset.done $0x0  }
.Ltmp8:
0x16d: {  	_ = 	snop;
	(pc) =	sbr.rel .LBB2_10-.Ltmp8, $1  }
0x16e: {  	_ =	sdelay $0x3  }
.LBB2_12:
0x16f: {  	_ =	sfence.sel $0x180000  }
0x170: {  	[bflag:$0x0] =	sbarrier.arrive $0xFFFF  }
0x171: {  	_ =	strace $0x90000047  }
0x172: {  	s0 =	stileid.u32;
	[bflag:$0x2] =	sbarrier.arrive $0xFFFF  }
0x173: {  	p0 =	sne.s32 s0, $0x0;
	s0 =	rddreg [dreg:$0x4]  }
0x174: {  	s0 =	sadd.s32 @!p0 $0x100000, s0  }
0x175: {  	[sflag:s0] =	ssyncadd.tile.s32 @!p0 $0x1;
	_ =	shalt  }
.Lfunc_end2:
_tile_overlayer_lowered:
.L_overlay_start_2:
0x176: {  	(tag) =	ssettag $0x2  }
0x177: {  	s0 =	rddreg [dreg:$0x0];
	s2 =	stileid.u32  }
0x178: {  	s1 =	rddreg [dreg:$0x1];
	p0 =	sne.s32 s2, $0x0  }
0x179: {  	s3 =	rddreg [dreg:$0x2];
	[bflag:$0x3] =	sbarrier.arrive $0xFFFF;
	s2 =	simm.s32 @!p0 $0x1C09  }
0x17a: {  	[timem:s3], [sflag:s2] =	dma.local @!p0 [hbm:s0], s1  }
0x17b: {  	s0 =	simm.s32 @!p0 $0x9  }
0x17c: {  	_ =	swait.ge @!p0 [sflag:s0], s1  }
0x17d: {  	s1 =	ssub.s32 @!p0 $0x0, s1;
	[sflag:s0] =	ssyncset.done @!p0 $0x0  }
0x17e: {  	[sflag:s0] =	ssyncadd.s32 @!p0 s1  }
0x17f: {  	[bflag:$0x3] =	sbarrier.arrive $0xFFFF  }
0x180: {  	_ =	shalt  }

// kernel: kernel.16.cloned.1.call-start
scs
__scs_entry_jumppad:
0x0: {  	(pc) =	sbr.rel $0x88, $3  }
0x1: {  	(tag) =	ssettag $0x0;
	lr =	simm.s32 $0x1  }
0x2: {  	[smem:$0x3F91] =	sst lr;
	_ =	strace $0xD0000000  }
0x3: {  	_ = 	snop  }
0x4: {  	_ = 	snop  }
0x5: {  	_ = 	snop  }
0x6: {  	_ = 	snop  }
0x7: {  	_ = 	snop  }
__scs_overlays_trampoline_lowered:
0x8: {  	[smem:$0x3FA0] =	sst s0  }
0x9: {  	[smem:$0x3FA1] =	sst s1  }
0xa: {  	[smem:$0x3FA2] =	sst s2  }
0xb: {  	[smem:$0x3FA3] =	sst s3  }
0xc: {  	[smem:$0x3FA4] =	sst s4  }
0xd: {  	[smem:$0x3FA5] =	sst s5  }
0xe: {  	[smem:$0x3FA6] =	sst s6  }
0xf: {  	[smem:$0x3FA7] =	sst s7  }
0x10: {  	[smem:$0x3FA8] =	sst s8  }
0x11: {  	[smem:$0x3FA9] =	sst s9;
	s0 =	simm.s32 @!p0 $0x0  }
0x12: {  	s1 =	sld [smem:$0x3F8F];
	s0 =	simm.s32 @p0 $0x1  }
0x13: {  	[smem:$0x3FAA] =	sst s0;
	s0 =	simm.s32 @!p1 $0x0  }
0x14: {  	s2 =	sld [smem:$0x3F8E];
	s0 =	simm.s32 @p1 $0x1  }
0x15: {  	[smem:$0x3FAB] =	sst s0;
	s0 =	simm.s32 @!p2 $0x0  }
0x16: {  	s3 =	sld [smem:$0x3FDB];
	s0 =	simm.s32 @p2 $0x1  }
0x17: {  	s4 =	simm.s32 $0x1BF5;
	[smem:$0x3FAD] =	sst s0  }
0x18: {  	s0 =	sld [smem:$0x3F90];
	_ =	swait.ge [sflag:s4], $0x0  }
0x19: {  	s7 =	sld [smem:$0x3F91]  }
0x1a: {  	s8 =	sadd.s32 $0xFFFFE003, lr  }
0x1b: {  	s9 =	sadd.s32 $0xFFFFFEF7, lr;
	s5 =	simm.s32 $0xFFFFFFFF;
	p2 =	slt.u32 s8, $0xFFFFF086  }
0x1c: {  	p1 =	slt.u32 s9, $0xF7A;
	s5 =	simm.s32 @!p2 $0x0  }
0x1d: {  	s5 =	simm.s32 @p1 $0x1;
	p0 =	seq.s32 s7, s2  }
0x1e: {  	s7 =	smul.u32 @!p0 $0xF7A, s2;
	p2 =	seq.s32 @!p0 s5, $0x0  }
0x1f: {  	s9 =	smul.u32 $0xF7A, s1;
	s8 =	simm.s32 @!p0 $0x1BF5;
	p2 =	por !p2, p0  }
0x20: {  	[sflag:s8] =	ssyncset.s32 @!p0 $0xFFFFF086;
	s6 =	sadd.s32 @!p0 s3, s7;
	s7 =	simm.s32 @!p0 $0x108  }
0x21: {  	s3 =	sadd.s32 s3, s9;
	s6 =	sadd.s32 @!p0 $0x88, s6;
	s7 =	simm.s32 @p2 $0x1082  }
0x22: {  	[simem:s7], [sflag:s8] =	dma.local @!p0 [hbm:s6], $0xF7A  }
0x23: {  	s9 =	sor.u32 $0xD0000000, s2;
	s6 =	simm.s32 $0x108;
	_ =	swait.ge @!p0 [sflag:s8], $0x0  }
0x24: {  	s3 =	sadd.s32 $0x88, s3;
	s6 =	simm.s32 @!p1 $0x1082;
	[sflag:s4] =	ssyncset.s32 $0xFFFFF086  }
0x25: {  	[simem:s6], [sflag:s4] =	dma.local [hbm:s3], $0xF7A  }
0x26: {  	[smem:$0x3F91] =	sst s1;
	(tag) =	ssettag s2;
	_ =	strace s9  }
0x27: {  	s1 =	sld [smem:$0x3FA1]  }
0x28: {  	s2 =	sld [smem:$0x3FA2]  }
0x29: {  	s4 =	sld [smem:$0x3FA4]  }
0x2a: {  	p0 =	seq.s32 s5, $0x0;
	s5 =	sld [smem:$0x3FA5]  }
0x2b: {  	s6 =	sld [smem:$0x3FA6]  }
0x2c: {  	s7 =	sld [smem:$0x3FA7]  }
0x2d: {  	s3 =	simm.s32 $0x108;
	s8 =	sld [smem:$0x3FA8]  }
0x2e: {  	s3 =	simm.s32 @!p0 $0x1082;
	s9 =	sld [smem:$0x3FA9]  }
0x2f: {  	lr =	sadd.s32 s0, s3;
	s0 =	sld [smem:$0x3FA0]  }
0x30: {  	s3 =	sld [smem:$0x3FA3]  }
0x31: {  	[smem:$0x3FAC] =	sst s10  }
0x32: {  	s10 =	sld [smem:$0x3FAA];
	_ =	sdelay $0x3  }
0x33: {  	p0 =	seq.s32 s10, $0x1;
	s10 =	sld [smem:$0x3FAC];
	_ =	sdelay $0x3  }
0x34: {  	[smem:$0x3FAC] =	sst s10  }
0x35: {  	s10 =	sld [smem:$0x3FAB];
	_ =	sdelay $0x3  }
0x36: {  	p1 =	seq.s32 s10, $0x1;
	s10 =	sld [smem:$0x3FAC];
	_ =	sdelay $0x3  }
0x37: {  	[smem:$0x3FAC] =	sst s10  }
0x38: {  	s10 =	sld [smem:$0x3FAD]  }
0x39: {  	_ = 	snop;
	(pc) =	sbr.ind lr, $3  }
0x3a: {  	_ = 	snop  }
0x3b: {  	_ = 	snop  }
0x3c: {  	p2 =	seq.s32 s10, $0x1;
	s10 =	sld [smem:$0x3FAC]  }
0x3d: {  	_ =	shalt  }
0x3e: {  	_ =	shalt  }
0x3f: {  	_ =	shalt  }
0x40: {  	_ =	shalt  }
0x41: {  	_ =	shalt  }
0x42: {  	_ =	shalt  }
0x43: {  	_ =	shalt  }
0x44: {  	_ =	shalt  }
0x45: {  	_ =	shalt  }
0x46: {  	_ =	shalt  }
0x47: {  	_ =	shalt  }
0x48: {  	_ =	shalt  }
0x49: {  	_ =	shalt  }
0x4a: {  	_ =	shalt  }
0x4b: {  	_ =	shalt  }
0x4c: {  	_ =	shalt  }
0x4d: {  	_ =	shalt  }
0x4e: {  	_ =	shalt  }
0x4f: {  	_ =	shalt  }
0x50: {  	_ =	shalt  }
0x51: {  	_ =	shalt  }
0x52: {  	_ =	shalt  }
0x53: {  	_ =	shalt  }
0x54: {  	_ =	shalt  }
0x55: {  	_ =	shalt  }
0x56: {  	_ =	shalt  }
0x57: {  	_ =	shalt  }
0x58: {  	_ =	shalt  }
0x59: {  	_ =	shalt  }
0x5a: {  	_ =	shalt  }
0x5b: {  	_ =	shalt  }
0x5c: {  	_ =	shalt  }
0x5d: {  	_ =	shalt  }
0x5e: {  	_ =	shalt  }
0x5f: {  	_ =	shalt  }
0x60: {  	_ =	shalt  }
0x61: {  	_ =	shalt  }
0x62: {  	_ =	shalt  }
0x63: {  	_ =	shalt  }
0x64: {  	_ =	shalt  }
0x65: {  	_ =	shalt  }
0x66: {  	_ =	shalt  }
0x67: {  	_ =	shalt  }
0x68: {  	_ =	shalt  }
0x69: {  	_ =	shalt  }
0x6a: {  	_ =	shalt  }
0x6b: {  	_ =	shalt  }
0x6c: {  	_ =	shalt  }
0x6d: {  	_ =	shalt  }
0x6e: {  	_ =	shalt  }
0x6f: {  	_ =	shalt  }
0x70: {  	_ =	shalt  }
0x71: {  	_ =	shalt  }
0x72: {  	_ =	shalt  }
0x73: {  	_ =	shalt  }
0x74: {  	_ =	shalt  }
0x75: {  	_ =	shalt  }
0x76: {  	_ =	shalt  }
0x77: {  	_ =	shalt  }
0x78: {  	_ =	shalt  }
0x79: {  	_ =	shalt  }
0x7a: {  	_ =	shalt  }
0x7b: {  	_ =	shalt  }
0x7c: {  	_ =	shalt  }
0x7d: {  	_ =	shalt  }
0x7e: {  	_ =	shalt  }
0x7f: {  	_ =	shalt  }
0x80: {  	_ =	shalt  }
0x81: {  	_ =	shalt  }
0x82: {  	_ =	shalt  }
0x83: {  	_ =	shalt  }
0x84: {  	_ =	shalt  }
0x85: {  	_ =	shalt  }
0x86: {  	_ =	shalt  }
0x87: {  	_ =	shalt  }
.Lfunc_end0:
.L_simem_size_0:
called_computation.2_lowered:
.L_overlay_start_0:
0x88: {  	s2 =	sld [smem:$0x3FD9]  }
0x89: {  	s3 =	sld [smem:$0x3FFE];
	_ =	sdelay $0x1  }
0x8a: {  	s1 =	srdreg.scid  }
0x8b: {  	s0 =	sand.u32 $0x1, s1  }
0x8c: {  	s15 =	sshll.u32 s0, $0xA;
	s2 =	sadd.s32 s3, s2  }
0x8d: {  	s2 =	sadd.s32 s2, s15  }
0x8e: {  	[smem:$0x3FB8] =	sst s2  }
0x8f: {  	_ = 	snop  }
0x90: {  	s2 =	sld [smem:$0x3FD0];
	_ =	sdelay $0x2  }
0x91: {  	s4 =	simm.s32 $0xB;
	s16 =	simm.s32 $0x10  }
0x92: {  	[smem:s16], [sflag:s4] =	dma.local [hbm:s2], $0x1  }
0x93: {  	_ =	swait.eq [sflag:s4], $0x1  }
0x94: {  	[sflag:s4] =	ssyncset.done $0x0  }
0x95: {  	s17 =	sld [smem:$0x10];
	[sflag:s4] =	ssyncadd.s32 $0xFFFFFFFF  }
0x96: {  	s18 =	sld [smem:$0x11];
	(tm) =	ssettm $0x1  }
0x97: {  	s19 =	sld [smem:$0x3FFB];
	_ =	sdelay $0x3  }
0x98: {  	_ =	strace s19  }
0x99: {  	s2 =	sld [smem:$0x3FFC];
	_ =	sdelay $0x3  }
0x9a: {  	_ =	strace s2  }
0x9b: {  	s2 =	sld [smem:$0x3FFD];
	_ =	sdelay $0x3  }
0x9c: {  	_ =	strace s2  }
0x9d: {  	_ =	strace $0x8FFFFFFF  }
0x9e: {  	s20 =	sld [smem:$0x3FDB];
	_ =	sdelay $0x1  }
0x9f: {  	s5 =	simm.s32 $_scs_section_size  }
0xa0: {  	s6 =	simm.s32 $_size__tile_overlayer_lowered;
	s7 =	simm.s32 $_tile_overlayer_lowered  }
0xa1: {  	s8 =	simm.s32 $0x1BFF;
	s21 =	sshll.u32 s7, $0x1;
	s5 =	sadd.s32 s5, s20  }
0xa2: {  	s22 =	simm.s32 $0x0;
	s6 =	sshll.u32 s6, $0x1;
	s7 =	sadd.s32 s21, s5  }
0xa3: {  	[timem:s22], [sflag:s8] =	dma.local [hbm:s7], s6  }
0xa4: {  	_ =	swait.ge [sflag:s8], s6  }
0xa5: {  	s6 =	ssub.s32 $0x0, s6;
	[sflag:s8] =	ssyncset.done $0x0  }
0xa6: {  	[sflag:s8] =	ssyncadd.s32 s6;
	_ =	sdelay $0x1  }
0xa7: {  	s23 =	simm.s32 $0x1B8B  }
0xa8: {  	_ =	swait.ge [sflag:s23], $0x1  }
0xa9: {  	[sflag:s23] =	ssyncset.done $0x0  }
0xaa: {  	[sflag:s23] =	ssyncadd.s32 $0xFFFFFFFF  }
0xab: {  	s6 =	sld [smem:$0x0]  }
0xac: {  	s7 =	sand.u32 $0xFFFFFFFE, s1  }
0xad: {  	p0 =	sne.s32 s1, s7  }
0xae: {  	s7 =	sshll.u32 @p0 s7, $0xE  }
0xaf: {  	s7 =	sadd.s32 @p0 $0x11B8D, s7;
	s8 =	sshll.u32 @p0 s6, $0x11  }
0xb0: {  	s7 =	sor.u32 @p0 s8, s7  }
0xb1: {  	[sflag:s7] =	ssyncadd.remote.s32 @p0 $0x1;
	_ =	sdelay $0x1  }
0xb2: {  	s7 =	simm.s32 @p0 $0x1B8D  }
0xb3: {  	_ =	swait.eq @p0 [sflag:s7], $0x1  }
0xb4: {  	[sflag:s7] =	ssyncadd.s32 @p0 $0xFFFFFFFF  }
0xb5: {  	s8 =	sshll.u32 @!p0 s1, $0xE  }
0xb6: {  	s8 =	sor.u32 @!p0 $0x4000, s8;
	s7 =	simm.s32 @!p0 $0x1B8D  }
0xb7: {  	s6 =	sshll.u32 @!p0 s6, $0x11;
	s8 =	sadd.s32 @!p0 $0x11B8D, s8;
	_ =	swait.eq @!p0 [sflag:s7], $0x1  }
0xb8: {  	s6 =	sor.u32 @!p0 s6, s8;
	[sflag:s7] =	ssyncadd.s32 @!p0 $0xFFFFFFFF  }
0xb9: {  	s25 =	simm.s32 $0x1B8E;
	s24 =	sld [smem:$0x3FFE];
	[sflag:s6] =	ssyncadd.remote.s32 @!p0 $0x1  }
0xba: {  	s26 =	simm.s32 $execute0_lowered;
	[smem:$0x3FD2] =	sst s25  }
0xbb: {  	s7 =	sshll.u32 s26, $0x1;
	_ =	strace $0x8000004C;
	[dreg:$0x1] =	wrdreg $0xFFFFFFFF  }
0xbc: {  	s28 =	simm.s32 $_size_execute0_lowered;
	s5 =	sadd.s32 s5, s7;
	[dreg:$0x0] =	wrdreg $0x0  }
0xbd: {  	s7 =	sshll.u32 s28, $0x1;
	[dreg:$0x2] =	wrdreg s5  }
0xbe: {  	[dreg:$0x3] =	wrdreg s7  }
0xbf: {  	[dreg:$0x4] =	wrdreg $0xC0  }
0xc0: {  	_ =	task [dreg:s22], $0x5FFFF  }
0xc1: {  	[dreg:$0x1] =	wrdreg $0xFFFFFFFF  }
0xc2: {  	[dreg:$0x0] =	wrdreg $0x60  }
0xc3: {  	[dreg:$0x2] =	wrdreg s24  }
0xc4: {  	[dreg:$0x3] =	wrdreg s17  }
0xc5: {  	[dreg:$0x4] =	wrdreg s18  }
0xc6: {  	[dreg:$0x5] =	wrdreg $0x97000  }
0xc7: {  	[dreg:$0x6] =	wrdreg $0xA  }
0xc8: {  	_ =	task.clear_ibuf [dreg:s22], $0x7FFFF;
	_ =	strace $0x9000004C  }
0xc9: {  	s29 =	simm.s32 $0xA;
	_ =	strace $0x8000004E  }
0xca: {  	_ =	swait.ge [sflag:s29], $0x1  }
0xcb: {  	[sflag:s29] =	ssyncadd.s32 $0xFFFFFFFF  }
0xcc: {  	_ =	strace $0x9000004E  }
0xcd: {  	_ =	sfence  }
0xce: {  	s30 =	sld [smem:$0x0];
	_ =	sdelay $0x2  }
0xcf: {  	s31 =	sshll.u32 s1, $0xD;
	s1 =	sshrl.u32 s1, $0x2  }
0xd0: {  	s4 =	sand.u32 $0x4000, s31;
	s1 =	sadd.s32 s1, s30  }
0xd1: {  	s0 =	sor.u32 s4, s0;
	s1 =	sshll.u32 s1, $0x11  }
0xd2: {  	s0 =	sor.u32 s1, s0  }
0xd3: {  	s0 =	sadd.s32 $0x8F2B, s0  }
0xd4: {  	[sflag:s0] =	ssyncadd.remote.s32 $0x1  }
0xd5: {  	_ =	sfence.sel $0xFFFF  }
0xd6: {  	[dreg:$0x0] =	wrdreg $0xFFFFFFFF;
	(pc) =	sbr.abs _section_cstart, $3  }
0xd7: {  	[dreg:$0x1] =	wrdreg $0xFFFFFFFF  }
0xd8: {  	_ =	task.clear_ibuf [dreg:s22], $0x2FFFF;
	_ =	strace $0x9FFFFFFF  }
0xd9: {  	(tm) =	ssettm $0x7FFFFFFF  }
tec
execute0_lowered:
.L_overlay_start_1:
0x0: {  	(tag) =	ssettag $0x1  }
0x1: {  	s0 =	rddreg [dreg:$0x0]  }
0x2: {  	s1 =	rddreg [dreg:$0x1]  }
0x3: {  	s2 =	rddreg [dreg:$0x3];
	s3 =	simm.s32 $0x0;
	s11 =	stileid.u32  }
0x4: {  	s21 =	srdreg.scid;
	s17 =	simm.s32 $0x1;
	s18 =	simm.s32 $0x2  }
0x5: {  	s19 =	simm.s32 $0x3;
	s20 =	simm.s32 $0x18;
	s28 =	simm.s32 $0x6B00  }
0x6: {  	s29 =	simm.s32 $0x4;
	s30 =	simm.s32 $0x7300;
	s31 =	simm.s32 $0x7F00  }
0x7: {  	s16 =	simm.s32 $0x9;
	[smem:$0x7FF] =	sst s3;
	s4 =	smul.u32 $0x4EC, s11  }
0x8: {  	s5 =	sadd.s32 $0x69800, s0;
	s3 =	sand.u32 $0x1, s21;
	s9 =	smul.u32 $0x4F000, s11  }
0x9: {  	s6 =	sadd.s32 $0x15FC00, s0;
	s7 =	smul.u32 $0x2780, s11;
	s21 =	simm.s32 $0x4F00  }
0xa: {  	_ =	strace $0x8000004D;
	s8 =	ssub.s32 $0x2, s3;
	p0 =	sne.s32 s3, $0x0  }
0xb: {  	s3 =	simm.s32 $0x8F00;
	s4 =	sadd.s32 s4, s0;
	s10 =	sshrl.u32 s8, $0x1  }
0xc: {  	s0 =	sadd.s32 $0x186E00, s0;
	s23 =	sshrl.u32 s9, $0x2;
	s1 =	sadd.s32 s1, s7  }
0xd: {  	s9 =	simm.s32 $0x0;
	[dreg:$0x5] =	wrdreg s0;
	s22 =	ssub.s32 s8, s10  }
0xe: {  	s8 =	sadd.s32 s23, s2;
	[dreg:$0x6] =	wrdreg s1;
	s10 =	sshll.u32 s11, $0x6  }
0xf: {  	s25 =	sadd.s32 $0x55800, s4;
	s26 =	sadd.s32 $0x5A800, s4;
	s23 =	simm.s32 $0x5B00  }
.Ltmp0:
0x10: {  	s0 =	simm.s32 $0x8700;
	s1 =	simm.s32 $0x48;
	(pc) =	sbr.rel .LBB2_1-.Ltmp0, $4  }
0x11: {  	s4 =	simm.s32 $0x8;
	s24 =	sor.u32 $0x1C01, s10;
	[dreg:$0x8] =	wrdreg s25  }
0x12: {  	[dreg:$0x9] =	wrdreg s26;
	s14 =	smax.u32 s22, $0x1;
	s15 =	sshrl.u32 s8, $0x3  }
0x13: {  	s22 =	simm.s32 $0x10;
	s25 =	simm.s32 $0x6300;
	s8 =	simm.s32 $0x5  }
0x14: {  	s26 =	simm.s32 $0x7;
	[dreg:$0x7] =	wrdreg s24;
	s24 =	simm.s32 $0x6  }
.LBB2_7:
0x15: {  	[sflag:s16] =	ssyncadd.s32 $0xFFFFDC00  }
0x16: {  	_ =	swait.ge [sflag:s17], $0xC00  }
0x17: {  	[sflag:s17] =	ssyncset.done $0x0  }
0x18: {  	[sflag:s17] =	ssyncadd.s32 $0xFFFFF400  }
0x19: {  	_ =	swait.ge [sflag:s18], $0x800  }
0x1a: {  	[sflag:s18] =	ssyncset.done $0x0  }
0x1b: {  	[sflag:s18] =	ssyncadd.s32 $0xFFFFF800  }
0x1c: {  	_ =	swait.ge [sflag:s19], $0x800  }
0x1d: {  	[sflag:s19] =	ssyncset.done $0x0  }
0x1e: {  	[sflag:s19] =	ssyncadd.s32 $0xFFFFF800  }
0x1f: {  	_ =	swait.ge [sflag:s29], $0x800  }
0x20: {  	[sflag:s29] =	ssyncset.done $0x0  }
0x21: {  	s11 =	simm.s32 $0x2718;
	[sflag:s29] =	ssyncadd.s32 $0xFFFFF800  }
0x22: {  	[tilespmem:s30], [sflag:$0x5] =	stream.indirect.gather [hbm4b:s6+s20], $0x80, s11, s20, $0xb8;
	[tilespmem:$0x1D300] =	vst v63  }
0x23: {  	s13 =	simm.s32 $0x2730  }
0x24: {  	[tilespmem:s31], [sflag:$0x6] =	stream.indirect.gather [hbm4b:s6+s22], $0x80, s13, s22, $0xb8;
	[tilespmem:$0x1D300] =	vst v63  }
0x25: {  	s12 =	simm.s32 $0x2740  }
0x26: {  	[tilespmem:s0], [sflag:$0x7] =	stream.indirect.gather [hbm4b:s6+s22], $0x80, s12, s22, $0xb8;
	[tilespmem:$0x1D300] =	vst v63  }
0x27: {  	s13 =	simm.s32 $0x2750  }
0x28: {  	[tilespmem:s3], [sflag:$0x8] =	stream.indirect.gather [hbm4b:s6+s22], $0x80, s13, s22, $0xb8;
	[tilespmem:$0x1D300] =	vst v63  }
0x29: {  	s12 =	simm.s32 $0x4E50  }
0x2a: {  	[spmem:s2] =	stream.indirect.scatter.add.f32 [tilespmem:s21], [sflag:$0x9], $0x80, s12, s1, $0xb8;
	[tilespmem:$0x1D300] =	vst v63  }
0x2b: {  	_ =	swait.ge [sflag:s16], $0x2400  }
0x2c: {  	[sflag:s16] =	ssyncset.done $0x0  }
0x2d: {  	[sflag:s16] =	ssyncadd.s32 $0xFFFFDC00  }
0x2e: {  	_ =	swait.ge [sflag:s8], $0xC00  }
0x2f: {  	[sflag:s8] =	ssyncset.done $0x0  }
0x30: {  	[sflag:s8] =	ssyncadd.s32 $0xFFFFF400  }
0x31: {  	_ =	swait.ge [sflag:s24], $0x800  }
0x32: {  	[sflag:s24] =	ssyncset.done $0x0  }
0x33: {  	[sflag:s24] =	ssyncadd.s32 $0xFFFFF800  }
0x34: {  	_ =	swait.ge [sflag:s26], $0x800  }
0x35: {  	[sflag:s26] =	ssyncset.done $0x0  }
0x36: {  	[sflag:s26] =	ssyncadd.s32 $0xFFFFF800  }
0x37: {  	_ =	swait.ge [sflag:s4], $0x800  }
0x38: {  	[sflag:s4] =	ssyncset.done $0x0  }
0x39: {  	s13 =	simm.s32 $0x4E98;
	s11 =	rddreg [dreg:$0x5];
	[sflag:s4] =	ssyncadd.s32 $0xFFFFF800  }
0x3a: {  	[spmem:s2] =	stream.indirect.scatter.add.f32 [tilespmem:s30], [sflag:$0x9], $0x80, s13, s1, $0xb8;
	[tilespmem:$0x1D300] =	vst v63  }
.LBB2_8:
0x3b: {  	_ =	swait.ge [sflag:s16], $0x2400  }
0x3c: {  	s9 =	sadd.s32 $0x1, s9;
	[sflag:s16] =	ssyncset.done $0x0  }
0x3d: {  	s11 =	sadd.s32 s11, s7;
	p1 =	sne.s32 s9, s14;
	[sflag:s16] =	ssyncadd.s32 $0xFFFFDC00  }
.Ltmp1:
0x3e: {  	s12 =	sor.u32 $0x1C09, s10;
	[bflag:$0x0] =	sbarrier.arrive $0xFFFF;
	(pc) =	sbr.rel @!p1 .LBB2_9-.Ltmp1, $4  }
0x3f: {  	[hbm:s11], [sflag:s12] =	dma.local [spmem:s15], $0x2780  }
0x40: {  	_ =	swait.ge [sflag:s16], $0x2780  }
0x41: {  	[sflag:s16] =	ssyncset.done $0x0  }
0x42: {  	[sflag:s16] =	ssyncadd.s32 $0xFFFFD880  }
.LBB2_1:
0x43: {  	s11 =	rddreg [dreg:$0x6]  }
0x44: {  	s12 =	rddreg [dreg:$0x7]  }
0x45: {  	[spmem:s15], [sflag:s12] =	dma.local [hbm:s11], $0x2780  }
0x46: {  	s11 =	simm.s32 $0x0;
	s12 =	rddreg [dreg:$0x8]  }
0x47: {  	[tilespmem:s11], [sflag:$0x2] =	stream.linear.gather [hbm4b:s12+s11], $0x2760, $0x38;
	[tilespmem:$0x1D300] =	vst v63  }
0x48: {  	s13 =	simm.s32 $0x2780;
	s12 =	rddreg [dreg:$0x9]  }
0x49: {  	[tilespmem:s13], [sflag:$0x3] =	stream.linear.gather [hbm4b:s12+s11], $0x2760, $0x38;
	[tilespmem:$0x1D300] =	vst v63  }
0x4a: {  	_ =	swait.ge [sflag:s17], $0x2780  }
0x4b: {  	[sflag:s17] =	ssyncset.done $0x0  }
0x4c: {  	[sflag:s17] =	ssyncadd.s32 $0xFFFFD880  }
0x4d: {  	_ =	swait.ge [sflag:s18], $0x2760  }
0x4e: {  	[sflag:s18] =	ssyncset.done $0x0  }
0x4f: {  	[sflag:s18] =	ssyncadd.s32 $0xFFFFD8A0  }
.Ltmp2:
0x50: {  	_ =	swait.ge [sflag:s19], $0x2760;
	(pc) =	sbr.rel @p0 .LBB2_5-.Ltmp2, $4  }
0x51: {  	[sflag:s19] =	ssyncset.done $0x0  }
0x52: {  	[sflag:s19] =	ssyncadd.s32 $0xFFFFD8A0  }
0x53: {  	[bflag:$0x0] =	sbarrier.arrive $0xFFFF  }
0x54: {  	s11 =	simm.s32 $0x0  }
0x55: {  	[tilespmem:s21], [sflag:$0x1] =	stream.indirect.gather [hbm4b:s5+s20], $0x80, s11, s20, $0xb8;
	[tilespmem:$0x1D300] =	vst v63  }
0x56: {  	_ = 	snop  }
0x57: {  	[tilespmem:s23], [sflag:$0x2] =	stream.indirect.gather [hbm4b:s5+s22], $0x80, s20, s22, $0xb8;
	[tilespmem:$0x1D300] =	vst v63  }
0x58: {  	s12 =	simm.s32 $0x28  }
0x59: {  	[tilespmem:s25], [sflag:$0x3] =	stream.indirect.gather [hbm4b:s5+s22], $0x80, s12, s22, $0xb8;
	[tilespmem:$0x1D300] =	vst v63  }
0x5a: {  	s13 =	simm.s32 $0x38  }
0x5b: {  	[tilespmem:s28], [sflag:$0x4] =	stream.indirect.gather [hbm4b:s5+s22], $0x80, s13, s22, $0xb8;
	[tilespmem:$0x1D300] =	vst v63  }
0x5c: {  	_ =	swait.ge [sflag:s17], $0xC00  }
0x5d: {  	[sflag:s17] =	ssyncset.done $0x0  }
0x5e: {  	[sflag:s17] =	ssyncadd.s32 $0xFFFFF400  }
0x5f: {  	_ =	swait.ge [sflag:s18], $0x800  }
0x60: {  	[sflag:s18] =	ssyncset.done $0x0  }
0x61: {  	[sflag:s18] =	ssyncadd.s32 $0xFFFFF800  }
0x62: {  	_ =	swait.ge [sflag:s19], $0x800  }
0x63: {  	[sflag:s19] =	ssyncset.done $0x0  }
0x64: {  	[sflag:s19] =	ssyncadd.s32 $0xFFFFF800  }
0x65: {  	_ =	swait.ge [sflag:s29], $0x800  }
0x66: {  	[sflag:s29] =	ssyncset.done $0x0  }
0x67: {  	s12 =	simm.s32 $0x48;
	[sflag:s29] =	ssyncadd.s32 $0xFFFFF800  }
0x68: {  	[tilespmem:s30], [sflag:$0x5] =	stream.indirect.gather [hbm4b:s5+s20], $0x80, s12, s20, $0xb8;
	[tilespmem:$0x1D300] =	vst v63  }
0x69: {  	s13 =	simm.s32 $0x60  }
0x6a: {  	[tilespmem:s31], [sflag:$0x6] =	stream.indirect.gather [hbm4b:s5+s22], $0x80, s13, s22, $0xb8;
	[tilespmem:$0x1D300] =	vst v63  }
0x6b: {  	s12 =	simm.s32 $0x70  }
0x6c: {  	[tilespmem:s0], [sflag:$0x7] =	stream.indirect.gather [hbm4b:s5+s22], $0x80, s12, s22, $0xb8;
	[tilespmem:$0x1D300] =	vst v63  }
0x6d: {  	s13 =	simm.s32 $0x80  }
0x6e: {  	[tilespmem:s3], [sflag:$0x8] =	stream.indirect.gather [hbm4b:s5+s22], $0x80, s13, s22, $0xb8;
	[tilespmem:$0x1D300] =	vst v63  }
0x6f: {  	s12 =	simm.s32 $0x2780  }
0x70: {  	[spmem:s2] =	stream.indirect.scatter.add.f32 [tilespmem:s21], [sflag:$0x9], $0x80, s12, s1, $0xb8;
	[tilespmem:$0x1D300] =	vst v63  }
0x71: {  	_ =	swait.ge [sflag:s16], $0x2400  }
0x72: {  	[sflag:s16] =	ssyncset.done $0x0  }
0x73: {  	[sflag:s16] =	ssyncadd.s32 $0xFFFFDC00  }
0x74: {  	_ =	swait.ge [sflag:s8], $0xC00  }
0x75: {  	[sflag:s8] =	ssyncset.done $0x0  }
0x76: {  	[sflag:s8] =	ssyncadd.s32 $0xFFFFF400  }
0x77: {  	_ =	swait.ge [sflag:s24], $0x800  }
0x78: {  	[sflag:s24] =	ssyncset.done $0x0  }
0x79: {  	[sflag:s24] =	ssyncadd.s32 $0xFFFFF800  }
0x7a: {  	_ =	swait.ge [sflag:s26], $0x800  }
0x7b: {  	[sflag:s26] =	ssyncset.done $0x0  }
0x7c: {  	[sflag:s26] =	ssyncadd.s32 $0xFFFFF800  }
0x7d: {  	_ =	swait.ge [sflag:s4], $0x800  }
0x7e: {  	[sflag:s4] =	ssyncset.done $0x0  }
0x7f: {  	s13 =	simm.s32 $0x90;
	[sflag:s4] =	ssyncadd.s32 $0xFFFFF800  }
0x80: {  	[tilespmem:s21], [sflag:$0x1] =	stream.indirect.gather [hbm4b:s5+s20], $0x80, s13, s20, $0xb8;
	[tilespmem:$0x1D300] =	vst v63  }
0x81: {  	s12 =	simm.s32 $0xA8  }
0x82: {  	[tilespmem:s23], [sflag:$0x2] =	stream.indirect.gather [hbm4b:s5+s22], $0x80, s12, s22, $0xb8;
	[tilespmem:$0x1D300] =	vst v63  }
0x83: {  	s13 =	simm.s32 $0xB8  }
0x84: {  	[tilespmem:s25], [sflag:$0x3] =	stream.indirect.gather [hbm4b:s5+s22], $0x80, s13, s22, $0xb8;
	[tilespmem:$0x1D300] =	vst v63  }
0x85: {  	s12 =	simm.s32 $0xC8  }
0x86: {  	[tilespmem:s28], [sflag:$0x4] =	stream.indirect.gather [hbm4b:s5+s22], $0x80, s12, s22, $0xb8;
	[tilespmem:$0x1D300] =	vst v63  }
0x87: {  	s13 =	simm.s32 $0x27C8  }
0x88: {  	[spmem:s2] =	stream.indirect.scatter.add.f32 [tilespmem:s30], [sflag:$0x9], $0x80, s13, s1, $0xb8;
	[tilespmem:$0x1D300] =	vst v63  }
0x89: {  	_ =	swait.ge [sflag:s16], $0x2400  }
0x8a: {  	s11 =	simm.s32 $0x240;
	[sflag:s16] =	ssyncset.done $0x0  }
.LBB2_3:
0x8b: {  	p1 =	sne.s32 s11, $0x9900  }
0x8c: {  	[sflag:s16] =	ssyncadd.s32 $0xFFFFDC00;
	s12 =	smov.u32 s11;
	s11 =	sadd.s32 $0x240, s11  }
0x8d: {  	_ = 	snop  }
0x8e: {  	_ =	swait.ge [sflag:s17], $0xC00  }
0x8f: {  	[sflag:s17] =	ssyncset.done $0x0  }
0x90: {  	[sflag:s17] =	ssyncadd.s32 $0xFFFFF400  }
0x91: {  	_ =	swait.ge [sflag:s18], $0x800  }
0x92: {  	[sflag:s18] =	ssyncset.done $0x0  }
0x93: {  	[sflag:s18] =	ssyncadd.s32 $0xFFFFF800  }
0x94: {  	_ =	swait.ge [sflag:s19], $0x800  }
0x95: {  	[sflag:s19] =	ssyncset.done $0x0  }
0x96: {  	[sflag:s19] =	ssyncadd.s32 $0xFFFFF800  }
0x97: {  	_ =	swait.ge [sflag:s29], $0x800  }
0x98: {  	s12 =	sshra.s32 s12, $0x2;
	[sflag:s29] =	ssyncset.done $0x0  }
0x99: {  	s13 =	sadd.s32 $0x48, s12;
	[sflag:s29] =	ssyncadd.s32 $0xFFFFF800  }
0x9a: {  	[tilespmem:s30], [sflag:$0x5] =	stream.indirect.gather [hbm4b:s5+s20], $0x80, s13, s20, $0xb8;
	[tilespmem:$0x1D300] =	vst v63  }
0x9b: {  	s13 =	sadd.s32 $0x60, s12  }
0x9c: {  	[tilespmem:s31], [sflag:$0x6] =	stream.indirect.gather [hbm4b:s5+s22], $0x80, s13, s22, $0xb8;
	[tilespmem:$0x1D300] =	vst v63  }
0x9d: {  	s13 =	sadd.s32 $0x70, s12  }
0x9e: {  	[tilespmem:s0], [sflag:$0x7] =	stream.indirect.gather [hbm4b:s5+s22], $0x80, s13, s22, $0xb8;
	[tilespmem:$0x1D300] =	vst v63  }
0x9f: {  	s13 =	sadd.s32 $0x80, s12  }
0xa0: {  	[tilespmem:s3], [sflag:$0x8] =	stream.indirect.gather [hbm4b:s5+s22], $0x80, s13, s22, $0xb8;
	[tilespmem:$0x1D300] =	vst v63  }
0xa1: {  	s13 =	sadd.s32 $0x2780, s12  }
0xa2: {  	[spmem:s2] =	stream.indirect.scatter.add.f32 [tilespmem:s21], [sflag:$0x9], $0x80, s13, s1, $0xb8;
	[tilespmem:$0x1D300] =	vst v63  }
0xa3: {  	_ =	swait.ge [sflag:s16], $0x2400  }
0xa4: {  	[sflag:s16] =	ssyncset.done $0x0  }
0xa5: {  	[sflag:s16] =	ssyncadd.s32 $0xFFFFDC00  }
0xa6: {  	_ =	swait.ge [sflag:s8], $0xC00  }
0xa7: {  	[sflag:s8] =	ssyncset.done $0x0  }
0xa8: {  	[sflag:s8] =	ssyncadd.s32 $0xFFFFF400  }
0xa9: {  	_ =	swait.ge [sflag:s24], $0x800  }
0xaa: {  	[sflag:s24] =	ssyncset.done $0x0  }
0xab: {  	[sflag:s24] =	ssyncadd.s32 $0xFFFFF800  }
0xac: {  	_ =	swait.ge [sflag:s26], $0x800  }
0xad: {  	[sflag:s26] =	ssyncset.done $0x0  }
0xae: {  	[sflag:s26] =	ssyncadd.s32 $0xFFFFF800  }
0xaf: {  	_ =	swait.ge [sflag:s4], $0x800  }
0xb0: {  	[sflag:s4] =	ssyncset.done $0x0  }
0xb1: {  	s13 =	sadd.s32 $0x90, s12;
	[sflag:s4] =	ssyncadd.s32 $0xFFFFF800  }
0xb2: {  	[tilespmem:s21], [sflag:$0x1] =	stream.indirect.gather [hbm4b:s5+s20], $0x80, s13, s20, $0xb8;
	[tilespmem:$0x1D300] =	vst v63  }
0xb3: {  	s13 =	sadd.s32 $0xA8, s12  }
0xb4: {  	[tilespmem:s23], [sflag:$0x2] =	stream.indirect.gather [hbm4b:s5+s22], $0x80, s13, s22, $0xb8;
	[tilespmem:$0x1D300] =	vst v63  }
0xb5: {  	s13 =	sadd.s32 $0xB8, s12  }
0xb6: {  	[tilespmem:s25], [sflag:$0x3] =	stream.indirect.gather [hbm4b:s5+s22], $0x80, s13, s22, $0xb8;
	[tilespmem:$0x1D300] =	vst v63  }
0xb7: {  	s13 =	sadd.s32 $0xC8, s12  }
0xb8: {  	[tilespmem:s28], [sflag:$0x4] =	stream.indirect.gather [hbm4b:s5+s22], $0x80, s13, s22, $0xb8;
	[tilespmem:$0x1D300] =	vst v63  }
.Ltmp3:
0xb9: {  	_ = 	snop;
	(pc) =	sbr.rel @p1 .LBB2_3-.Ltmp3, $4  }
0xba: {  	s12 =	sadd.s32 $0x27C8, s12  }
0xbb: {  	[spmem:s2] =	stream.indirect.scatter.add.f32 [tilespmem:s30], [sflag:$0x9], $0x80, s12, s1, $0xb8;
	[tilespmem:$0x1D300] =	vst v63  }
0xbc: {  	_ =	swait.ge [sflag:s16], $0x2400  }
0xbd: {  	[sflag:s16] =	ssyncset.done $0x0  }
0xbe: {  	[sflag:s16] =	ssyncadd.s32 $0xFFFFDC00  }
0xbf: {  	_ =	swait.ge [sflag:s17], $0xC00  }
0xc0: {  	[sflag:s17] =	ssyncset.done $0x0  }
0xc1: {  	[sflag:s17] =	ssyncadd.s32 $0xFFFFF400  }
0xc2: {  	_ =	swait.ge [sflag:s18], $0x800  }
0xc3: {  	[sflag:s18] =	ssyncset.done $0x0  }
0xc4: {  	[sflag:s18] =	ssyncadd.s32 $0xFFFFF800  }
0xc5: {  	_ =	swait.ge [sflag:s19], $0x800  }
0xc6: {  	[sflag:s19] =	ssyncset.done $0x0  }
0xc7: {  	[sflag:s19] =	ssyncadd.s32 $0xFFFFF800  }
0xc8: {  	_ =	swait.ge [sflag:s29], $0x800  }
0xc9: {  	[sflag:s29] =	ssyncset.done $0x0  }
0xca: {  	s11 =	simm.s32 $0x2718;
	[sflag:s29] =	ssyncadd.s32 $0xFFFFF800  }
0xcb: {  	[tilespmem:s30], [sflag:$0x5] =	stream.indirect.gather [hbm4b:s5+s20], $0x80, s11, s20, $0xb8;
	[tilespmem:$0x1D300] =	vst v63  }
0xcc: {  	s13 =	simm.s32 $0x2730  }
0xcd: {  	[tilespmem:s31], [sflag:$0x6] =	stream.indirect.gather [hbm4b:s5+s22], $0x80, s13, s22, $0xb8;
	[tilespmem:$0x1D300] =	vst v63  }
0xce: {  	s12 =	simm.s32 $0x2740  }
0xcf: {  	[tilespmem:s0], [sflag:$0x7] =	stream.indirect.gather [hbm4b:s5+s22], $0x80, s12, s22, $0xb8;
	[tilespmem:$0x1D300] =	vst v63  }
0xd0: {  	s13 =	simm.s32 $0x2750  }
0xd1: {  	[tilespmem:s3], [sflag:$0x8] =	stream.indirect.gather [hbm4b:s5+s22], $0x80, s13, s22, $0xb8;
	[tilespmem:$0x1D300] =	vst v63  }
0xd2: {  	s12 =	simm.s32 $0x4E50  }
0xd3: {  	[spmem:s2] =	stream.indirect.scatter.add.f32 [tilespmem:s21], [sflag:$0x9], $0x80, s12, s1, $0xb8;
	[tilespmem:$0x1D300] =	vst v63  }
0xd4: {  	_ =	swait.ge [sflag:s16], $0x2400  }
0xd5: {  	[sflag:s16] =	ssyncset.done $0x0  }
0xd6: {  	[sflag:s16] =	ssyncadd.s32 $0xFFFFDC00  }
0xd7: {  	_ =	swait.ge [sflag:s8], $0xC00  }
0xd8: {  	[sflag:s8] =	ssyncset.done $0x0  }
0xd9: {  	[sflag:s8] =	ssyncadd.s32 $0xFFFFF400  }
0xda: {  	_ =	swait.ge [sflag:s24], $0x800  }
0xdb: {  	[sflag:s24] =	ssyncset.done $0x0  }
0xdc: {  	[sflag:s24] =	ssyncadd.s32 $0xFFFFF800  }
0xdd: {  	_ =	swait.ge [sflag:s26], $0x800  }
0xde: {  	[sflag:s26] =	ssyncset.done $0x0  }
0xdf: {  	[sflag:s26] =	ssyncadd.s32 $0xFFFFF800  }
.Ltmp4:
0xe0: {  	_ =	swait.ge [sflag:s4], $0x800;
	(pc) =	sbr.rel .LBB2_8-.Ltmp4, $4  }
0xe1: {  	[sflag:s4] =	ssyncset.done $0x0  }
0xe2: {  	s13 =	simm.s32 $0x4E98;
	[sflag:s4] =	ssyncadd.s32 $0xFFFFF800  }
0xe3: {  	[spmem:s2] =	stream.indirect.scatter.add.f32 [tilespmem:s30], [sflag:$0x9], $0x80, s13, s1, $0xb8;
	[tilespmem:$0x1D300] =	vst v63  }
0xe4: {  	s11 =	rddreg [dreg:$0x2]  }
.LBB2_5:
0xe5: {  	[tilespmem:s21], [sflag:$0x1] =	stream.indirect.gather [hbm4b:s6+s20], $0x80, s11, s20, $0xb8;
	[tilespmem:$0x1D300] =	vst v63  }
0xe6: {  	_ = 	snop  }
0xe7: {  	[tilespmem:s23], [sflag:$0x2] =	stream.indirect.gather [hbm4b:s6+s22], $0x80, s20, s22, $0xb8;
	[tilespmem:$0x1D300] =	vst v63  }
0xe8: {  	s12 =	simm.s32 $0x28  }
0xe9: {  	[tilespmem:s25], [sflag:$0x3] =	stream.indirect.gather [hbm4b:s6+s22], $0x80, s12, s22, $0xb8;
	[tilespmem:$0x1D300] =	vst v63  }
0xea: {  	s13 =	simm.s32 $0x38  }
0xeb: {  	[tilespmem:s28], [sflag:$0x4] =	stream.indirect.gather [hbm4b:s6+s22], $0x80, s13, s22, $0xb8;
	[tilespmem:$0x1D300] =	vst v63  }
0xec: {  	_ =	swait.ge [sflag:s17], $0xC00  }
0xed: {  	[sflag:s17] =	ssyncset.done $0x0  }
0xee: {  	[sflag:s17] =	ssyncadd.s32 $0xFFFFF400  }
0xef: {  	_ =	swait.ge [sflag:s18], $0x800  }
0xf0: {  	[sflag:s18] =	ssyncset.done $0x0  }
0xf1: {  	[sflag:s18] =	ssyncadd.s32 $0xFFFFF800  }
0xf2: {  	_ =	swait.ge [sflag:s19], $0x800  }
0xf3: {  	[sflag:s19] =	ssyncset.done $0x0  }
0xf4: {  	[sflag:s19] =	ssyncadd.s32 $0xFFFFF800  }
0xf5: {  	_ =	swait.ge [sflag:s29], $0x800  }
0xf6: {  	[sflag:s29] =	ssyncset.done $0x0  }
0xf7: {  	s12 =	simm.s32 $0x48;
	[sflag:s29] =	ssyncadd.s32 $0xFFFFF800  }
0xf8: {  	[tilespmem:s30], [sflag:$0x5] =	stream.indirect.gather [hbm4b:s6+s20], $0x80, s12, s20, $0xb8;
	[tilespmem:$0x1D300] =	vst v63  }
0xf9: {  	s13 =	simm.s32 $0x60  }
0xfa: {  	[tilespmem:s31], [sflag:$0x6] =	stream.indirect.gather [hbm4b:s6+s22], $0x80, s13, s22, $0xb8;
	[tilespmem:$0x1D300] =	vst v63  }
0xfb: {  	s12 =	simm.s32 $0x70  }
0xfc: {  	[tilespmem:s0], [sflag:$0x7] =	stream.indirect.gather [hbm4b:s6+s22], $0x80, s12, s22, $0xb8;
	[tilespmem:$0x1D300] =	vst v63  }
0xfd: {  	s13 =	simm.s32 $0x80  }
0xfe: {  	[tilespmem:s3], [sflag:$0x8] =	stream.indirect.gather [hbm4b:s6+s22], $0x80, s13, s22, $0xb8;
	[tilespmem:$0x1D300] =	vst v63  }
0xff: {  	s12 =	simm.s32 $0x2780  }
0x100: {  	[spmem:s2] =	stream.indirect.scatter.add.f32 [tilespmem:s21], [sflag:$0x9], $0x80, s12, s1, $0xb8;
	[tilespmem:$0x1D300] =	vst v63  }
0x101: {  	_ =	swait.ge [sflag:s16], $0x2400  }
0x102: {  	[sflag:s16] =	ssyncset.done $0x0  }
0x103: {  	[sflag:s16] =	ssyncadd.s32 $0xFFFFDC00  }
0x104: {  	_ =	swait.ge [sflag:s8], $0xC00  }
0x105: {  	[sflag:s8] =	ssyncset.done $0x0  }
0x106: {  	[sflag:s8] =	ssyncadd.s32 $0xFFFFF400  }
0x107: {  	_ =	swait.ge [sflag:s24], $0x800  }
0x108: {  	[sflag:s24] =	ssyncset.done $0x0  }
0x109: {  	[sflag:s24] =	ssyncadd.s32 $0xFFFFF800  }
0x10a: {  	_ =	swait.ge [sflag:s26], $0x800  }
0x10b: {  	[sflag:s26] =	ssyncset.done $0x0  }
0x10c: {  	[sflag:s26] =	ssyncadd.s32 $0xFFFFF800  }
0x10d: {  	_ =	swait.ge [sflag:s4], $0x800  }
0x10e: {  	[sflag:s4] =	ssyncset.done $0x0  }
0x10f: {  	s13 =	simm.s32 $0x90;
	[sflag:s4] =	ssyncadd.s32 $0xFFFFF800  }
0x110: {  	[tilespmem:s21], [sflag:$0x1] =	stream.indirect.gather [hbm4b:s6+s20], $0x80, s13, s20, $0xb8;
	[tilespmem:$0x1D300] =	vst v63  }
0x111: {  	s12 =	simm.s32 $0xA8  }
0x112: {  	[tilespmem:s23], [sflag:$0x2] =	stream.indirect.gather [hbm4b:s6+s22], $0x80, s12, s22, $0xb8;
	[tilespmem:$0x1D300] =	vst v63  }
0x113: {  	s13 =	simm.s32 $0xB8  }
0x114: {  	[tilespmem:s25], [sflag:$0x3] =	stream.indirect.gather [hbm4b:s6+s22], $0x80, s13, s22, $0xb8;
	[tilespmem:$0x1D300] =	vst v63  }
0x115: {  	s12 =	simm.s32 $0xC8  }
0x116: {  	[tilespmem:s28], [sflag:$0x4] =	stream.indirect.gather [hbm4b:s6+s22], $0x80, s12, s22, $0xb8;
	[tilespmem:$0x1D300] =	vst v63  }
0x117: {  	s13 =	simm.s32 $0x27C8  }
0x118: {  	[spmem:s2] =	stream.indirect.scatter.add.f32 [tilespmem:s30], [sflag:$0x9], $0x80, s13, s1, $0xb8;
	[tilespmem:$0x1D300] =	vst v63  }
0x119: {  	_ =	swait.ge [sflag:s16], $0x2400  }
0x11a: {  	s11 =	simm.s32 $0x240;
	[sflag:s16] =	ssyncset.done $0x0  }
.LBB2_6:
0x11b: {  	p1 =	sne.s32 s11, $0x9900  }
0x11c: {  	[sflag:s16] =	ssyncadd.s32 $0xFFFFDC00;
	s12 =	smov.u32 s11;
	s11 =	sadd.s32 $0x240, s11  }
0x11d: {  	_ = 	snop  }
0x11e: {  	_ =	swait.ge [sflag:s17], $0xC00  }
0x11f: {  	[sflag:s17] =	ssyncset.done $0x0  }
0x120: {  	[sflag:s17] =	ssyncadd.s32 $0xFFFFF400  }
0x121: {  	_ =	swait.ge [sflag:s18], $0x800  }
0x122: {  	[sflag:s18] =	ssyncset.done $0x0  }
0x123: {  	[sflag:s18] =	ssyncadd.s32 $0xFFFFF800  }
0x124: {  	_ =	swait.ge [sflag:s19], $0x800  }
0x125: {  	[sflag:s19] =	ssyncset.done $0x0  }
0x126: {  	[sflag:s19] =	ssyncadd.s32 $0xFFFFF800  }
0x127: {  	_ =	swait.ge [sflag:s29], $0x800  }
0x128: {  	s12 =	sshra.s32 s12, $0x2;
	[sflag:s29] =	ssyncset.done $0x0  }
0x129: {  	s13 =	sadd.s32 $0x48, s12;
	[sflag:s29] =	ssyncadd.s32 $0xFFFFF800  }
0x12a: {  	[tilespmem:s30], [sflag:$0x5] =	stream.indirect.gather [hbm4b:s6+s20], $0x80, s13, s20, $0xb8;
	[tilespmem:$0x1D300] =	vst v63  }
0x12b: {  	s13 =	sadd.s32 $0x60, s12  }
0x12c: {  	[tilespmem:s31], [sflag:$0x6] =	stream.indirect.gather [hbm4b:s6+s22], $0x80, s13, s22, $0xb8;
	[tilespmem:$0x1D300] =	vst v63  }
0x12d: {  	s13 =	sadd.s32 $0x70, s12  }
0x12e: {  	[tilespmem:s0], [sflag:$0x7] =	stream.indirect.gather [hbm4b:s6+s22], $0x80, s13, s22, $0xb8;
	[tilespmem:$0x1D300] =	vst v63  }
0x12f: {  	s13 =	sadd.s32 $0x80, s12  }
0x130: {  	[tilespmem:s3], [sflag:$0x8] =	stream.indirect.gather [hbm4b:s6+s22], $0x80, s13, s22, $0xb8;
	[tilespmem:$0x1D300] =	vst v63  }
0x131: {  	s13 =	sadd.s32 $0x2780, s12  }
0x132: {  	[spmem:s2] =	stream.indirect.scatter.add.f32 [tilespmem:s21], [sflag:$0x9], $0x80, s13, s1, $0xb8;
	[tilespmem:$0x1D300] =	vst v63  }
0x133: {  	_ =	swait.ge [sflag:s16], $0x2400  }
0x134: {  	[sflag:s16] =	ssyncset.done $0x0  }
0x135: {  	[sflag:s16] =	ssyncadd.s32 $0xFFFFDC00  }
0x136: {  	_ =	swait.ge [sflag:s8], $0xC00  }
0x137: {  	[sflag:s8] =	ssyncset.done $0x0  }
0x138: {  	[sflag:s8] =	ssyncadd.s32 $0xFFFFF400  }
0x139: {  	_ =	swait.ge [sflag:s24], $0x800  }
0x13a: {  	[sflag:s24] =	ssyncset.done $0x0  }
0x13b: {  	[sflag:s24] =	ssyncadd.s32 $0xFFFFF800  }
0x13c: {  	_ =	swait.ge [sflag:s26], $0x800  }
0x13d: {  	[sflag:s26] =	ssyncset.done $0x0  }
0x13e: {  	[sflag:s26] =	ssyncadd.s32 $0xFFFFF800  }
0x13f: {  	_ =	swait.ge [sflag:s4], $0x800  }
0x140: {  	[sflag:s4] =	ssyncset.done $0x0  }
0x141: {  	s13 =	sadd.s32 $0x90, s12;
	[sflag:s4] =	ssyncadd.s32 $0xFFFFF800  }
0x142: {  	[tilespmem:s21], [sflag:$0x1] =	stream.indirect.gather [hbm4b:s6+s20], $0x80, s13, s20, $0xb8;
	[tilespmem:$0x1D300] =	vst v63  }
0x143: {  	s13 =	sadd.s32 $0xA8, s12  }
0x144: {  	[tilespmem:s23], [sflag:$0x2] =	stream.indirect.gather [hbm4b:s6+s22], $0x80, s13, s22, $0xb8;
	[tilespmem:$0x1D300] =	vst v63  }
0x145: {  	s13 =	sadd.s32 $0xB8, s12  }
0x146: {  	[tilespmem:s25], [sflag:$0x3] =	stream.indirect.gather [hbm4b:s6+s22], $0x80, s13, s22, $0xb8;
	[tilespmem:$0x1D300] =	vst v63  }
0x147: {  	s13 =	sadd.s32 $0xC8, s12  }
0x148: {  	[tilespmem:s28], [sflag:$0x4] =	stream.indirect.gather [hbm4b:s6+s22], $0x80, s13, s22, $0xb8;
	[tilespmem:$0x1D300] =	vst v63  }
.Ltmp5:
0x149: {  	_ = 	snop;
	(pc) =	sbr.rel @p1 .LBB2_6-.Ltmp5, $4  }
0x14a: {  	s12 =	sadd.s32 $0x27C8, s12  }
0x14b: {  	[spmem:s2] =	stream.indirect.scatter.add.f32 [tilespmem:s30], [sflag:$0x9], $0x80, s12, s1, $0xb8;
	[tilespmem:$0x1D300] =	vst v63  }
0x14c: {  	_ =	swait.ge [sflag:s16], $0x2400  }
0x14d: {  	[sflag:s16] =	ssyncset.done $0x0  }
.Ltmp6:
0x14e: {  	_ = 	snop;
	(pc) =	sbr.rel .LBB2_7-.Ltmp6, $1  }
0x14f: {  	_ =	sdelay $0x3  }
.LBB2_9:
0x150: {  	_ =	sfence.sel $0x180000  }
0x151: {  	[bflag:$0x0] =	sbarrier.arrive $0xFFFF  }
0x152: {  	_ =	strace $0x9000004D  }
0x153: {  	s0 =	stileid.u32;
	[bflag:$0x2] =	sbarrier.arrive $0xFFFF  }
0x154: {  	p0 =	sne.s32 s0, $0x0;
	s0 =	rddreg [dreg:$0x4]  }
0x155: {  	s0 =	sadd.s32 @!p0 $0x100000, s0  }
0x156: {  	[sflag:s0] =	ssyncadd.tile.s32 @!p0 $0x1;
	_ =	shalt  }
.Lfunc_end2:
_tile_overlayer_lowered:
.L_overlay_start_2:
0x157: {  	(tag) =	ssettag $0x2  }
0x158: {  	s0 =	rddreg [dreg:$0x0];
	s2 =	stileid.u32  }
0x159: {  	s1 =	rddreg [dreg:$0x1];
	p0 =	sne.s32 s2, $0x0  }
0x15a: {  	s3 =	rddreg [dreg:$0x2];
	[bflag:$0x3] =	sbarrier.arrive $0xFFFF;
	s2 =	simm.s32 @!p0 $0x1C09  }
0x15b: {  	[timem:s3], [sflag:s2] =	dma.local @!p0 [hbm:s0], s1  }
0x15c: {  	s0 =	simm.s32 @!p0 $0x9  }
0x15d: {  	_ =	swait.ge @!p0 [sflag:s0], s1  }
0x15e: {  	s1 =	ssub.s32 @!p0 $0x0, s1;
	[sflag:s0] =	ssyncset.done @!p0 $0x0  }
0x15f: {  	[sflag:s0] =	ssyncadd.s32 @!p0 s1  }
0x160: {  	[bflag:$0x3] =	sbarrier.arrive $0xFFFF  }
0x161: {  	_ =	shalt  }

// kernel: kernel.19.cloned.1.call-start
scs
__scs_entry_jumppad:
0x0: {  	(pc) =	sbr.rel $0x88, $3  }
0x1: {  	(tag) =	ssettag $0x0;
	lr =	simm.s32 $0x1  }
0x2: {  	[smem:$0x3F91] =	sst lr;
	_ =	strace $0xD0000000  }
0x3: {  	_ = 	snop  }
0x4: {  	_ = 	snop  }
0x5: {  	_ = 	snop  }
0x6: {  	_ = 	snop  }
0x7: {  	_ = 	snop  }
__scs_overlays_trampoline_lowered:
0x8: {  	[smem:$0x3FA0] =	sst s0  }
0x9: {  	[smem:$0x3FA1] =	sst s1  }
0xa: {  	[smem:$0x3FA2] =	sst s2  }
0xb: {  	[smem:$0x3FA3] =	sst s3  }
0xc: {  	[smem:$0x3FA4] =	sst s4  }
0xd: {  	[smem:$0x3FA5] =	sst s5  }
0xe: {  	[smem:$0x3FA6] =	sst s6  }
0xf: {  	[smem:$0x3FA7] =	sst s7  }
0x10: {  	[smem:$0x3FA8] =	sst s8  }
0x11: {  	[smem:$0x3FA9] =	sst s9;
	s0 =	simm.s32 @!p0 $0x0  }
0x12: {  	s1 =	sld [smem:$0x3F8F];
	s0 =	simm.s32 @p0 $0x1  }
0x13: {  	[smem:$0x3FAA] =	sst s0;
	s0 =	simm.s32 @!p1 $0x0  }
0x14: {  	s2 =	sld [smem:$0x3F8E];
	s0 =	simm.s32 @p1 $0x1  }
0x15: {  	[smem:$0x3FAB] =	sst s0;
	s0 =	simm.s32 @!p2 $0x0  }
0x16: {  	s3 =	sld [smem:$0x3FDB];
	s0 =	simm.s32 @p2 $0x1  }
0x17: {  	s4 =	simm.s32 $0x1BF5;
	[smem:$0x3FAD] =	sst s0  }
0x18: {  	s0 =	sld [smem:$0x3F90];
	_ =	swait.ge [sflag:s4], $0x0  }
0x19: {  	s7 =	sld [smem:$0x3F91]  }
0x1a: {  	s8 =	sadd.s32 $0xFFFFE003, lr  }
0x1b: {  	s9 =	sadd.s32 $0xFFFFFEF7, lr;
	s5 =	simm.s32 $0xFFFFFFFF;
	p2 =	slt.u32 s8, $0xFFFFF086  }
0x1c: {  	p1 =	slt.u32 s9, $0xF7A;
	s5 =	simm.s32 @!p2 $0x0  }
0x1d: {  	s5 =	simm.s32 @p1 $0x1;
	p0 =	seq.s32 s7, s2  }
0x1e: {  	s7 =	smul.u32 @!p0 $0xF7A, s2;
	p2 =	seq.s32 @!p0 s5, $0x0  }
0x1f: {  	s9 =	smul.u32 $0xF7A, s1;
	s8 =	simm.s32 @!p0 $0x1BF5;
	p2 =	por !p2, p0  }
0x20: {  	[sflag:s8] =	ssyncset.s32 @!p0 $0xFFFFF086;
	s6 =	sadd.s32 @!p0 s3, s7;
	s7 =	simm.s32 @!p0 $0x108  }
0x21: {  	s3 =	sadd.s32 s3, s9;
	s6 =	sadd.s32 @!p0 $0x88, s6;
	s7 =	simm.s32 @p2 $0x1082  }
0x22: {  	[simem:s7], [sflag:s8] =	dma.local @!p0 [hbm:s6], $0xF7A  }
0x23: {  	s9 =	sor.u32 $0xD0000000, s2;
	s6 =	simm.s32 $0x108;
	_ =	swait.ge @!p0 [sflag:s8], $0x0  }
0x24: {  	s3 =	sadd.s32 $0x88, s3;
	s6 =	simm.s32 @!p1 $0x1082;
	[sflag:s4] =	ssyncset.s32 $0xFFFFF086  }
0x25: {  	[simem:s6], [sflag:s4] =	dma.local [hbm:s3], $0xF7A  }
0x26: {  	[smem:$0x3F91] =	sst s1;
	(tag) =	ssettag s2;
	_ =	strace s9  }
0x27: {  	s1 =	sld [smem:$0x3FA1]  }
0x28: {  	s2 =	sld [smem:$0x3FA2]  }
0x29: {  	s4 =	sld [smem:$0x3FA4]  }
0x2a: {  	p0 =	seq.s32 s5, $0x0;
	s5 =	sld [smem:$0x3FA5]  }
0x2b: {  	s6 =	sld [smem:$0x3FA6]  }
0x2c: {  	s7 =	sld [smem:$0x3FA7]  }
0x2d: {  	s3 =	simm.s32 $0x108;
	s8 =	sld [smem:$0x3FA8]  }
0x2e: {  	s3 =	simm.s32 @!p0 $0x1082;
	s9 =	sld [smem:$0x3FA9]  }
0x2f: {  	lr =	sadd.s32 s0, s3;
	s0 =	sld [smem:$0x3FA0]  }
0x30: {  	s3 =	sld [smem:$0x3FA3]  }
0x31: {  	[smem:$0x3FAC] =	sst s10  }
0x32: {  	s10 =	sld [smem:$0x3FAA];
	_ =	sdelay $0x3  }
0x33: {  	p0 =	seq.s32 s10, $0x1;
	s10 =	sld [smem:$0x3FAC];
	_ =	sdelay $0x3  }
0x34: {  	[smem:$0x3FAC] =	sst s10  }
0x35: {  	s10 =	sld [smem:$0x3FAB];
	_ =	sdelay $0x3  }
0x36: {  	p1 =	seq.s32 s10, $0x1;
	s10 =	sld [smem:$0x3FAC];
	_ =	sdelay $0x3  }
0x37: {  	[smem:$0x3FAC] =	sst s10  }
0x38: {  	s10 =	sld [smem:$0x3FAD]  }
0x39: {  	_ = 	snop;
	(pc) =	sbr.ind lr, $3  }
0x3a: {  	_ = 	snop  }
0x3b: {  	_ = 	snop  }
0x3c: {  	p2 =	seq.s32 s10, $0x1;
	s10 =	sld [smem:$0x3FAC]  }
0x3d: {  	_ =	shalt  }
0x3e: {  	_ =	shalt  }
0x3f: {  	_ =	shalt  }
0x40: {  	_ =	shalt  }
0x41: {  	_ =	shalt  }
0x42: {  	_ =	shalt  }
0x43: {  	_ =	shalt  }
0x44: {  	_ =	shalt  }
0x45: {  	_ =	shalt  }
0x46: {  	_ =	shalt  }
0x47: {  	_ =	shalt  }
0x48: {  	_ =	shalt  }
0x49: {  	_ =	shalt  }
0x4a: {  	_ =	shalt  }
0x4b: {  	_ =	shalt  }
0x4c: {  	_ =	shalt  }
0x4d: {  	_ =	shalt  }
0x4e: {  	_ =	shalt  }
0x4f: {  	_ =	shalt  }
0x50: {  	_ =	shalt  }
0x51: {  	_ =	shalt  }
0x52: {  	_ =	shalt  }
0x53: {  	_ =	shalt  }
0x54: {  	_ =	shalt  }
0x55: {  	_ =	shalt  }
0x56: {  	_ =	shalt  }
0x57: {  	_ =	shalt  }
0x58: {  	_ =	shalt  }
0x59: {  	_ =	shalt  }
0x5a: {  	_ =	shalt  }
0x5b: {  	_ =	shalt  }
0x5c: {  	_ =	shalt  }
0x5d: {  	_ =	shalt  }
0x5e: {  	_ =	shalt  }
0x5f: {  	_ =	shalt  }
0x60: {  	_ =	shalt  }
0x61: {  	_ =	shalt  }
0x62: {  	_ =	shalt  }
0x63: {  	_ =	shalt  }
0x64: {  	_ =	shalt  }
0x65: {  	_ =	shalt  }
0x66: {  	_ =	shalt  }
0x67: {  	_ =	shalt  }
0x68: {  	_ =	shalt  }
0x69: {  	_ =	shalt  }
0x6a: {  	_ =	shalt  }
0x6b: {  	_ =	shalt  }
0x6c: {  	_ =	shalt  }
0x6d: {  	_ =	shalt  }
0x6e: {  	_ =	shalt  }
0x6f: {  	_ =	shalt  }
0x70: {  	_ =	shalt  }
0x71: {  	_ =	shalt  }
0x72: {  	_ =	shalt  }
0x73: {  	_ =	shalt  }
0x74: {  	_ =	shalt  }
0x75: {  	_ =	shalt  }
0x76: {  	_ =	shalt  }
0x77: {  	_ =	shalt  }
0x78: {  	_ =	shalt  }
0x79: {  	_ =	shalt  }
0x7a: {  	_ =	shalt  }
0x7b: {  	_ =	shalt  }
0x7c: {  	_ =	shalt  }
0x7d: {  	_ =	shalt  }
0x7e: {  	_ =	shalt  }
0x7f: {  	_ =	shalt  }
0x80: {  	_ =	shalt  }
0x81: {  	_ =	shalt  }
0x82: {  	_ =	shalt  }
0x83: {  	_ =	shalt  }
0x84: {  	_ =	shalt  }
0x85: {  	_ =	shalt  }
0x86: {  	_ =	shalt  }
0x87: {  	_ =	shalt  }
.Lfunc_end0:
.L_simem_size_0:
called_computation.3_lowered:
.L_overlay_start_0:
0x88: {  	s2 =	sld [smem:$0x3FD9]  }
0x89: {  	s3 =	sld [smem:$0x3FFE];
	_ =	sdelay $0x1  }
0x8a: {  	s1 =	srdreg.scid  }
0x8b: {  	s0 =	sand.u32 $0x1, s1  }
0x8c: {  	s15 =	sshll.u32 s0, $0xA;
	s2 =	sadd.s32 s3, s2  }
0x8d: {  	s2 =	sadd.s32 s2, s15  }
0x8e: {  	[smem:$0x3FB8] =	sst s2  }
0x8f: {  	_ = 	snop  }
0x90: {  	s2 =	sld [smem:$0x3FD0];
	_ =	sdelay $0x2  }
0x91: {  	s16 =	simm.s32 $0xB;
	s4 =	simm.s32 $0x10  }
0x92: {  	[smem:s4], [sflag:s16] =	dma.local [hbm:s2], $0x1  }
0x93: {  	_ =	swait.eq [sflag:s16], $0x1  }
0x94: {  	[sflag:s16] =	ssyncset.done $0x0  }
0x95: {  	[sflag:s16] =	ssyncadd.s32 $0xFFFFFFFF  }
0x96: {  	s17 =	sld [smem:$0x10];
	(tm) =	ssettm $0x1  }
0x97: {  	s18 =	sld [smem:$0x3FFB];
	_ =	sdelay $0x3  }
0x98: {  	_ =	strace s18  }
0x99: {  	s2 =	sld [smem:$0x3FFC];
	_ =	sdelay $0x3  }
0x9a: {  	_ =	strace s2  }
0x9b: {  	s2 =	sld [smem:$0x3FFD];
	_ =	sdelay $0x3  }
0x9c: {  	_ =	strace s2  }
0x9d: {  	_ =	strace $0x8FFFFFFF  }
0x9e: {  	s19 =	sld [smem:$0x3FDB];
	_ =	sdelay $0x1  }
0x9f: {  	s20 =	simm.s32 $_scs_section_size  }
0xa0: {  	s5 =	simm.s32 $_size__tile_overlayer_lowered;
	s6 =	simm.s32 $_tile_overlayer_lowered  }
0xa1: {  	s7 =	simm.s32 $0x1BFF;
	s21 =	sshll.u32 s6, $0x1;
	s4 =	sadd.s32 s20, s19  }
0xa2: {  	s22 =	simm.s32 $0x0;
	s5 =	sshll.u32 s5, $0x1;
	s6 =	sadd.s32 s21, s4  }
0xa3: {  	[timem:s22], [sflag:s7] =	dma.local [hbm:s6], s5  }
0xa4: {  	_ =	swait.ge [sflag:s7], s5  }
0xa5: {  	s5 =	ssub.s32 $0x0, s5;
	[sflag:s7] =	ssyncset.done $0x0  }
0xa6: {  	[sflag:s7] =	ssyncadd.s32 s5;
	_ =	sdelay $0x1  }
0xa7: {  	s23 =	simm.s32 $0x1B8B  }
0xa8: {  	_ =	swait.ge [sflag:s23], $0x1  }
0xa9: {  	[sflag:s23] =	ssyncset.done $0x0  }
0xaa: {  	[sflag:s23] =	ssyncadd.s32 $0xFFFFFFFF  }
0xab: {  	s5 =	sld [smem:$0x0]  }
0xac: {  	s6 =	sand.u32 $0xFFFFFFFE, s1  }
0xad: {  	p0 =	sne.s32 s1, s6  }
0xae: {  	s6 =	sshll.u32 @p0 s6, $0xE  }
0xaf: {  	s6 =	sadd.s32 @p0 $0x11B8D, s6;
	s7 =	sshll.u32 @p0 s5, $0x11  }
0xb0: {  	s6 =	sor.u32 @p0 s7, s6  }
0xb1: {  	[sflag:s6] =	ssyncadd.remote.s32 @p0 $0x1;
	_ =	sdelay $0x1  }
0xb2: {  	s6 =	simm.s32 @p0 $0x1B8D  }
0xb3: {  	_ =	swait.eq @p0 [sflag:s6], $0x1  }
0xb4: {  	[sflag:s6] =	ssyncadd.s32 @p0 $0xFFFFFFFF  }
0xb5: {  	s7 =	sshll.u32 @!p0 s1, $0xE  }
0xb6: {  	s7 =	sor.u32 @!p0 $0x4000, s7;
	s6 =	simm.s32 @!p0 $0x1B8D  }
0xb7: {  	s5 =	sshll.u32 @!p0 s5, $0x11;
	s7 =	sadd.s32 @!p0 $0x11B8D, s7;
	_ =	swait.eq @!p0 [sflag:s6], $0x1  }
0xb8: {  	s5 =	sor.u32 @!p0 s5, s7;
	[sflag:s6] =	ssyncadd.s32 @!p0 $0xFFFFFFFF  }
0xb9: {  	s25 =	simm.s32 $0x1B8E;
	s24 =	sld [smem:$0x3FFE];
	[sflag:s5] =	ssyncadd.remote.s32 @!p0 $0x1  }
0xba: {  	s26 =	simm.s32 $execute0_lowered;
	[smem:$0x3FD2] =	sst s25  }
0xbb: {  	s6 =	sshll.u32 s26, $0x1;
	_ =	strace $0x8000004F;
	[dreg:$0x1] =	wrdreg $0xFFFFFFFF  }
0xbc: {  	s28 =	simm.s32 $_size_execute0_lowered;
	s4 =	sadd.s32 s4, s6;
	[dreg:$0x0] =	wrdreg $0x0  }
0xbd: {  	s6 =	sshll.u32 s28, $0x1;
	[dreg:$0x2] =	wrdreg s4  }
0xbe: {  	[dreg:$0x3] =	wrdreg s6  }
0xbf: {  	[dreg:$0x4] =	wrdreg $0xC0  }
0xc0: {  	_ =	task [dreg:s22], $0x5FFFF  }
0xc1: {  	[dreg:$0x1] =	wrdreg $0xFFFFFFFF  }
0xc2: {  	[dreg:$0x0] =	wrdreg $0x60  }
0xc3: {  	[dreg:$0x2] =	wrdreg s24  }
0xc4: {  	[dreg:$0x3] =	wrdreg s17  }
0xc5: {  	[dreg:$0x4] =	wrdreg $0x97000  }
0xc6: {  	[dreg:$0x5] =	wrdreg $0x9  }
0xc7: {  	_ =	task.clear_ibuf [dreg:s22], $0x6FFFF;
	_ =	strace $0x9000004F  }
0xc8: {  	s29 =	simm.s32 $0x9;
	_ =	strace $0x80000051  }
0xc9: {  	_ =	swait.ge [sflag:s29], $0x1  }
0xca: {  	[sflag:s29] =	ssyncadd.s32 $0xFFFFFFFF  }
0xcb: {  	_ =	strace $0x90000051  }
0xcc: {  	_ =	sfence  }
0xcd: {  	s30 =	sld [smem:$0x0];
	_ =	sdelay $0x2  }
0xce: {  	s31 =	sshll.u32 s1, $0xD;
	s1 =	sshrl.u32 s1, $0x2  }
0xcf: {  	s4 =	sand.u32 $0x4000, s31;
	s1 =	sadd.s32 s1, s30  }
0xd0: {  	s0 =	sor.u32 s4, s0;
	s1 =	sshll.u32 s1, $0x11  }
0xd1: {  	s0 =	sor.u32 s1, s0  }
0xd2: {  	s0 =	sadd.s32 $0x8F2B, s0  }
0xd3: {  	[sflag:s0] =	ssyncadd.remote.s32 $0x1  }
0xd4: {  	_ =	sfence.sel $0xFFFF  }
0xd5: {  	[dreg:$0x0] =	wrdreg $0xFFFFFFFF;
	(pc) =	sbr.abs _section_cstart, $3  }
0xd6: {  	[dreg:$0x1] =	wrdreg $0xFFFFFFFF  }
0xd7: {  	_ =	task.clear_ibuf [dreg:s22], $0x2FFFF;
	_ =	strace $0x9FFFFFFF  }
0xd8: {  	(tm) =	ssettm $0x7FFFFFFF  }
0xd9: {  	_ =	shalt  }
tec
execute0_lowered:
.L_overlay_start_1:
0x0: {  	(tag) =	ssettag $0x1  }
0x1: {  	s0 =	rddreg [dreg:$0x0]  }
0x2: {  	s1 =	rddreg [dreg:$0x1]  }
0x3: {  	s2 =	rddreg [dreg:$0x2];
	s3 =	simm.s32 $0x0  }
0x4: {  	s11 =	stileid.u32;
	s6 =	srdreg.scid;
	s17 =	simm.s32 $0x1  }
0x5: {  	s18 =	simm.s32 $0x2;
	s19 =	simm.s32 $0x3;
	s20 =	simm.s32 $0x18  }
0x6: {  	s28 =	simm.s32 $0x6B00;
	s29 =	simm.s32 $0x4;
	s30 =	simm.s32 $0x7300  }
0x7: {  	s31 =	simm.s32 $0x7F00;
	s16 =	simm.s32 $0x48;
	[smem:$0x7FF] =	sst s3  }
0x8: {  	s21 =	smul.u32 $0x4EC, s11;
	s4 =	sadd.s32 $0x7400, s0;
	s5 =	sadd.s32 $0x2E600, s0  }
0x9: {  	s6 =	sand.u32 $0x1, s6;
	s9 =	smul.u32 $0x4F000, s11;
	s7 =	sadd.s32 $0xB8200, s0  }
0xa: {  	_ =	strace $0x80000050;
	s8 =	ssub.s32 $0x2, s6;
	[dreg:$0x4] =	wrdreg s7  }
0xb: {  	s7 =	smul.u32 $0x2780, s11;
	p0 =	sne.s32 s6, $0x0;
	s6 =	simm.s32 $0x9  }
0xc: {  	s3 =	sadd.s32 s21, s0;
	s10 =	sshrl.u32 s8, $0x1;
	s0 =	sadd.s32 $0xDFA00, s0  }
0xd: {  	s23 =	sshrl.u32 s9, $0x2;
	s21 =	simm.s32 $0x4F00;
	s9 =	simm.s32 $0x0  }
0xe: {  	[dreg:$0x5] =	wrdreg s0;
	s22 =	ssub.s32 s8, s10;
	s8 =	sadd.s32 s23, s2  }
0xf: {  	s1 =	sadd.s32 s1, s7;
	s10 =	sshll.u32 s11, $0x6;
	s25 =	sadd.s32 $0x5F800, s3  }
0x10: {  	s26 =	sadd.s32 $0x64800, s3;
	s23 =	simm.s32 $0x5B00;
	[dreg:$0x6] =	wrdreg s1  }
.Ltmp0:
0x11: {  	s0 =	simm.s32 $0x8700;
	[dreg:$0x8] =	wrdreg s25;
	(pc) =	sbr.rel .LBB2_1-.Ltmp0, $4  }
0x12: {  	s3 =	simm.s32 $0x8;
	s24 =	sor.u32 $0x1C01, s10;
	[dreg:$0x9] =	wrdreg s26  }
0x13: {  	s14 =	smax.u32 s22, $0x1;
	s15 =	sshrl.u32 s8, $0x3;
	s22 =	simm.s32 $0x10  }
0x14: {  	s25 =	simm.s32 $0x6300;
	s1 =	simm.s32 $0x8F00;
	s8 =	simm.s32 $0x5  }
0x15: {  	s26 =	simm.s32 $0x7;
	[dreg:$0x7] =	wrdreg s24;
	s24 =	simm.s32 $0x6  }
.LBB2_7:
0x16: {  	[sflag:s6] =	ssyncadd.s32 $0xFFFFDC00  }
0x17: {  	_ =	swait.ge [sflag:s17], $0xC00  }
0x18: {  	[sflag:s17] =	ssyncset.done $0x0  }
0x19: {  	[sflag:s17] =	ssyncadd.s32 $0xFFFFF400  }
0x1a: {  	_ =	swait.ge [sflag:s18], $0x800  }
0x1b: {  	[sflag:s18] =	ssyncset.done $0x0  }
0x1c: {  	[sflag:s18] =	ssyncadd.s32 $0xFFFFF800  }
0x1d: {  	_ =	swait.ge [sflag:s19], $0x800  }
0x1e: {  	[sflag:s19] =	ssyncset.done $0x0  }
0x1f: {  	[sflag:s19] =	ssyncadd.s32 $0xFFFFF800  }
0x20: {  	_ =	swait.ge [sflag:s29], $0x800  }
0x21: {  	[sflag:s29] =	ssyncset.done $0x0  }
0x22: {  	s11 =	simm.s32 $0x2718;
	[sflag:s29] =	ssyncadd.s32 $0xFFFFF800  }
0x23: {  	[tilespmem:s30], [sflag:$0x5] =	stream.indirect.gather [hbm4b:s5+s20], $0x80, s11, s20, $0xb8;
	[tilespmem:$0x1D300] =	vst v63  }
0x24: {  	s13 =	simm.s32 $0x2730  }
0x25: {  	[tilespmem:s31], [sflag:$0x6] =	stream.indirect.gather [hbm4b:s5+s22], $0x80, s13, s22, $0xb8;
	[tilespmem:$0x1D300] =	vst v63  }
0x26: {  	s12 =	simm.s32 $0x2740  }
0x27: {  	[tilespmem:s0], [sflag:$0x7] =	stream.indirect.gather [hbm4b:s5+s22], $0x80, s12, s22, $0xb8;
	[tilespmem:$0x1D300] =	vst v63  }
0x28: {  	s13 =	simm.s32 $0x2750  }
0x29: {  	[tilespmem:s1], [sflag:$0x8] =	stream.indirect.gather [hbm4b:s5+s22], $0x80, s13, s22, $0xb8;
	[tilespmem:$0x1D300] =	vst v63  }
0x2a: {  	s12 =	simm.s32 $0x4E50  }
0x2b: {  	[spmem:s2] =	stream.indirect.scatter.add.f32 [tilespmem:s21], [sflag:$0x9], $0x80, s12, s16, $0xb8;
	[tilespmem:$0x1D300] =	vst v63  }
0x2c: {  	_ =	swait.ge [sflag:s6], $0x2400  }
0x2d: {  	[sflag:s6] =	ssyncset.done $0x0  }
0x2e: {  	[sflag:s6] =	ssyncadd.s32 $0xFFFFDC00  }
0x2f: {  	_ =	swait.ge [sflag:s8], $0xC00  }
0x30: {  	[sflag:s8] =	ssyncset.done $0x0  }
0x31: {  	[sflag:s8] =	ssyncadd.s32 $0xFFFFF400  }
0x32: {  	_ =	swait.ge [sflag:s24], $0x800  }
0x33: {  	[sflag:s24] =	ssyncset.done $0x0  }
0x34: {  	[sflag:s24] =	ssyncadd.s32 $0xFFFFF800  }
0x35: {  	_ =	swait.ge [sflag:s26], $0x800  }
0x36: {  	[sflag:s26] =	ssyncset.done $0x0  }
0x37: {  	[sflag:s26] =	ssyncadd.s32 $0xFFFFF800  }
0x38: {  	_ =	swait.ge [sflag:s3], $0x800  }
0x39: {  	[sflag:s3] =	ssyncset.done $0x0  }
0x3a: {  	s13 =	simm.s32 $0x4E98;
	s11 =	rddreg [dreg:$0x5];
	[sflag:s3] =	ssyncadd.s32 $0xFFFFF800  }
0x3b: {  	[spmem:s2] =	stream.indirect.scatter.add.f32 [tilespmem:s30], [sflag:$0x9], $0x80, s13, s16, $0xb8;
	[tilespmem:$0x1D300] =	vst v63  }
.LBB2_8:
0x3c: {  	_ =	swait.ge [sflag:s6], $0x2400  }
0x3d: {  	s9 =	sadd.s32 $0x1, s9;
	[sflag:s6] =	ssyncset.done $0x0  }
0x3e: {  	s11 =	sadd.s32 s11, s7;
	p1 =	sne.s32 s9, s14;
	[sflag:s6] =	ssyncadd.s32 $0xFFFFDC00  }
.Ltmp1:
0x3f: {  	s12 =	sor.u32 $0x1C09, s10;
	[bflag:$0x0] =	sbarrier.arrive $0xFFFF;
	(pc) =	sbr.rel @!p1 .LBB2_9-.Ltmp1, $4  }
0x40: {  	[hbm:s11], [sflag:s12] =	dma.local [spmem:s15], $0x2780  }
0x41: {  	_ =	swait.ge [sflag:s6], $0x2780  }
0x42: {  	[sflag:s6] =	ssyncset.done $0x0  }
0x43: {  	[sflag:s6] =	ssyncadd.s32 $0xFFFFD880  }
.LBB2_1:
0x44: {  	s11 =	rddreg [dreg:$0x6]  }
0x45: {  	s12 =	rddreg [dreg:$0x7]  }
0x46: {  	[spmem:s15], [sflag:s12] =	dma.local [hbm:s11], $0x2780  }
0x47: {  	s11 =	simm.s32 $0x0;
	s12 =	rddreg [dreg:$0x8]  }
0x48: {  	[tilespmem:s11], [sflag:$0x2] =	stream.linear.gather [hbm4b:s12+s11], $0x2760, $0x38;
	[tilespmem:$0x1D300] =	vst v63  }
0x49: {  	s13 =	simm.s32 $0x2780;
	s12 =	rddreg [dreg:$0x9]  }
0x4a: {  	[tilespmem:s13], [sflag:$0x3] =	stream.linear.gather [hbm4b:s12+s11], $0x2760, $0x38;
	[tilespmem:$0x1D300] =	vst v63  }
0x4b: {  	_ =	swait.ge [sflag:s17], $0x2780  }
0x4c: {  	[sflag:s17] =	ssyncset.done $0x0  }
0x4d: {  	[sflag:s17] =	ssyncadd.s32 $0xFFFFD880  }
0x4e: {  	_ =	swait.ge [sflag:s18], $0x2760  }
0x4f: {  	[sflag:s18] =	ssyncset.done $0x0  }
0x50: {  	[sflag:s18] =	ssyncadd.s32 $0xFFFFD8A0  }
.Ltmp2:
0x51: {  	_ =	swait.ge [sflag:s19], $0x2760;
	(pc) =	sbr.rel @p0 .LBB2_5-.Ltmp2, $4  }
0x52: {  	[sflag:s19] =	ssyncset.done $0x0  }
0x53: {  	[sflag:s19] =	ssyncadd.s32 $0xFFFFD8A0  }
0x54: {  	[bflag:$0x0] =	sbarrier.arrive $0xFFFF  }
0x55: {  	s11 =	simm.s32 $0x0  }
0x56: {  	[tilespmem:s21], [sflag:$0x1] =	stream.indirect.gather [hbm4b:s4+s20], $0x80, s11, s20, $0xb8;
	[tilespmem:$0x1D300] =	vst v63  }
0x57: {  	_ = 	snop  }
0x58: {  	[tilespmem:s23], [sflag:$0x2] =	stream.indirect.gather [hbm4b:s4+s22], $0x80, s20, s22, $0xb8;
	[tilespmem:$0x1D300] =	vst v63  }
0x59: {  	s12 =	simm.s32 $0x28  }
0x5a: {  	[tilespmem:s25], [sflag:$0x3] =	stream.indirect.gather [hbm4b:s4+s22], $0x80, s12, s22, $0xb8;
	[tilespmem:$0x1D300] =	vst v63  }
0x5b: {  	s13 =	simm.s32 $0x38  }
0x5c: {  	[tilespmem:s28], [sflag:$0x4] =	stream.indirect.gather [hbm4b:s4+s22], $0x80, s13, s22, $0xb8;
	[tilespmem:$0x1D300] =	vst v63  }
0x5d: {  	_ =	swait.ge [sflag:s17], $0xC00  }
0x5e: {  	[sflag:s17] =	ssyncset.done $0x0  }
0x5f: {  	[sflag:s17] =	ssyncadd.s32 $0xFFFFF400  }
0x60: {  	_ =	swait.ge [sflag:s18], $0x800  }
0x61: {  	[sflag:s18] =	ssyncset.done $0x0  }
0x62: {  	[sflag:s18] =	ssyncadd.s32 $0xFFFFF800  }
0x63: {  	_ =	swait.ge [sflag:s19], $0x800  }
0x64: {  	[sflag:s19] =	ssyncset.done $0x0  }
0x65: {  	[sflag:s19] =	ssyncadd.s32 $0xFFFFF800  }
0x66: {  	_ =	swait.ge [sflag:s29], $0x800  }
0x67: {  	[sflag:s29] =	ssyncset.done $0x0  }
0x68: {  	s12 =	simm.s32 $0x48;
	[sflag:s29] =	ssyncadd.s32 $0xFFFFF800  }
0x69: {  	[tilespmem:s30], [sflag:$0x5] =	stream.indirect.gather [hbm4b:s4+s20], $0x80, s12, s20, $0xb8;
	[tilespmem:$0x1D300] =	vst v63  }
0x6a: {  	s13 =	simm.s32 $0x60  }
0x6b: {  	[tilespmem:s31], [sflag:$0x6] =	stream.indirect.gather [hbm4b:s4+s22], $0x80, s13, s22, $0xb8;
	[tilespmem:$0x1D300] =	vst v63  }
0x6c: {  	s12 =	simm.s32 $0x70  }
0x6d: {  	[tilespmem:s0], [sflag:$0x7] =	stream.indirect.gather [hbm4b:s4+s22], $0x80, s12, s22, $0xb8;
	[tilespmem:$0x1D300] =	vst v63  }
0x6e: {  	s13 =	simm.s32 $0x80  }
0x6f: {  	[tilespmem:s1], [sflag:$0x8] =	stream.indirect.gather [hbm4b:s4+s22], $0x80, s13, s22, $0xb8;
	[tilespmem:$0x1D300] =	vst v63  }
0x70: {  	s12 =	simm.s32 $0x2780  }
0x71: {  	[spmem:s2] =	stream.indirect.scatter.add.f32 [tilespmem:s21], [sflag:$0x9], $0x80, s12, s16, $0xb8;
	[tilespmem:$0x1D300] =	vst v63  }
0x72: {  	_ =	swait.ge [sflag:s6], $0x2400  }
0x73: {  	[sflag:s6] =	ssyncset.done $0x0  }
0x74: {  	[sflag:s6] =	ssyncadd.s32 $0xFFFFDC00  }
0x75: {  	_ =	swait.ge [sflag:s8], $0xC00  }
0x76: {  	[sflag:s8] =	ssyncset.done $0x0  }
0x77: {  	[sflag:s8] =	ssyncadd.s32 $0xFFFFF400  }
0x78: {  	_ =	swait.ge [sflag:s24], $0x800  }
0x79: {  	[sflag:s24] =	ssyncset.done $0x0  }
0x7a: {  	[sflag:s24] =	ssyncadd.s32 $0xFFFFF800  }
0x7b: {  	_ =	swait.ge [sflag:s26], $0x800  }
0x7c: {  	[sflag:s26] =	ssyncset.done $0x0  }
0x7d: {  	[sflag:s26] =	ssyncadd.s32 $0xFFFFF800  }
0x7e: {  	_ =	swait.ge [sflag:s3], $0x800  }
0x7f: {  	[sflag:s3] =	ssyncset.done $0x0  }
0x80: {  	s13 =	simm.s32 $0x90;
	[sflag:s3] =	ssyncadd.s32 $0xFFFFF800  }
0x81: {  	[tilespmem:s21], [sflag:$0x1] =	stream.indirect.gather [hbm4b:s4+s20], $0x80, s13, s20, $0xb8;
	[tilespmem:$0x1D300] =	vst v63  }
0x82: {  	s12 =	simm.s32 $0xA8  }
0x83: {  	[tilespmem:s23], [sflag:$0x2] =	stream.indirect.gather [hbm4b:s4+s22], $0x80, s12, s22, $0xb8;
	[tilespmem:$0x1D300] =	vst v63  }
0x84: {  	s13 =	simm.s32 $0xB8  }
0x85: {  	[tilespmem:s25], [sflag:$0x3] =	stream.indirect.gather [hbm4b:s4+s22], $0x80, s13, s22, $0xb8;
	[tilespmem:$0x1D300] =	vst v63  }
0x86: {  	s12 =	simm.s32 $0xC8  }
0x87: {  	[tilespmem:s28], [sflag:$0x4] =	stream.indirect.gather [hbm4b:s4+s22], $0x80, s12, s22, $0xb8;
	[tilespmem:$0x1D300] =	vst v63  }
0x88: {  	s13 =	simm.s32 $0x27C8  }
0x89: {  	[spmem:s2] =	stream.indirect.scatter.add.f32 [tilespmem:s30], [sflag:$0x9], $0x80, s13, s16, $0xb8;
	[tilespmem:$0x1D300] =	vst v63  }
0x8a: {  	_ =	swait.ge [sflag:s6], $0x2400  }
0x8b: {  	s11 =	simm.s32 $0x240;
	[sflag:s6] =	ssyncset.done $0x0  }
.LBB2_3:
0x8c: {  	p1 =	sne.s32 s11, $0x9900  }
0x8d: {  	[sflag:s6] =	ssyncadd.s32 $0xFFFFDC00;
	s12 =	smov.u32 s11;
	s11 =	sadd.s32 $0x240, s11  }
0x8e: {  	_ = 	snop  }
0x8f: {  	_ =	swait.ge [sflag:s17], $0xC00  }
0x90: {  	[sflag:s17] =	ssyncset.done $0x0  }
0x91: {  	[sflag:s17] =	ssyncadd.s32 $0xFFFFF400  }
0x92: {  	_ =	swait.ge [sflag:s18], $0x800  }
0x93: {  	[sflag:s18] =	ssyncset.done $0x0  }
0x94: {  	[sflag:s18] =	ssyncadd.s32 $0xFFFFF800  }
0x95: {  	_ =	swait.ge [sflag:s19], $0x800  }
0x96: {  	[sflag:s19] =	ssyncset.done $0x0  }
0x97: {  	[sflag:s19] =	ssyncadd.s32 $0xFFFFF800  }
0x98: {  	_ =	swait.ge [sflag:s29], $0x800  }
0x99: {  	s12 =	sshra.s32 s12, $0x2;
	[sflag:s29] =	ssyncset.done $0x0  }
0x9a: {  	s13 =	sadd.s32 $0x48, s12;
	[sflag:s29] =	ssyncadd.s32 $0xFFFFF800  }
0x9b: {  	[tilespmem:s30], [sflag:$0x5] =	stream.indirect.gather [hbm4b:s4+s20], $0x80, s13, s20, $0xb8;
	[tilespmem:$0x1D300] =	vst v63  }
0x9c: {  	s13 =	sadd.s32 $0x60, s12  }
0x9d: {  	[tilespmem:s31], [sflag:$0x6] =	stream.indirect.gather [hbm4b:s4+s22], $0x80, s13, s22, $0xb8;
	[tilespmem:$0x1D300] =	vst v63  }
0x9e: {  	s13 =	sadd.s32 $0x70, s12  }
0x9f: {  	[tilespmem:s0], [sflag:$0x7] =	stream.indirect.gather [hbm4b:s4+s22], $0x80, s13, s22, $0xb8;
	[tilespmem:$0x1D300] =	vst v63  }
0xa0: {  	s13 =	sadd.s32 $0x80, s12  }
0xa1: {  	[tilespmem:s1], [sflag:$0x8] =	stream.indirect.gather [hbm4b:s4+s22], $0x80, s13, s22, $0xb8;
	[tilespmem:$0x1D300] =	vst v63  }
0xa2: {  	s13 =	sadd.s32 $0x2780, s12  }
0xa3: {  	[spmem:s2] =	stream.indirect.scatter.add.f32 [tilespmem:s21], [sflag:$0x9], $0x80, s13, s16, $0xb8;
	[tilespmem:$0x1D300] =	vst v63  }
0xa4: {  	_ =	swait.ge [sflag:s6], $0x2400  }
0xa5: {  	[sflag:s6] =	ssyncset.done $0x0  }
0xa6: {  	[sflag:s6] =	ssyncadd.s32 $0xFFFFDC00  }
0xa7: {  	_ =	swait.ge [sflag:s8], $0xC00  }
0xa8: {  	[sflag:s8] =	ssyncset.done $0x0  }
0xa9: {  	[sflag:s8] =	ssyncadd.s32 $0xFFFFF400  }
0xaa: {  	_ =	swait.ge [sflag:s24], $0x800  }
0xab: {  	[sflag:s24] =	ssyncset.done $0x0  }
0xac: {  	[sflag:s24] =	ssyncadd.s32 $0xFFFFF800  }
0xad: {  	_ =	swait.ge [sflag:s26], $0x800  }
0xae: {  	[sflag:s26] =	ssyncset.done $0x0  }
0xaf: {  	[sflag:s26] =	ssyncadd.s32 $0xFFFFF800  }
0xb0: {  	_ =	swait.ge [sflag:s3], $0x800  }
0xb1: {  	[sflag:s3] =	ssyncset.done $0x0  }
0xb2: {  	s13 =	sadd.s32 $0x90, s12;
	[sflag:s3] =	ssyncadd.s32 $0xFFFFF800  }
0xb3: {  	[tilespmem:s21], [sflag:$0x1] =	stream.indirect.gather [hbm4b:s4+s20], $0x80, s13, s20, $0xb8;
	[tilespmem:$0x1D300] =	vst v63  }
0xb4: {  	s13 =	sadd.s32 $0xA8, s12  }
0xb5: {  	[tilespmem:s23], [sflag:$0x2] =	stream.indirect.gather [hbm4b:s4+s22], $0x80, s13, s22, $0xb8;
	[tilespmem:$0x1D300] =	vst v63  }
0xb6: {  	s13 =	sadd.s32 $0xB8, s12  }
0xb7: {  	[tilespmem:s25], [sflag:$0x3] =	stream.indirect.gather [hbm4b:s4+s22], $0x80, s13, s22, $0xb8;
	[tilespmem:$0x1D300] =	vst v63  }
0xb8: {  	s13 =	sadd.s32 $0xC8, s12  }
0xb9: {  	[tilespmem:s28], [sflag:$0x4] =	stream.indirect.gather [hbm4b:s4+s22], $0x80, s13, s22, $0xb8;
	[tilespmem:$0x1D300] =	vst v63  }
.Ltmp3:
0xba: {  	_ = 	snop;
	(pc) =	sbr.rel @p1 .LBB2_3-.Ltmp3, $4  }
0xbb: {  	s12 =	sadd.s32 $0x27C8, s12  }
0xbc: {  	[spmem:s2] =	stream.indirect.scatter.add.f32 [tilespmem:s30], [sflag:$0x9], $0x80, s12, s16, $0xb8;
	[tilespmem:$0x1D300] =	vst v63  }
0xbd: {  	_ =	swait.ge [sflag:s6], $0x2400  }
0xbe: {  	[sflag:s6] =	ssyncset.done $0x0  }
0xbf: {  	[sflag:s6] =	ssyncadd.s32 $0xFFFFDC00  }
0xc0: {  	_ =	swait.ge [sflag:s17], $0xC00  }
0xc1: {  	[sflag:s17] =	ssyncset.done $0x0  }
0xc2: {  	[sflag:s17] =	ssyncadd.s32 $0xFFFFF400  }
0xc3: {  	_ =	swait.ge [sflag:s18], $0x800  }
0xc4: {  	[sflag:s18] =	ssyncset.done $0x0  }
0xc5: {  	[sflag:s18] =	ssyncadd.s32 $0xFFFFF800  }
0xc6: {  	_ =	swait.ge [sflag:s19], $0x800  }
0xc7: {  	[sflag:s19] =	ssyncset.done $0x0  }
0xc8: {  	[sflag:s19] =	ssyncadd.s32 $0xFFFFF800  }
0xc9: {  	_ =	swait.ge [sflag:s29], $0x800  }
0xca: {  	[sflag:s29] =	ssyncset.done $0x0  }
0xcb: {  	s11 =	simm.s32 $0x2718;
	[sflag:s29] =	ssyncadd.s32 $0xFFFFF800  }
0xcc: {  	[tilespmem:s30], [sflag:$0x5] =	stream.indirect.gather [hbm4b:s4+s20], $0x80, s11, s20, $0xb8;
	[tilespmem:$0x1D300] =	vst v63  }
0xcd: {  	s13 =	simm.s32 $0x2730  }
0xce: {  	[tilespmem:s31], [sflag:$0x6] =	stream.indirect.gather [hbm4b:s4+s22], $0x80, s13, s22, $0xb8;
	[tilespmem:$0x1D300] =	vst v63  }
0xcf: {  	s12 =	simm.s32 $0x2740  }
0xd0: {  	[tilespmem:s0], [sflag:$0x7] =	stream.indirect.gather [hbm4b:s4+s22], $0x80, s12, s22, $0xb8;
	[tilespmem:$0x1D300] =	vst v63  }
0xd1: {  	s13 =	simm.s32 $0x2750  }
0xd2: {  	[tilespmem:s1], [sflag:$0x8] =	stream.indirect.gather [hbm4b:s4+s22], $0x80, s13, s22, $0xb8;
	[tilespmem:$0x1D300] =	vst v63  }
0xd3: {  	s12 =	simm.s32 $0x4E50  }
0xd4: {  	[spmem:s2] =	stream.indirect.scatter.add.f32 [tilespmem:s21], [sflag:$0x9], $0x80, s12, s16, $0xb8;
	[tilespmem:$0x1D300] =	vst v63  }
0xd5: {  	_ =	swait.ge [sflag:s6], $0x2400  }
0xd6: {  	[sflag:s6] =	ssyncset.done $0x0  }
0xd7: {  	[sflag:s6] =	ssyncadd.s32 $0xFFFFDC00  }
0xd8: {  	_ =	swait.ge [sflag:s8], $0xC00  }
0xd9: {  	[sflag:s8] =	ssyncset.done $0x0  }
0xda: {  	[sflag:s8] =	ssyncadd.s32 $0xFFFFF400  }
0xdb: {  	_ =	swait.ge [sflag:s24], $0x800  }
0xdc: {  	[sflag:s24] =	ssyncset.done $0x0  }
0xdd: {  	[sflag:s24] =	ssyncadd.s32 $0xFFFFF800  }
0xde: {  	_ =	swait.ge [sflag:s26], $0x800  }
0xdf: {  	[sflag:s26] =	ssyncset.done $0x0  }
.Ltmp4:
0xe0: {  	[sflag:s26] =	ssyncadd.s32 $0xFFFFF800;
	(pc) =	sbr.rel .LBB2_8-.Ltmp4, $4  }
0xe1: {  	_ =	swait.ge [sflag:s3], $0x800  }
0xe2: {  	[sflag:s3] =	ssyncset.done $0x0  }
0xe3: {  	s13 =	simm.s32 $0x4E98;
	s11 =	rddreg [dreg:$0x4];
	[sflag:s3] =	ssyncadd.s32 $0xFFFFF800  }
0xe4: {  	[spmem:s2] =	stream.indirect.scatter.add.f32 [tilespmem:s30], [sflag:$0x9], $0x80, s13, s16, $0xb8;
	[tilespmem:$0x1D300] =	vst v63  }
.LBB2_5:
0xe5: {  	[tilespmem:s21], [sflag:$0x1] =	stream.indirect.gather [hbm4b:s5+s20], $0x80, s11, s20, $0xb8;
	[tilespmem:$0x1D300] =	vst v63  }
0xe6: {  	_ = 	snop  }
0xe7: {  	[tilespmem:s23], [sflag:$0x2] =	stream.indirect.gather [hbm4b:s5+s22], $0x80, s20, s22, $0xb8;
	[tilespmem:$0x1D300] =	vst v63  }
0xe8: {  	s12 =	simm.s32 $0x28  }
0xe9: {  	[tilespmem:s25], [sflag:$0x3] =	stream.indirect.gather [hbm4b:s5+s22], $0x80, s12, s22, $0xb8;
	[tilespmem:$0x1D300] =	vst v63  }
0xea: {  	s13 =	simm.s32 $0x38  }
0xeb: {  	[tilespmem:s28], [sflag:$0x4] =	stream.indirect.gather [hbm4b:s5+s22], $0x80, s13, s22, $0xb8;
	[tilespmem:$0x1D300] =	vst v63  }
0xec: {  	_ =	swait.ge [sflag:s17], $0xC00  }
0xed: {  	[sflag:s17] =	ssyncset.done $0x0  }
0xee: {  	[sflag:s17] =	ssyncadd.s32 $0xFFFFF400  }
0xef: {  	_ =	swait.ge [sflag:s18], $0x800  }
0xf0: {  	[sflag:s18] =	ssyncset.done $0x0  }
0xf1: {  	[sflag:s18] =	ssyncadd.s32 $0xFFFFF800  }
0xf2: {  	_ =	swait.ge [sflag:s19], $0x800  }
0xf3: {  	[sflag:s19] =	ssyncset.done $0x0  }
0xf4: {  	[sflag:s19] =	ssyncadd.s32 $0xFFFFF800  }
0xf5: {  	_ =	swait.ge [sflag:s29], $0x800  }
0xf6: {  	[sflag:s29] =	ssyncset.done $0x0  }
0xf7: {  	s12 =	simm.s32 $0x48;
	[sflag:s29] =	ssyncadd.s32 $0xFFFFF800  }
0xf8: {  	[tilespmem:s30], [sflag:$0x5] =	stream.indirect.gather [hbm4b:s5+s20], $0x80, s12, s20, $0xb8;
	[tilespmem:$0x1D300] =	vst v63  }
0xf9: {  	s13 =	simm.s32 $0x60  }
0xfa: {  	[tilespmem:s31], [sflag:$0x6] =	stream.indirect.gather [hbm4b:s5+s22], $0x80, s13, s22, $0xb8;
	[tilespmem:$0x1D300] =	vst v63  }
0xfb: {  	s12 =	simm.s32 $0x70  }
0xfc: {  	[tilespmem:s0], [sflag:$0x7] =	stream.indirect.gather [hbm4b:s5+s22], $0x80, s12, s22, $0xb8;
	[tilespmem:$0x1D300] =	vst v63  }
0xfd: {  	s13 =	simm.s32 $0x80  }
0xfe: {  	[tilespmem:s1], [sflag:$0x8] =	stream.indirect.gather [hbm4b:s5+s22], $0x80, s13, s22, $0xb8;
	[tilespmem:$0x1D300] =	vst v63  }
0xff: {  	s12 =	simm.s32 $0x2780  }
0x100: {  	[spmem:s2] =	stream.indirect.scatter.add.f32 [tilespmem:s21], [sflag:$0x9], $0x80, s12, s16, $0xb8;
	[tilespmem:$0x1D300] =	vst v63  }
0x101: {  	_ =	swait.ge [sflag:s6], $0x2400  }
0x102: {  	[sflag:s6] =	ssyncset.done $0x0  }
0x103: {  	[sflag:s6] =	ssyncadd.s32 $0xFFFFDC00  }
0x104: {  	_ =	swait.ge [sflag:s8], $0xC00  }
0x105: {  	[sflag:s8] =	ssyncset.done $0x0  }
0x106: {  	[sflag:s8] =	ssyncadd.s32 $0xFFFFF400  }
0x107: {  	_ =	swait.ge [sflag:s24], $0x800  }
0x108: {  	[sflag:s24] =	ssyncset.done $0x0  }
0x109: {  	[sflag:s24] =	ssyncadd.s32 $0xFFFFF800  }
0x10a: {  	_ =	swait.ge [sflag:s26], $0x800  }
0x10b: {  	[sflag:s26] =	ssyncset.done $0x0  }
0x10c: {  	[sflag:s26] =	ssyncadd.s32 $0xFFFFF800  }
0x10d: {  	_ =	swait.ge [sflag:s3], $0x800  }
0x10e: {  	[sflag:s3] =	ssyncset.done $0x0  }
0x10f: {  	s13 =	simm.s32 $0x90;
	[sflag:s3] =	ssyncadd.s32 $0xFFFFF800  }
0x110: {  	[tilespmem:s21], [sflag:$0x1] =	stream.indirect.gather [hbm4b:s5+s20], $0x80, s13, s20, $0xb8;
	[tilespmem:$0x1D300] =	vst v63  }
0x111: {  	s12 =	simm.s32 $0xA8  }
0x112: {  	[tilespmem:s23], [sflag:$0x2] =	stream.indirect.gather [hbm4b:s5+s22], $0x80, s12, s22, $0xb8;
	[tilespmem:$0x1D300] =	vst v63  }
0x113: {  	s13 =	simm.s32 $0xB8  }
0x114: {  	[tilespmem:s25], [sflag:$0x3] =	stream.indirect.gather [hbm4b:s5+s22], $0x80, s13, s22, $0xb8;
	[tilespmem:$0x1D300] =	vst v63  }
0x115: {  	s12 =	simm.s32 $0xC8  }
0x116: {  	[tilespmem:s28], [sflag:$0x4] =	stream.indirect.gather [hbm4b:s5+s22], $0x80, s12, s22, $0xb8;
	[tilespmem:$0x1D300] =	vst v63  }
0x117: {  	s13 =	simm.s32 $0x27C8  }
0x118: {  	[spmem:s2] =	stream.indirect.scatter.add.f32 [tilespmem:s30], [sflag:$0x9], $0x80, s13, s16, $0xb8;
	[tilespmem:$0x1D300] =	vst v63  }
0x119: {  	_ =	swait.ge [sflag:s6], $0x2400  }
0x11a: {  	s11 =	simm.s32 $0x240;
	[sflag:s6] =	ssyncset.done $0x0  }
.LBB2_6:
0x11b: {  	p1 =	sne.s32 s11, $0x9900  }
0x11c: {  	[sflag:s6] =	ssyncadd.s32 $0xFFFFDC00;
	s12 =	smov.u32 s11;
	s11 =	sadd.s32 $0x240, s11  }
0x11d: {  	_ = 	snop  }
0x11e: {  	_ =	swait.ge [sflag:s17], $0xC00  }
0x11f: {  	[sflag:s17] =	ssyncset.done $0x0  }
0x120: {  	[sflag:s17] =	ssyncadd.s32 $0xFFFFF400  }
0x121: {  	_ =	swait.ge [sflag:s18], $0x800  }
0x122: {  	[sflag:s18] =	ssyncset.done $0x0  }
0x123: {  	[sflag:s18] =	ssyncadd.s32 $0xFFFFF800  }
0x124: {  	_ =	swait.ge [sflag:s19], $0x800  }
0x125: {  	[sflag:s19] =	ssyncset.done $0x0  }
0x126: {  	[sflag:s19] =	ssyncadd.s32 $0xFFFFF800  }
0x127: {  	_ =	swait.ge [sflag:s29], $0x800  }
0x128: {  	s12 =	sshra.s32 s12, $0x2;
	[sflag:s29] =	ssyncset.done $0x0  }
0x129: {  	s13 =	sadd.s32 $0x48, s12;
	[sflag:s29] =	ssyncadd.s32 $0xFFFFF800  }
0x12a: {  	[tilespmem:s30], [sflag:$0x5] =	stream.indirect.gather [hbm4b:s5+s20], $0x80, s13, s20, $0xb8;
	[tilespmem:$0x1D300] =	vst v63  }
0x12b: {  	s13 =	sadd.s32 $0x60, s12  }
0x12c: {  	[tilespmem:s31], [sflag:$0x6] =	stream.indirect.gather [hbm4b:s5+s22], $0x80, s13, s22, $0xb8;
	[tilespmem:$0x1D300] =	vst v63  }
0x12d: {  	s13 =	sadd.s32 $0x70, s12  }
0x12e: {  	[tilespmem:s0], [sflag:$0x7] =	stream.indirect.gather [hbm4b:s5+s22], $0x80, s13, s22, $0xb8;
	[tilespmem:$0x1D300] =	vst v63  }
0x12f: {  	s13 =	sadd.s32 $0x80, s12  }
0x130: {  	[tilespmem:s1], [sflag:$0x8] =	stream.indirect.gather [hbm4b:s5+s22], $0x80, s13, s22, $0xb8;
	[tilespmem:$0x1D300] =	vst v63  }
0x131: {  	s13 =	sadd.s32 $0x2780, s12  }
0x132: {  	[spmem:s2] =	stream.indirect.scatter.add.f32 [tilespmem:s21], [sflag:$0x9], $0x80, s13, s16, $0xb8;
	[tilespmem:$0x1D300] =	vst v63  }
0x133: {  	_ =	swait.ge [sflag:s6], $0x2400  }
0x134: {  	[sflag:s6] =	ssyncset.done $0x0  }
0x135: {  	[sflag:s6] =	ssyncadd.s32 $0xFFFFDC00  }
0x136: {  	_ =	swait.ge [sflag:s8], $0xC00  }
0x137: {  	[sflag:s8] =	ssyncset.done $0x0  }
0x138: {  	[sflag:s8] =	ssyncadd.s32 $0xFFFFF400  }
0x139: {  	_ =	swait.ge [sflag:s24], $0x800  }
0x13a: {  	[sflag:s24] =	ssyncset.done $0x0  }
0x13b: {  	[sflag:s24] =	ssyncadd.s32 $0xFFFFF800  }
0x13c: {  	_ =	swait.ge [sflag:s26], $0x800  }
0x13d: {  	[sflag:s26] =	ssyncset.done $0x0  }
0x13e: {  	[sflag:s26] =	ssyncadd.s32 $0xFFFFF800  }
0x13f: {  	_ =	swait.ge [sflag:s3], $0x800  }
0x140: {  	[sflag:s3] =	ssyncset.done $0x0  }
0x141: {  	s13 =	sadd.s32 $0x90, s12;
	[sflag:s3] =	ssyncadd.s32 $0xFFFFF800  }
0x142: {  	[tilespmem:s21], [sflag:$0x1] =	stream.indirect.gather [hbm4b:s5+s20], $0x80, s13, s20, $0xb8;
	[tilespmem:$0x1D300] =	vst v63  }
0x143: {  	s13 =	sadd.s32 $0xA8, s12  }
0x144: {  	[tilespmem:s23], [sflag:$0x2] =	stream.indirect.gather [hbm4b:s5+s22], $0x80, s13, s22, $0xb8;
	[tilespmem:$0x1D300] =	vst v63  }
0x145: {  	s13 =	sadd.s32 $0xB8, s12  }
0x146: {  	[tilespmem:s25], [sflag:$0x3] =	stream.indirect.gather [hbm4b:s5+s22], $0x80, s13, s22, $0xb8;
	[tilespmem:$0x1D300] =	vst v63  }
0x147: {  	s13 =	sadd.s32 $0xC8, s12  }
0x148: {  	[tilespmem:s28], [sflag:$0x4] =	stream.indirect.gather [hbm4b:s5+s22], $0x80, s13, s22, $0xb8;
	[tilespmem:$0x1D300] =	vst v63  }
.Ltmp5:
0x149: {  	_ = 	snop;
	(pc) =	sbr.rel @p1 .LBB2_6-.Ltmp5, $4  }
0x14a: {  	s12 =	sadd.s32 $0x27C8, s12  }
0x14b: {  	[spmem:s2] =	stream.indirect.scatter.add.f32 [tilespmem:s30], [sflag:$0x9], $0x80, s12, s16, $0xb8;
	[tilespmem:$0x1D300] =	vst v63  }
0x14c: {  	_ =	swait.ge [sflag:s6], $0x2400  }
0x14d: {  	[sflag:s6] =	ssyncset.done $0x0  }
.Ltmp6:
0x14e: {  	_ = 	snop;
	(pc) =	sbr.rel .LBB2_7-.Ltmp6, $1  }
0x14f: {  	_ =	sdelay $0x3  }
.LBB2_9:
0x150: {  	_ =	sfence.sel $0x180000  }
0x151: {  	[bflag:$0x0] =	sbarrier.arrive $0xFFFF  }
0x152: {  	_ =	strace $0x90000050  }
0x153: {  	s0 =	stileid.u32;
	[bflag:$0x2] =	sbarrier.arrive $0xFFFF  }
0x154: {  	p0 =	sne.s32 s0, $0x0;
	s0 =	rddreg [dreg:$0x3]  }
0x155: {  	s0 =	sadd.s32 @!p0 $0x100000, s0  }
0x156: {  	[sflag:s0] =	ssyncadd.tile.s32 @!p0 $0x1;
	_ =	shalt  }
.Lfunc_end2:
_tile_overlayer_lowered:
.L_overlay_start_2:
0x157: {  	(tag) =	ssettag $0x2  }
0x158: {  	s0 =	rddreg [dreg:$0x0];
	s2 =	stileid.u32  }
0x159: {  	s1 =	rddreg [dreg:$0x1];
	p0 =	sne.s32 s2, $0x0  }
0x15a: {  	s3 =	rddreg [dreg:$0x2];
	[bflag:$0x3] =	sbarrier.arrive $0xFFFF;
	s2 =	simm.s32 @!p0 $0x1C09  }
0x15b: {  	[timem:s3], [sflag:s2] =	dma.local @!p0 [hbm:s0], s1  }
0x15c: {  	s0 =	simm.s32 @!p0 $0x9  }
0x15d: {  	_ =	swait.ge @!p0 [sflag:s0], s1  }
0x15e: {  	s1 =	ssub.s32 @!p0 $0x0, s1;
	[sflag:s0] =	ssyncset.done @!p0 $0x0  }
0x15f: {  	[sflag:s0] =	ssyncadd.s32 @!p0 s1  }
0x160: {  	[bflag:$0x3] =	sbarrier.arrive $0xFFFF  }
0x161: {  	_ =	shalt  }

</sc_bundles>
